<compile_context>
chip_gen: v7x
topology: tpu7x:2x2x1
jax: 0.10.2.dev20260603
libtpu: 0.0.44.dev20260713+nightly
codegen_flags: <defaults>
</compile_context>

<pallas_src>
import functools
import math

import jax
import jax.numpy as jnp
from jax import lax
from jax.experimental import pallas as pl
from jax.experimental.pallas import tpu as pltpu
from jax.experimental.pallas import tpu_sc as plsc

IMG_H = 1024.0
IMG_W = 1024.0
PRE_NMS_TOPK = 2000
POST_NMS_TOPK = 1000
NMS_THRESH = 0.7
SCALE_CLAMP = math.log(1000.0 / 16.0)

P = 2048
T = 128
NB = P // T
LN = 128


def _stage_tail(data_ref, x, fwd, bwd, gi, s, dirm, afirst_fn):
    own_a = (gi & s) == 0
    oth = jnp.where(own_a, fwd, bwd)
    pair_a = jnp.where(own_a, x, oth)
    pair_b = jnp.where(own_a, oth, x)
    afirst = afirst_fn(pair_a, pair_b)
    stay = jnp.where(afirst, 1, 0) == jnp.where(dirm, 1, 0)
    data_ref[...] = jnp.where(stay, x, oth)


def _run_bitonic(data_ref, afirst_fn):
    C, B, Q, L = data_ref.shape
    M = Q * L
    gi = (lax.broadcasted_iota(jnp.int32, (1, 1, Q, L), 2) * L
          + lax.broadcasted_iota(jnp.int32, (1, 1, Q, L), 3))

    k = 2
    while k <= M:
        s0 = k // 2
        dirm = (gi & k) == 0

        def coarse(_, s, dirm=dirm):
            x = data_ref[...]
            d2 = s // L
            fwd = pltpu.roll(x, (Q - d2) % Q, 2)
            bwd = pltpu.roll(x, d2, 2)
            _stage_tail(data_ref, x, fwd, bwd, gi, s, dirm, afirst_fn)
            return s // 2

        def fine(_, s, dirm=dirm):
            x = data_ref[...]
            fwd = pltpu.roll(x, (L - s) % L, 3)
            bwd = pltpu.roll(x, s, 3)
            _stage_tail(data_ref, x, fwd, bwd, gi, s, dirm, afirst_fn)
            return s // 2

        p0 = s0.bit_length() - 1
        n_coarse = max(0, p0 - 6)
        n_fine = min(p0 + 1, 7)
        s_cur = jnp.int32(s0)
        if n_coarse:
            s_cur = lax.fori_loop(0, n_coarse, coarse, s_cur)
        lax.fori_loop(0, n_fine, fine, s_cur)
        k *= 2


def _afirst_score(a, b):
    va, vb = a[0:1], b[0:1]
    ia, ib = a[1:2], b[1:2]
    return (va > vb) | ((va == vb) & (ia < ib))


def _afirst_key_asc(a, b):
    return a[0:1] < b[0:1]


def _topk_body(logits_ref, scores_ref, idx_ref, data_ref):
    B, N = logits_ref.shape
    _, _, Q, L = data_ref.shape
    M = Q * L
    pad = M - N
    ninf = jnp.full((B, pad), -jnp.inf, jnp.float32)
    idxf = lax.broadcasted_iota(jnp.int32, (B, M), 1).astype(jnp.float32)
    data_ref[...] = jnp.stack([
        jnp.concatenate([logits_ref[...], ninf], axis=1),
        idxf,
    ], axis=0).reshape(2, B, Q, L)
    _run_bitonic(data_ref, _afirst_score)
    top = data_ref[:, :, :NB, :].reshape(2, B, P)
    scores_ref[...] = top[0]
    bofs = lax.broadcasted_iota(jnp.int32, (B, P), 0) * N
    idx_ref[...] = top[1].astype(jnp.int32) + bofs


def _iou(b1, b2, a1, a2):
    xx1 = jnp.maximum(b1[0][:, :, None], b2[0][:, None, :])
    yy1 = jnp.maximum(b1[1][:, :, None], b2[1][:, None, :])
    xx2 = jnp.minimum(b1[2][:, :, None], b2[2][:, None, :])
    yy2 = jnp.minimum(b1[3][:, :, None], b2[3][:, None, :])
    inter = jnp.maximum(xx2 - xx1, 0.0) * jnp.maximum(yy2 - yy1, 0.0)
    return inter / jnp.maximum(a1[:, :, None] + a2[:, None, :] - inter, 1e-6)


def _read_blk(cref, keep_ref, blk):
    coords = tuple(cref[c, :, pl.ds(blk, 1), :][:, 0, :] for c in range(4))
    area = cref[4, :, pl.ds(blk, 1), :][:, 0, :]
    keep = keep_ref[:, pl.ds(blk, 1), :][:, 0, :]
    return coords, area, keep


def _nms_body(scores_in_ref, g_ref, boxes_ref, scores_ref,
              d2_ref, cref, keep_ref, sup_ref):
    B, _ = scores_in_ref.shape
    scores = scores_in_ref[...].reshape(B, NB, LN)

    ax1 = g_ref[:, 0, :]
    ay1 = g_ref[:, 1, :]
    ax2 = g_ref[:, 2, :]
    ay2 = g_ref[:, 3, :]
    dx = g_ref[:, 4, :]
    dy = g_ref[:, 5, :]
    dw = jnp.minimum(g_ref[:, 6, :], SCALE_CLAMP)
    dh = jnp.minimum(g_ref[:, 7, :], SCALE_CLAMP)
    w = ax2 - ax1
    h = ay2 - ay1
    cx = ax1 + 0.5 * w
    cy = ay1 + 0.5 * h
    pcx = dx * w + cx
    pcy = dy * h + cy
    pw = jnp.exp(dw) * w
    ph = jnp.exp(dh) * h
    tx1 = jnp.clip(pcx - 0.5 * pw, 0.0, IMG_W).reshape(B, NB, LN)
    ty1 = jnp.clip(pcy - 0.5 * ph, 0.0, IMG_H).reshape(B, NB, LN)
    tx2 = jnp.clip(pcx + 0.5 * pw, 0.0, IMG_W).reshape(B, NB, LN)
    ty2 = jnp.clip(pcy + 0.5 * ph, 0.0, IMG_H).reshape(B, NB, LN)

    bw = tx2 - tx1
    bh = ty2 - ty1
    area = bw * bh
    gpos = (lax.broadcasted_iota(jnp.int32, (1, NB, LN), 1) * LN
            + lax.broadcasted_iota(jnp.int32, (1, NB, LN), 2))
    keep0 = (bw > 0.0) & (bh > 0.0) & (gpos < PRE_NMS_TOPK)
    cref[...] = jnp.stack([tx1, ty1, tx2, ty2, area], axis=0)
    keep_ref[...] = jnp.where(keep0, 1.0, 0.0)

    iblk = lax.broadcasted_iota(jnp.int32, (1, T, T), 1)
    jblk = lax.broadcasted_iota(jnp.int32, (1, T, T), 2)
    jgt = jblk > iblk
    lane = lax.broadcasted_iota(jnp.int32, (1, T), 1)

    def blk_body(blk, carry):
        b1, a1, k1 = _read_blk(cref, keep_ref, blk)
        iou = _iou(b1, b1, a1, a1)
        sup_ref[...] = jnp.where((iou > NMS_THRESH) & jgt, 1.0, 0.0)

        def inner(t, kvf):
            base = t * 8
            rows = sup_ref[:, pl.ds(base, 8), :]
            for u in range(8):
                rowf = rows[:, u, :]
                onei = lane == (base + u)
                kif = jnp.sum(jnp.where(onei, kvf, 0.0), axis=1, keepdims=True)
                kvf = kvf * jnp.where((rowf * kif) > 0.5, 0.0, 1.0)
            return kvf

        kb = lax.fori_loop(0, T // 8, inner, k1)
        keep_ref[:, pl.ds(blk, 1), :] = kb.reshape(B, 1, T)
        kbf3 = kb[:, :, None]

        def cross(lb, c2):
            b2, a2, k2 = _read_blk(cref, keep_ref, lb)
            iou2 = _iou(b1, b2, a1, a2)
            supx = jnp.max(jnp.where(iou2 > NMS_THRESH, kbf3, 0.0), axis=1)
            newk = k2 * jnp.where(supx > 0.5, 0.0, 1.0)
            keep_ref[:, pl.ds(lb, 1), :] = newk.reshape(B, 1, T)
            return c2

        lax.fori_loop(blk + 1, NB, cross, 0)
        return carry

    lax.fori_loop(0, NB, blk_body, 0)

    keep = keep_ref[...] > 0.5
    posf = gpos.astype(jnp.float32)
    ckey = jnp.where(keep, posf, float(2 * P) + posf)
    sc2 = jnp.where(keep, scores, -1e9)
    d2_ref[...] = jnp.stack([ckey, sc2, tx1, ty1, tx2, ty2], axis=0)
    _run_bitonic(d2_ref, _afirst_key_asc)

    out = d2_ref[...].reshape(6, B, P)
    scores_ref[...] = out[1][:, :POST_NMS_TOPK]
    for c in range(4):
        boxes_ref[:, c, :] = out[2 + c][:, :POST_NMS_TOPK]


def _make_sc_gather(rows, width):
    info = plsc.get_sparse_core_info()
    nw = info.num_cores * info.num_subcores
    rpw = rows // nw
    chunk = min(rpw, 128)
    mesh = plsc.VectorSubcoreMesh(core_axis_name="c", subcore_axis_name="s")

    @functools.partial(
        pl.kernel, mesh=mesh,
        out_type=jax.ShapeDtypeStruct((rows, width), jnp.float32),
        scratch_types=[
            pltpu.VMEM((chunk,), jnp.int32),
            pltpu.VMEM((chunk, width), jnp.float32),
            pltpu.SemaphoreType.DMA,
        ],
    )
    def gather_k(table_hbm, idx_hbm, out_hbm, idx_v, rows_v, sem):
        wid = lax.axis_index("s") * info.num_cores + lax.axis_index("c")
        for j in range(rpw // chunk):
            base = wid * rpw + j * chunk
            pltpu.sync_copy(idx_hbm.at[pl.ds(base, chunk)], idx_v)
            pltpu.async_copy(table_hbm.at[idx_v], rows_v, sem).wait()
            pltpu.sync_copy(rows_v, out_hbm.at[pl.ds(base, chunk)])

    return gather_k


def kernel(pred_objectness_logits, pred_anchor_deltas, anchors):
    B, N = pred_objectness_logits.shape
    M = 1
    while M < N:
        M *= 2
    lg = pred_objectness_logits.astype(jnp.float32)
    deltas = pred_anchor_deltas.astype(jnp.float32)
    anc = anchors.astype(jnp.float32)

    scores_p, idx_flat = pl.pallas_call(
        _topk_body,
        out_shape=(
            jax.ShapeDtypeStruct((B, P), jnp.float32),
            jax.ShapeDtypeStruct((B, P), jnp.int32),
        ),
        scratch_shapes=[pltpu.VMEM((2, B, M // LN, LN), jnp.float32)],
    )(lg)

    table = jnp.concatenate(
        [jnp.broadcast_to(anc[None, :, :], (B, N, 4)), deltas,
         jnp.zeros((B, N, 120), jnp.float32)], axis=2
    ).reshape(B * N, 128)
    gathered = _make_sc_gather(B * P, 128)(table, idx_flat.reshape(B * P))
    g = gathered.reshape(B, P, 128)[:, :, :8].transpose(0, 2, 1)

    boxesT, scores = pl.pallas_call(
        _nms_body,
        out_shape=(
            jax.ShapeDtypeStruct((B, 4, POST_NMS_TOPK), jnp.float32),
            jax.ShapeDtypeStruct((B, POST_NMS_TOPK), jnp.float32),
        ),
        scratch_shapes=[
            pltpu.VMEM((6, B, NB, LN), jnp.float32),
            pltpu.VMEM((5, B, NB, LN), jnp.float32),
            pltpu.VMEM((B, NB, LN), jnp.float32),
            pltpu.VMEM((B, T, T), jnp.float32),
        ],
    )(scores_p, g)
    return boxesT.transpose(0, 2, 1), scores

# --- scband reference (transcript-rebuilt; emitter-appended) ---
"""Pipeline reference for scband-rpn-65970697666754 (READ-ONLY COPY).

The authoritative reference and input builder live on the scoring server;
editing this copy changes nothing except your own understanding.
"""

import math
import jax, jax.numpy as jnp
import numpy as np

IMG_H = 1024.0
IMG_W = 1024.0
PRE_NMS_TOPK = 2000
POST_NMS_TOPK = 1000
NMS_THRESH = 0.7
SCALE_CLAMP = math.log(1000.0 / 16.0)


def setup_inputs(seed: int = 0):
    key = jax.random.key(seed)
    k1, k2, k3, k4, k5 = jax.random.split(key, 5)
    N = 20000
    B = 4
    cx = jax.random.uniform(k1, (N,)) * IMG_W
    cy = jax.random.uniform(k2, (N,)) * IMG_H
    wh = jax.random.uniform(k3, (N, 2)) * 224.0 + 32.0
    anchors = jnp.stack([cx - 0.5 * wh[:, 0], cy - 0.5 * wh[:, 1], cx + 0.5 * wh[:, 0], cy + 0.5 * wh[:, 1]], axis=1).astype(jnp.float32)
    logits = jax.random.normal(k4, (B, N), dtype=jnp.float32)
    deltas = jax.random.normal(k5, (B, N, 4), dtype=jnp.float32) * 0.5
    return {"pred_objectness_logits": logits, "pred_anchor_deltas": deltas, "anchors": anchors}


def apply_deltas(deltas, anchors):
    # detectron2 Box2BoxTransform.apply_deltas with weights (1,1,1,1)
    widths = anchors[:, 2] - anchors[:, 0]
    heights = anchors[:, 3] - anchors[:, 1]
    ctr_x = anchors[:, 0] + 0.5 * widths
    ctr_y = anchors[:, 1] + 0.5 * heights
    dx = deltas[..., 0]
    dy = deltas[..., 1]
    dw = jnp.minimum(deltas[..., 2], SCALE_CLAMP)
    dh = jnp.minimum(deltas[..., 3], SCALE_CLAMP)
    pcx = dx * widths + ctr_x
    pcy = dy * heights + ctr_y
    pw = jnp.exp(dw) * widths
    ph = jnp.exp(dh) * heights
    return jnp.stack([pcx - 0.5 * pw, pcy - 0.5 * ph, pcx + 0.5 * pw, pcy + 0.5 * ph], axis=-1)


def clip_boxes(boxes):
    x1 = jnp.clip(boxes[..., 0], 0.0, IMG_W)
    y1 = jnp.clip(boxes[..., 1], 0.0, IMG_H)
    x2 = jnp.clip(boxes[..., 2], 0.0, IMG_W)
    y2 = jnp.clip(boxes[..., 3], 0.0, IMG_H)
    return jnp.stack([x1, y1, x2, y2], axis=-1)


def nms_single(boxes, scores):
    # boxes [P,4] sorted by score desc, scores [P]
    P = boxes.shape[0]
    w = boxes[:, 2] - boxes[:, 0]
    h = boxes[:, 3] - boxes[:, 1]
    valid = (w > 0.0) & (h > 0.0)  # min_box_side_len = 0 filter
    areas = w * h
    x1 = jnp.maximum(boxes[:, None, 0], boxes[None, :, 0])
    y1 = jnp.maximum(boxes[:, None, 1], boxes[None, :, 1])
    x2 = jnp.minimum(boxes[:, None, 2], boxes[None, :, 2])
    y2 = jnp.minimum(boxes[:, None, 3], boxes[None, :, 3])
    inter = jnp.maximum(x2 - x1, 0.0) * jnp.maximum(y2 - y1, 0.0)
    iou = inter / jnp.maximum(areas[:, None] + areas[None, :] - inter, 1e-6)
    idxs = jnp.arange(P)
    def body(i, keep):
        suppress = (iou[i] > NMS_THRESH) & (idxs > i) & keep[i]
        return keep & (~suppress)
    keep = jax.lax.fori_loop(0, P, body, valid)
    kept_scores = jnp.where(keep, scores, -1e9)
    top_scores, top_idx = jax.lax.top_k(kept_scores, POST_NMS_TOPK)
    return boxes[top_idx], top_scores


def _forward(logits, deltas, anchors):
    boxes = clip_boxes(apply_deltas(deltas, anchors))  # [B,N,4]
    P = min(PRE_NMS_TOPK, logits.shape[1])
    top_scores, top_idx = jax.lax.top_k(logits, P)  # [B,P] sorted desc
    boxes_topk = jnp.take_along_axis(boxes, top_idx[:, :, None], axis=1)  # [B,P,4]
    return jax.vmap(nms_single)(boxes_topk, top_scores)


def reference(pred_objectness_logits, pred_anchor_deltas, anchors):
    proposal_boxes, proposal_scores = jax.jit(_forward)(pred_objectness_logits, pred_anchor_deltas, anchors)
    return proposal_boxes, proposal_scores

if __name__ == "__main__":
    import jax
    _d = setup_inputs()
    print(jax.jit(kernel)(*tuple(_d.values())))

</pallas_src>

<mosaic_0001>
#map = affine_map<(d0, d1) -> (0, 0)>
#map1 = affine_map<(d0, d1) -> (0)>
module attributes {stable_mosaic.version = 14 : i64} {
  func.func @gather_k(%arg0: i32, %arg1: i32, %arg2: memref<80000x128xf32, #tpu.memory_space<hbm>>, %arg3: memref<8192xi32, #tpu.memory_space<hbm>>, %arg4: memref<8192x128xf32, #tpu.memory_space<hbm>>, %arg5: memref<128xi32, #tpu.memory_space<vmem>>, %arg6: memref<128x128xf32, #tpu.memory_space<vmem>>, %arg7: memref<!tpu.dma_semaphore, #tpu.memory_space<semaphore_mem>>) attributes {dimension_semantics = [#tpu.dimension_semantics<core_parallel>, #tpu.dimension_semantics<subcore_parallel>], iteration_bounds = array<i64: 2, 16>, scalar_prefetch = 0 : i64, scratch_operands = 3 : i64, tpu.core_type = #tpu.core_type<sc_vector_subcore>, window_params = [{transform_indices = #map}, {transform_indices = #map1}, {transform_indices = #map}]} {
    %mul3A = arith.constant 2 : i32
    %mul3A_0 = arith.muli %arg1, %mul3A : i32
    %add3A = arith.addi %mul3A_0, %arg0 : i32
    %mul3A_1 = arith.constant 256 : i32
    %mul3A_2 = arith.muli %add3A, %mul3A_1 : i32
    %add3A_3 = arith.constant 0 : i32
    %add3A_4 = arith.addi %mul3A_2, %add3A_3 : i32
    "tpu.region"() ({
      %run_scoped3A = tpu.sem_alloc : memref<!tpu.dma_semaphore, #tpu.memory_space<semaphore_mem>>
      %dma_start3A_19 = tpu.memref_slice %arg3[%add3A_4] : memref<8192xi32, #tpu.memory_space<hbm>> -> memref<128xi32, #tpu.memory_space<hbm>>
      %dma_start3A_20 = tpu.memref_slice %arg3[%add3A_4] : memref<8192xi32, #tpu.memory_space<hbm>> -> memref<128xi32, #tpu.memory_space<hbm>>
      tpu.enqueue_dma source(%dma_start3A_20 : memref<128xi32, #tpu.memory_space<hbm>>) target(%arg5 : memref<128xi32, #tpu.memory_space<vmem>>) target_semaphore(%run_scoped3A : memref<!tpu.dma_semaphore, #tpu.memory_space<semaphore_mem>>)
      %dma_wait3A_21 = tpu.memref_slice %arg3[%add3A_4] : memref<8192xi32, #tpu.memory_space<hbm>> -> memref<128xi32, #tpu.memory_space<hbm>>
      %dma_wait3A_22 = tpu.memref_slice %arg3[%add3A_4] : memref<8192xi32, #tpu.memory_space<hbm>> -> memref<128xi32, #tpu.memory_space<hbm>>
      tpu.wait_dma2 semaphore(%run_scoped3A : memref<!tpu.dma_semaphore, #tpu.memory_space<semaphore_mem>>) src(%dma_wait3A_22 : memref<128xi32, #tpu.memory_space<hbm>>) dst(%arg5 : memref<128xi32, #tpu.memory_space<vmem>>)
      tpu.yield
    }) : () -> ()
    %dma_start3A = arith.constant 0 : i32
    %dma_start3A_5 = arith.constant 0 : i32
    %dma_start3A_6 = tpu.memref_slice %arg2[%dma_start3A, %dma_start3A_5] : memref<80000x128xf32, #tpu.memory_space<hbm>> -> memref<80000x128xf32, #tpu.memory_space<hbm>>
    tpu.enqueue_indirect_dma source(%dma_start3A_6 : memref<80000x128xf32, #tpu.memory_space<hbm>>) target(%arg6 : memref<128x128xf32, #tpu.memory_space<vmem>>) offsets(%arg5 : memref<128xi32, #tpu.memory_space<vmem>>) semaphore(%arg7 : memref<!tpu.dma_semaphore, #tpu.memory_space<semaphore_mem>>)
    %dma_wait3A = arith.constant 0 : i32
    %dma_wait3A_7 = arith.constant 0 : i32
    %dma_wait3A_8 = tpu.memref_slice %arg2[%dma_wait3A, %dma_wait3A_7] : memref<80000x128xf32, #tpu.memory_space<hbm>> -> memref<80000x128xf32, #tpu.memory_space<hbm>>
    tpu.wait_indirect_dma semaphore(%arg7 : memref<!tpu.dma_semaphore, #tpu.memory_space<semaphore_mem>>) src(%dma_wait3A_8 : memref<80000x128xf32, #tpu.memory_space<hbm>>) dst(%arg6 : memref<128x128xf32, #tpu.memory_space<vmem>>)
    "tpu.region"() ({
      %run_scoped3A = tpu.sem_alloc : memref<!tpu.dma_semaphore, #tpu.memory_space<semaphore_mem>>
      %dma_start3A_19 = arith.constant 0 : i32
      %dma_start3A_20 = tpu.memref_slice %arg4[%add3A_4, %dma_start3A_19] : memref<8192x128xf32, #tpu.memory_space<hbm>> -> memref<128x128xf32, #tpu.memory_space<hbm>>
      %dma_start3A_21 = arith.constant 0 : i32
      %dma_start3A_22 = tpu.memref_slice %arg4[%add3A_4, %dma_start3A_21] : memref<8192x128xf32, #tpu.memory_space<hbm>> -> memref<128x128xf32, #tpu.memory_space<hbm>>
      tpu.enqueue_dma source(%arg6 : memref<128x128xf32, #tpu.memory_space<vmem>>) target(%dma_start3A_22 : memref<128x128xf32, #tpu.memory_space<hbm>>) target_semaphore(%run_scoped3A : memref<!tpu.dma_semaphore, #tpu.memory_space<semaphore_mem>>)
      %dma_wait3A_23 = arith.constant 0 : i32
      %dma_wait3A_24 = tpu.memref_slice %arg4[%add3A_4, %dma_wait3A_23] : memref<8192x128xf32, #tpu.memory_space<hbm>> -> memref<128x128xf32, #tpu.memory_space<hbm>>
      %dma_wait3A_25 = arith.constant 0 : i32
      %dma_wait3A_26 = tpu.memref_slice %arg4[%add3A_4, %dma_wait3A_25] : memref<8192x128xf32, #tpu.memory_space<hbm>> -> memref<128x128xf32, #tpu.memory_space<hbm>>
      tpu.wait_dma2 semaphore(%run_scoped3A : memref<!tpu.dma_semaphore, #tpu.memory_space<semaphore_mem>>) src(%arg6 : memref<128x128xf32, #tpu.memory_space<vmem>>) dst(%dma_wait3A_26 : memref<128x128xf32, #tpu.memory_space<hbm>>)
      tpu.yield
    }) : () -> ()
    %mul3A_9 = arith.constant 256 : i32
    %mul3A_10 = arith.muli %add3A, %mul3A_9 : i32
    %add3A_11 = arith.constant 128 : i32
    %add3A_12 = arith.addi %mul3A_10, %add3A_11 : i32
    "tpu.region"() ({
      %run_scoped3A = tpu.sem_alloc : memref<!tpu.dma_semaphore, #tpu.memory_space<semaphore_mem>>
      %dma_start3A_19 = tpu.memref_slice %arg3[%add3A_12] : memref<8192xi32, #tpu.memory_space<hbm>> -> memref<128xi32, #tpu.memory_space<hbm>>
      %dma_start3A_20 = tpu.memref_slice %arg3[%add3A_12] : memref<8192xi32, #tpu.memory_space<hbm>> -> memref<128xi32, #tpu.memory_space<hbm>>
      tpu.enqueue_dma source(%dma_start3A_20 : memref<128xi32, #tpu.memory_space<hbm>>) target(%arg5 : memref<128xi32, #tpu.memory_space<vmem>>) target_semaphore(%run_scoped3A : memref<!tpu.dma_semaphore, #tpu.memory_space<semaphore_mem>>)
      %dma_wait3A_21 = tpu.memref_slice %arg3[%add3A_12] : memref<8192xi32, #tpu.memory_space<hbm>> -> memref<128xi32, #tpu.memory_space<hbm>>
      %dma_wait3A_22 = tpu.memref_slice %arg3[%add3A_12] : memref<8192xi32, #tpu.memory_space<hbm>> -> memref<128xi32, #tpu.memory_space<hbm>>
      tpu.wait_dma2 semaphore(%run_scoped3A : memref<!tpu.dma_semaphore, #tpu.memory_space<semaphore_mem>>) src(%dma_wait3A_22 : memref<128xi32, #tpu.memory_space<hbm>>) dst(%arg5 : memref<128xi32, #tpu.memory_space<vmem>>)
      tpu.yield
    }) : () -> ()
    %dma_start3A_13 = arith.constant 0 : i32
    %dma_start3A_14 = arith.constant 0 : i32
    %dma_start3A_15 = tpu.memref_slice %arg2[%dma_start3A_13, %dma_start3A_14] : memref<80000x128xf32, #tpu.memory_space<hbm>> -> memref<80000x128xf32, #tpu.memory_space<hbm>>
    tpu.enqueue_indirect_dma source(%dma_start3A_15 : memref<80000x128xf32, #tpu.memory_space<hbm>>) target(%arg6 : memref<128x128xf32, #tpu.memory_space<vmem>>) offsets(%arg5 : memref<128xi32, #tpu.memory_space<vmem>>) semaphore(%arg7 : memref<!tpu.dma_semaphore, #tpu.memory_space<semaphore_mem>>)
    %dma_wait3A_16 = arith.constant 0 : i32
    %dma_wait3A_17 = arith.constant 0 : i32
    %dma_wait3A_18 = tpu.memref_slice %arg2[%dma_wait3A_16, %dma_wait3A_17] : memref<80000x128xf32, #tpu.memory_space<hbm>> -> memref<80000x128xf32, #tpu.memory_space<hbm>>
    tpu.wait_indirect_dma semaphore(%arg7 : memref<!tpu.dma_semaphore, #tpu.memory_space<semaphore_mem>>) src(%dma_wait3A_18 : memref<80000x128xf32, #tpu.memory_space<hbm>>) dst(%arg6 : memref<128x128xf32, #tpu.memory_space<vmem>>)
    "tpu.region"() ({
      %run_scoped3A = tpu.sem_alloc : memref<!tpu.dma_semaphore, #tpu.memory_space<semaphore_mem>>
      %dma_start3A_19 = arith.constant 0 : i32
      %dma_start3A_20 = tpu.memref_slice %arg4[%add3A_12, %dma_start3A_19] : memref<8192x128xf32, #tpu.memory_space<hbm>> -> memref<128x128xf32, #tpu.memory_space<hbm>>
      %dma_start3A_21 = arith.constant 0 : i32
      %dma_start3A_22 = tpu.memref_slice %arg4[%add3A_12, %dma_start3A_21] : memref<8192x128xf32, #tpu.memory_space<hbm>> -> memref<128x128xf32, #tpu.memory_space<hbm>>
      tpu.enqueue_dma source(%arg6 : memref<128x128xf32, #tpu.memory_space<vmem>>) target(%dma_start3A_22 : memref<128x128xf32, #tpu.memory_space<hbm>>) target_semaphore(%run_scoped3A : memref<!tpu.dma_semaphore, #tpu.memory_space<semaphore_mem>>)
      %dma_wait3A_23 = arith.constant 0 : i32
      %dma_wait3A_24 = tpu.memref_slice %arg4[%add3A_12, %dma_wait3A_23] : memref<8192x128xf32, #tpu.memory_space<hbm>> -> memref<128x128xf32, #tpu.memory_space<hbm>>
      %dma_wait3A_25 = arith.constant 0 : i32
      %dma_wait3A_26 = tpu.memref_slice %arg4[%add3A_12, %dma_wait3A_25] : memref<8192x128xf32, #tpu.memory_space<hbm>> -> memref<128x128xf32, #tpu.memory_space<hbm>>
      tpu.wait_dma2 semaphore(%run_scoped3A : memref<!tpu.dma_semaphore, #tpu.memory_space<semaphore_mem>>) src(%arg6 : memref<128x128xf32, #tpu.memory_space<vmem>>) dst(%dma_wait3A_26 : memref<128x128xf32, #tpu.memory_space<hbm>>)
      tpu.yield
    }) : () -> ()
    return
  }
}

module attributes {stable_mosaic.version = 14 : i64} {
  func.func @_topk_body(%arg0: memref<4x20000xf32, #tpu.memory_space<vmem>>, %arg1: memref<4x2048xf32, #tpu.memory_space<vmem>>, %arg2: memref<4x2048xi32, #tpu.memory_space<vmem>>, %arg3: memref<2x4x256x128xf32, #tpu.memory_space<vmem>>) attributes {dimension_semantics = [], scalar_prefetch = 0 : i64, scratch_operands = 1 : i64, tpu.core_type = #tpu.core_type<tc>} {
    %broadcast_in_dim3A = arith.constant 0xFF800000 : f32
    %broadcast_in_dim3A_0 = vector.broadcast %broadcast_in_dim3A : f32 to vector<4x12768xf32>
    %iota3A = tpu.iota {dimensions = array<i32: 1>} : vector<4x32768xi32>
    %convert_element_type3A = arith.sitofp %iota3A : vector<4x32768xi32> to vector<4x32768xf32>
    %get3A = arith.constant 0 : index
    %get3A_1 = arith.constant 0 : index
    %get3A_2 = vector.load %arg0[%get3A, %get3A_1] : memref<4x20000xf32, #tpu.memory_space<vmem>>, vector<4x20000xf32>
    %concatenate3A = tpu.concatenate %get3A_2, %broadcast_in_dim3A_0 in 1 : vector<4x20000xf32>, vector<4x12768xf32> -> vector<4x32768xf32>
    %stack3A = vector.shape_cast %concatenate3A : vector<4x32768xf32> to vector<1x4x32768xf32>
    %stack3A_3 = vector.shape_cast %convert_element_type3A : vector<4x32768xf32> to vector<1x4x32768xf32>
    %stack3A_4 = tpu.concatenate %stack3A, %stack3A_3 in 0 : vector<1x4x32768xf32>, vector<1x4x32768xf32> -> vector<2x4x32768xf32>
    %reshape3A = vector.shape_cast %stack3A_4 : vector<2x4x32768xf32> to vector<2x4x256x128xf32>
    %swap3A = arith.constant 0 : index
    %swap3A_5 = arith.constant 0 : index
    %swap3A_6 = arith.constant 0 : index
    %swap3A_7 = arith.constant 0 : index
    %swap3A_8 = vector.load %arg3[%swap3A, %swap3A_5, %swap3A_6, %swap3A_7] : memref<2x4x256x128xf32, #tpu.memory_space<vmem>>, vector<2x4x256x128xf32>
    tpu.vector_store %arg3[%swap3A, %swap3A_5, %swap3A_6, %swap3A_7], %reshape3A {strides = array<i32>} : memref<2x4x256x128xf32, #tpu.memory_space<vmem>>, vector<2x4x256x128xf32>,
    %iota3A_9 = tpu.iota {dimensions = array<i32: 2>} : vector<1x1x256x128xi32>
    %mul3A = arith.constant 128 : i32
    %mul3A_10 = vector.broadcast %mul3A : i32 to vector<1x1x256x128xi32>
    %mul3A_11 = arith.muli %iota3A_9, %mul3A_10 : vector<1x1x256x128xi32>
    %iota3A_12 = tpu.iota {dimensions = array<i32: 3>} : vector<1x1x256x128xi32>
    %add3A = arith.addi %mul3A_11, %iota3A_12 : vector<1x1x256x128xi32>
    %and3A = arith.constant 2 : i32
    %and3A_13 = vector.broadcast %and3A : i32 to vector<1x1x256x128xi32>
    %and3A_14 = arith.andi %add3A, %and3A_13 : vector<1x1x256x128xi32>
    %eq3A = arith.constant 0 : i32
    %eq3A_15 = vector.broadcast %eq3A : i32 to vector<1x1x256x128xi32>
    %eq3A_16 = arith.cmpi eq, %and3A_14, %eq3A_15 : vector<1x1x256x128xi32>
    %scan3A = arith.constant 1 : i32
    %scan3A_17 = arith.constant 0 : i32
    %get3A_18 = arith.constant 0 : index
    %get3A_19 = arith.constant 0 : index
    %get3A_20 = arith.constant 0 : index
    %get3A_21 = arith.constant 0 : index
    %get3A_22 = vector.load %arg3[%get3A_18, %get3A_19, %get3A_20, %get3A_21] : memref<2x4x256x128xf32, #tpu.memory_space<vmem>>, vector<2x4x256x128xf32>
    %sub3A = arith.constant 128 : i32
    %sub3A_23 = arith.subi %sub3A, %scan3A : i32
    %jit3A = arith.constant 128 : i32
    %eq3A_24 = arith.constant 0 : i32
    %eq3A_25 = arith.cmpi eq, %jit3A, %eq3A_24 : i32
    %jit3A_26 = arith.constant 1 : i32
    %select_n3A = arith.select %eq3A_25, %jit3A_26, %jit3A : i32
    %rem3A = arith.remsi %sub3A_23, %select_n3A : i32
    %ne3A = arith.constant 0 : i32
    %ne3A_27 = arith.cmpi ne, %rem3A, %ne3A : i32
    %lt3A = arith.constant 0 : i32
    %lt3A_28 = arith.cmpi slt, %rem3A, %lt3A : i32
    %lt3A_29 = arith.constant 0 : i32
    %lt3A_30 = arith.cmpi slt, %select_n3A, %lt3A_29 : i32
    %ne3A_31 = arith.xori %lt3A_28, %lt3A_30 : i1
    %and3A_32 = arith.andi %ne3A_31, %ne3A_27 : i1
    %add3A_33 = arith.addi %rem3A, %select_n3A : i32
    %select_n3A_34 = arith.select %and3A_32, %add3A_33, %rem3A : i32
    %roll3A = tpu.dynamic_rotate %get3A_22 by %select_n3A_34 dim 3 : vector<2x4x256x128xf32>, i32 -> vector<2x4x256x128xf32>
    %roll3A_35 = tpu.dynamic_rotate %get3A_22 by %scan3A dim 3 : vector<2x4x256x128xf32>, i32 -> vector<2x4x256x128xf32>
    %and3A_36 = vector.broadcast %scan3A : i32 to vector<1x1x256x128xi32>
    %and3A_37 = arith.andi %add3A, %and3A_36 : vector<1x1x256x128xi32>
    %eq3A_38 = arith.constant 0 : i32
    %eq3A_39 = vector.broadcast %eq3A_38 : i32 to vector<1x1x256x128xi32>
    %eq3A_40 = arith.cmpi eq, %and3A_37, %eq3A_39 : vector<1x1x256x128xi32>
    %broadcast_in_dim3A_41 = vector.shape_cast %eq3A_40 : vector<1x1x256x128xi1> to vector<1x1x256x128xi1>
    %broadcast_in_dim3A_42 = vector.broadcast %broadcast_in_dim3A_41 : vector<1x1x256x128xi1> to vector<2x4x256x128xi1>
    %select_n3A_43 = arith.select %broadcast_in_dim3A_42, %roll3A, %roll3A_35 : vector<2x4x256x128xi1>, vector<2x4x256x128xf32>
    %broadcast_in_dim3A_44 = vector.shape_cast %eq3A_40 : vector<1x1x256x128xi1> to vector<1x1x256x128xi1>
    %broadcast_in_dim3A_45 = vector.broadcast %broadcast_in_dim3A_44 : vector<1x1x256x128xi1> to vector<2x4x256x128xi1>
    %select_n3A_46 = arith.select %broadcast_in_dim3A_45, %get3A_22, %select_n3A_43 : vector<2x4x256x128xi1>, vector<2x4x256x128xf32>
    %broadcast_in_dim3A_47 = vector.shape_cast %eq3A_40 : vector<1x1x256x128xi1> to vector<1x1x256x128xi1>
    %broadcast_in_dim3A_48 = vector.broadcast %broadcast_in_dim3A_47 : vector<1x1x256x128xi1> to vector<2x4x256x128xi1>
    %select_n3A_49 = arith.select %broadcast_in_dim3A_48, %select_n3A_43, %get3A_22 : vector<2x4x256x128xi1>, vector<2x4x256x128xf32>
    %slice3A = vector.extract_strided_slice %select_n3A_46 {offsets = [0, 0, 0, 0], sizes = [1, 4, 256, 128], strides = [1, 1, 1, 1]} : vector<2x4x256x128xf32> to vector<1x4x256x128xf32>
    %slice3A_50 = vector.extract_strided_slice %select_n3A_49 {offsets = [0, 0, 0, 0], sizes = [1, 4, 256, 128], strides = [1, 1, 1, 1]} : vector<2x4x256x128xf32> to vector<1x4x256x128xf32>
    %slice3A_51 = vector.extract_strided_slice %select_n3A_46 {offsets = [1, 0, 0, 0], sizes = [1, 4, 256, 128], strides = [1, 1, 1, 1]} : vector<2x4x256x128xf32> to vector<1x4x256x128xf32>
    %slice3A_52 = vector.extract_strided_slice %select_n3A_49 {offsets = [1, 0, 0, 0], sizes = [1, 4, 256, 128], strides = [1, 1, 1, 1]} : vector<2x4x256x128xf32> to vector<1x4x256x128xf32>
    %gt3A = arith.cmpf ogt, %slice3A, %slice3A_50 : vector<1x4x256x128xf32>
    %eq3A_53 = arith.cmpf oeq, %slice3A, %slice3A_50 : vector<1x4x256x128xf32>
    %lt3A_54 = arith.cmpf olt, %slice3A_51, %slice3A_52 : vector<1x4x256x128xf32>
    %and3A_55 = arith.andi %eq3A_53, %lt3A_54 : vector<1x4x256x128xi1>
    %or3A = arith.ori %gt3A, %and3A_55 : vector<1x4x256x128xi1>
    %jit3A_56 = arith.constant 1 : i32
    %jit3A_57 = arith.constant 0 : i32
    %broadcast_in_dim3A_58 = vector.broadcast %jit3A_56 : i32 to vector<1x4x256x128xi32>
    %broadcast_in_dim3A_59 = vector.broadcast %jit3A_57 : i32 to vector<1x4x256x128xi32>
    %select_n3A_60 = arith.select %or3A, %broadcast_in_dim3A_58, %broadcast_in_dim3A_59 : vector<1x4x256x128xi1>, vector<1x4x256x128xi32>
    %jit3A_61 = arith.constant 1 : i32
    %jit3A_62 = arith.constant 0 : i32
    %broadcast_in_dim3A_63 = vector.broadcast %jit3A_61 : i32 to vector<1x1x256x128xi32>
    %broadcast_in_dim3A_64 = vector.broadcast %jit3A_62 : i32 to vector<1x1x256x128xi32>
    %select_n3A_65 = arith.select %eq3A_16, %broadcast_in_dim3A_63, %broadcast_in_dim3A_64 : vector<1x1x256x128xi1>, vector<1x1x256x128xi32>
    %eq3A_66 = vector.broadcast %select_n3A_65 : vector<1x1x256x128xi32> to vector<1x4x256x128xi32>
    %eq3A_67 = arith.cmpi eq, %select_n3A_60, %eq3A_66 : vector<1x4x256x128xi32>
    %broadcast_in_dim3A_68 = vector.shape_cast %eq3A_67 : vector<1x4x256x128xi1> to vector<1x4x256x128xi1>
    %broadcast_in_dim3A_69 = vector.broadcast %broadcast_in_dim3A_68 : vector<1x4x256x128xi1> to vector<2x4x256x128xi1>
    %select_n3A_70 = arith.select %broadcast_in_dim3A_69, %get3A_22, %select_n3A_43 : vector<2x4x256x128xi1>, vector<2x4x256x128xf32>
    %swap3A_71 = arith.constant 0 : index
    %swap3A_72 = arith.constant 0 : index
    %swap3A_73 = arith.constant 0 : index
    %swap3A_74 = arith.constant 0 : index
    %swap3A_75 = vector.load %arg3[%swap3A_71, %swap3A_72, %swap3A_73, %swap3A_74] : memref<2x4x256x128xf32, #tpu.memory_space<vmem>>, vector<2x4x256x128xf32>
    tpu.vector_store %arg3[%swap3A_71, %swap3A_72, %swap3A_73, %swap3A_74], %select_n3A_70 {strides = array<i32>} : memref<2x4x256x128xf32, #tpu.memory_space<vmem>>, vector<2x4x256x128xf32>,
    %jit3A_76 = arith.constant 2 : i32
    %div3A = arith.divsi %scan3A, %jit3A_76 : i32
    %sign3A = arith.constant 0 : i32
    %sign3A_77 = arith.cmpi sgt, %scan3A, %sign3A : i32
    %sign3A_78 = arith.extui %sign3A_77 : i1 to i32
    %sign3A_79 = arith.constant 0 : i32
    %sign3A_80 = arith.cmpi slt, %scan3A, %sign3A_79 : i32
    %sign3A_81 = arith.extui %sign3A_80 : i1 to i32
    %sign3A_82 = arith.subi %sign3A_78, %sign3A_81 : i32
    %sign3A_83 = arith.constant 0 : i32
    %sign3A_84 = arith.cmpi sgt, %jit3A_76, %sign3A_83 : i32
    %sign3A_85 = arith.extui %sign3A_84 : i1 to i32
    %sign3A_86 = arith.constant 0 : i32
    %sign3A_87 = arith.cmpi slt, %jit3A_76, %sign3A_86 : i32
    %sign3A_88 = arith.extui %sign3A_87 : i1 to i32
    %sign3A_89 = arith.subi %sign3A_85, %sign3A_88 : i32
    %ne3A_90 = arith.cmpi ne, %sign3A_82, %sign3A_89 : i32
    %rem3A_91 = arith.remsi %scan3A, %jit3A_76 : i32
    %ne3A_92 = arith.constant 0 : i32
    %ne3A_93 = arith.cmpi ne, %rem3A_91, %ne3A_92 : i32
    %and3A_94 = arith.andi %ne3A_90, %ne3A_93 : i1
    %sub3A_95 = arith.constant 1 : i32
    %sub3A_96 = arith.subi %div3A, %sub3A_95 : i32
    %select_n3A_97 = arith.select %and3A_94, %sub3A_96, %div3A : i32
    %and3A_98 = arith.constant 4 : i32
    %and3A_99 = vector.broadcast %and3A_98 : i32 to vector<1x1x256x128xi32>
    %and3A_100 = arith.andi %add3A, %and3A_99 : vector<1x1x256x128xi32>
    %eq3A_101 = arith.constant 0 : i32
    %eq3A_102 = vector.broadcast %eq3A_101 : i32 to vector<1x1x256x128xi32>
    %eq3A_103 = arith.cmpi eq, %and3A_100, %eq3A_102 : vector<1x1x256x128xi32>
    %scan3A_104 = arith.constant 2 : i32
    %scan3A_105 = arith.constant 0 : i32
    %scan3A_106 = arith.constant 2 : i32
    %scan3A_107 = arith.addi %scan3A_105, %scan3A_106 : i32
    %scan3A_108 = arith.constant 1 : i32
    %scan3A_109 = scf.for %scan3A_439 = %scan3A_105 to %scan3A_107 step %scan3A_108 iter_args(%scan3A_440 = %scan3A_104) -> (i32)  : i32 {
      %get3A_441 = arith.constant 0 : index
      %get3A_442 = arith.constant 0 : index
      %get3A_443 = arith.constant 0 : index
      %get3A_444 = arith.constant 0 : index
      %get3A_445 = vector.load %arg3[%get3A_441, %get3A_442, %get3A_443, %get3A_444] : memref<2x4x256x128xf32, #tpu.memory_space<vmem>>, vector<2x4x256x128xf32>
      %sub3A_446 = arith.constant 128 : i32
      %sub3A_447 = arith.subi %sub3A_446, %scan3A_440 : i32
      %jit3A_448 = arith.constant 128 : i32
      %eq3A_449 = arith.constant 0 : i32
      %eq3A_450 = arith.cmpi eq, %jit3A_448, %eq3A_449 : i32
      %jit3A_451 = arith.constant 1 : i32
      %select_n3A_452 = arith.select %eq3A_450, %jit3A_451, %jit3A_448 : i32
      %rem3A_453 = arith.remsi %sub3A_447, %select_n3A_452 : i32
      %ne3A_454 = arith.constant 0 : i32
      %ne3A_455 = arith.cmpi ne, %rem3A_453, %ne3A_454 : i32
      %lt3A_456 = arith.constant 0 : i32
      %lt3A_457 = arith.cmpi slt, %rem3A_453, %lt3A_456 : i32
      %lt3A_458 = arith.constant 0 : i32
      %lt3A_459 = arith.cmpi slt, %select_n3A_452, %lt3A_458 : i32
      %ne3A_460 = arith.xori %lt3A_457, %lt3A_459 : i1
      %and3A_461 = arith.andi %ne3A_460, %ne3A_455 : i1
      %add3A_462 = arith.addi %rem3A_453, %select_n3A_452 : i32
      %select_n3A_463 = arith.select %and3A_461, %add3A_462, %rem3A_453 : i32
      %roll3A_464 = tpu.dynamic_rotate %get3A_445 by %select_n3A_463 dim 3 : vector<2x4x256x128xf32>, i32 -> vector<2x4x256x128xf32>
      %roll3A_465 = tpu.dynamic_rotate %get3A_445 by %scan3A_440 dim 3 : vector<2x4x256x128xf32>, i32 -> vector<2x4x256x128xf32>
      %and3A_466 = vector.broadcast %scan3A_440 : i32 to vector<1x1x256x128xi32>
      %and3A_467 = arith.andi %add3A, %and3A_466 : vector<1x1x256x128xi32>
      %eq3A_468 = arith.constant 0 : i32
      %eq3A_469 = vector.broadcast %eq3A_468 : i32 to vector<1x1x256x128xi32>
      %eq3A_470 = arith.cmpi eq, %and3A_467, %eq3A_469 : vector<1x1x256x128xi32>
      %broadcast_in_dim3A_471 = vector.shape_cast %eq3A_470 : vector<1x1x256x128xi1> to vector<1x1x256x128xi1>
      %broadcast_in_dim3A_472 = vector.broadcast %broadcast_in_dim3A_471 : vector<1x1x256x128xi1> to vector<2x4x256x128xi1>
      %select_n3A_473 = arith.select %broadcast_in_dim3A_472, %roll3A_464, %roll3A_465 : vector<2x4x256x128xi1>, vector<2x4x256x128xf32>
      %broadcast_in_dim3A_474 = vector.shape_cast %eq3A_470 : vector<1x1x256x128xi1> to vector<1x1x256x128xi1>
      %broadcast_in_dim3A_475 = vector.broadcast %broadcast_in_dim3A_474 : vector<1x1x256x128xi1> to vector<2x4x256x128xi1>
      %select_n3A_476 = arith.select %broadcast_in_dim3A_475, %get3A_445, %select_n3A_473 : vector<2x4x256x128xi1>, vector<2x4x256x128xf32>
      %broadcast_in_dim3A_477 = vector.shape_cast %eq3A_470 : vector<1x1x256x128xi1> to vector<1x1x256x128xi1>
      %broadcast_in_dim3A_478 = vector.broadcast %broadcast_in_dim3A_477 : vector<1x1x256x128xi1> to vector<2x4x256x128xi1>
      %select_n3A_479 = arith.select %broadcast_in_dim3A_478, %select_n3A_473, %get3A_445 : vector<2x4x256x128xi1>, vector<2x4x256x128xf32>
      %slice3A_480 = vector.extract_strided_slice %select_n3A_476 {offsets = [0, 0, 0, 0], sizes = [1, 4, 256, 128], strides = [1, 1, 1, 1]} : vector<2x4x256x128xf32> to vector<1x4x256x128xf32>
      %slice3A_481 = vector.extract_strided_slice %select_n3A_479 {offsets = [0, 0, 0, 0], sizes = [1, 4, 256, 128], strides = [1, 1, 1, 1]} : vector<2x4x256x128xf32> to vector<1x4x256x128xf32>
      %slice3A_482 = vector.extract_strided_slice %select_n3A_476 {offsets = [1, 0, 0, 0], sizes = [1, 4, 256, 128], strides = [1, 1, 1, 1]} : vector<2x4x256x128xf32> to vector<1x4x256x128xf32>
      %slice3A_483 = vector.extract_strided_slice %select_n3A_479 {offsets = [1, 0, 0, 0], sizes = [1, 4, 256, 128], strides = [1, 1, 1, 1]} : vector<2x4x256x128xf32> to vector<1x4x256x128xf32>
      %gt3A_484 = arith.cmpf ogt, %slice3A_480, %slice3A_481 : vector<1x4x256x128xf32>
      %eq3A_485 = arith.cmpf oeq, %slice3A_480, %slice3A_481 : vector<1x4x256x128xf32>
      %lt3A_486 = arith.cmpf olt, %slice3A_482, %slice3A_483 : vector<1x4x256x128xf32>
      %and3A_487 = arith.andi %eq3A_485, %lt3A_486 : vector<1x4x256x128xi1>
      %or3A_488 = arith.ori %gt3A_484, %and3A_487 : vector<1x4x256x128xi1>
      %jit3A_489 = arith.constant 1 : i32
      %jit3A_490 = arith.constant 0 : i32
      %broadcast_in_dim3A_491 = vector.broadcast %jit3A_489 : i32 to vector<1x4x256x128xi32>
      %broadcast_in_dim3A_492 = vector.broadcast %jit3A_490 : i32 to vector<1x4x256x128xi32>
      %select_n3A_493 = arith.select %or3A_488, %broadcast_in_dim3A_491, %broadcast_in_dim3A_492 : vector<1x4x256x128xi1>, vector<1x4x256x128xi32>
      %jit3A_494 = arith.constant 1 : i32
      %jit3A_495 = arith.constant 0 : i32
      %broadcast_in_dim3A_496 = vector.broadcast %jit3A_494 : i32 to vector<1x1x256x128xi32>
      %broadcast_in_dim3A_497 = vector.broadcast %jit3A_495 : i32 to vector<1x1x256x128xi32>
      %select_n3A_498 = arith.select %eq3A_103, %broadcast_in_dim3A_496, %broadcast_in_dim3A_497 : vector<1x1x256x128xi1>, vector<1x1x256x128xi32>
      %eq3A_499 = vector.broadcast %select_n3A_498 : vector<1x1x256x128xi32> to vector<1x4x256x128xi32>
      %eq3A_500 = arith.cmpi eq, %select_n3A_493, %eq3A_499 : vector<1x4x256x128xi32>
      %broadcast_in_dim3A_501 = vector.shape_cast %eq3A_500 : vector<1x4x256x128xi1> to vector<1x4x256x128xi1>
      %broadcast_in_dim3A_502 = vector.broadcast %broadcast_in_dim3A_501 : vector<1x4x256x128xi1> to vector<2x4x256x128xi1>
      %select_n3A_503 = arith.select %broadcast_in_dim3A_502, %get3A_445, %select_n3A_473 : vector<2x4x256x128xi1>, vector<2x4x256x128xf32>
      %swap3A_504 = arith.constant 0 : index
      %swap3A_505 = arith.constant 0 : index
      %swap3A_506 = arith.constant 0 : index
      %swap3A_507 = arith.constant 0 : index
      %swap3A_508 = vector.load %arg3[%swap3A_504, %swap3A_505, %swap3A_506, %swap3A_507] : memref<2x4x256x128xf32, #tpu.memory_space<vmem>>, vector<2x4x256x128xf32>
      tpu.vector_store %arg3[%swap3A_504, %swap3A_505, %swap3A_506, %swap3A_507], %select_n3A_503 {strides = array<i32>} : memref<2x4x256x128xf32, #tpu.memory_space<vmem>>, vector<2x4x256x128xf32>,
      %jit3A_509 = arith.constant 2 : i32
      %div3A_510 = arith.divsi %scan3A_440, %jit3A_509 : i32
      %sign3A_511 = arith.constant 0 : i32
      %sign3A_512 = arith.cmpi sgt, %scan3A_440, %sign3A_511 : i32
      %sign3A_513 = arith.extui %sign3A_512 : i1 to i32
      %sign3A_514 = arith.constant 0 : i32
      %sign3A_515 = arith.cmpi slt, %scan3A_440, %sign3A_514 : i32
      %sign3A_516 = arith.extui %sign3A_515 : i1 to i32
      %sign3A_517 = arith.subi %sign3A_513, %sign3A_516 : i32
      %sign3A_518 = arith.constant 0 : i32
      %sign3A_519 = arith.cmpi sgt, %jit3A_509, %sign3A_518 : i32
      %sign3A_520 = arith.extui %sign3A_519 : i1 to i32
      %sign3A_521 = arith.constant 0 : i32
      %sign3A_522 = arith.cmpi slt, %jit3A_509, %sign3A_521 : i32
      %sign3A_523 = arith.extui %sign3A_522 : i1 to i32
      %sign3A_524 = arith.subi %sign3A_520, %sign3A_523 : i32
      %ne3A_525 = arith.cmpi ne, %sign3A_517, %sign3A_524 : i32
      %rem3A_526 = arith.remsi %scan3A_440, %jit3A_509 : i32
      %ne3A_527 = arith.constant 0 : i32
      %ne3A_528 = arith.cmpi ne, %rem3A_526, %ne3A_527 : i32
      %and3A_529 = arith.andi %ne3A_525, %ne3A_528 : i1
      %sub3A_530 = arith.constant 1 : i32
      %sub3A_531 = arith.subi %div3A_510, %sub3A_530 : i32
      %select_n3A_532 = arith.select %and3A_529, %sub3A_531, %div3A_510 : i32
      scf.yield %select_n3A_532 : i32
    }
    %and3A_110 = arith.constant 8 : i32
    %and3A_111 = vector.broadcast %and3A_110 : i32 to vector<1x1x256x128xi32>
    %and3A_112 = arith.andi %add3A, %and3A_111 : vector<1x1x256x128xi32>
    %eq3A_113 = arith.constant 0 : i32
    %eq3A_114 = vector.broadcast %eq3A_113 : i32 to vector<1x1x256x128xi32>
    %eq3A_115 = arith.cmpi eq, %and3A_112, %eq3A_114 : vector<1x1x256x128xi32>
    %scan3A_116 = arith.constant 4 : i32
    %scan3A_117 = arith.constant 0 : i32
    %scan3A_118 = arith.constant 3 : i32
    %scan3A_119 = arith.addi %scan3A_117, %scan3A_118 : i32
    %scan3A_120 = arith.constant 1 : i32
    %scan3A_121 = scf.for %scan3A_439 = %scan3A_117 to %scan3A_119 step %scan3A_120 iter_args(%scan3A_440 = %scan3A_116) -> (i32)  : i32 {
      %get3A_441 = arith.constant 0 : index
      %get3A_442 = arith.constant 0 : index
      %get3A_443 = arith.constant 0 : index
      %get3A_444 = arith.constant 0 : index
      %get3A_445 = vector.load %arg3[%get3A_441, %get3A_442, %get3A_443, %get3A_444] : memref<2x4x256x128xf32, #tpu.memory_space<vmem>>, vector<2x4x256x128xf32>
      %sub3A_446 = arith.constant 128 : i32
      %sub3A_447 = arith.subi %sub3A_446, %scan3A_440 : i32
      %jit3A_448 = arith.constant 128 : i32
      %eq3A_449 = arith.constant 0 : i32
      %eq3A_450 = arith.cmpi eq, %jit3A_448, %eq3A_449 : i32
      %jit3A_451 = arith.constant 1 : i32
      %select_n3A_452 = arith.select %eq3A_450, %jit3A_451, %jit3A_448 : i32
      %rem3A_453 = arith.remsi %sub3A_447, %select_n3A_452 : i32
      %ne3A_454 = arith.constant 0 : i32
      %ne3A_455 = arith.cmpi ne, %rem3A_453, %ne3A_454 : i32
      %lt3A_456 = arith.constant 0 : i32
      %lt3A_457 = arith.cmpi slt, %rem3A_453, %lt3A_456 : i32
      %lt3A_458 = arith.constant 0 : i32
      %lt3A_459 = arith.cmpi slt, %select_n3A_452, %lt3A_458 : i32
      %ne3A_460 = arith.xori %lt3A_457, %lt3A_459 : i1
      %and3A_461 = arith.andi %ne3A_460, %ne3A_455 : i1
      %add3A_462 = arith.addi %rem3A_453, %select_n3A_452 : i32
      %select_n3A_463 = arith.select %and3A_461, %add3A_462, %rem3A_453 : i32
      %roll3A_464 = tpu.dynamic_rotate %get3A_445 by %select_n3A_463 dim 3 : vector<2x4x256x128xf32>, i32 -> vector<2x4x256x128xf32>
      %roll3A_465 = tpu.dynamic_rotate %get3A_445 by %scan3A_440 dim 3 : vector<2x4x256x128xf32>, i32 -> vector<2x4x256x128xf32>
      %and3A_466 = vector.broadcast %scan3A_440 : i32 to vector<1x1x256x128xi32>
      %and3A_467 = arith.andi %add3A, %and3A_466 : vector<1x1x256x128xi32>
      %eq3A_468 = arith.constant 0 : i32
      %eq3A_469 = vector.broadcast %eq3A_468 : i32 to vector<1x1x256x128xi32>
      %eq3A_470 = arith.cmpi eq, %and3A_467, %eq3A_469 : vector<1x1x256x128xi32>
      %broadcast_in_dim3A_471 = vector.shape_cast %eq3A_470 : vector<1x1x256x128xi1> to vector<1x1x256x128xi1>
      %broadcast_in_dim3A_472 = vector.broadcast %broadcast_in_dim3A_471 : vector<1x1x256x128xi1> to vector<2x4x256x128xi1>
      %select_n3A_473 = arith.select %broadcast_in_dim3A_472, %roll3A_464, %roll3A_465 : vector<2x4x256x128xi1>, vector<2x4x256x128xf32>
      %broadcast_in_dim3A_474 = vector.shape_cast %eq3A_470 : vector<1x1x256x128xi1> to vector<1x1x256x128xi1>
      %broadcast_in_dim3A_475 = vector.broadcast %broadcast_in_dim3A_474 : vector<1x1x256x128xi1> to vector<2x4x256x128xi1>
      %select_n3A_476 = arith.select %broadcast_in_dim3A_475, %get3A_445, %select_n3A_473 : vector<2x4x256x128xi1>, vector<2x4x256x128xf32>
      %broadcast_in_dim3A_477 = vector.shape_cast %eq3A_470 : vector<1x1x256x128xi1> to vector<1x1x256x128xi1>
      %broadcast_in_dim3A_478 = vector.broadcast %broadcast_in_dim3A_477 : vector<1x1x256x128xi1> to vector<2x4x256x128xi1>
      %select_n3A_479 = arith.select %broadcast_in_dim3A_478, %select_n3A_473, %get3A_445 : vector<2x4x256x128xi1>, vector<2x4x256x128xf32>
      %slice3A_480 = vector.extract_strided_slice %select_n3A_476 {offsets = [0, 0, 0, 0], sizes = [1, 4, 256, 128], strides = [1, 1, 1, 1]} : vector<2x4x256x128xf32> to vector<1x4x256x128xf32>
      %slice3A_481 = vector.extract_strided_slice %select_n3A_479 {offsets = [0, 0, 0, 0], sizes = [1, 4, 256, 128], strides = [1, 1, 1, 1]} : vector<2x4x256x128xf32> to vector<1x4x256x128xf32>
      %slice3A_482 = vector.extract_strided_slice %select_n3A_476 {offsets = [1, 0, 0, 0], sizes = [1, 4, 256, 128], strides = [1, 1, 1, 1]} : vector<2x4x256x128xf32> to vector<1x4x256x128xf32>
      %slice3A_483 = vector.extract_strided_slice %select_n3A_479 {offsets = [1, 0, 0, 0], sizes = [1, 4, 256, 128], strides = [1, 1, 1, 1]} : vector<2x4x256x128xf32> to vector<1x4x256x128xf32>
      %gt3A_484 = arith.cmpf ogt, %slice3A_480, %slice3A_481 : vector<1x4x256x128xf32>
      %eq3A_485 = arith.cmpf oeq, %slice3A_480, %slice3A_481 : vector<1x4x256x128xf32>
      %lt3A_486 = arith.cmpf olt, %slice3A_482, %slice3A_483 : vector<1x4x256x128xf32>
      %and3A_487 = arith.andi %eq3A_485, %lt3A_486 : vector<1x4x256x128xi1>
      %or3A_488 = arith.ori %gt3A_484, %and3A_487 : vector<1x4x256x128xi1>
      %jit3A_489 = arith.constant 1 : i32
      %jit3A_490 = arith.constant 0 : i32
      %broadcast_in_dim3A_491 = vector.broadcast %jit3A_489 : i32 to vector<1x4x256x128xi32>
      %broadcast_in_dim3A_492 = vector.broadcast %jit3A_490 : i32 to vector<1x4x256x128xi32>
      %select_n3A_493 = arith.select %or3A_488, %broadcast_in_dim3A_491, %broadcast_in_dim3A_492 : vector<1x4x256x128xi1>, vector<1x4x256x128xi32>
      %jit3A_494 = arith.constant 1 : i32
      %jit3A_495 = arith.constant 0 : i32
      %broadcast_in_dim3A_496 = vector.broadcast %jit3A_494 : i32 to vector<1x1x256x128xi32>
      %broadcast_in_dim3A_497 = vector.broadcast %jit3A_495 : i32 to vector<1x1x256x128xi32>
      %select_n3A_498 = arith.select %eq3A_115, %broadcast_in_dim3A_496, %broadcast_in_dim3A_497 : vector<1x1x256x128xi1>, vector<1x1x256x128xi32>
      %eq3A_499 = vector.broadcast %select_n3A_498 : vector<1x1x256x128xi32> to vector<1x4x256x128xi32>
      %eq3A_500 = arith.cmpi eq, %select_n3A_493, %eq3A_499 : vector<1x4x256x128xi32>
      %broadcast_in_dim3A_501 = vector.shape_cast %eq3A_500 : vector<1x4x256x128xi1> to vector<1x4x256x128xi1>
      %broadcast_in_dim3A_502 = vector.broadcast %broadcast_in_dim3A_501 : vector<1x4x256x128xi1> to vector<2x4x256x128xi1>
      %select_n3A_503 = arith.select %broadcast_in_dim3A_502, %get3A_445, %select_n3A_473 : vector<2x4x256x128xi1>, vector<2x4x256x128xf32>
      %swap3A_504 = arith.constant 0 : index
      %swap3A_505 = arith.constant 0 : index
      %swap3A_506 = arith.constant 0 : index
      %swap3A_507 = arith.constant 0 : index
      %swap3A_508 = vector.load %arg3[%swap3A_504, %swap3A_505, %swap3A_506, %swap3A_507] : memref<2x4x256x128xf32, #tpu.memory_space<vmem>>, vector<2x4x256x128xf32>
      tpu.vector_store %arg3[%swap3A_504, %swap3A_505, %swap3A_506, %swap3A_507], %select_n3A_503 {strides = array<i32>} : memref<2x4x256x128xf32, #tpu.memory_space<vmem>>, vector<2x4x256x128xf32>,
      %jit3A_509 = arith.constant 2 : i32
      %div3A_510 = arith.divsi %scan3A_440, %jit3A_509 : i32
      %sign3A_511 = arith.constant 0 : i32
      %sign3A_512 = arith.cmpi sgt, %scan3A_440, %sign3A_511 : i32
      %sign3A_513 = arith.extui %sign3A_512 : i1 to i32
      %sign3A_514 = arith.constant 0 : i32
      %sign3A_515 = arith.cmpi slt, %scan3A_440, %sign3A_514 : i32
      %sign3A_516 = arith.extui %sign3A_515 : i1 to i32
      %sign3A_517 = arith.subi %sign3A_513, %sign3A_516 : i32
      %sign3A_518 = arith.constant 0 : i32
      %sign3A_519 = arith.cmpi sgt, %jit3A_509, %sign3A_518 : i32
      %sign3A_520 = arith.extui %sign3A_519 : i1 to i32
      %sign3A_521 = arith.constant 0 : i32
      %sign3A_522 = arith.cmpi slt, %jit3A_509, %sign3A_521 : i32
      %sign3A_523 = arith.extui %sign3A_522 : i1 to i32
      %sign3A_524 = arith.subi %sign3A_520, %sign3A_523 : i32
      %ne3A_525 = arith.cmpi ne, %sign3A_517, %sign3A_524 : i32
      %rem3A_526 = arith.remsi %scan3A_440, %jit3A_509 : i32
      %ne3A_527 = arith.constant 0 : i32
      %ne3A_528 = arith.cmpi ne, %rem3A_526, %ne3A_527 : i32
      %and3A_529 = arith.andi %ne3A_525, %ne3A_528 : i1
      %sub3A_530 = arith.constant 1 : i32
      %sub3A_531 = arith.subi %div3A_510, %sub3A_530 : i32
      %select_n3A_532 = arith.select %and3A_529, %sub3A_531, %div3A_510 : i32
      scf.yield %select_n3A_532 : i32
    }
    %and3A_122 = arith.constant 16 : i32
    %and3A_123 = vector.broadcast %and3A_122 : i32 to vector<1x1x256x128xi32>
    %and3A_124 = arith.andi %add3A, %and3A_123 : vector<1x1x256x128xi32>
    %eq3A_125 = arith.constant 0 : i32
    %eq3A_126 = vector.broadcast %eq3A_125 : i32 to vector<1x1x256x128xi32>
    %eq3A_127 = arith.cmpi eq, %and3A_124, %eq3A_126 : vector<1x1x256x128xi32>
    %scan3A_128 = arith.constant 8 : i32
    %scan3A_129 = arith.constant 0 : i32
    %scan3A_130 = arith.constant 4 : i32
    %scan3A_131 = arith.addi %scan3A_129, %scan3A_130 : i32
    %scan3A_132 = arith.constant 1 : i32
    %scan3A_133 = scf.for %scan3A_439 = %scan3A_129 to %scan3A_131 step %scan3A_132 iter_args(%scan3A_440 = %scan3A_128) -> (i32)  : i32 {
      %get3A_441 = arith.constant 0 : index
      %get3A_442 = arith.constant 0 : index
      %get3A_443 = arith.constant 0 : index
      %get3A_444 = arith.constant 0 : index
      %get3A_445 = vector.load %arg3[%get3A_441, %get3A_442, %get3A_443, %get3A_444] : memref<2x4x256x128xf32, #tpu.memory_space<vmem>>, vector<2x4x256x128xf32>
      %sub3A_446 = arith.constant 128 : i32
      %sub3A_447 = arith.subi %sub3A_446, %scan3A_440 : i32
      %jit3A_448 = arith.constant 128 : i32
      %eq3A_449 = arith.constant 0 : i32
      %eq3A_450 = arith.cmpi eq, %jit3A_448, %eq3A_449 : i32
      %jit3A_451 = arith.constant 1 : i32
      %select_n3A_452 = arith.select %eq3A_450, %jit3A_451, %jit3A_448 : i32
      %rem3A_453 = arith.remsi %sub3A_447, %select_n3A_452 : i32
      %ne3A_454 = arith.constant 0 : i32
      %ne3A_455 = arith.cmpi ne, %rem3A_453, %ne3A_454 : i32
      %lt3A_456 = arith.constant 0 : i32
      %lt3A_457 = arith.cmpi slt, %rem3A_453, %lt3A_456 : i32
      %lt3A_458 = arith.constant 0 : i32
      %lt3A_459 = arith.cmpi slt, %select_n3A_452, %lt3A_458 : i32
      %ne3A_460 = arith.xori %lt3A_457, %lt3A_459 : i1
      %and3A_461 = arith.andi %ne3A_460, %ne3A_455 : i1
      %add3A_462 = arith.addi %rem3A_453, %select_n3A_452 : i32
      %select_n3A_463 = arith.select %and3A_461, %add3A_462, %rem3A_453 : i32
      %roll3A_464 = tpu.dynamic_rotate %get3A_445 by %select_n3A_463 dim 3 : vector<2x4x256x128xf32>, i32 -> vector<2x4x256x128xf32>
      %roll3A_465 = tpu.dynamic_rotate %get3A_445 by %scan3A_440 dim 3 : vector<2x4x256x128xf32>, i32 -> vector<2x4x256x128xf32>
      %and3A_466 = vector.broadcast %scan3A_440 : i32 to vector<1x1x256x128xi32>
      %and3A_467 = arith.andi %add3A, %and3A_466 : vector<1x1x256x128xi32>
      %eq3A_468 = arith.constant 0 : i32
      %eq3A_469 = vector.broadcast %eq3A_468 : i32 to vector<1x1x256x128xi32>
      %eq3A_470 = arith.cmpi eq, %and3A_467, %eq3A_469 : vector<1x1x256x128xi32>
      %broadcast_in_dim3A_471 = vector.shape_cast %eq3A_470 : vector<1x1x256x128xi1> to vector<1x1x256x128xi1>
      %broadcast_in_dim3A_472 = vector.broadcast %broadcast_in_dim3A_471 : vector<1x1x256x128xi1> to vector<2x4x256x128xi1>
      %select_n3A_473 = arith.select %broadcast_in_dim3A_472, %roll3A_464, %roll3A_465 : vector<2x4x256x128xi1>, vector<2x4x256x128xf32>
      %broadcast_in_dim3A_474 = vector.shape_cast %eq3A_470 : vector<1x1x256x128xi1> to vector<1x1x256x128xi1>
      %broadcast_in_dim3A_475 = vector.broadcast %broadcast_in_dim3A_474 : vector<1x1x256x128xi1> to vector<2x4x256x128xi1>
      %select_n3A_476 = arith.select %broadcast_in_dim3A_475, %get3A_445, %select_n3A_473 : vector<2x4x256x128xi1>, vector<2x4x256x128xf32>
      %broadcast_in_dim3A_477 = vector.shape_cast %eq3A_470 : vector<1x1x256x128xi1> to vector<1x1x256x128xi1>
      %broadcast_in_dim3A_478 = vector.broadcast %broadcast_in_dim3A_477 : vector<1x1x256x128xi1> to vector<2x4x256x128xi1>
      %select_n3A_479 = arith.select %broadcast_in_dim3A_478, %select_n3A_473, %get3A_445 : vector<2x4x256x128xi1>, vector<2x4x256x128xf32>
      %slice3A_480 = vector.extract_strided_slice %select_n3A_476 {offsets = [0, 0, 0, 0], sizes = [1, 4, 256, 128], strides = [1, 1, 1, 1]} : vector<2x4x256x128xf32> to vector<1x4x256x128xf32>
      %slice3A_481 = vector.extract_strided_slice %select_n3A_479 {offsets = [0, 0, 0, 0], sizes = [1, 4, 256, 128], strides = [1, 1, 1, 1]} : vector<2x4x256x128xf32> to vector<1x4x256x128xf32>
      %slice3A_482 = vector.extract_strided_slice %select_n3A_476 {offsets = [1, 0, 0, 0], sizes = [1, 4, 256, 128], strides = [1, 1, 1, 1]} : vector<2x4x256x128xf32> to vector<1x4x256x128xf32>
      %slice3A_483 = vector.extract_strided_slice %select_n3A_479 {offsets = [1, 0, 0, 0], sizes = [1, 4, 256, 128], strides = [1, 1, 1, 1]} : vector<2x4x256x128xf32> to vector<1x4x256x128xf32>
      %gt3A_484 = arith.cmpf ogt, %slice3A_480, %slice3A_481 : vector<1x4x256x128xf32>
      %eq3A_485 = arith.cmpf oeq, %slice3A_480, %slice3A_481 : vector<1x4x256x128xf32>
      %lt3A_486 = arith.cmpf olt, %slice3A_482, %slice3A_483 : vector<1x4x256x128xf32>
      %and3A_487 = arith.andi %eq3A_485, %lt3A_486 : vector<1x4x256x128xi1>
      %or3A_488 = arith.ori %gt3A_484, %and3A_487 : vector<1x4x256x128xi1>
      %jit3A_489 = arith.constant 1 : i32
      %jit3A_490 = arith.constant 0 : i32
      %broadcast_in_dim3A_491 = vector.broadcast %jit3A_489 : i32 to vector<1x4x256x128xi32>
      %broadcast_in_dim3A_492 = vector.broadcast %jit3A_490 : i32 to vector<1x4x256x128xi32>
      %select_n3A_493 = arith.select %or3A_488, %broadcast_in_dim3A_491, %broadcast_in_dim3A_492 : vector<1x4x256x128xi1>, vector<1x4x256x128xi32>
      %jit3A_494 = arith.constant 1 : i32
      %jit3A_495 = arith.constant 0 : i32
      %broadcast_in_dim3A_496 = vector.broadcast %jit3A_494 : i32 to vector<1x1x256x128xi32>
      %broadcast_in_dim3A_497 = vector.broadcast %jit3A_495 : i32 to vector<1x1x256x128xi32>
      %select_n3A_498 = arith.select %eq3A_127, %broadcast_in_dim3A_496, %broadcast_in_dim3A_497 : vector<1x1x256x128xi1>, vector<1x1x256x128xi32>
      %eq3A_499 = vector.broadcast %select_n3A_498 : vector<1x1x256x128xi32> to vector<1x4x256x128xi32>
      %eq3A_500 = arith.cmpi eq, %select_n3A_493, %eq3A_499 : vector<1x4x256x128xi32>
      %broadcast_in_dim3A_501 = vector.shape_cast %eq3A_500 : vector<1x4x256x128xi1> to vector<1x4x256x128xi1>
      %broadcast_in_dim3A_502 = vector.broadcast %broadcast_in_dim3A_501 : vector<1x4x256x128xi1> to vector<2x4x256x128xi1>
      %select_n3A_503 = arith.select %broadcast_in_dim3A_502, %get3A_445, %select_n3A_473 : vector<2x4x256x128xi1>, vector<2x4x256x128xf32>
      %swap3A_504 = arith.constant 0 : index
      %swap3A_505 = arith.constant 0 : index
      %swap3A_506 = arith.constant 0 : index
      %swap3A_507 = arith.constant 0 : index
      %swap3A_508 = vector.load %arg3[%swap3A_504, %swap3A_505, %swap3A_506, %swap3A_507] : memref<2x4x256x128xf32, #tpu.memory_space<vmem>>, vector<2x4x256x128xf32>
      tpu.vector_store %arg3[%swap3A_504, %swap3A_505, %swap3A_506, %swap3A_507], %select_n3A_503 {strides = array<i32>} : memref<2x4x256x128xf32, #tpu.memory_space<vmem>>, vector<2x4x256x128xf32>,
      %jit3A_509 = arith.constant 2 : i32
      %div3A_510 = arith.divsi %scan3A_440, %jit3A_509 : i32
      %sign3A_511 = arith.constant 0 : i32
      %sign3A_512 = arith.cmpi sgt, %scan3A_440, %sign3A_511 : i32
      %sign3A_513 = arith.extui %sign3A_512 : i1 to i32
      %sign3A_514 = arith.constant 0 : i32
      %sign3A_515 = arith.cmpi slt, %scan3A_440, %sign3A_514 : i32
      %sign3A_516 = arith.extui %sign3A_515 : i1 to i32
      %sign3A_517 = arith.subi %sign3A_513, %sign3A_516 : i32
      %sign3A_518 = arith.constant 0 : i32
      %sign3A_519 = arith.cmpi sgt, %jit3A_509, %sign3A_518 : i32
      %sign3A_520 = arith.extui %sign3A_519 : i1 to i32
      %sign3A_521 = arith.constant 0 : i32
      %sign3A_522 = arith.cmpi slt, %jit3A_509, %sign3A_521 : i32
      %sign3A_523 = arith.extui %sign3A_522 : i1 to i32
      %sign3A_524 = arith.subi %sign3A_520, %sign3A_523 : i32
      %ne3A_525 = arith.cmpi ne, %sign3A_517, %sign3A_524 : i32
      %rem3A_526 = arith.remsi %scan3A_440, %jit3A_509 : i32
      %ne3A_527 = arith.constant 0 : i32
      %ne3A_528 = arith.cmpi ne, %rem3A_526, %ne3A_527 : i32
      %and3A_529 = arith.andi %ne3A_525, %ne3A_528 : i1
      %sub3A_530 = arith.constant 1 : i32
      %sub3A_531 = arith.subi %div3A_510, %sub3A_530 : i32
      %select_n3A_532 = arith.select %and3A_529, %sub3A_531, %div3A_510 : i32
      scf.yield %select_n3A_532 : i32
    }
    %and3A_134 = arith.constant 32 : i32
    %and3A_135 = vector.broadcast %and3A_134 : i32 to vector<1x1x256x128xi32>
    %and3A_136 = arith.andi %add3A, %and3A_135 : vector<1x1x256x128xi32>
    %eq3A_137 = arith.constant 0 : i32
    %eq3A_138 = vector.broadcast %eq3A_137 : i32 to vector<1x1x256x128xi32>
    %eq3A_139 = arith.cmpi eq, %and3A_136, %eq3A_138 : vector<1x1x256x128xi32>
    %scan3A_140 = arith.constant 16 : i32
    %scan3A_141 = arith.constant 0 : i32
    %scan3A_142 = arith.constant 5 : i32
    %scan3A_143 = arith.addi %scan3A_141, %scan3A_142 : i32
    %scan3A_144 = arith.constant 1 : i32
    %scan3A_145 = scf.for %scan3A_439 = %scan3A_141 to %scan3A_143 step %scan3A_144 iter_args(%scan3A_440 = %scan3A_140) -> (i32)  : i32 {
      %get3A_441 = arith.constant 0 : index
      %get3A_442 = arith.constant 0 : index
      %get3A_443 = arith.constant 0 : index
      %get3A_444 = arith.constant 0 : index
      %get3A_445 = vector.load %arg3[%get3A_441, %get3A_442, %get3A_443, %get3A_444] : memref<2x4x256x128xf32, #tpu.memory_space<vmem>>, vector<2x4x256x128xf32>
      %sub3A_446 = arith.constant 128 : i32
      %sub3A_447 = arith.subi %sub3A_446, %scan3A_440 : i32
      %jit3A_448 = arith.constant 128 : i32
      %eq3A_449 = arith.constant 0 : i32
      %eq3A_450 = arith.cmpi eq, %jit3A_448, %eq3A_449 : i32
      %jit3A_451 = arith.constant 1 : i32
      %select_n3A_452 = arith.select %eq3A_450, %jit3A_451, %jit3A_448 : i32
      %rem3A_453 = arith.remsi %sub3A_447, %select_n3A_452 : i32
      %ne3A_454 = arith.constant 0 : i32
      %ne3A_455 = arith.cmpi ne, %rem3A_453, %ne3A_454 : i32
      %lt3A_456 = arith.constant 0 : i32
      %lt3A_457 = arith.cmpi slt, %rem3A_453, %lt3A_456 : i32
      %lt3A_458 = arith.constant 0 : i32
      %lt3A_459 = arith.cmpi slt, %select_n3A_452, %lt3A_458 : i32
      %ne3A_460 = arith.xori %lt3A_457, %lt3A_459 : i1
      %and3A_461 = arith.andi %ne3A_460, %ne3A_455 : i1
      %add3A_462 = arith.addi %rem3A_453, %select_n3A_452 : i32
      %select_n3A_463 = arith.select %and3A_461, %add3A_462, %rem3A_453 : i32
      %roll3A_464 = tpu.dynamic_rotate %get3A_445 by %select_n3A_463 dim 3 : vector<2x4x256x128xf32>, i32 -> vector<2x4x256x128xf32>
      %roll3A_465 = tpu.dynamic_rotate %get3A_445 by %scan3A_440 dim 3 : vector<2x4x256x128xf32>, i32 -> vector<2x4x256x128xf32>
      %and3A_466 = vector.broadcast %scan3A_440 : i32 to vector<1x1x256x128xi32>
      %and3A_467 = arith.andi %add3A, %and3A_466 : vector<1x1x256x128xi32>
      %eq3A_468 = arith.constant 0 : i32
      %eq3A_469 = vector.broadcast %eq3A_468 : i32 to vector<1x1x256x128xi32>
      %eq3A_470 = arith.cmpi eq, %and3A_467, %eq3A_469 : vector<1x1x256x128xi32>
      %broadcast_in_dim3A_471 = vector.shape_cast %eq3A_470 : vector<1x1x256x128xi1> to vector<1x1x256x128xi1>
      %broadcast_in_dim3A_472 = vector.broadcast %broadcast_in_dim3A_471 : vector<1x1x256x128xi1> to vector<2x4x256x128xi1>
      %select_n3A_473 = arith.select %broadcast_in_dim3A_472, %roll3A_464, %roll3A_465 : vector<2x4x256x128xi1>, vector<2x4x256x128xf32>
      %broadcast_in_dim3A_474 = vector.shape_cast %eq3A_470 : vector<1x1x256x128xi1> to vector<1x1x256x128xi1>
      %broadcast_in_dim3A_475 = vector.broadcast %broadcast_in_dim3A_474 : vector<1x1x256x128xi1> to vector<2x4x256x128xi1>
      %select_n3A_476 = arith.select %broadcast_in_dim3A_475, %get3A_445, %select_n3A_473 : vector<2x4x256x128xi1>, vector<2x4x256x128xf32>
      %broadcast_in_dim3A_477 = vector.shape_cast %eq3A_470 : vector<1x1x256x128xi1> to vector<1x1x256x128xi1>
      %broadcast_in_dim3A_478 = vector.broadcast %broadcast_in_dim3A_477 : vector<1x1x256x128xi1> to vector<2x4x256x128xi1>
      %select_n3A_479 = arith.select %broadcast_in_dim3A_478, %select_n3A_473, %get3A_445 : vector<2x4x256x128xi1>, vector<2x4x256x128xf32>
      %slice3A_480 = vector.extract_strided_slice %select_n3A_476 {offsets = [0, 0, 0, 0], sizes = [1, 4, 256, 128], strides = [1, 1, 1, 1]} : vector<2x4x256x128xf32> to vector<1x4x256x128xf32>
      %slice3A_481 = vector.extract_strided_slice %select_n3A_479 {offsets = [0, 0, 0, 0], sizes = [1, 4, 256, 128], strides = [1, 1, 1, 1]} : vector<2x4x256x128xf32> to vector<1x4x256x128xf32>
      %slice3A_482 = vector.extract_strided_slice %select_n3A_476 {offsets = [1, 0, 0, 0], sizes = [1, 4, 256, 128], strides = [1, 1, 1, 1]} : vector<2x4x256x128xf32> to vector<1x4x256x128xf32>
      %slice3A_483 = vector.extract_strided_slice %select_n3A_479 {offsets = [1, 0, 0, 0], sizes = [1, 4, 256, 128], strides = [1, 1, 1, 1]} : vector<2x4x256x128xf32> to vector<1x4x256x128xf32>
      %gt3A_484 = arith.cmpf ogt, %slice3A_480, %slice3A_481 : vector<1x4x256x128xf32>
      %eq3A_485 = arith.cmpf oeq, %slice3A_480, %slice3A_481 : vector<1x4x256x128xf32>
      %lt3A_486 = arith.cmpf olt, %slice3A_482, %slice3A_483 : vector<1x4x256x128xf32>
      %and3A_487 = arith.andi %eq3A_485, %lt3A_486 : vector<1x4x256x128xi1>
      %or3A_488 = arith.ori %gt3A_484, %and3A_487 : vector<1x4x256x128xi1>
      %jit3A_489 = arith.constant 1 : i32
      %jit3A_490 = arith.constant 0 : i32
      %broadcast_in_dim3A_491 = vector.broadcast %jit3A_489 : i32 to vector<1x4x256x128xi32>
      %broadcast_in_dim3A_492 = vector.broadcast %jit3A_490 : i32 to vector<1x4x256x128xi32>
      %select_n3A_493 = arith.select %or3A_488, %broadcast_in_dim3A_491, %broadcast_in_dim3A_492 : vector<1x4x256x128xi1>, vector<1x4x256x128xi32>
      %jit3A_494 = arith.constant 1 : i32
      %jit3A_495 = arith.constant 0 : i32
      %broadcast_in_dim3A_496 = vector.broadcast %jit3A_494 : i32 to vector<1x1x256x128xi32>
      %broadcast_in_dim3A_497 = vector.broadcast %jit3A_495 : i32 to vector<1x1x256x128xi32>
      %select_n3A_498 = arith.select %eq3A_139, %broadcast_in_dim3A_496, %broadcast_in_dim3A_497 : vector<1x1x256x128xi1>, vector<1x1x256x128xi32>
      %eq3A_499 = vector.broadcast %select_n3A_498 : vector<1x1x256x128xi32> to vector<1x4x256x128xi32>
      %eq3A_500 = arith.cmpi eq, %select_n3A_493, %eq3A_499 : vector<1x4x256x128xi32>
      %broadcast_in_dim3A_501 = vector.shape_cast %eq3A_500 : vector<1x4x256x128xi1> to vector<1x4x256x128xi1>
      %broadcast_in_dim3A_502 = vector.broadcast %broadcast_in_dim3A_501 : vector<1x4x256x128xi1> to vector<2x4x256x128xi1>
      %select_n3A_503 = arith.select %broadcast_in_dim3A_502, %get3A_445, %select_n3A_473 : vector<2x4x256x128xi1>, vector<2x4x256x128xf32>
      %swap3A_504 = arith.constant 0 : index
      %swap3A_505 = arith.constant 0 : index
      %swap3A_506 = arith.constant 0 : index
      %swap3A_507 = arith.constant 0 : index
      %swap3A_508 = vector.load %arg3[%swap3A_504, %swap3A_505, %swap3A_506, %swap3A_507] : memref<2x4x256x128xf32, #tpu.memory_space<vmem>>, vector<2x4x256x128xf32>
      tpu.vector_store %arg3[%swap3A_504, %swap3A_505, %swap3A_506, %swap3A_507], %select_n3A_503 {strides = array<i32>} : memref<2x4x256x128xf32, #tpu.memory_space<vmem>>, vector<2x4x256x128xf32>,
      %jit3A_509 = arith.constant 2 : i32
      %div3A_510 = arith.divsi %scan3A_440, %jit3A_509 : i32
      %sign3A_511 = arith.constant 0 : i32
      %sign3A_512 = arith.cmpi sgt, %scan3A_440, %sign3A_511 : i32
      %sign3A_513 = arith.extui %sign3A_512 : i1 to i32
      %sign3A_514 = arith.constant 0 : i32
      %sign3A_515 = arith.cmpi slt, %scan3A_440, %sign3A_514 : i32
      %sign3A_516 = arith.extui %sign3A_515 : i1 to i32
      %sign3A_517 = arith.subi %sign3A_513, %sign3A_516 : i32
      %sign3A_518 = arith.constant 0 : i32
      %sign3A_519 = arith.cmpi sgt, %jit3A_509, %sign3A_518 : i32
      %sign3A_520 = arith.extui %sign3A_519 : i1 to i32
      %sign3A_521 = arith.constant 0 : i32
      %sign3A_522 = arith.cmpi slt, %jit3A_509, %sign3A_521 : i32
      %sign3A_523 = arith.extui %sign3A_522 : i1 to i32
      %sign3A_524 = arith.subi %sign3A_520, %sign3A_523 : i32
      %ne3A_525 = arith.cmpi ne, %sign3A_517, %sign3A_524 : i32
      %rem3A_526 = arith.remsi %scan3A_440, %jit3A_509 : i32
      %ne3A_527 = arith.constant 0 : i32
      %ne3A_528 = arith.cmpi ne, %rem3A_526, %ne3A_527 : i32
      %and3A_529 = arith.andi %ne3A_525, %ne3A_528 : i1
      %sub3A_530 = arith.constant 1 : i32
      %sub3A_531 = arith.subi %div3A_510, %sub3A_530 : i32
      %select_n3A_532 = arith.select %and3A_529, %sub3A_531, %div3A_510 : i32
      scf.yield %select_n3A_532 : i32
    }
    %and3A_146 = arith.constant 64 : i32
    %and3A_147 = vector.broadcast %and3A_146 : i32 to vector<1x1x256x128xi32>
    %and3A_148 = arith.andi %add3A, %and3A_147 : vector<1x1x256x128xi32>
    %eq3A_149 = arith.constant 0 : i32
    %eq3A_150 = vector.broadcast %eq3A_149 : i32 to vector<1x1x256x128xi32>
    %eq3A_151 = arith.cmpi eq, %and3A_148, %eq3A_150 : vector<1x1x256x128xi32>
    %scan3A_152 = arith.constant 32 : i32
    %scan3A_153 = arith.constant 0 : i32
    %scan3A_154 = arith.constant 6 : i32
    %scan3A_155 = arith.addi %scan3A_153, %scan3A_154 : i32
    %scan3A_156 = arith.constant 1 : i32
    %scan3A_157 = scf.for %scan3A_439 = %scan3A_153 to %scan3A_155 step %scan3A_156 iter_args(%scan3A_440 = %scan3A_152) -> (i32)  : i32 {
      %get3A_441 = arith.constant 0 : index
      %get3A_442 = arith.constant 0 : index
      %get3A_443 = arith.constant 0 : index
      %get3A_444 = arith.constant 0 : index
      %get3A_445 = vector.load %arg3[%get3A_441, %get3A_442, %get3A_443, %get3A_444] : memref<2x4x256x128xf32, #tpu.memory_space<vmem>>, vector<2x4x256x128xf32>
      %sub3A_446 = arith.constant 128 : i32
      %sub3A_447 = arith.subi %sub3A_446, %scan3A_440 : i32
      %jit3A_448 = arith.constant 128 : i32
      %eq3A_449 = arith.constant 0 : i32
      %eq3A_450 = arith.cmpi eq, %jit3A_448, %eq3A_449 : i32
      %jit3A_451 = arith.constant 1 : i32
      %select_n3A_452 = arith.select %eq3A_450, %jit3A_451, %jit3A_448 : i32
      %rem3A_453 = arith.remsi %sub3A_447, %select_n3A_452 : i32
      %ne3A_454 = arith.constant 0 : i32
      %ne3A_455 = arith.cmpi ne, %rem3A_453, %ne3A_454 : i32
      %lt3A_456 = arith.constant 0 : i32
      %lt3A_457 = arith.cmpi slt, %rem3A_453, %lt3A_456 : i32
      %lt3A_458 = arith.constant 0 : i32
      %lt3A_459 = arith.cmpi slt, %select_n3A_452, %lt3A_458 : i32
      %ne3A_460 = arith.xori %lt3A_457, %lt3A_459 : i1
      %and3A_461 = arith.andi %ne3A_460, %ne3A_455 : i1
      %add3A_462 = arith.addi %rem3A_453, %select_n3A_452 : i32
      %select_n3A_463 = arith.select %and3A_461, %add3A_462, %rem3A_453 : i32
      %roll3A_464 = tpu.dynamic_rotate %get3A_445 by %select_n3A_463 dim 3 : vector<2x4x256x128xf32>, i32 -> vector<2x4x256x128xf32>
      %roll3A_465 = tpu.dynamic_rotate %get3A_445 by %scan3A_440 dim 3 : vector<2x4x256x128xf32>, i32 -> vector<2x4x256x128xf32>
      %and3A_466 = vector.broadcast %scan3A_440 : i32 to vector<1x1x256x128xi32>
      %and3A_467 = arith.andi %add3A, %and3A_466 : vector<1x1x256x128xi32>
      %eq3A_468 = arith.constant 0 : i32
      %eq3A_469 = vector.broadcast %eq3A_468 : i32 to vector<1x1x256x128xi32>
      %eq3A_470 = arith.cmpi eq, %and3A_467, %eq3A_469 : vector<1x1x256x128xi32>
      %broadcast_in_dim3A_471 = vector.shape_cast %eq3A_470 : vector<1x1x256x128xi1> to vector<1x1x256x128xi1>
      %broadcast_in_dim3A_472 = vector.broadcast %broadcast_in_dim3A_471 : vector<1x1x256x128xi1> to vector<2x4x256x128xi1>
      %select_n3A_473 = arith.select %broadcast_in_dim3A_472, %roll3A_464, %roll3A_465 : vector<2x4x256x128xi1>, vector<2x4x256x128xf32>
      %broadcast_in_dim3A_474 = vector.shape_cast %eq3A_470 : vector<1x1x256x128xi1> to vector<1x1x256x128xi1>
      %broadcast_in_dim3A_475 = vector.broadcast %broadcast_in_dim3A_474 : vector<1x1x256x128xi1> to vector<2x4x256x128xi1>
      %select_n3A_476 = arith.select %broadcast_in_dim3A_475, %get3A_445, %select_n3A_473 : vector<2x4x256x128xi1>, vector<2x4x256x128xf32>
      %broadcast_in_dim3A_477 = vector.shape_cast %eq3A_470 : vector<1x1x256x128xi1> to vector<1x1x256x128xi1>
      %broadcast_in_dim3A_478 = vector.broadcast %broadcast_in_dim3A_477 : vector<1x1x256x128xi1> to vector<2x4x256x128xi1>
      %select_n3A_479 = arith.select %broadcast_in_dim3A_478, %select_n3A_473, %get3A_445 : vector<2x4x256x128xi1>, vector<2x4x256x128xf32>
      %slice3A_480 = vector.extract_strided_slice %select_n3A_476 {offsets = [0, 0, 0, 0], sizes = [1, 4, 256, 128], strides = [1, 1, 1, 1]} : vector<2x4x256x128xf32> to vector<1x4x256x128xf32>
      %slice3A_481 = vector.extract_strided_slice %select_n3A_479 {offsets = [0, 0, 0, 0], sizes = [1, 4, 256, 128], strides = [1, 1, 1, 1]} : vector<2x4x256x128xf32> to vector<1x4x256x128xf32>
      %slice3A_482 = vector.extract_strided_slice %select_n3A_476 {offsets = [1, 0, 0, 0], sizes = [1, 4, 256, 128], strides = [1, 1, 1, 1]} : vector<2x4x256x128xf32> to vector<1x4x256x128xf32>
      %slice3A_483 = vector.extract_strided_slice %select_n3A_479 {offsets = [1, 0, 0, 0], sizes = [1, 4, 256, 128], strides = [1, 1, 1, 1]} : vector<2x4x256x128xf32> to vector<1x4x256x128xf32>
      %gt3A_484 = arith.cmpf ogt, %slice3A_480, %slice3A_481 : vector<1x4x256x128xf32>
      %eq3A_485 = arith.cmpf oeq, %slice3A_480, %slice3A_481 : vector<1x4x256x128xf32>
      %lt3A_486 = arith.cmpf olt, %slice3A_482, %slice3A_483 : vector<1x4x256x128xf32>
      %and3A_487 = arith.andi %eq3A_485, %lt3A_486 : vector<1x4x256x128xi1>
      %or3A_488 = arith.ori %gt3A_484, %and3A_487 : vector<1x4x256x128xi1>
      %jit3A_489 = arith.constant 1 : i32
      %jit3A_490 = arith.constant 0 : i32
      %broadcast_in_dim3A_491 = vector.broadcast %jit3A_489 : i32 to vector<1x4x256x128xi32>
      %broadcast_in_dim3A_492 = vector.broadcast %jit3A_490 : i32 to vector<1x4x256x128xi32>
      %select_n3A_493 = arith.select %or3A_488, %broadcast_in_dim3A_491, %broadcast_in_dim3A_492 : vector<1x4x256x128xi1>, vector<1x4x256x128xi32>
      %jit3A_494 = arith.constant 1 : i32
      %jit3A_495 = arith.constant 0 : i32
      %broadcast_in_dim3A_496 = vector.broadcast %jit3A_494 : i32 to vector<1x1x256x128xi32>
      %broadcast_in_dim3A_497 = vector.broadcast %jit3A_495 : i32 to vector<1x1x256x128xi32>
      %select_n3A_498 = arith.select %eq3A_151, %broadcast_in_dim3A_496, %broadcast_in_dim3A_497 : vector<1x1x256x128xi1>, vector<1x1x256x128xi32>
      %eq3A_499 = vector.broadcast %select_n3A_498 : vector<1x1x256x128xi32> to vector<1x4x256x128xi32>
      %eq3A_500 = arith.cmpi eq, %select_n3A_493, %eq3A_499 : vector<1x4x256x128xi32>
      %broadcast_in_dim3A_501 = vector.shape_cast %eq3A_500 : vector<1x4x256x128xi1> to vector<1x4x256x128xi1>
      %broadcast_in_dim3A_502 = vector.broadcast %broadcast_in_dim3A_501 : vector<1x4x256x128xi1> to vector<2x4x256x128xi1>
      %select_n3A_503 = arith.select %broadcast_in_dim3A_502, %get3A_445, %select_n3A_473 : vector<2x4x256x128xi1>, vector<2x4x256x128xf32>
      %swap3A_504 = arith.constant 0 : index
      %swap3A_505 = arith.constant 0 : index
      %swap3A_506 = arith.constant 0 : index
      %swap3A_507 = arith.constant 0 : index
      %swap3A_508 = vector.load %arg3[%swap3A_504, %swap3A_505, %swap3A_506, %swap3A_507] : memref<2x4x256x128xf32, #tpu.memory_space<vmem>>, vector<2x4x256x128xf32>
      tpu.vector_store %arg3[%swap3A_504, %swap3A_505, %swap3A_506, %swap3A_507], %select_n3A_503 {strides = array<i32>} : memref<2x4x256x128xf32, #tpu.memory_space<vmem>>, vector<2x4x256x128xf32>,
      %jit3A_509 = arith.constant 2 : i32
      %div3A_510 = arith.divsi %scan3A_440, %jit3A_509 : i32
      %sign3A_511 = arith.constant 0 : i32
      %sign3A_512 = arith.cmpi sgt, %scan3A_440, %sign3A_511 : i32
      %sign3A_513 = arith.extui %sign3A_512 : i1 to i32
      %sign3A_514 = arith.constant 0 : i32
      %sign3A_515 = arith.cmpi slt, %scan3A_440, %sign3A_514 : i32
      %sign3A_516 = arith.extui %sign3A_515 : i1 to i32
      %sign3A_517 = arith.subi %sign3A_513, %sign3A_516 : i32
      %sign3A_518 = arith.constant 0 : i32
      %sign3A_519 = arith.cmpi sgt, %jit3A_509, %sign3A_518 : i32
      %sign3A_520 = arith.extui %sign3A_519 : i1 to i32
      %sign3A_521 = arith.constant 0 : i32
      %sign3A_522 = arith.cmpi slt, %jit3A_509, %sign3A_521 : i32
      %sign3A_523 = arith.extui %sign3A_522 : i1 to i32
      %sign3A_524 = arith.subi %sign3A_520, %sign3A_523 : i32
      %ne3A_525 = arith.cmpi ne, %sign3A_517, %sign3A_524 : i32
      %rem3A_526 = arith.remsi %scan3A_440, %jit3A_509 : i32
      %ne3A_527 = arith.constant 0 : i32
      %ne3A_528 = arith.cmpi ne, %rem3A_526, %ne3A_527 : i32
      %and3A_529 = arith.andi %ne3A_525, %ne3A_528 : i1
      %sub3A_530 = arith.constant 1 : i32
      %sub3A_531 = arith.subi %div3A_510, %sub3A_530 : i32
      %select_n3A_532 = arith.select %and3A_529, %sub3A_531, %div3A_510 : i32
      scf.yield %select_n3A_532 : i32
    }
    %and3A_158 = arith.constant 128 : i32
    %and3A_159 = vector.broadcast %and3A_158 : i32 to vector<1x1x256x128xi32>
    %and3A_160 = arith.andi %add3A, %and3A_159 : vector<1x1x256x128xi32>
    %eq3A_161 = arith.constant 0 : i32
    %eq3A_162 = vector.broadcast %eq3A_161 : i32 to vector<1x1x256x128xi32>
    %eq3A_163 = arith.cmpi eq, %and3A_160, %eq3A_162 : vector<1x1x256x128xi32>
    %scan3A_164 = arith.constant 64 : i32
    %scan3A_165 = arith.constant 0 : i32
    %scan3A_166 = arith.constant 7 : i32
    %scan3A_167 = arith.addi %scan3A_165, %scan3A_166 : i32
    %scan3A_168 = arith.constant 1 : i32
    %scan3A_169 = scf.for %scan3A_439 = %scan3A_165 to %scan3A_167 step %scan3A_168 iter_args(%scan3A_440 = %scan3A_164) -> (i32)  : i32 {
      %get3A_441 = arith.constant 0 : index
      %get3A_442 = arith.constant 0 : index
      %get3A_443 = arith.constant 0 : index
      %get3A_444 = arith.constant 0 : index
      %get3A_445 = vector.load %arg3[%get3A_441, %get3A_442, %get3A_443, %get3A_444] : memref<2x4x256x128xf32, #tpu.memory_space<vmem>>, vector<2x4x256x128xf32>
      %sub3A_446 = arith.constant 128 : i32
      %sub3A_447 = arith.subi %sub3A_446, %scan3A_440 : i32
      %jit3A_448 = arith.constant 128 : i32
      %eq3A_449 = arith.constant 0 : i32
      %eq3A_450 = arith.cmpi eq, %jit3A_448, %eq3A_449 : i32
      %jit3A_451 = arith.constant 1 : i32
      %select_n3A_452 = arith.select %eq3A_450, %jit3A_451, %jit3A_448 : i32
      %rem3A_453 = arith.remsi %sub3A_447, %select_n3A_452 : i32
      %ne3A_454 = arith.constant 0 : i32
      %ne3A_455 = arith.cmpi ne, %rem3A_453, %ne3A_454 : i32
      %lt3A_456 = arith.constant 0 : i32
      %lt3A_457 = arith.cmpi slt, %rem3A_453, %lt3A_456 : i32
      %lt3A_458 = arith.constant 0 : i32
      %lt3A_459 = arith.cmpi slt, %select_n3A_452, %lt3A_458 : i32
      %ne3A_460 = arith.xori %lt3A_457, %lt3A_459 : i1
      %and3A_461 = arith.andi %ne3A_460, %ne3A_455 : i1
      %add3A_462 = arith.addi %rem3A_453, %select_n3A_452 : i32
      %select_n3A_463 = arith.select %and3A_461, %add3A_462, %rem3A_453 : i32
      %roll3A_464 = tpu.dynamic_rotate %get3A_445 by %select_n3A_463 dim 3 : vector<2x4x256x128xf32>, i32 -> vector<2x4x256x128xf32>
      %roll3A_465 = tpu.dynamic_rotate %get3A_445 by %scan3A_440 dim 3 : vector<2x4x256x128xf32>, i32 -> vector<2x4x256x128xf32>
      %and3A_466 = vector.broadcast %scan3A_440 : i32 to vector<1x1x256x128xi32>
      %and3A_467 = arith.andi %add3A, %and3A_466 : vector<1x1x256x128xi32>
      %eq3A_468 = arith.constant 0 : i32
      %eq3A_469 = vector.broadcast %eq3A_468 : i32 to vector<1x1x256x128xi32>
      %eq3A_470 = arith.cmpi eq, %and3A_467, %eq3A_469 : vector<1x1x256x128xi32>
      %broadcast_in_dim3A_471 = vector.shape_cast %eq3A_470 : vector<1x1x256x128xi1> to vector<1x1x256x128xi1>
      %broadcast_in_dim3A_472 = vector.broadcast %broadcast_in_dim3A_471 : vector<1x1x256x128xi1> to vector<2x4x256x128xi1>
      %select_n3A_473 = arith.select %broadcast_in_dim3A_472, %roll3A_464, %roll3A_465 : vector<2x4x256x128xi1>, vector<2x4x256x128xf32>
      %broadcast_in_dim3A_474 = vector.shape_cast %eq3A_470 : vector<1x1x256x128xi1> to vector<1x1x256x128xi1>
      %broadcast_in_dim3A_475 = vector.broadcast %broadcast_in_dim3A_474 : vector<1x1x256x128xi1> to vector<2x4x256x128xi1>
      %select_n3A_476 = arith.select %broadcast_in_dim3A_475, %get3A_445, %select_n3A_473 : vector<2x4x256x128xi1>, vector<2x4x256x128xf32>
      %broadcast_in_dim3A_477 = vector.shape_cast %eq3A_470 : vector<1x1x256x128xi1> to vector<1x1x256x128xi1>
      %broadcast_in_dim3A_478 = vector.broadcast %broadcast_in_dim3A_477 : vector<1x1x256x128xi1> to vector<2x4x256x128xi1>
      %select_n3A_479 = arith.select %broadcast_in_dim3A_478, %select_n3A_473, %get3A_445 : vector<2x4x256x128xi1>, vector<2x4x256x128xf32>
      %slice3A_480 = vector.extract_strided_slice %select_n3A_476 {offsets = [0, 0, 0, 0], sizes = [1, 4, 256, 128], strides = [1, 1, 1, 1]} : vector<2x4x256x128xf32> to vector<1x4x256x128xf32>
      %slice3A_481 = vector.extract_strided_slice %select_n3A_479 {offsets = [0, 0, 0, 0], sizes = [1, 4, 256, 128], strides = [1, 1, 1, 1]} : vector<2x4x256x128xf32> to vector<1x4x256x128xf32>
      %slice3A_482 = vector.extract_strided_slice %select_n3A_476 {offsets = [1, 0, 0, 0], sizes = [1, 4, 256, 128], strides = [1, 1, 1, 1]} : vector<2x4x256x128xf32> to vector<1x4x256x128xf32>
      %slice3A_483 = vector.extract_strided_slice %select_n3A_479 {offsets = [1, 0, 0, 0], sizes = [1, 4, 256, 128], strides = [1, 1, 1, 1]} : vector<2x4x256x128xf32> to vector<1x4x256x128xf32>
      %gt3A_484 = arith.cmpf ogt, %slice3A_480, %slice3A_481 : vector<1x4x256x128xf32>
      %eq3A_485 = arith.cmpf oeq, %slice3A_480, %slice3A_481 : vector<1x4x256x128xf32>
      %lt3A_486 = arith.cmpf olt, %slice3A_482, %slice3A_483 : vector<1x4x256x128xf32>
      %and3A_487 = arith.andi %eq3A_485, %lt3A_486 : vector<1x4x256x128xi1>
      %or3A_488 = arith.ori %gt3A_484, %and3A_487 : vector<1x4x256x128xi1>
      %jit3A_489 = arith.constant 1 : i32
      %jit3A_490 = arith.constant 0 : i32
      %broadcast_in_dim3A_491 = vector.broadcast %jit3A_489 : i32 to vector<1x4x256x128xi32>
      %broadcast_in_dim3A_492 = vector.broadcast %jit3A_490 : i32 to vector<1x4x256x128xi32>
      %select_n3A_493 = arith.select %or3A_488, %broadcast_in_dim3A_491, %broadcast_in_dim3A_492 : vector<1x4x256x128xi1>, vector<1x4x256x128xi32>
      %jit3A_494 = arith.constant 1 : i32
      %jit3A_495 = arith.constant 0 : i32
      %broadcast_in_dim3A_496 = vector.broadcast %jit3A_494 : i32 to vector<1x1x256x128xi32>
      %broadcast_in_dim3A_497 = vector.broadcast %jit3A_495 : i32 to vector<1x1x256x128xi32>
      %select_n3A_498 = arith.select %eq3A_163, %broadcast_in_dim3A_496, %broadcast_in_dim3A_497 : vector<1x1x256x128xi1>, vector<1x1x256x128xi32>
      %eq3A_499 = vector.broadcast %select_n3A_498 : vector<1x1x256x128xi32> to vector<1x4x256x128xi32>
      %eq3A_500 = arith.cmpi eq, %select_n3A_493, %eq3A_499 : vector<1x4x256x128xi32>
      %broadcast_in_dim3A_501 = vector.shape_cast %eq3A_500 : vector<1x4x256x128xi1> to vector<1x4x256x128xi1>
      %broadcast_in_dim3A_502 = vector.broadcast %broadcast_in_dim3A_501 : vector<1x4x256x128xi1> to vector<2x4x256x128xi1>
      %select_n3A_503 = arith.select %broadcast_in_dim3A_502, %get3A_445, %select_n3A_473 : vector<2x4x256x128xi1>, vector<2x4x256x128xf32>
      %swap3A_504 = arith.constant 0 : index
      %swap3A_505 = arith.constant 0 : index
      %swap3A_506 = arith.constant 0 : index
      %swap3A_507 = arith.constant 0 : index
      %swap3A_508 = vector.load %arg3[%swap3A_504, %swap3A_505, %swap3A_506, %swap3A_507] : memref<2x4x256x128xf32, #tpu.memory_space<vmem>>, vector<2x4x256x128xf32>
      tpu.vector_store %arg3[%swap3A_504, %swap3A_505, %swap3A_506, %swap3A_507], %select_n3A_503 {strides = array<i32>} : memref<2x4x256x128xf32, #tpu.memory_space<vmem>>, vector<2x4x256x128xf32>,
      %jit3A_509 = arith.constant 2 : i32
      %div3A_510 = arith.divsi %scan3A_440, %jit3A_509 : i32
      %sign3A_511 = arith.constant 0 : i32
      %sign3A_512 = arith.cmpi sgt, %scan3A_440, %sign3A_511 : i32
      %sign3A_513 = arith.extui %sign3A_512 : i1 to i32
      %sign3A_514 = arith.constant 0 : i32
      %sign3A_515 = arith.cmpi slt, %scan3A_440, %sign3A_514 : i32
      %sign3A_516 = arith.extui %sign3A_515 : i1 to i32
      %sign3A_517 = arith.subi %sign3A_513, %sign3A_516 : i32
      %sign3A_518 = arith.constant 0 : i32
      %sign3A_519 = arith.cmpi sgt, %jit3A_509, %sign3A_518 : i32
      %sign3A_520 = arith.extui %sign3A_519 : i1 to i32
      %sign3A_521 = arith.constant 0 : i32
      %sign3A_522 = arith.cmpi slt, %jit3A_509, %sign3A_521 : i32
      %sign3A_523 = arith.extui %sign3A_522 : i1 to i32
      %sign3A_524 = arith.subi %sign3A_520, %sign3A_523 : i32
      %ne3A_525 = arith.cmpi ne, %sign3A_517, %sign3A_524 : i32
      %rem3A_526 = arith.remsi %scan3A_440, %jit3A_509 : i32
      %ne3A_527 = arith.constant 0 : i32
      %ne3A_528 = arith.cmpi ne, %rem3A_526, %ne3A_527 : i32
      %and3A_529 = arith.andi %ne3A_525, %ne3A_528 : i1
      %sub3A_530 = arith.constant 1 : i32
      %sub3A_531 = arith.subi %div3A_510, %sub3A_530 : i32
      %select_n3A_532 = arith.select %and3A_529, %sub3A_531, %div3A_510 : i32
      scf.yield %select_n3A_532 : i32
    }
    %and3A_170 = arith.constant 256 : i32
    %and3A_171 = vector.broadcast %and3A_170 : i32 to vector<1x1x256x128xi32>
    %and3A_172 = arith.andi %add3A, %and3A_171 : vector<1x1x256x128xi32>
    %eq3A_173 = arith.constant 0 : i32
    %eq3A_174 = vector.broadcast %eq3A_173 : i32 to vector<1x1x256x128xi32>
    %eq3A_175 = arith.cmpi eq, %and3A_172, %eq3A_174 : vector<1x1x256x128xi32>
    %scan3A_176 = arith.constant 128 : i32
    %scan3A_177 = arith.constant 0 : i32
    %get3A_178 = arith.constant 0 : index
    %get3A_179 = arith.constant 0 : index
    %get3A_180 = arith.constant 0 : index
    %get3A_181 = arith.constant 0 : index
    %get3A_182 = vector.load %arg3[%get3A_178, %get3A_179, %get3A_180, %get3A_181] : memref<2x4x256x128xf32, #tpu.memory_space<vmem>>, vector<2x4x256x128xf32>
    %jit3A_183 = arith.constant 128 : i32
    %div3A_184 = arith.divsi %scan3A_176, %jit3A_183 : i32
    %sign3A_185 = arith.constant 0 : i32
    %sign3A_186 = arith.cmpi sgt, %scan3A_176, %sign3A_185 : i32
    %sign3A_187 = arith.extui %sign3A_186 : i1 to i32
    %sign3A_188 = arith.constant 0 : i32
    %sign3A_189 = arith.cmpi slt, %scan3A_176, %sign3A_188 : i32
    %sign3A_190 = arith.extui %sign3A_189 : i1 to i32
    %sign3A_191 = arith.subi %sign3A_187, %sign3A_190 : i32
    %sign3A_192 = arith.constant 0 : i32
    %sign3A_193 = arith.cmpi sgt, %jit3A_183, %sign3A_192 : i32
    %sign3A_194 = arith.extui %sign3A_193 : i1 to i32
    %sign3A_195 = arith.constant 0 : i32
    %sign3A_196 = arith.cmpi slt, %jit3A_183, %sign3A_195 : i32
    %sign3A_197 = arith.extui %sign3A_196 : i1 to i32
    %sign3A_198 = arith.subi %sign3A_194, %sign3A_197 : i32
    %ne3A_199 = arith.cmpi ne, %sign3A_191, %sign3A_198 : i32
    %rem3A_200 = arith.remsi %scan3A_176, %jit3A_183 : i32
    %ne3A_201 = arith.constant 0 : i32
    %ne3A_202 = arith.cmpi ne, %rem3A_200, %ne3A_201 : i32
    %and3A_203 = arith.andi %ne3A_199, %ne3A_202 : i1
    %sub3A_204 = arith.constant 1 : i32
    %sub3A_205 = arith.subi %div3A_184, %sub3A_204 : i32
    %select_n3A_206 = arith.select %and3A_203, %sub3A_205, %div3A_184 : i32
    %sub3A_207 = arith.constant 256 : i32
    %sub3A_208 = arith.subi %sub3A_207, %select_n3A_206 : i32
    %jit3A_209 = arith.constant 256 : i32
    %eq3A_210 = arith.constant 0 : i32
    %eq3A_211 = arith.cmpi eq, %jit3A_209, %eq3A_210 : i32
    %jit3A_212 = arith.constant 1 : i32
    %select_n3A_213 = arith.select %eq3A_211, %jit3A_212, %jit3A_209 : i32
    %rem3A_214 = arith.remsi %sub3A_208, %select_n3A_213 : i32
    %ne3A_215 = arith.constant 0 : i32
    %ne3A_216 = arith.cmpi ne, %rem3A_214, %ne3A_215 : i32
    %lt3A_217 = arith.constant 0 : i32
    %lt3A_218 = arith.cmpi slt, %rem3A_214, %lt3A_217 : i32
    %lt3A_219 = arith.constant 0 : i32
    %lt3A_220 = arith.cmpi slt, %select_n3A_213, %lt3A_219 : i32
    %ne3A_221 = arith.xori %lt3A_218, %lt3A_220 : i1
    %and3A_222 = arith.andi %ne3A_221, %ne3A_216 : i1
    %add3A_223 = arith.addi %rem3A_214, %select_n3A_213 : i32
    %select_n3A_224 = arith.select %and3A_222, %add3A_223, %rem3A_214 : i32
    %roll3A_225 = tpu.dynamic_rotate %get3A_182 by %select_n3A_224 dim 2 : vector<2x4x256x128xf32>, i32 -> vector<2x4x256x128xf32>
    %roll3A_226 = tpu.dynamic_rotate %get3A_182 by %select_n3A_206 dim 2 : vector<2x4x256x128xf32>, i32 -> vector<2x4x256x128xf32>
    %and3A_227 = vector.broadcast %scan3A_176 : i32 to vector<1x1x256x128xi32>
    %and3A_228 = arith.andi %add3A, %and3A_227 : vector<1x1x256x128xi32>
    %eq3A_229 = arith.constant 0 : i32
    %eq3A_230 = vector.broadcast %eq3A_229 : i32 to vector<1x1x256x128xi32>
    %eq3A_231 = arith.cmpi eq, %and3A_228, %eq3A_230 : vector<1x1x256x128xi32>
    %broadcast_in_dim3A_232 = vector.shape_cast %eq3A_231 : vector<1x1x256x128xi1> to vector<1x1x256x128xi1>
    %broadcast_in_dim3A_233 = vector.broadcast %broadcast_in_dim3A_232 : vector<1x1x256x128xi1> to vector<2x4x256x128xi1>
    %select_n3A_234 = arith.select %broadcast_in_dim3A_233, %roll3A_225, %roll3A_226 : vector<2x4x256x128xi1>, vector<2x4x256x128xf32>
    %broadcast_in_dim3A_235 = vector.shape_cast %eq3A_231 : vector<1x1x256x128xi1> to vector<1x1x256x128xi1>
    %broadcast_in_dim3A_236 = vector.broadcast %broadcast_in_dim3A_235 : vector<1x1x256x128xi1> to vector<2x4x256x128xi1>
    %select_n3A_237 = arith.select %broadcast_in_dim3A_236, %get3A_182, %select_n3A_234 : vector<2x4x256x128xi1>, vector<2x4x256x128xf32>
    %broadcast_in_dim3A_238 = vector.shape_cast %eq3A_231 : vector<1x1x256x128xi1> to vector<1x1x256x128xi1>
    %broadcast_in_dim3A_239 = vector.broadcast %broadcast_in_dim3A_238 : vector<1x1x256x128xi1> to vector<2x4x256x128xi1>
    %select_n3A_240 = arith.select %broadcast_in_dim3A_239, %select_n3A_234, %get3A_182 : vector<2x4x256x128xi1>, vector<2x4x256x128xf32>
    %slice3A_241 = vector.extract_strided_slice %select_n3A_237 {offsets = [0, 0, 0, 0], sizes = [1, 4, 256, 128], strides = [1, 1, 1, 1]} : vector<2x4x256x128xf32> to vector<1x4x256x128xf32>
    %slice3A_242 = vector.extract_strided_slice %select_n3A_240 {offsets = [0, 0, 0, 0], sizes = [1, 4, 256, 128], strides = [1, 1, 1, 1]} : vector<2x4x256x128xf32> to vector<1x4x256x128xf32>
    %slice3A_243 = vector.extract_strided_slice %select_n3A_237 {offsets = [1, 0, 0, 0], sizes = [1, 4, 256, 128], strides = [1, 1, 1, 1]} : vector<2x4x256x128xf32> to vector<1x4x256x128xf32>
    %slice3A_244 = vector.extract_strided_slice %select_n3A_240 {offsets = [1, 0, 0, 0], sizes = [1, 4, 256, 128], strides = [1, 1, 1, 1]} : vector<2x4x256x128xf32> to vector<1x4x256x128xf32>
    %gt3A_245 = arith.cmpf ogt, %slice3A_241, %slice3A_242 : vector<1x4x256x128xf32>
    %eq3A_246 = arith.cmpf oeq, %slice3A_241, %slice3A_242 : vector<1x4x256x128xf32>
    %lt3A_247 = arith.cmpf olt, %slice3A_243, %slice3A_244 : vector<1x4x256x128xf32>
    %and3A_248 = arith.andi %eq3A_246, %lt3A_247 : vector<1x4x256x128xi1>
    %or3A_249 = arith.ori %gt3A_245, %and3A_248 : vector<1x4x256x128xi1>
    %jit3A_250 = arith.constant 1 : i32
    %jit3A_251 = arith.constant 0 : i32
    %broadcast_in_dim3A_252 = vector.broadcast %jit3A_250 : i32 to vector<1x4x256x128xi32>
    %broadcast_in_dim3A_253 = vector.broadcast %jit3A_251 : i32 to vector<1x4x256x128xi32>
    %select_n3A_254 = arith.select %or3A_249, %broadcast_in_dim3A_252, %broadcast_in_dim3A_253 : vector<1x4x256x128xi1>, vector<1x4x256x128xi32>
    %jit3A_255 = arith.constant 1 : i32
    %jit3A_256 = arith.constant 0 : i32
    %broadcast_in_dim3A_257 = vector.broadcast %jit3A_255 : i32 to vector<1x1x256x128xi32>
    %broadcast_in_dim3A_258 = vector.broadcast %jit3A_256 : i32 to vector<1x1x256x128xi32>
    %select_n3A_259 = arith.select %eq3A_175, %broadcast_in_dim3A_257, %broadcast_in_dim3A_258 : vector<1x1x256x128xi1>, vector<1x1x256x128xi32>
    %eq3A_260 = vector.broadcast %select_n3A_259 : vector<1x1x256x128xi32> to vector<1x4x256x128xi32>
    %eq3A_261 = arith.cmpi eq, %select_n3A_254, %eq3A_260 : vector<1x4x256x128xi32>
    %broadcast_in_dim3A_262 = vector.shape_cast %eq3A_261 : vector<1x4x256x128xi1> to vector<1x4x256x128xi1>
    %broadcast_in_dim3A_263 = vector.broadcast %broadcast_in_dim3A_262 : vector<1x4x256x128xi1> to vector<2x4x256x128xi1>
    %select_n3A_264 = arith.select %broadcast_in_dim3A_263, %get3A_182, %select_n3A_234 : vector<2x4x256x128xi1>, vector<2x4x256x128xf32>
    %swap3A_265 = arith.constant 0 : index
    %swap3A_266 = arith.constant 0 : index
    %swap3A_267 = arith.constant 0 : index
    %swap3A_268 = arith.constant 0 : index
    %swap3A_269 = vector.load %arg3[%swap3A_265, %swap3A_266, %swap3A_267, %swap3A_268] : memref<2x4x256x128xf32, #tpu.memory_space<vmem>>, vector<2x4x256x128xf32>
    tpu.vector_store %arg3[%swap3A_265, %swap3A_266, %swap3A_267, %swap3A_268], %select_n3A_264 {strides = array<i32>} : memref<2x4x256x128xf32, #tpu.memory_space<vmem>>, vector<2x4x256x128xf32>,
    %jit3A_270 = arith.constant 2 : i32
    %div3A_271 = arith.divsi %scan3A_176, %jit3A_270 : i32
    %sign3A_272 = arith.constant 0 : i32
    %sign3A_273 = arith.cmpi sgt, %scan3A_176, %sign3A_272 : i32
    %sign3A_274 = arith.extui %sign3A_273 : i1 to i32
    %sign3A_275 = arith.constant 0 : i32
    %sign3A_276 = arith.cmpi slt, %scan3A_176, %sign3A_275 : i32
    %sign3A_277 = arith.extui %sign3A_276 : i1 to i32
    %sign3A_278 = arith.subi %sign3A_274, %sign3A_277 : i32
    %sign3A_279 = arith.constant 0 : i32
    %sign3A_280 = arith.cmpi sgt, %jit3A_270, %sign3A_279 : i32
    %sign3A_281 = arith.extui %sign3A_280 : i1 to i32
    %sign3A_282 = arith.constant 0 : i32
    %sign3A_283 = arith.cmpi slt, %jit3A_270, %sign3A_282 : i32
    %sign3A_284 = arith.extui %sign3A_283 : i1 to i32
    %sign3A_285 = arith.subi %sign3A_281, %sign3A_284 : i32
    %ne3A_286 = arith.cmpi ne, %sign3A_278, %sign3A_285 : i32
    %rem3A_287 = arith.remsi %scan3A_176, %jit3A_270 : i32
    %ne3A_288 = arith.constant 0 : i32
    %ne3A_289 = arith.cmpi ne, %rem3A_287, %ne3A_288 : i32
    %and3A_290 = arith.andi %ne3A_286, %ne3A_289 : i1
    %sub3A_291 = arith.constant 1 : i32
    %sub3A_292 = arith.subi %div3A_271, %sub3A_291 : i32
    %select_n3A_293 = arith.select %and3A_290, %sub3A_292, %div3A_271 : i32
    %scan3A_294 = arith.constant 0 : i32
    %scan3A_295 = arith.constant 7 : i32
    %scan3A_296 = arith.addi %scan3A_294, %scan3A_295 : i32
    %scan3A_297 = arith.constant 1 : i32
    %scan3A_298 = scf.for %scan3A_439 = %scan3A_294 to %scan3A_296 step %scan3A_297 iter_args(%scan3A_440 = %select_n3A_293) -> (i32)  : i32 {
      %get3A_441 = arith.constant 0 : index
      %get3A_442 = arith.constant 0 : index
      %get3A_443 = arith.constant 0 : index
      %get3A_444 = arith.constant 0 : index
      %get3A_445 = vector.load %arg3[%get3A_441, %get3A_442, %get3A_443, %get3A_444] : memref<2x4x256x128xf32, #tpu.memory_space<vmem>>, vector<2x4x256x128xf32>
      %sub3A_446 = arith.constant 128 : i32
      %sub3A_447 = arith.subi %sub3A_446, %scan3A_440 : i32
      %jit3A_448 = arith.constant 128 : i32
      %eq3A_449 = arith.constant 0 : i32
      %eq3A_450 = arith.cmpi eq, %jit3A_448, %eq3A_449 : i32
      %jit3A_451 = arith.constant 1 : i32
      %select_n3A_452 = arith.select %eq3A_450, %jit3A_451, %jit3A_448 : i32
      %rem3A_453 = arith.remsi %sub3A_447, %select_n3A_452 : i32
      %ne3A_454 = arith.constant 0 : i32
      %ne3A_455 = arith.cmpi ne, %rem3A_453, %ne3A_454 : i32
      %lt3A_456 = arith.constant 0 : i32
      %lt3A_457 = arith.cmpi slt, %rem3A_453, %lt3A_456 : i32
      %lt3A_458 = arith.constant 0 : i32
      %lt3A_459 = arith.cmpi slt, %select_n3A_452, %lt3A_458 : i32
      %ne3A_460 = arith.xori %lt3A_457, %lt3A_459 : i1
      %and3A_461 = arith.andi %ne3A_460, %ne3A_455 : i1
      %add3A_462 = arith.addi %rem3A_453, %select_n3A_452 : i32
      %select_n3A_463 = arith.select %and3A_461, %add3A_462, %rem3A_453 : i32
      %roll3A_464 = tpu.dynamic_rotate %get3A_445 by %select_n3A_463 dim 3 : vector<2x4x256x128xf32>, i32 -> vector<2x4x256x128xf32>
      %roll3A_465 = tpu.dynamic_rotate %get3A_445 by %scan3A_440 dim 3 : vector<2x4x256x128xf32>, i32 -> vector<2x4x256x128xf32>
      %and3A_466 = vector.broadcast %scan3A_440 : i32 to vector<1x1x256x128xi32>
      %and3A_467 = arith.andi %add3A, %and3A_466 : vector<1x1x256x128xi32>
      %eq3A_468 = arith.constant 0 : i32
      %eq3A_469 = vector.broadcast %eq3A_468 : i32 to vector<1x1x256x128xi32>
      %eq3A_470 = arith.cmpi eq, %and3A_467, %eq3A_469 : vector<1x1x256x128xi32>
      %broadcast_in_dim3A_471 = vector.shape_cast %eq3A_470 : vector<1x1x256x128xi1> to vector<1x1x256x128xi1>
      %broadcast_in_dim3A_472 = vector.broadcast %broadcast_in_dim3A_471 : vector<1x1x256x128xi1> to vector<2x4x256x128xi1>
      %select_n3A_473 = arith.select %broadcast_in_dim3A_472, %roll3A_464, %roll3A_465 : vector<2x4x256x128xi1>, vector<2x4x256x128xf32>
      %broadcast_in_dim3A_474 = vector.shape_cast %eq3A_470 : vector<1x1x256x128xi1> to vector<1x1x256x128xi1>
      %broadcast_in_dim3A_475 = vector.broadcast %broadcast_in_dim3A_474 : vector<1x1x256x128xi1> to vector<2x4x256x128xi1>
      %select_n3A_476 = arith.select %broadcast_in_dim3A_475, %get3A_445, %select_n3A_473 : vector<2x4x256x128xi1>, vector<2x4x256x128xf32>
      %broadcast_in_dim3A_477 = vector.shape_cast %eq3A_470 : vector<1x1x256x128xi1> to vector<1x1x256x128xi1>
      %broadcast_in_dim3A_478 = vector.broadcast %broadcast_in_dim3A_477 : vector<1x1x256x128xi1> to vector<2x4x256x128xi1>
      %select_n3A_479 = arith.select %broadcast_in_dim3A_478, %select_n3A_473, %get3A_445 : vector<2x4x256x128xi1>, vector<2x4x256x128xf32>
      %slice3A_480 = vector.extract_strided_slice %select_n3A_476 {offsets = [0, 0, 0, 0], sizes = [1, 4, 256, 128], strides = [1, 1, 1, 1]} : vector<2x4x256x128xf32> to vector<1x4x256x128xf32>
      %slice3A_481 = vector.extract_strided_slice %select_n3A_479 {offsets = [0, 0, 0, 0], sizes = [1, 4, 256, 128], strides = [1, 1, 1, 1]} : vector<2x4x256x128xf32> to vector<1x4x256x128xf32>
      %slice3A_482 = vector.extract_strided_slice %select_n3A_476 {offsets = [1, 0, 0, 0], sizes = [1, 4, 256, 128], strides = [1, 1, 1, 1]} : vector<2x4x256x128xf32> to vector<1x4x256x128xf32>
      %slice3A_483 = vector.extract_strided_slice %select_n3A_479 {offsets = [1, 0, 0, 0], sizes = [1, 4, 256, 128], strides = [1, 1, 1, 1]} : vector<2x4x256x128xf32> to vector<1x4x256x128xf32>
      %gt3A_484 = arith.cmpf ogt, %slice3A_480, %slice3A_481 : vector<1x4x256x128xf32>
      %eq3A_485 = arith.cmpf oeq, %slice3A_480, %slice3A_481 : vector<1x4x256x128xf32>
      %lt3A_486 = arith.cmpf olt, %slice3A_482, %slice3A_483 : vector<1x4x256x128xf32>
      %and3A_487 = arith.andi %eq3A_485, %lt3A_486 : vector<1x4x256x128xi1>
      %or3A_488 = arith.ori %gt3A_484, %and3A_487 : vector<1x4x256x128xi1>
      %jit3A_489 = arith.constant 1 : i32
      %jit3A_490 = arith.constant 0 : i32
      %broadcast_in_dim3A_491 = vector.broadcast %jit3A_489 : i32 to vector<1x4x256x128xi32>
      %broadcast_in_dim3A_492 = vector.broadcast %jit3A_490 : i32 to vector<1x4x256x128xi32>
      %select_n3A_493 = arith.select %or3A_488, %broadcast_in_dim3A_491, %broadcast_in_dim3A_492 : vector<1x4x256x128xi1>, vector<1x4x256x128xi32>
      %jit3A_494 = arith.constant 1 : i32
      %jit3A_495 = arith.constant 0 : i32
      %broadcast_in_dim3A_496 = vector.broadcast %jit3A_494 : i32 to vector<1x1x256x128xi32>
      %broadcast_in_dim3A_497 = vector.broadcast %jit3A_495 : i32 to vector<1x1x256x128xi32>
      %select_n3A_498 = arith.select %eq3A_175, %broadcast_in_dim3A_496, %broadcast_in_dim3A_497 : vector<1x1x256x128xi1>, vector<1x1x256x128xi32>
      %eq3A_499 = vector.broadcast %select_n3A_498 : vector<1x1x256x128xi32> to vector<1x4x256x128xi32>
      %eq3A_500 = arith.cmpi eq, %select_n3A_493, %eq3A_499 : vector<1x4x256x128xi32>
      %broadcast_in_dim3A_501 = vector.shape_cast %eq3A_500 : vector<1x4x256x128xi1> to vector<1x4x256x128xi1>
      %broadcast_in_dim3A_502 = vector.broadcast %broadcast_in_dim3A_501 : vector<1x4x256x128xi1> to vector<2x4x256x128xi1>
      %select_n3A_503 = arith.select %broadcast_in_dim3A_502, %get3A_445, %select_n3A_473 : vector<2x4x256x128xi1>, vector<2x4x256x128xf32>
      %swap3A_504 = arith.constant 0 : index
      %swap3A_505 = arith.constant 0 : index
      %swap3A_506 = arith.constant 0 : index
      %swap3A_507 = arith.constant 0 : index
      %swap3A_508 = vector.load %arg3[%swap3A_504, %swap3A_505, %swap3A_506, %swap3A_507] : memref<2x4x256x128xf32, #tpu.memory_space<vmem>>, vector<2x4x256x128xf32>
      tpu.vector_store %arg3[%swap3A_504, %swap3A_505, %swap3A_506, %swap3A_507], %select_n3A_503 {strides = array<i32>} : memref<2x4x256x128xf32, #tpu.memory_space<vmem>>, vector<2x4x256x128xf32>,
      %jit3A_509 = arith.constant 2 : i32
      %div3A_510 = arith.divsi %scan3A_440, %jit3A_509 : i32
      %sign3A_511 = arith.constant 0 : i32
      %sign3A_512 = arith.cmpi sgt, %scan3A_440, %sign3A_511 : i32
      %sign3A_513 = arith.extui %sign3A_512 : i1 to i32
      %sign3A_514 = arith.constant 0 : i32
      %sign3A_515 = arith.cmpi slt, %scan3A_440, %sign3A_514 : i32
      %sign3A_516 = arith.extui %sign3A_515 : i1 to i32
      %sign3A_517 = arith.subi %sign3A_513, %sign3A_516 : i32
      %sign3A_518 = arith.constant 0 : i32
      %sign3A_519 = arith.cmpi sgt, %jit3A_509, %sign3A_518 : i32
      %sign3A_520 = arith.extui %sign3A_519 : i1 to i32
      %sign3A_521 = arith.constant 0 : i32
      %sign3A_522 = arith.cmpi slt, %jit3A_509, %sign3A_521 : i32
      %sign3A_523 = arith.extui %sign3A_522 : i1 to i32
      %sign3A_524 = arith.subi %sign3A_520, %sign3A_523 : i32
      %ne3A_525 = arith.cmpi ne, %sign3A_517, %sign3A_524 : i32
      %rem3A_526 = arith.remsi %scan3A_440, %jit3A_509 : i32
      %ne3A_527 = arith.constant 0 : i32
      %ne3A_528 = arith.cmpi ne, %rem3A_526, %ne3A_527 : i32
      %and3A_529 = arith.andi %ne3A_525, %ne3A_528 : i1
      %sub3A_530 = arith.constant 1 : i32
      %sub3A_531 = arith.subi %div3A_510, %sub3A_530 : i32
      %select_n3A_532 = arith.select %and3A_529, %sub3A_531, %div3A_510 : i32
      scf.yield %select_n3A_532 : i32
    }
    %and3A_299 = arith.constant 512 : i32
    %and3A_300 = vector.broadcast %and3A_299 : i32 to vector<1x1x256x128xi32>
    %and3A_301 = arith.andi %add3A, %and3A_300 : vector<1x1x256x128xi32>
    %eq3A_302 = arith.constant 0 : i32
    %eq3A_303 = vector.broadcast %eq3A_302 : i32 to vector<1x1x256x128xi32>
    %eq3A_304 = arith.cmpi eq, %and3A_301, %eq3A_303 : vector<1x1x256x128xi32>
    %scan3A_305 = arith.constant 256 : i32
    %scan3A_306 = arith.constant 0 : i32
    %scan3A_307 = arith.constant 2 : i32
    %scan3A_308 = arith.addi %scan3A_306, %scan3A_307 : i32
    %scan3A_309 = arith.constant 1 : i32
    %scan3A_310 = scf.for %scan3A_439 = %scan3A_306 to %scan3A_308 step %scan3A_309 iter_args(%scan3A_440 = %scan3A_305) -> (i32)  : i32 {
      %get3A_441 = arith.constant 0 : index
      %get3A_442 = arith.constant 0 : index
      %get3A_443 = arith.constant 0 : index
      %get3A_444 = arith.constant 0 : index
      %get3A_445 = vector.load %arg3[%get3A_441, %get3A_442, %get3A_443, %get3A_444] : memref<2x4x256x128xf32, #tpu.memory_space<vmem>>, vector<2x4x256x128xf32>
      %jit3A_446 = arith.constant 128 : i32
      %div3A_447 = arith.divsi %scan3A_440, %jit3A_446 : i32
      %sign3A_448 = arith.constant 0 : i32
      %sign3A_449 = arith.cmpi sgt, %scan3A_440, %sign3A_448 : i32
      %sign3A_450 = arith.extui %sign3A_449 : i1 to i32
      %sign3A_451 = arith.constant 0 : i32
      %sign3A_452 = arith.cmpi slt, %scan3A_440, %sign3A_451 : i32
      %sign3A_453 = arith.extui %sign3A_452 : i1 to i32
      %sign3A_454 = arith.subi %sign3A_450, %sign3A_453 : i32
      %sign3A_455 = arith.constant 0 : i32
      %sign3A_456 = arith.cmpi sgt, %jit3A_446, %sign3A_455 : i32
      %sign3A_457 = arith.extui %sign3A_456 : i1 to i32
      %sign3A_458 = arith.constant 0 : i32
      %sign3A_459 = arith.cmpi slt, %jit3A_446, %sign3A_458 : i32
      %sign3A_460 = arith.extui %sign3A_459 : i1 to i32
      %sign3A_461 = arith.subi %sign3A_457, %sign3A_460 : i32
      %ne3A_462 = arith.cmpi ne, %sign3A_454, %sign3A_461 : i32
      %rem3A_463 = arith.remsi %scan3A_440, %jit3A_446 : i32
      %ne3A_464 = arith.constant 0 : i32
      %ne3A_465 = arith.cmpi ne, %rem3A_463, %ne3A_464 : i32
      %and3A_466 = arith.andi %ne3A_462, %ne3A_465 : i1
      %sub3A_467 = arith.constant 1 : i32
      %sub3A_468 = arith.subi %div3A_447, %sub3A_467 : i32
      %select_n3A_469 = arith.select %and3A_466, %sub3A_468, %div3A_447 : i32
      %sub3A_470 = arith.constant 256 : i32
      %sub3A_471 = arith.subi %sub3A_470, %select_n3A_469 : i32
      %jit3A_472 = arith.constant 256 : i32
      %eq3A_473 = arith.constant 0 : i32
      %eq3A_474 = arith.cmpi eq, %jit3A_472, %eq3A_473 : i32
      %jit3A_475 = arith.constant 1 : i32
      %select_n3A_476 = arith.select %eq3A_474, %jit3A_475, %jit3A_472 : i32
      %rem3A_477 = arith.remsi %sub3A_471, %select_n3A_476 : i32
      %ne3A_478 = arith.constant 0 : i32
      %ne3A_479 = arith.cmpi ne, %rem3A_477, %ne3A_478 : i32
      %lt3A_480 = arith.constant 0 : i32
      %lt3A_481 = arith.cmpi slt, %rem3A_477, %lt3A_480 : i32
      %lt3A_482 = arith.constant 0 : i32
      %lt3A_483 = arith.cmpi slt, %select_n3A_476, %lt3A_482 : i32
      %ne3A_484 = arith.xori %lt3A_481, %lt3A_483 : i1
      %and3A_485 = arith.andi %ne3A_484, %ne3A_479 : i1
      %add3A_486 = arith.addi %rem3A_477, %select_n3A_476 : i32
      %select_n3A_487 = arith.select %and3A_485, %add3A_486, %rem3A_477 : i32
      %roll3A_488 = tpu.dynamic_rotate %get3A_445 by %select_n3A_487 dim 2 : vector<2x4x256x128xf32>, i32 -> vector<2x4x256x128xf32>
      %roll3A_489 = tpu.dynamic_rotate %get3A_445 by %select_n3A_469 dim 2 : vector<2x4x256x128xf32>, i32 -> vector<2x4x256x128xf32>
      %and3A_490 = vector.broadcast %scan3A_440 : i32 to vector<1x1x256x128xi32>
      %and3A_491 = arith.andi %add3A, %and3A_490 : vector<1x1x256x128xi32>
      %eq3A_492 = arith.constant 0 : i32
      %eq3A_493 = vector.broadcast %eq3A_492 : i32 to vector<1x1x256x128xi32>
      %eq3A_494 = arith.cmpi eq, %and3A_491, %eq3A_493 : vector<1x1x256x128xi32>
      %broadcast_in_dim3A_495 = vector.shape_cast %eq3A_494 : vector<1x1x256x128xi1> to vector<1x1x256x128xi1>
      %broadcast_in_dim3A_496 = vector.broadcast %broadcast_in_dim3A_495 : vector<1x1x256x128xi1> to vector<2x4x256x128xi1>
      %select_n3A_497 = arith.select %broadcast_in_dim3A_496, %roll3A_488, %roll3A_489 : vector<2x4x256x128xi1>, vector<2x4x256x128xf32>
      %broadcast_in_dim3A_498 = vector.shape_cast %eq3A_494 : vector<1x1x256x128xi1> to vector<1x1x256x128xi1>
      %broadcast_in_dim3A_499 = vector.broadcast %broadcast_in_dim3A_498 : vector<1x1x256x128xi1> to vector<2x4x256x128xi1>
      %select_n3A_500 = arith.select %broadcast_in_dim3A_499, %get3A_445, %select_n3A_497 : vector<2x4x256x128xi1>, vector<2x4x256x128xf32>
      %broadcast_in_dim3A_501 = vector.shape_cast %eq3A_494 : vector<1x1x256x128xi1> to vector<1x1x256x128xi1>
      %broadcast_in_dim3A_502 = vector.broadcast %broadcast_in_dim3A_501 : vector<1x1x256x128xi1> to vector<2x4x256x128xi1>
      %select_n3A_503 = arith.select %broadcast_in_dim3A_502, %select_n3A_497, %get3A_445 : vector<2x4x256x128xi1>, vector<2x4x256x128xf32>
      %slice3A_504 = vector.extract_strided_slice %select_n3A_500 {offsets = [0, 0, 0, 0], sizes = [1, 4, 256, 128], strides = [1, 1, 1, 1]} : vector<2x4x256x128xf32> to vector<1x4x256x128xf32>
      %slice3A_505 = vector.extract_strided_slice %select_n3A_503 {offsets = [0, 0, 0, 0], sizes = [1, 4, 256, 128], strides = [1, 1, 1, 1]} : vector<2x4x256x128xf32> to vector<1x4x256x128xf32>
      %slice3A_506 = vector.extract_strided_slice %select_n3A_500 {offsets = [1, 0, 0, 0], sizes = [1, 4, 256, 128], strides = [1, 1, 1, 1]} : vector<2x4x256x128xf32> to vector<1x4x256x128xf32>
      %slice3A_507 = vector.extract_strided_slice %select_n3A_503 {offsets = [1, 0, 0, 0], sizes = [1, 4, 256, 128], strides = [1, 1, 1, 1]} : vector<2x4x256x128xf32> to vector<1x4x256x128xf32>
      %gt3A_508 = arith.cmpf ogt, %slice3A_504, %slice3A_505 : vector<1x4x256x128xf32>
      %eq3A_509 = arith.cmpf oeq, %slice3A_504, %slice3A_505 : vector<1x4x256x128xf32>
      %lt3A_510 = arith.cmpf olt, %slice3A_506, %slice3A_507 : vector<1x4x256x128xf32>
      %and3A_511 = arith.andi %eq3A_509, %lt3A_510 : vector<1x4x256x128xi1>
      %or3A_512 = arith.ori %gt3A_508, %and3A_511 : vector<1x4x256x128xi1>
      %jit3A_513 = arith.constant 1 : i32
      %jit3A_514 = arith.constant 0 : i32
      %broadcast_in_dim3A_515 = vector.broadcast %jit3A_513 : i32 to vector<1x4x256x128xi32>
      %broadcast_in_dim3A_516 = vector.broadcast %jit3A_514 : i32 to vector<1x4x256x128xi32>
      %select_n3A_517 = arith.select %or3A_512, %broadcast_in_dim3A_515, %broadcast_in_dim3A_516 : vector<1x4x256x128xi1>, vector<1x4x256x128xi32>
      %jit3A_518 = arith.constant 1 : i32
      %jit3A_519 = arith.constant 0 : i32
      %broadcast_in_dim3A_520 = vector.broadcast %jit3A_518 : i32 to vector<1x1x256x128xi32>
      %broadcast_in_dim3A_521 = vector.broadcast %jit3A_519 : i32 to vector<1x1x256x128xi32>
      %select_n3A_522 = arith.select %eq3A_304, %broadcast_in_dim3A_520, %broadcast_in_dim3A_521 : vector<1x1x256x128xi1>, vector<1x1x256x128xi32>
      %eq3A_523 = vector.broadcast %select_n3A_522 : vector<1x1x256x128xi32> to vector<1x4x256x128xi32>
      %eq3A_524 = arith.cmpi eq, %select_n3A_517, %eq3A_523 : vector<1x4x256x128xi32>
      %broadcast_in_dim3A_525 = vector.shape_cast %eq3A_524 : vector<1x4x256x128xi1> to vector<1x4x256x128xi1>
      %broadcast_in_dim3A_526 = vector.broadcast %broadcast_in_dim3A_525 : vector<1x4x256x128xi1> to vector<2x4x256x128xi1>
      %select_n3A_527 = arith.select %broadcast_in_dim3A_526, %get3A_445, %select_n3A_497 : vector<2x4x256x128xi1>, vector<2x4x256x128xf32>
      %swap3A_528 = arith.constant 0 : index
      %swap3A_529 = arith.constant 0 : index
      %swap3A_530 = arith.constant 0 : index
      %swap3A_531 = arith.constant 0 : index
      %swap3A_532 = vector.load %arg3[%swap3A_528, %swap3A_529, %swap3A_530, %swap3A_531] : memref<2x4x256x128xf32, #tpu.memory_space<vmem>>, vector<2x4x256x128xf32>
      tpu.vector_store %arg3[%swap3A_528, %swap3A_529, %swap3A_530, %swap3A_531], %select_n3A_527 {strides = array<i32>} : memref<2x4x256x128xf32, #tpu.memory_space<vmem>>, vector<2x4x256x128xf32>,
      %jit3A_533 = arith.constant 2 : i32
      %div3A_534 = arith.divsi %scan3A_440, %jit3A_533 : i32
      %sign3A_535 = arith.constant 0 : i32
      %sign3A_536 = arith.cmpi sgt, %scan3A_440, %sign3A_535 : i32
      %sign3A_537 = arith.extui %sign3A_536 : i1 to i32
      %sign3A_538 = arith.constant 0 : i32
      %sign3A_539 = arith.cmpi slt, %scan3A_440, %sign3A_538 : i32
      %sign3A_540 = arith.extui %sign3A_539 : i1 to i32
      %sign3A_541 = arith.subi %sign3A_537, %sign3A_540 : i32
      %sign3A_542 = arith.constant 0 : i32
      %sign3A_543 = arith.cmpi sgt, %jit3A_533, %sign3A_542 : i32
      %sign3A_544 = arith.extui %sign3A_543 : i1 to i32
      %sign3A_545 = arith.constant 0 : i32
      %sign3A_546 = arith.cmpi slt, %jit3A_533, %sign3A_545 : i32
      %sign3A_547 = arith.extui %sign3A_546 : i1 to i32
      %sign3A_548 = arith.subi %sign3A_544, %sign3A_547 : i32
      %ne3A_549 = arith.cmpi ne, %sign3A_541, %sign3A_548 : i32
      %rem3A_550 = arith.remsi %scan3A_440, %jit3A_533 : i32
      %ne3A_551 = arith.constant 0 : i32
      %ne3A_552 = arith.cmpi ne, %rem3A_550, %ne3A_551 : i32
      %and3A_553 = arith.andi %ne3A_549, %ne3A_552 : i1
      %sub3A_554 = arith.constant 1 : i32
      %sub3A_555 = arith.subi %div3A_534, %sub3A_554 : i32
      %select_n3A_556 = arith.select %and3A_553, %sub3A_555, %div3A_534 : i32
      scf.yield %select_n3A_556 : i32
    }
    %scan3A_311 = arith.constant 0 : i32
    %scan3A_312 = arith.constant 7 : i32
    %scan3A_313 = arith.addi %scan3A_311, %scan3A_312 : i32
    %scan3A_314 = arith.constant 1 : i32
    %scan3A_315 = scf.for %scan3A_439 = %scan3A_311 to %scan3A_313 step %scan3A_314 iter_args(%scan3A_440 = %scan3A_310) -> (i32)  : i32 {
      %get3A_441 = arith.constant 0 : index
      %get3A_442 = arith.constant 0 : index
      %get3A_443 = arith.constant 0 : index
      %get3A_444 = arith.constant 0 : index
      %get3A_445 = vector.load %arg3[%get3A_441, %get3A_442, %get3A_443, %get3A_444] : memref<2x4x256x128xf32, #tpu.memory_space<vmem>>, vector<2x4x256x128xf32>
      %sub3A_446 = arith.constant 128 : i32
      %sub3A_447 = arith.subi %sub3A_446, %scan3A_440 : i32
      %jit3A_448 = arith.constant 128 : i32
      %eq3A_449 = arith.constant 0 : i32
      %eq3A_450 = arith.cmpi eq, %jit3A_448, %eq3A_449 : i32
      %jit3A_451 = arith.constant 1 : i32
      %select_n3A_452 = arith.select %eq3A_450, %jit3A_451, %jit3A_448 : i32
      %rem3A_453 = arith.remsi %sub3A_447, %select_n3A_452 : i32
      %ne3A_454 = arith.constant 0 : i32
      %ne3A_455 = arith.cmpi ne, %rem3A_453, %ne3A_454 : i32
      %lt3A_456 = arith.constant 0 : i32
      %lt3A_457 = arith.cmpi slt, %rem3A_453, %lt3A_456 : i32
      %lt3A_458 = arith.constant 0 : i32
      %lt3A_459 = arith.cmpi slt, %select_n3A_452, %lt3A_458 : i32
      %ne3A_460 = arith.xori %lt3A_457, %lt3A_459 : i1
      %and3A_461 = arith.andi %ne3A_460, %ne3A_455 : i1
      %add3A_462 = arith.addi %rem3A_453, %select_n3A_452 : i32
      %select_n3A_463 = arith.select %and3A_461, %add3A_462, %rem3A_453 : i32
      %roll3A_464 = tpu.dynamic_rotate %get3A_445 by %select_n3A_463 dim 3 : vector<2x4x256x128xf32>, i32 -> vector<2x4x256x128xf32>
      %roll3A_465 = tpu.dynamic_rotate %get3A_445 by %scan3A_440 dim 3 : vector<2x4x256x128xf32>, i32 -> vector<2x4x256x128xf32>
      %and3A_466 = vector.broadcast %scan3A_440 : i32 to vector<1x1x256x128xi32>
      %and3A_467 = arith.andi %add3A, %and3A_466 : vector<1x1x256x128xi32>
      %eq3A_468 = arith.constant 0 : i32
      %eq3A_469 = vector.broadcast %eq3A_468 : i32 to vector<1x1x256x128xi32>
      %eq3A_470 = arith.cmpi eq, %and3A_467, %eq3A_469 : vector<1x1x256x128xi32>
      %broadcast_in_dim3A_471 = vector.shape_cast %eq3A_470 : vector<1x1x256x128xi1> to vector<1x1x256x128xi1>
      %broadcast_in_dim3A_472 = vector.broadcast %broadcast_in_dim3A_471 : vector<1x1x256x128xi1> to vector<2x4x256x128xi1>
      %select_n3A_473 = arith.select %broadcast_in_dim3A_472, %roll3A_464, %roll3A_465 : vector<2x4x256x128xi1>, vector<2x4x256x128xf32>
      %broadcast_in_dim3A_474 = vector.shape_cast %eq3A_470 : vector<1x1x256x128xi1> to vector<1x1x256x128xi1>
      %broadcast_in_dim3A_475 = vector.broadcast %broadcast_in_dim3A_474 : vector<1x1x256x128xi1> to vector<2x4x256x128xi1>
      %select_n3A_476 = arith.select %broadcast_in_dim3A_475, %get3A_445, %select_n3A_473 : vector<2x4x256x128xi1>, vector<2x4x256x128xf32>
      %broadcast_in_dim3A_477 = vector.shape_cast %eq3A_470 : vector<1x1x256x128xi1> to vector<1x1x256x128xi1>
      %broadcast_in_dim3A_478 = vector.broadcast %broadcast_in_dim3A_477 : vector<1x1x256x128xi1> to vector<2x4x256x128xi1>
      %select_n3A_479 = arith.select %broadcast_in_dim3A_478, %select_n3A_473, %get3A_445 : vector<2x4x256x128xi1>, vector<2x4x256x128xf32>
      %slice3A_480 = vector.extract_strided_slice %select_n3A_476 {offsets = [0, 0, 0, 0], sizes = [1, 4, 256, 128], strides = [1, 1, 1, 1]} : vector<2x4x256x128xf32> to vector<1x4x256x128xf32>
      %slice3A_481 = vector.extract_strided_slice %select_n3A_479 {offsets = [0, 0, 0, 0], sizes = [1, 4, 256, 128], strides = [1, 1, 1, 1]} : vector<2x4x256x128xf32> to vector<1x4x256x128xf32>
      %slice3A_482 = vector.extract_strided_slice %select_n3A_476 {offsets = [1, 0, 0, 0], sizes = [1, 4, 256, 128], strides = [1, 1, 1, 1]} : vector<2x4x256x128xf32> to vector<1x4x256x128xf32>
      %slice3A_483 = vector.extract_strided_slice %select_n3A_479 {offsets = [1, 0, 0, 0], sizes = [1, 4, 256, 128], strides = [1, 1, 1, 1]} : vector<2x4x256x128xf32> to vector<1x4x256x128xf32>
      %gt3A_484 = arith.cmpf ogt, %slice3A_480, %slice3A_481 : vector<1x4x256x128xf32>
      %eq3A_485 = arith.cmpf oeq, %slice3A_480, %slice3A_481 : vector<1x4x256x128xf32>
      %lt3A_486 = arith.cmpf olt, %slice3A_482, %slice3A_483 : vector<1x4x256x128xf32>
      %and3A_487 = arith.andi %eq3A_485, %lt3A_486 : vector<1x4x256x128xi1>
      %or3A_488 = arith.ori %gt3A_484, %and3A_487 : vector<1x4x256x128xi1>
      %jit3A_489 = arith.constant 1 : i32
      %jit3A_490 = arith.constant 0 : i32
      %broadcast_in_dim3A_491 = vector.broadcast %jit3A_489 : i32 to vector<1x4x256x128xi32>
      %broadcast_in_dim3A_492 = vector.broadcast %jit3A_490 : i32 to vector<1x4x256x128xi32>
      %select_n3A_493 = arith.select %or3A_488, %broadcast_in_dim3A_491, %broadcast_in_dim3A_492 : vector<1x4x256x128xi1>, vector<1x4x256x128xi32>
      %jit3A_494 = arith.constant 1 : i32
      %jit3A_495 = arith.constant 0 : i32
      %broadcast_in_dim3A_496 = vector.broadcast %jit3A_494 : i32 to vector<1x1x256x128xi32>
      %broadcast_in_dim3A_497 = vector.broadcast %jit3A_495 : i32 to vector<1x1x256x128xi32>
      %select_n3A_498 = arith.select %eq3A_304, %broadcast_in_dim3A_496, %broadcast_in_dim3A_497 : vector<1x1x256x128xi1>, vector<1x1x256x128xi32>
      %eq3A_499 = vector.broadcast %select_n3A_498 : vector<1x1x256x128xi32> to vector<1x4x256x128xi32>
      %eq3A_500 = arith.cmpi eq, %select_n3A_493, %eq3A_499 : vector<1x4x256x128xi32>
      %broadcast_in_dim3A_501 = vector.shape_cast %eq3A_500 : vector<1x4x256x128xi1> to vector<1x4x256x128xi1>
      %broadcast_in_dim3A_502 = vector.broadcast %broadcast_in_dim3A_501 : vector<1x4x256x128xi1> to vector<2x4x256x128xi1>
      %select_n3A_503 = arith.select %broadcast_in_dim3A_502, %get3A_445, %select_n3A_473 : vector<2x4x256x128xi1>, vector<2x4x256x128xf32>
      %swap3A_504 = arith.constant 0 : index
      %swap3A_505 = arith.constant 0 : index
      %swap3A_506 = arith.constant 0 : index
      %swap3A_507 = arith.constant 0 : index
      %swap3A_508 = vector.load %arg3[%swap3A_504, %swap3A_505, %swap3A_506, %swap3A_507] : memref<2x4x256x128xf32, #tpu.memory_space<vmem>>, vector<2x4x256x128xf32>
      tpu.vector_store %arg3[%swap3A_504, %swap3A_505, %swap3A_506, %swap3A_507], %select_n3A_503 {strides = array<i32>} : memref<2x4x256x128xf32, #tpu.memory_space<vmem>>, vector<2x4x256x128xf32>,
      %jit3A_509 = arith.constant 2 : i32
      %div3A_510 = arith.divsi %scan3A_440, %jit3A_509 : i32
      %sign3A_511 = arith.constant 0 : i32
      %sign3A_512 = arith.cmpi sgt, %scan3A_440, %sign3A_511 : i32
      %sign3A_513 = arith.extui %sign3A_512 : i1 to i32
      %sign3A_514 = arith.constant 0 : i32
      %sign3A_515 = arith.cmpi slt, %scan3A_440, %sign3A_514 : i32
      %sign3A_516 = arith.extui %sign3A_515 : i1 to i32
      %sign3A_517 = arith.subi %sign3A_513, %sign3A_516 : i32
      %sign3A_518 = arith.constant 0 : i32
      %sign3A_519 = arith.cmpi sgt, %jit3A_509, %sign3A_518 : i32
      %sign3A_520 = arith.extui %sign3A_519 : i1 to i32
      %sign3A_521 = arith.constant 0 : i32
      %sign3A_522 = arith.cmpi slt, %jit3A_509, %sign3A_521 : i32
      %sign3A_523 = arith.extui %sign3A_522 : i1 to i32
      %sign3A_524 = arith.subi %sign3A_520, %sign3A_523 : i32
      %ne3A_525 = arith.cmpi ne, %sign3A_517, %sign3A_524 : i32
      %rem3A_526 = arith.remsi %scan3A_440, %jit3A_509 : i32
      %ne3A_527 = arith.constant 0 : i32
      %ne3A_528 = arith.cmpi ne, %rem3A_526, %ne3A_527 : i32
      %and3A_529 = arith.andi %ne3A_525, %ne3A_528 : i1
      %sub3A_530 = arith.constant 1 : i32
      %sub3A_531 = arith.subi %div3A_510, %sub3A_530 : i32
      %select_n3A_532 = arith.select %and3A_529, %sub3A_531, %div3A_510 : i32
      scf.yield %select_n3A_532 : i32
    }
    %and3A_316 = arith.constant 1024 : i32
    %and3A_317 = vector.broadcast %and3A_316 : i32 to vector<1x1x256x128xi32>
    %and3A_318 = arith.andi %add3A, %and3A_317 : vector<1x1x256x128xi32>
    %eq3A_319 = arith.constant 0 : i32
    %eq3A_320 = vector.broadcast %eq3A_319 : i32 to vector<1x1x256x128xi32>
    %eq3A_321 = arith.cmpi eq, %and3A_318, %eq3A_320 : vector<1x1x256x128xi32>
    %scan3A_322 = arith.constant 512 : i32
    %scan3A_323 = arith.constant 0 : i32
    %scan3A_324 = arith.constant 3 : i32
    %scan3A_325 = arith.addi %scan3A_323, %scan3A_324 : i32
    %scan3A_326 = arith.constant 1 : i32
    %scan3A_327 = scf.for %scan3A_439 = %scan3A_323 to %scan3A_325 step %scan3A_326 iter_args(%scan3A_440 = %scan3A_322) -> (i32)  : i32 {
      %get3A_441 = arith.constant 0 : index
      %get3A_442 = arith.constant 0 : index
      %get3A_443 = arith.constant 0 : index
      %get3A_444 = arith.constant 0 : index
      %get3A_445 = vector.load %arg3[%get3A_441, %get3A_442, %get3A_443, %get3A_444] : memref<2x4x256x128xf32, #tpu.memory_space<vmem>>, vector<2x4x256x128xf32>
      %jit3A_446 = arith.constant 128 : i32
      %div3A_447 = arith.divsi %scan3A_440, %jit3A_446 : i32
      %sign3A_448 = arith.constant 0 : i32
      %sign3A_449 = arith.cmpi sgt, %scan3A_440, %sign3A_448 : i32
      %sign3A_450 = arith.extui %sign3A_449 : i1 to i32
      %sign3A_451 = arith.constant 0 : i32
      %sign3A_452 = arith.cmpi slt, %scan3A_440, %sign3A_451 : i32
      %sign3A_453 = arith.extui %sign3A_452 : i1 to i32
      %sign3A_454 = arith.subi %sign3A_450, %sign3A_453 : i32
      %sign3A_455 = arith.constant 0 : i32
      %sign3A_456 = arith.cmpi sgt, %jit3A_446, %sign3A_455 : i32
      %sign3A_457 = arith.extui %sign3A_456 : i1 to i32
      %sign3A_458 = arith.constant 0 : i32
      %sign3A_459 = arith.cmpi slt, %jit3A_446, %sign3A_458 : i32
      %sign3A_460 = arith.extui %sign3A_459 : i1 to i32
      %sign3A_461 = arith.subi %sign3A_457, %sign3A_460 : i32
      %ne3A_462 = arith.cmpi ne, %sign3A_454, %sign3A_461 : i32
      %rem3A_463 = arith.remsi %scan3A_440, %jit3A_446 : i32
      %ne3A_464 = arith.constant 0 : i32
      %ne3A_465 = arith.cmpi ne, %rem3A_463, %ne3A_464 : i32
      %and3A_466 = arith.andi %ne3A_462, %ne3A_465 : i1
      %sub3A_467 = arith.constant 1 : i32
      %sub3A_468 = arith.subi %div3A_447, %sub3A_467 : i32
      %select_n3A_469 = arith.select %and3A_466, %sub3A_468, %div3A_447 : i32
      %sub3A_470 = arith.constant 256 : i32
      %sub3A_471 = arith.subi %sub3A_470, %select_n3A_469 : i32
      %jit3A_472 = arith.constant 256 : i32
      %eq3A_473 = arith.constant 0 : i32
      %eq3A_474 = arith.cmpi eq, %jit3A_472, %eq3A_473 : i32
      %jit3A_475 = arith.constant 1 : i32
      %select_n3A_476 = arith.select %eq3A_474, %jit3A_475, %jit3A_472 : i32
      %rem3A_477 = arith.remsi %sub3A_471, %select_n3A_476 : i32
      %ne3A_478 = arith.constant 0 : i32
      %ne3A_479 = arith.cmpi ne, %rem3A_477, %ne3A_478 : i32
      %lt3A_480 = arith.constant 0 : i32
      %lt3A_481 = arith.cmpi slt, %rem3A_477, %lt3A_480 : i32
      %lt3A_482 = arith.constant 0 : i32
      %lt3A_483 = arith.cmpi slt, %select_n3A_476, %lt3A_482 : i32
      %ne3A_484 = arith.xori %lt3A_481, %lt3A_483 : i1
      %and3A_485 = arith.andi %ne3A_484, %ne3A_479 : i1
      %add3A_486 = arith.addi %rem3A_477, %select_n3A_476 : i32
      %select_n3A_487 = arith.select %and3A_485, %add3A_486, %rem3A_477 : i32
      %roll3A_488 = tpu.dynamic_rotate %get3A_445 by %select_n3A_487 dim 2 : vector<2x4x256x128xf32>, i32 -> vector<2x4x256x128xf32>
      %roll3A_489 = tpu.dynamic_rotate %get3A_445 by %select_n3A_469 dim 2 : vector<2x4x256x128xf32>, i32 -> vector<2x4x256x128xf32>
      %and3A_490 = vector.broadcast %scan3A_440 : i32 to vector<1x1x256x128xi32>
      %and3A_491 = arith.andi %add3A, %and3A_490 : vector<1x1x256x128xi32>
      %eq3A_492 = arith.constant 0 : i32
      %eq3A_493 = vector.broadcast %eq3A_492 : i32 to vector<1x1x256x128xi32>
      %eq3A_494 = arith.cmpi eq, %and3A_491, %eq3A_493 : vector<1x1x256x128xi32>
      %broadcast_in_dim3A_495 = vector.shape_cast %eq3A_494 : vector<1x1x256x128xi1> to vector<1x1x256x128xi1>
      %broadcast_in_dim3A_496 = vector.broadcast %broadcast_in_dim3A_495 : vector<1x1x256x128xi1> to vector<2x4x256x128xi1>
      %select_n3A_497 = arith.select %broadcast_in_dim3A_496, %roll3A_488, %roll3A_489 : vector<2x4x256x128xi1>, vector<2x4x256x128xf32>
      %broadcast_in_dim3A_498 = vector.shape_cast %eq3A_494 : vector<1x1x256x128xi1> to vector<1x1x256x128xi1>
      %broadcast_in_dim3A_499 = vector.broadcast %broadcast_in_dim3A_498 : vector<1x1x256x128xi1> to vector<2x4x256x128xi1>
      %select_n3A_500 = arith.select %broadcast_in_dim3A_499, %get3A_445, %select_n3A_497 : vector<2x4x256x128xi1>, vector<2x4x256x128xf32>
      %broadcast_in_dim3A_501 = vector.shape_cast %eq3A_494 : vector<1x1x256x128xi1> to vector<1x1x256x128xi1>
      %broadcast_in_dim3A_502 = vector.broadcast %broadcast_in_dim3A_501 : vector<1x1x256x128xi1> to vector<2x4x256x128xi1>
      %select_n3A_503 = arith.select %broadcast_in_dim3A_502, %select_n3A_497, %get3A_445 : vector<2x4x256x128xi1>, vector<2x4x256x128xf32>
      %slice3A_504 = vector.extract_strided_slice %select_n3A_500 {offsets = [0, 0, 0, 0], sizes = [1, 4, 256, 128], strides = [1, 1, 1, 1]} : vector<2x4x256x128xf32> to vector<1x4x256x128xf32>
      %slice3A_505 = vector.extract_strided_slice %select_n3A_503 {offsets = [0, 0, 0, 0], sizes = [1, 4, 256, 128], strides = [1, 1, 1, 1]} : vector<2x4x256x128xf32> to vector<1x4x256x128xf32>
      %slice3A_506 = vector.extract_strided_slice %select_n3A_500 {offsets = [1, 0, 0, 0], sizes = [1, 4, 256, 128], strides = [1, 1, 1, 1]} : vector<2x4x256x128xf32> to vector<1x4x256x128xf32>
      %slice3A_507 = vector.extract_strided_slice %select_n3A_503 {offsets = [1, 0, 0, 0], sizes = [1, 4, 256, 128], strides = [1, 1, 1, 1]} : vector<2x4x256x128xf32> to vector<1x4x256x128xf32>
      %gt3A_508 = arith.cmpf ogt, %slice3A_504, %slice3A_505 : vector<1x4x256x128xf32>
      %eq3A_509 = arith.cmpf oeq, %slice3A_504, %slice3A_505 : vector<1x4x256x128xf32>
      %lt3A_510 = arith.cmpf olt, %slice3A_506, %slice3A_507 : vector<1x4x256x128xf32>
      %and3A_511 = arith.andi %eq3A_509, %lt3A_510 : vector<1x4x256x128xi1>
      %or3A_512 = arith.ori %gt3A_508, %and3A_511 : vector<1x4x256x128xi1>
      %jit3A_513 = arith.constant 1 : i32
      %jit3A_514 = arith.constant 0 : i32
      %broadcast_in_dim3A_515 = vector.broadcast %jit3A_513 : i32 to vector<1x4x256x128xi32>
      %broadcast_in_dim3A_516 = vector.broadcast %jit3A_514 : i32 to vector<1x4x256x128xi32>
      %select_n3A_517 = arith.select %or3A_512, %broadcast_in_dim3A_515, %broadcast_in_dim3A_516 : vector<1x4x256x128xi1>, vector<1x4x256x128xi32>
      %jit3A_518 = arith.constant 1 : i32
      %jit3A_519 = arith.constant 0 : i32
      %broadcast_in_dim3A_520 = vector.broadcast %jit3A_518 : i32 to vector<1x1x256x128xi32>
      %broadcast_in_dim3A_521 = vector.broadcast %jit3A_519 : i32 to vector<1x1x256x128xi32>
      %select_n3A_522 = arith.select %eq3A_321, %broadcast_in_dim3A_520, %broadcast_in_dim3A_521 : vector<1x1x256x128xi1>, vector<1x1x256x128xi32>
      %eq3A_523 = vector.broadcast %select_n3A_522 : vector<1x1x256x128xi32> to vector<1x4x256x128xi32>
      %eq3A_524 = arith.cmpi eq, %select_n3A_517, %eq3A_523 : vector<1x4x256x128xi32>
      %broadcast_in_dim3A_525 = vector.shape_cast %eq3A_524 : vector<1x4x256x128xi1> to vector<1x4x256x128xi1>
      %broadcast_in_dim3A_526 = vector.broadcast %broadcast_in_dim3A_525 : vector<1x4x256x128xi1> to vector<2x4x256x128xi1>
      %select_n3A_527 = arith.select %broadcast_in_dim3A_526, %get3A_445, %select_n3A_497 : vector<2x4x256x128xi1>, vector<2x4x256x128xf32>
      %swap3A_528 = arith.constant 0 : index
      %swap3A_529 = arith.constant 0 : index
      %swap3A_530 = arith.constant 0 : index
      %swap3A_531 = arith.constant 0 : index
      %swap3A_532 = vector.load %arg3[%swap3A_528, %swap3A_529, %swap3A_530, %swap3A_531] : memref<2x4x256x128xf32, #tpu.memory_space<vmem>>, vector<2x4x256x128xf32>
      tpu.vector_store %arg3[%swap3A_528, %swap3A_529, %swap3A_530, %swap3A_531], %select_n3A_527 {strides = array<i32>} : memref<2x4x256x128xf32, #tpu.memory_space<vmem>>, vector<2x4x256x128xf32>,
      %jit3A_533 = arith.constant 2 : i32
      %div3A_534 = arith.divsi %scan3A_440, %jit3A_533 : i32
      %sign3A_535 = arith.constant 0 : i32
      %sign3A_536 = arith.cmpi sgt, %scan3A_440, %sign3A_535 : i32
      %sign3A_537 = arith.extui %sign3A_536 : i1 to i32
      %sign3A_538 = arith.constant 0 : i32
      %sign3A_539 = arith.cmpi slt, %scan3A_440, %sign3A_538 : i32
      %sign3A_540 = arith.extui %sign3A_539 : i1 to i32
      %sign3A_541 = arith.subi %sign3A_537, %sign3A_540 : i32
      %sign3A_542 = arith.constant 0 : i32
      %sign3A_543 = arith.cmpi sgt, %jit3A_533, %sign3A_542 : i32
      %sign3A_544 = arith.extui %sign3A_543 : i1 to i32
      %sign3A_545 = arith.constant 0 : i32
      %sign3A_546 = arith.cmpi slt, %jit3A_533, %sign3A_545 : i32
      %sign3A_547 = arith.extui %sign3A_546 : i1 to i32
      %sign3A_548 = arith.subi %sign3A_544, %sign3A_547 : i32
      %ne3A_549 = arith.cmpi ne, %sign3A_541, %sign3A_548 : i32
      %rem3A_550 = arith.remsi %scan3A_440, %jit3A_533 : i32
      %ne3A_551 = arith.constant 0 : i32
      %ne3A_552 = arith.cmpi ne, %rem3A_550, %ne3A_551 : i32
      %and3A_553 = arith.andi %ne3A_549, %ne3A_552 : i1
      %sub3A_554 = arith.constant 1 : i32
      %sub3A_555 = arith.subi %div3A_534, %sub3A_554 : i32
      %select_n3A_556 = arith.select %and3A_553, %sub3A_555, %div3A_534 : i32
      scf.yield %select_n3A_556 : i32
    }
    %scan3A_328 = arith.constant 0 : i32
    %scan3A_329 = arith.constant 7 : i32
    %scan3A_330 = arith.addi %scan3A_328, %scan3A_329 : i32
    %scan3A_331 = arith.constant 1 : i32
    %scan3A_332 = scf.for %scan3A_439 = %scan3A_328 to %scan3A_330 step %scan3A_331 iter_args(%scan3A_440 = %scan3A_327) -> (i32)  : i32 {
      %get3A_441 = arith.constant 0 : index
      %get3A_442 = arith.constant 0 : index
      %get3A_443 = arith.constant 0 : index
      %get3A_444 = arith.constant 0 : index
      %get3A_445 = vector.load %arg3[%get3A_441, %get3A_442, %get3A_443, %get3A_444] : memref<2x4x256x128xf32, #tpu.memory_space<vmem>>, vector<2x4x256x128xf32>
      %sub3A_446 = arith.constant 128 : i32
      %sub3A_447 = arith.subi %sub3A_446, %scan3A_440 : i32
      %jit3A_448 = arith.constant 128 : i32
      %eq3A_449 = arith.constant 0 : i32
      %eq3A_450 = arith.cmpi eq, %jit3A_448, %eq3A_449 : i32
      %jit3A_451 = arith.constant 1 : i32
      %select_n3A_452 = arith.select %eq3A_450, %jit3A_451, %jit3A_448 : i32
      %rem3A_453 = arith.remsi %sub3A_447, %select_n3A_452 : i32
      %ne3A_454 = arith.constant 0 : i32
      %ne3A_455 = arith.cmpi ne, %rem3A_453, %ne3A_454 : i32
      %lt3A_456 = arith.constant 0 : i32
      %lt3A_457 = arith.cmpi slt, %rem3A_453, %lt3A_456 : i32
      %lt3A_458 = arith.constant 0 : i32
      %lt3A_459 = arith.cmpi slt, %select_n3A_452, %lt3A_458 : i32
      %ne3A_460 = arith.xori %lt3A_457, %lt3A_459 : i1
      %and3A_461 = arith.andi %ne3A_460, %ne3A_455 : i1
      %add3A_462 = arith.addi %rem3A_453, %select_n3A_452 : i32
      %select_n3A_463 = arith.select %and3A_461, %add3A_462, %rem3A_453 : i32
      %roll3A_464 = tpu.dynamic_rotate %get3A_445 by %select_n3A_463 dim 3 : vector<2x4x256x128xf32>, i32 -> vector<2x4x256x128xf32>
      %roll3A_465 = tpu.dynamic_rotate %get3A_445 by %scan3A_440 dim 3 : vector<2x4x256x128xf32>, i32 -> vector<2x4x256x128xf32>
      %and3A_466 = vector.broadcast %scan3A_440 : i32 to vector<1x1x256x128xi32>
      %and3A_467 = arith.andi %add3A, %and3A_466 : vector<1x1x256x128xi32>
      %eq3A_468 = arith.constant 0 : i32
      %eq3A_469 = vector.broadcast %eq3A_468 : i32 to vector<1x1x256x128xi32>
      %eq3A_470 = arith.cmpi eq, %and3A_467, %eq3A_469 : vector<1x1x256x128xi32>
      %broadcast_in_dim3A_471 = vector.shape_cast %eq3A_470 : vector<1x1x256x128xi1> to vector<1x1x256x128xi1>
      %broadcast_in_dim3A_472 = vector.broadcast %broadcast_in_dim3A_471 : vector<1x1x256x128xi1> to vector<2x4x256x128xi1>
      %select_n3A_473 = arith.select %broadcast_in_dim3A_472, %roll3A_464, %roll3A_465 : vector<2x4x256x128xi1>, vector<2x4x256x128xf32>
      %broadcast_in_dim3A_474 = vector.shape_cast %eq3A_470 : vector<1x1x256x128xi1> to vector<1x1x256x128xi1>
      %broadcast_in_dim3A_475 = vector.broadcast %broadcast_in_dim3A_474 : vector<1x1x256x128xi1> to vector<2x4x256x128xi1>
      %select_n3A_476 = arith.select %broadcast_in_dim3A_475, %get3A_445, %select_n3A_473 : vector<2x4x256x128xi1>, vector<2x4x256x128xf32>
      %broadcast_in_dim3A_477 = vector.shape_cast %eq3A_470 : vector<1x1x256x128xi1> to vector<1x1x256x128xi1>
      %broadcast_in_dim3A_478 = vector.broadcast %broadcast_in_dim3A_477 : vector<1x1x256x128xi1> to vector<2x4x256x128xi1>
      %select_n3A_479 = arith.select %broadcast_in_dim3A_478, %select_n3A_473, %get3A_445 : vector<2x4x256x128xi1>, vector<2x4x256x128xf32>
      %slice3A_480 = vector.extract_strided_slice %select_n3A_476 {offsets = [0, 0, 0, 0], sizes = [1, 4, 256, 128], strides = [1, 1, 1, 1]} : vector<2x4x256x128xf32> to vector<1x4x256x128xf32>
      %slice3A_481 = vector.extract_strided_slice %select_n3A_479 {offsets = [0, 0, 0, 0], sizes = [1, 4, 256, 128], strides = [1, 1, 1, 1]} : vector<2x4x256x128xf32> to vector<1x4x256x128xf32>
      %slice3A_482 = vector.extract_strided_slice %select_n3A_476 {offsets = [1, 0, 0, 0], sizes = [1, 4, 256, 128], strides = [1, 1, 1, 1]} : vector<2x4x256x128xf32> to vector<1x4x256x128xf32>
      %slice3A_483 = vector.extract_strided_slice %select_n3A_479 {offsets = [1, 0, 0, 0], sizes = [1, 4, 256, 128], strides = [1, 1, 1, 1]} : vector<2x4x256x128xf32> to vector<1x4x256x128xf32>
      %gt3A_484 = arith.cmpf ogt, %slice3A_480, %slice3A_481 : vector<1x4x256x128xf32>
      %eq3A_485 = arith.cmpf oeq, %slice3A_480, %slice3A_481 : vector<1x4x256x128xf32>
      %lt3A_486 = arith.cmpf olt, %slice3A_482, %slice3A_483 : vector<1x4x256x128xf32>
      %and3A_487 = arith.andi %eq3A_485, %lt3A_486 : vector<1x4x256x128xi1>
      %or3A_488 = arith.ori %gt3A_484, %and3A_487 : vector<1x4x256x128xi1>
      %jit3A_489 = arith.constant 1 : i32
      %jit3A_490 = arith.constant 0 : i32
      %broadcast_in_dim3A_491 = vector.broadcast %jit3A_489 : i32 to vector<1x4x256x128xi32>
      %broadcast_in_dim3A_492 = vector.broadcast %jit3A_490 : i32 to vector<1x4x256x128xi32>
      %select_n3A_493 = arith.select %or3A_488, %broadcast_in_dim3A_491, %broadcast_in_dim3A_492 : vector<1x4x256x128xi1>, vector<1x4x256x128xi32>
      %jit3A_494 = arith.constant 1 : i32
      %jit3A_495 = arith.constant 0 : i32
      %broadcast_in_dim3A_496 = vector.broadcast %jit3A_494 : i32 to vector<1x1x256x128xi32>
      %broadcast_in_dim3A_497 = vector.broadcast %jit3A_495 : i32 to vector<1x1x256x128xi32>
      %select_n3A_498 = arith.select %eq3A_321, %broadcast_in_dim3A_496, %broadcast_in_dim3A_497 : vector<1x1x256x128xi1>, vector<1x1x256x128xi32>
      %eq3A_499 = vector.broadcast %select_n3A_498 : vector<1x1x256x128xi32> to vector<1x4x256x128xi32>
      %eq3A_500 = arith.cmpi eq, %select_n3A_493, %eq3A_499 : vector<1x4x256x128xi32>
      %broadcast_in_dim3A_501 = vector.shape_cast %eq3A_500 : vector<1x4x256x128xi1> to vector<1x4x256x128xi1>
      %broadcast_in_dim3A_502 = vector.broadcast %broadcast_in_dim3A_501 : vector<1x4x256x128xi1> to vector<2x4x256x128xi1>
      %select_n3A_503 = arith.select %broadcast_in_dim3A_502, %get3A_445, %select_n3A_473 : vector<2x4x256x128xi1>, vector<2x4x256x128xf32>
      %swap3A_504 = arith.constant 0 : index
      %swap3A_505 = arith.constant 0 : index
      %swap3A_506 = arith.constant 0 : index
      %swap3A_507 = arith.constant 0 : index
      %swap3A_508 = vector.load %arg3[%swap3A_504, %swap3A_505, %swap3A_506, %swap3A_507] : memref<2x4x256x128xf32, #tpu.memory_space<vmem>>, vector<2x4x256x128xf32>
      tpu.vector_store %arg3[%swap3A_504, %swap3A_505, %swap3A_506, %swap3A_507], %select_n3A_503 {strides = array<i32>} : memref<2x4x256x128xf32, #tpu.memory_space<vmem>>, vector<2x4x256x128xf32>,
      %jit3A_509 = arith.constant 2 : i32
      %div3A_510 = arith.divsi %scan3A_440, %jit3A_509 : i32
      %sign3A_511 = arith.constant 0 : i32
      %sign3A_512 = arith.cmpi sgt, %scan3A_440, %sign3A_511 : i32
      %sign3A_513 = arith.extui %sign3A_512 : i1 to i32
      %sign3A_514 = arith.constant 0 : i32
      %sign3A_515 = arith.cmpi slt, %scan3A_440, %sign3A_514 : i32
      %sign3A_516 = arith.extui %sign3A_515 : i1 to i32
      %sign3A_517 = arith.subi %sign3A_513, %sign3A_516 : i32
      %sign3A_518 = arith.constant 0 : i32
      %sign3A_519 = arith.cmpi sgt, %jit3A_509, %sign3A_518 : i32
      %sign3A_520 = arith.extui %sign3A_519 : i1 to i32
      %sign3A_521 = arith.constant 0 : i32
      %sign3A_522 = arith.cmpi slt, %jit3A_509, %sign3A_521 : i32
      %sign3A_523 = arith.extui %sign3A_522 : i1 to i32
      %sign3A_524 = arith.subi %sign3A_520, %sign3A_523 : i32
      %ne3A_525 = arith.cmpi ne, %sign3A_517, %sign3A_524 : i32
      %rem3A_526 = arith.remsi %scan3A_440, %jit3A_509 : i32
      %ne3A_527 = arith.constant 0 : i32
      %ne3A_528 = arith.cmpi ne, %rem3A_526, %ne3A_527 : i32
      %and3A_529 = arith.andi %ne3A_525, %ne3A_528 : i1
      %sub3A_530 = arith.constant 1 : i32
      %sub3A_531 = arith.subi %div3A_510, %sub3A_530 : i32
      %select_n3A_532 = arith.select %and3A_529, %sub3A_531, %div3A_510 : i32
      scf.yield %select_n3A_532 : i32
    }
    %and3A_333 = arith.constant 2048 : i32
    %and3A_334 = vector.broadcast %and3A_333 : i32 to vector<1x1x256x128xi32>
    %and3A_335 = arith.andi %add3A, %and3A_334 : vector<1x1x256x128xi32>
    %eq3A_336 = arith.constant 0 : i32
    %eq3A_337 = vector.broadcast %eq3A_336 : i32 to vector<1x1x256x128xi32>
    %eq3A_338 = arith.cmpi eq, %and3A_335, %eq3A_337 : vector<1x1x256x128xi32>
    %scan3A_339 = arith.constant 1024 : i32
    %scan3A_340 = arith.constant 0 : i32
    %scan3A_341 = arith.constant 4 : i32
    %scan3A_342 = arith.addi %scan3A_340, %scan3A_341 : i32
    %scan3A_343 = arith.constant 1 : i32
    %scan3A_344 = scf.for %scan3A_439 = %scan3A_340 to %scan3A_342 step %scan3A_343 iter_args(%scan3A_440 = %scan3A_339) -> (i32)  : i32 {
      %get3A_441 = arith.constant 0 : index
      %get3A_442 = arith.constant 0 : index
      %get3A_443 = arith.constant 0 : index
      %get3A_444 = arith.constant 0 : index
      %get3A_445 = vector.load %arg3[%get3A_441, %get3A_442, %get3A_443, %get3A_444] : memref<2x4x256x128xf32, #tpu.memory_space<vmem>>, vector<2x4x256x128xf32>
      %jit3A_446 = arith.constant 128 : i32
      %div3A_447 = arith.divsi %scan3A_440, %jit3A_446 : i32
      %sign3A_448 = arith.constant 0 : i32
      %sign3A_449 = arith.cmpi sgt, %scan3A_440, %sign3A_448 : i32
      %sign3A_450 = arith.extui %sign3A_449 : i1 to i32
      %sign3A_451 = arith.constant 0 : i32
      %sign3A_452 = arith.cmpi slt, %scan3A_440, %sign3A_451 : i32
      %sign3A_453 = arith.extui %sign3A_452 : i1 to i32
      %sign3A_454 = arith.subi %sign3A_450, %sign3A_453 : i32
      %sign3A_455 = arith.constant 0 : i32
      %sign3A_456 = arith.cmpi sgt, %jit3A_446, %sign3A_455 : i32
      %sign3A_457 = arith.extui %sign3A_456 : i1 to i32
      %sign3A_458 = arith.constant 0 : i32
      %sign3A_459 = arith.cmpi slt, %jit3A_446, %sign3A_458 : i32
      %sign3A_460 = arith.extui %sign3A_459 : i1 to i32
      %sign3A_461 = arith.subi %sign3A_457, %sign3A_460 : i32
      %ne3A_462 = arith.cmpi ne, %sign3A_454, %sign3A_461 : i32
      %rem3A_463 = arith.remsi %scan3A_440, %jit3A_446 : i32
      %ne3A_464 = arith.constant 0 : i32
      %ne3A_465 = arith.cmpi ne, %rem3A_463, %ne3A_464 : i32
      %and3A_466 = arith.andi %ne3A_462, %ne3A_465 : i1
      %sub3A_467 = arith.constant 1 : i32
      %sub3A_468 = arith.subi %div3A_447, %sub3A_467 : i32
      %select_n3A_469 = arith.select %and3A_466, %sub3A_468, %div3A_447 : i32
      %sub3A_470 = arith.constant 256 : i32
      %sub3A_471 = arith.subi %sub3A_470, %select_n3A_469 : i32
      %jit3A_472 = arith.constant 256 : i32
      %eq3A_473 = arith.constant 0 : i32
      %eq3A_474 = arith.cmpi eq, %jit3A_472, %eq3A_473 : i32
      %jit3A_475 = arith.constant 1 : i32
      %select_n3A_476 = arith.select %eq3A_474, %jit3A_475, %jit3A_472 : i32
      %rem3A_477 = arith.remsi %sub3A_471, %select_n3A_476 : i32
      %ne3A_478 = arith.constant 0 : i32
      %ne3A_479 = arith.cmpi ne, %rem3A_477, %ne3A_478 : i32
      %lt3A_480 = arith.constant 0 : i32
      %lt3A_481 = arith.cmpi slt, %rem3A_477, %lt3A_480 : i32
      %lt3A_482 = arith.constant 0 : i32
      %lt3A_483 = arith.cmpi slt, %select_n3A_476, %lt3A_482 : i32
      %ne3A_484 = arith.xori %lt3A_481, %lt3A_483 : i1
      %and3A_485 = arith.andi %ne3A_484, %ne3A_479 : i1
      %add3A_486 = arith.addi %rem3A_477, %select_n3A_476 : i32
      %select_n3A_487 = arith.select %and3A_485, %add3A_486, %rem3A_477 : i32
      %roll3A_488 = tpu.dynamic_rotate %get3A_445 by %select_n3A_487 dim 2 : vector<2x4x256x128xf32>, i32 -> vector<2x4x256x128xf32>
      %roll3A_489 = tpu.dynamic_rotate %get3A_445 by %select_n3A_469 dim 2 : vector<2x4x256x128xf32>, i32 -> vector<2x4x256x128xf32>
      %and3A_490 = vector.broadcast %scan3A_440 : i32 to vector<1x1x256x128xi32>
      %and3A_491 = arith.andi %add3A, %and3A_490 : vector<1x1x256x128xi32>
      %eq3A_492 = arith.constant 0 : i32
      %eq3A_493 = vector.broadcast %eq3A_492 : i32 to vector<1x1x256x128xi32>
      %eq3A_494 = arith.cmpi eq, %and3A_491, %eq3A_493 : vector<1x1x256x128xi32>
      %broadcast_in_dim3A_495 = vector.shape_cast %eq3A_494 : vector<1x1x256x128xi1> to vector<1x1x256x128xi1>
      %broadcast_in_dim3A_496 = vector.broadcast %broadcast_in_dim3A_495 : vector<1x1x256x128xi1> to vector<2x4x256x128xi1>
      %select_n3A_497 = arith.select %broadcast_in_dim3A_496, %roll3A_488, %roll3A_489 : vector<2x4x256x128xi1>, vector<2x4x256x128xf32>
      %broadcast_in_dim3A_498 = vector.shape_cast %eq3A_494 : vector<1x1x256x128xi1> to vector<1x1x256x128xi1>
      %broadcast_in_dim3A_499 = vector.broadcast %broadcast_in_dim3A_498 : vector<1x1x256x128xi1> to vector<2x4x256x128xi1>
      %select_n3A_500 = arith.select %broadcast_in_dim3A_499, %get3A_445, %select_n3A_497 : vector<2x4x256x128xi1>, vector<2x4x256x128xf32>
      %broadcast_in_dim3A_501 = vector.shape_cast %eq3A_494 : vector<1x1x256x128xi1> to vector<1x1x256x128xi1>
      %broadcast_in_dim3A_502 = vector.broadcast %broadcast_in_dim3A_501 : vector<1x1x256x128xi1> to vector<2x4x256x128xi1>
      %select_n3A_503 = arith.select %broadcast_in_dim3A_502, %select_n3A_497, %get3A_445 : vector<2x4x256x128xi1>, vector<2x4x256x128xf32>
      %slice3A_504 = vector.extract_strided_slice %select_n3A_500 {offsets = [0, 0, 0, 0], sizes = [1, 4, 256, 128], strides = [1, 1, 1, 1]} : vector<2x4x256x128xf32> to vector<1x4x256x128xf32>
      %slice3A_505 = vector.extract_strided_slice %select_n3A_503 {offsets = [0, 0, 0, 0], sizes = [1, 4, 256, 128], strides = [1, 1, 1, 1]} : vector<2x4x256x128xf32> to vector<1x4x256x128xf32>
      %slice3A_506 = vector.extract_strided_slice %select_n3A_500 {offsets = [1, 0, 0, 0], sizes = [1, 4, 256, 128], strides = [1, 1, 1, 1]} : vector<2x4x256x128xf32> to vector<1x4x256x128xf32>
      %slice3A_507 = vector.extract_strided_slice %select_n3A_503 {offsets = [1, 0, 0, 0], sizes = [1, 4, 256, 128], strides = [1, 1, 1, 1]} : vector<2x4x256x128xf32> to vector<1x4x256x128xf32>
      %gt3A_508 = arith.cmpf ogt, %slice3A_504, %slice3A_505 : vector<1x4x256x128xf32>
      %eq3A_509 = arith.cmpf oeq, %slice3A_504, %slice3A_505 : vector<1x4x256x128xf32>
      %lt3A_510 = arith.cmpf olt, %slice3A_506, %slice3A_507 : vector<1x4x256x128xf32>
      %and3A_511 = arith.andi %eq3A_509, %lt3A_510 : vector<1x4x256x128xi1>
      %or3A_512 = arith.ori %gt3A_508, %and3A_511 : vector<1x4x256x128xi1>
      %jit3A_513 = arith.constant 1 : i32
      %jit3A_514 = arith.constant 0 : i32
      %broadcast_in_dim3A_515 = vector.broadcast %jit3A_513 : i32 to vector<1x4x256x128xi32>
      %broadcast_in_dim3A_516 = vector.broadcast %jit3A_514 : i32 to vector<1x4x256x128xi32>
      %select_n3A_517 = arith.select %or3A_512, %broadcast_in_dim3A_515, %broadcast_in_dim3A_516 : vector<1x4x256x128xi1>, vector<1x4x256x128xi32>
      %jit3A_518 = arith.constant 1 : i32
      %jit3A_519 = arith.constant 0 : i32
      %broadcast_in_dim3A_520 = vector.broadcast %jit3A_518 : i32 to vector<1x1x256x128xi32>
      %broadcast_in_dim3A_521 = vector.broadcast %jit3A_519 : i32 to vector<1x1x256x128xi32>
      %select_n3A_522 = arith.select %eq3A_338, %broadcast_in_dim3A_520, %broadcast_in_dim3A_521 : vector<1x1x256x128xi1>, vector<1x1x256x128xi32>
      %eq3A_523 = vector.broadcast %select_n3A_522 : vector<1x1x256x128xi32> to vector<1x4x256x128xi32>
      %eq3A_524 = arith.cmpi eq, %select_n3A_517, %eq3A_523 : vector<1x4x256x128xi32>
      %broadcast_in_dim3A_525 = vector.shape_cast %eq3A_524 : vector<1x4x256x128xi1> to vector<1x4x256x128xi1>
      %broadcast_in_dim3A_526 = vector.broadcast %broadcast_in_dim3A_525 : vector<1x4x256x128xi1> to vector<2x4x256x128xi1>
      %select_n3A_527 = arith.select %broadcast_in_dim3A_526, %get3A_445, %select_n3A_497 : vector<2x4x256x128xi1>, vector<2x4x256x128xf32>
      %swap3A_528 = arith.constant 0 : index
      %swap3A_529 = arith.constant 0 : index
      %swap3A_530 = arith.constant 0 : index
      %swap3A_531 = arith.constant 0 : index
      %swap3A_532 = vector.load %arg3[%swap3A_528, %swap3A_529, %swap3A_530, %swap3A_531] : memref<2x4x256x128xf32, #tpu.memory_space<vmem>>, vector<2x4x256x128xf32>
      tpu.vector_store %arg3[%swap3A_528, %swap3A_529, %swap3A_530, %swap3A_531], %select_n3A_527 {strides = array<i32>} : memref<2x4x256x128xf32, #tpu.memory_space<vmem>>, vector<2x4x256x128xf32>,
      %jit3A_533 = arith.constant 2 : i32
      %div3A_534 = arith.divsi %scan3A_440, %jit3A_533 : i32
      %sign3A_535 = arith.constant 0 : i32
      %sign3A_536 = arith.cmpi sgt, %scan3A_440, %sign3A_535 : i32
      %sign3A_537 = arith.extui %sign3A_536 : i1 to i32
      %sign3A_538 = arith.constant 0 : i32
      %sign3A_539 = arith.cmpi slt, %scan3A_440, %sign3A_538 : i32
      %sign3A_540 = arith.extui %sign3A_539 : i1 to i32
      %sign3A_541 = arith.subi %sign3A_537, %sign3A_540 : i32
      %sign3A_542 = arith.constant 0 : i32
      %sign3A_543 = arith.cmpi sgt, %jit3A_533, %sign3A_542 : i32
      %sign3A_544 = arith.extui %sign3A_543 : i1 to i32
      %sign3A_545 = arith.constant 0 : i32
      %sign3A_546 = arith.cmpi slt, %jit3A_533, %sign3A_545 : i32
      %sign3A_547 = arith.extui %sign3A_546 : i1 to i32
      %sign3A_548 = arith.subi %sign3A_544, %sign3A_547 : i32
      %ne3A_549 = arith.cmpi ne, %sign3A_541, %sign3A_548 : i32
      %rem3A_550 = arith.remsi %scan3A_440, %jit3A_533 : i32
      %ne3A_551 = arith.constant 0 : i32
      %ne3A_552 = arith.cmpi ne, %rem3A_550, %ne3A_551 : i32
      %and3A_553 = arith.andi %ne3A_549, %ne3A_552 : i1
      %sub3A_554 = arith.constant 1 : i32
      %sub3A_555 = arith.subi %div3A_534, %sub3A_554 : i32
      %select_n3A_556 = arith.select %and3A_553, %sub3A_555, %div3A_534 : i32
      scf.yield %select_n3A_556 : i32
    }
    %scan3A_345 = arith.constant 0 : i32
    %scan3A_346 = arith.constant 7 : i32
    %scan3A_347 = arith.addi %scan3A_345, %scan3A_346 : i32
    %scan3A_348 = arith.constant 1 : i32
    %scan3A_349 = scf.for %scan3A_439 = %scan3A_345 to %scan3A_347 step %scan3A_348 iter_args(%scan3A_440 = %scan3A_344) -> (i32)  : i32 {
      %get3A_441 = arith.constant 0 : index
      %get3A_442 = arith.constant 0 : index
      %get3A_443 = arith.constant 0 : index
      %get3A_444 = arith.constant 0 : index
      %get3A_445 = vector.load %arg3[%get3A_441, %get3A_442, %get3A_443, %get3A_444] : memref<2x4x256x128xf32, #tpu.memory_space<vmem>>, vector<2x4x256x128xf32>
      %sub3A_446 = arith.constant 128 : i32
      %sub3A_447 = arith.subi %sub3A_446, %scan3A_440 : i32
      %jit3A_448 = arith.constant 128 : i32
      %eq3A_449 = arith.constant 0 : i32
      %eq3A_450 = arith.cmpi eq, %jit3A_448, %eq3A_449 : i32
      %jit3A_451 = arith.constant 1 : i32
      %select_n3A_452 = arith.select %eq3A_450, %jit3A_451, %jit3A_448 : i32
      %rem3A_453 = arith.remsi %sub3A_447, %select_n3A_452 : i32
      %ne3A_454 = arith.constant 0 : i32
      %ne3A_455 = arith.cmpi ne, %rem3A_453, %ne3A_454 : i32
      %lt3A_456 = arith.constant 0 : i32
      %lt3A_457 = arith.cmpi slt, %rem3A_453, %lt3A_456 : i32
      %lt3A_458 = arith.constant 0 : i32
      %lt3A_459 = arith.cmpi slt, %select_n3A_452, %lt3A_458 : i32
      %ne3A_460 = arith.xori %lt3A_457, %lt3A_459 : i1
      %and3A_461 = arith.andi %ne3A_460, %ne3A_455 : i1
      %add3A_462 = arith.addi %rem3A_453, %select_n3A_452 : i32
      %select_n3A_463 = arith.select %and3A_461, %add3A_462, %rem3A_453 : i32
      %roll3A_464 = tpu.dynamic_rotate %get3A_445 by %select_n3A_463 dim 3 : vector<2x4x256x128xf32>, i32 -> vector<2x4x256x128xf32>
      %roll3A_465 = tpu.dynamic_rotate %get3A_445 by %scan3A_440 dim 3 : vector<2x4x256x128xf32>, i32 -> vector<2x4x256x128xf32>
      %and3A_466 = vector.broadcast %scan3A_440 : i32 to vector<1x1x256x128xi32>
      %and3A_467 = arith.andi %add3A, %and3A_466 : vector<1x1x256x128xi32>
      %eq3A_468 = arith.constant 0 : i32
      %eq3A_469 = vector.broadcast %eq3A_468 : i32 to vector<1x1x256x128xi32>
      %eq3A_470 = arith.cmpi eq, %and3A_467, %eq3A_469 : vector<1x1x256x128xi32>
      %broadcast_in_dim3A_471 = vector.shape_cast %eq3A_470 : vector<1x1x256x128xi1> to vector<1x1x256x128xi1>
      %broadcast_in_dim3A_472 = vector.broadcast %broadcast_in_dim3A_471 : vector<1x1x256x128xi1> to vector<2x4x256x128xi1>
      %select_n3A_473 = arith.select %broadcast_in_dim3A_472, %roll3A_464, %roll3A_465 : vector<2x4x256x128xi1>, vector<2x4x256x128xf32>
      %broadcast_in_dim3A_474 = vector.shape_cast %eq3A_470 : vector<1x1x256x128xi1> to vector<1x1x256x128xi1>
      %broadcast_in_dim3A_475 = vector.broadcast %broadcast_in_dim3A_474 : vector<1x1x256x128xi1> to vector<2x4x256x128xi1>
      %select_n3A_476 = arith.select %broadcast_in_dim3A_475, %get3A_445, %select_n3A_473 : vector<2x4x256x128xi1>, vector<2x4x256x128xf32>
      %broadcast_in_dim3A_477 = vector.shape_cast %eq3A_470 : vector<1x1x256x128xi1> to vector<1x1x256x128xi1>
      %broadcast_in_dim3A_478 = vector.broadcast %broadcast_in_dim3A_477 : vector<1x1x256x128xi1> to vector<2x4x256x128xi1>
      %select_n3A_479 = arith.select %broadcast_in_dim3A_478, %select_n3A_473, %get3A_445 : vector<2x4x256x128xi1>, vector<2x4x256x128xf32>
      %slice3A_480 = vector.extract_strided_slice %select_n3A_476 {offsets = [0, 0, 0, 0], sizes = [1, 4, 256, 128], strides = [1, 1, 1, 1]} : vector<2x4x256x128xf32> to vector<1x4x256x128xf32>
      %slice3A_481 = vector.extract_strided_slice %select_n3A_479 {offsets = [0, 0, 0, 0], sizes = [1, 4, 256, 128], strides = [1, 1, 1, 1]} : vector<2x4x256x128xf32> to vector<1x4x256x128xf32>
      %slice3A_482 = vector.extract_strided_slice %select_n3A_476 {offsets = [1, 0, 0, 0], sizes = [1, 4, 256, 128], strides = [1, 1, 1, 1]} : vector<2x4x256x128xf32> to vector<1x4x256x128xf32>
      %slice3A_483 = vector.extract_strided_slice %select_n3A_479 {offsets = [1, 0, 0, 0], sizes = [1, 4, 256, 128], strides = [1, 1, 1, 1]} : vector<2x4x256x128xf32> to vector<1x4x256x128xf32>
      %gt3A_484 = arith.cmpf ogt, %slice3A_480, %slice3A_481 : vector<1x4x256x128xf32>
      %eq3A_485 = arith.cmpf oeq, %slice3A_480, %slice3A_481 : vector<1x4x256x128xf32>
      %lt3A_486 = arith.cmpf olt, %slice3A_482, %slice3A_483 : vector<1x4x256x128xf32>
      %and3A_487 = arith.andi %eq3A_485, %lt3A_486 : vector<1x4x256x128xi1>
      %or3A_488 = arith.ori %gt3A_484, %and3A_487 : vector<1x4x256x128xi1>
      %jit3A_489 = arith.constant 1 : i32
      %jit3A_490 = arith.constant 0 : i32
      %broadcast_in_dim3A_491 = vector.broadcast %jit3A_489 : i32 to vector<1x4x256x128xi32>
      %broadcast_in_dim3A_492 = vector.broadcast %jit3A_490 : i32 to vector<1x4x256x128xi32>
      %select_n3A_493 = arith.select %or3A_488, %broadcast_in_dim3A_491, %broadcast_in_dim3A_492 : vector<1x4x256x128xi1>, vector<1x4x256x128xi32>
      %jit3A_494 = arith.constant 1 : i32
      %jit3A_495 = arith.constant 0 : i32
      %broadcast_in_dim3A_496 = vector.broadcast %jit3A_494 : i32 to vector<1x1x256x128xi32>
      %broadcast_in_dim3A_497 = vector.broadcast %jit3A_495 : i32 to vector<1x1x256x128xi32>
      %select_n3A_498 = arith.select %eq3A_338, %broadcast_in_dim3A_496, %broadcast_in_dim3A_497 : vector<1x1x256x128xi1>, vector<1x1x256x128xi32>
      %eq3A_499 = vector.broadcast %select_n3A_498 : vector<1x1x256x128xi32> to vector<1x4x256x128xi32>
      %eq3A_500 = arith.cmpi eq, %select_n3A_493, %eq3A_499 : vector<1x4x256x128xi32>
      %broadcast_in_dim3A_501 = vector.shape_cast %eq3A_500 : vector<1x4x256x128xi1> to vector<1x4x256x128xi1>
      %broadcast_in_dim3A_502 = vector.broadcast %broadcast_in_dim3A_501 : vector<1x4x256x128xi1> to vector<2x4x256x128xi1>
      %select_n3A_503 = arith.select %broadcast_in_dim3A_502, %get3A_445, %select_n3A_473 : vector<2x4x256x128xi1>, vector<2x4x256x128xf32>
      %swap3A_504 = arith.constant 0 : index
      %swap3A_505 = arith.constant 0 : index
      %swap3A_506 = arith.constant 0 : index
      %swap3A_507 = arith.constant 0 : index
      %swap3A_508 = vector.load %arg3[%swap3A_504, %swap3A_505, %swap3A_506, %swap3A_507] : memref<2x4x256x128xf32, #tpu.memory_space<vmem>>, vector<2x4x256x128xf32>
      tpu.vector_store %arg3[%swap3A_504, %swap3A_505, %swap3A_506, %swap3A_507], %select_n3A_503 {strides = array<i32>} : memref<2x4x256x128xf32, #tpu.memory_space<vmem>>, vector<2x4x256x128xf32>,
      %jit3A_509 = arith.constant 2 : i32
      %div3A_510 = arith.divsi %scan3A_440, %jit3A_509 : i32
      %sign3A_511 = arith.constant 0 : i32
      %sign3A_512 = arith.cmpi sgt, %scan3A_440, %sign3A_511 : i32
      %sign3A_513 = arith.extui %sign3A_512 : i1 to i32
      %sign3A_514 = arith.constant 0 : i32
      %sign3A_515 = arith.cmpi slt, %scan3A_440, %sign3A_514 : i32
      %sign3A_516 = arith.extui %sign3A_515 : i1 to i32
      %sign3A_517 = arith.subi %sign3A_513, %sign3A_516 : i32
      %sign3A_518 = arith.constant 0 : i32
      %sign3A_519 = arith.cmpi sgt, %jit3A_509, %sign3A_518 : i32
      %sign3A_520 = arith.extui %sign3A_519 : i1 to i32
      %sign3A_521 = arith.constant 0 : i32
      %sign3A_522 = arith.cmpi slt, %jit3A_509, %sign3A_521 : i32
      %sign3A_523 = arith.extui %sign3A_522 : i1 to i32
      %sign3A_524 = arith.subi %sign3A_520, %sign3A_523 : i32
      %ne3A_525 = arith.cmpi ne, %sign3A_517, %sign3A_524 : i32
      %rem3A_526 = arith.remsi %scan3A_440, %jit3A_509 : i32
      %ne3A_527 = arith.constant 0 : i32
      %ne3A_528 = arith.cmpi ne, %rem3A_526, %ne3A_527 : i32
      %and3A_529 = arith.andi %ne3A_525, %ne3A_528 : i1
      %sub3A_530 = arith.constant 1 : i32
      %sub3A_531 = arith.subi %div3A_510, %sub3A_530 : i32
      %select_n3A_532 = arith.select %and3A_529, %sub3A_531, %div3A_510 : i32
      scf.yield %select_n3A_532 : i32
    }
    %and3A_350 = arith.constant 4096 : i32
    %and3A_351 = vector.broadcast %and3A_350 : i32 to vector<1x1x256x128xi32>
    %and3A_352 = arith.andi %add3A, %and3A_351 : vector<1x1x256x128xi32>
    %eq3A_353 = arith.constant 0 : i32
    %eq3A_354 = vector.broadcast %eq3A_353 : i32 to vector<1x1x256x128xi32>
    %eq3A_355 = arith.cmpi eq, %and3A_352, %eq3A_354 : vector<1x1x256x128xi32>
    %scan3A_356 = arith.constant 2048 : i32
    %scan3A_357 = arith.constant 0 : i32
    %scan3A_358 = arith.constant 5 : i32
    %scan3A_359 = arith.addi %scan3A_357, %scan3A_358 : i32
    %scan3A_360 = arith.constant 1 : i32
    %scan3A_361 = scf.for %scan3A_439 = %scan3A_357 to %scan3A_359 step %scan3A_360 iter_args(%scan3A_440 = %scan3A_356) -> (i32)  : i32 {
      %get3A_441 = arith.constant 0 : index
      %get3A_442 = arith.constant 0 : index
      %get3A_443 = arith.constant 0 : index
      %get3A_444 = arith.constant 0 : index
      %get3A_445 = vector.load %arg3[%get3A_441, %get3A_442, %get3A_443, %get3A_444] : memref<2x4x256x128xf32, #tpu.memory_space<vmem>>, vector<2x4x256x128xf32>
      %jit3A_446 = arith.constant 128 : i32
      %div3A_447 = arith.divsi %scan3A_440, %jit3A_446 : i32
      %sign3A_448 = arith.constant 0 : i32
      %sign3A_449 = arith.cmpi sgt, %scan3A_440, %sign3A_448 : i32
      %sign3A_450 = arith.extui %sign3A_449 : i1 to i32
      %sign3A_451 = arith.constant 0 : i32
      %sign3A_452 = arith.cmpi slt, %scan3A_440, %sign3A_451 : i32
      %sign3A_453 = arith.extui %sign3A_452 : i1 to i32
      %sign3A_454 = arith.subi %sign3A_450, %sign3A_453 : i32
      %sign3A_455 = arith.constant 0 : i32
      %sign3A_456 = arith.cmpi sgt, %jit3A_446, %sign3A_455 : i32
      %sign3A_457 = arith.extui %sign3A_456 : i1 to i32
      %sign3A_458 = arith.constant 0 : i32
      %sign3A_459 = arith.cmpi slt, %jit3A_446, %sign3A_458 : i32
      %sign3A_460 = arith.extui %sign3A_459 : i1 to i32
      %sign3A_461 = arith.subi %sign3A_457, %sign3A_460 : i32
      %ne3A_462 = arith.cmpi ne, %sign3A_454, %sign3A_461 : i32
      %rem3A_463 = arith.remsi %scan3A_440, %jit3A_446 : i32
      %ne3A_464 = arith.constant 0 : i32
      %ne3A_465 = arith.cmpi ne, %rem3A_463, %ne3A_464 : i32
      %and3A_466 = arith.andi %ne3A_462, %ne3A_465 : i1
      %sub3A_467 = arith.constant 1 : i32
      %sub3A_468 = arith.subi %div3A_447, %sub3A_467 : i32
      %select_n3A_469 = arith.select %and3A_466, %sub3A_468, %div3A_447 : i32
      %sub3A_470 = arith.constant 256 : i32
      %sub3A_471 = arith.subi %sub3A_470, %select_n3A_469 : i32
      %jit3A_472 = arith.constant 256 : i32
      %eq3A_473 = arith.constant 0 : i32
      %eq3A_474 = arith.cmpi eq, %jit3A_472, %eq3A_473 : i32
      %jit3A_475 = arith.constant 1 : i32
      %select_n3A_476 = arith.select %eq3A_474, %jit3A_475, %jit3A_472 : i32
      %rem3A_477 = arith.remsi %sub3A_471, %select_n3A_476 : i32
      %ne3A_478 = arith.constant 0 : i32
      %ne3A_479 = arith.cmpi ne, %rem3A_477, %ne3A_478 : i32
      %lt3A_480 = arith.constant 0 : i32
      %lt3A_481 = arith.cmpi slt, %rem3A_477, %lt3A_480 : i32
      %lt3A_482 = arith.constant 0 : i32
      %lt3A_483 = arith.cmpi slt, %select_n3A_476, %lt3A_482 : i32
      %ne3A_484 = arith.xori %lt3A_481, %lt3A_483 : i1
      %and3A_485 = arith.andi %ne3A_484, %ne3A_479 : i1
      %add3A_486 = arith.addi %rem3A_477, %select_n3A_476 : i32
      %select_n3A_487 = arith.select %and3A_485, %add3A_486, %rem3A_477 : i32
      %roll3A_488 = tpu.dynamic_rotate %get3A_445 by %select_n3A_487 dim 2 : vector<2x4x256x128xf32>, i32 -> vector<2x4x256x128xf32>
      %roll3A_489 = tpu.dynamic_rotate %get3A_445 by %select_n3A_469 dim 2 : vector<2x4x256x128xf32>, i32 -> vector<2x4x256x128xf32>
      %and3A_490 = vector.broadcast %scan3A_440 : i32 to vector<1x1x256x128xi32>
      %and3A_491 = arith.andi %add3A, %and3A_490 : vector<1x1x256x128xi32>
      %eq3A_492 = arith.constant 0 : i32
      %eq3A_493 = vector.broadcast %eq3A_492 : i32 to vector<1x1x256x128xi32>
      %eq3A_494 = arith.cmpi eq, %and3A_491, %eq3A_493 : vector<1x1x256x128xi32>
      %broadcast_in_dim3A_495 = vector.shape_cast %eq3A_494 : vector<1x1x256x128xi1> to vector<1x1x256x128xi1>
      %broadcast_in_dim3A_496 = vector.broadcast %broadcast_in_dim3A_495 : vector<1x1x256x128xi1> to vector<2x4x256x128xi1>
      %select_n3A_497 = arith.select %broadcast_in_dim3A_496, %roll3A_488, %roll3A_489 : vector<2x4x256x128xi1>, vector<2x4x256x128xf32>
      %broadcast_in_dim3A_498 = vector.shape_cast %eq3A_494 : vector<1x1x256x128xi1> to vector<1x1x256x128xi1>
      %broadcast_in_dim3A_499 = vector.broadcast %broadcast_in_dim3A_498 : vector<1x1x256x128xi1> to vector<2x4x256x128xi1>
      %select_n3A_500 = arith.select %broadcast_in_dim3A_499, %get3A_445, %select_n3A_497 : vector<2x4x256x128xi1>, vector<2x4x256x128xf32>
      %broadcast_in_dim3A_501 = vector.shape_cast %eq3A_494 : vector<1x1x256x128xi1> to vector<1x1x256x128xi1>
      %broadcast_in_dim3A_502 = vector.broadcast %broadcast_in_dim3A_501 : vector<1x1x256x128xi1> to vector<2x4x256x128xi1>
      %select_n3A_503 = arith.select %broadcast_in_dim3A_502, %select_n3A_497, %get3A_445 : vector<2x4x256x128xi1>, vector<2x4x256x128xf32>
      %slice3A_504 = vector.extract_strided_slice %select_n3A_500 {offsets = [0, 0, 0, 0], sizes = [1, 4, 256, 128], strides = [1, 1, 1, 1]} : vector<2x4x256x128xf32> to vector<1x4x256x128xf32>
      %slice3A_505 = vector.extract_strided_slice %select_n3A_503 {offsets = [0, 0, 0, 0], sizes = [1, 4, 256, 128], strides = [1, 1, 1, 1]} : vector<2x4x256x128xf32> to vector<1x4x256x128xf32>
      %slice3A_506 = vector.extract_strided_slice %select_n3A_500 {offsets = [1, 0, 0, 0], sizes = [1, 4, 256, 128], strides = [1, 1, 1, 1]} : vector<2x4x256x128xf32> to vector<1x4x256x128xf32>
      %slice3A_507 = vector.extract_strided_slice %select_n3A_503 {offsets = [1, 0, 0, 0], sizes = [1, 4, 256, 128], strides = [1, 1, 1, 1]} : vector<2x4x256x128xf32> to vector<1x4x256x128xf32>
      %gt3A_508 = arith.cmpf ogt, %slice3A_504, %slice3A_505 : vector<1x4x256x128xf32>
      %eq3A_509 = arith.cmpf oeq, %slice3A_504, %slice3A_505 : vector<1x4x256x128xf32>
      %lt3A_510 = arith.cmpf olt, %slice3A_506, %slice3A_507 : vector<1x4x256x128xf32>
      %and3A_511 = arith.andi %eq3A_509, %lt3A_510 : vector<1x4x256x128xi1>
      %or3A_512 = arith.ori %gt3A_508, %and3A_511 : vector<1x4x256x128xi1>
      %jit3A_513 = arith.constant 1 : i32
      %jit3A_514 = arith.constant 0 : i32
      %broadcast_in_dim3A_515 = vector.broadcast %jit3A_513 : i32 to vector<1x4x256x128xi32>
      %broadcast_in_dim3A_516 = vector.broadcast %jit3A_514 : i32 to vector<1x4x256x128xi32>
      %select_n3A_517 = arith.select %or3A_512, %broadcast_in_dim3A_515, %broadcast_in_dim3A_516 : vector<1x4x256x128xi1>, vector<1x4x256x128xi32>
      %jit3A_518 = arith.constant 1 : i32
      %jit3A_519 = arith.constant 0 : i32
      %broadcast_in_dim3A_520 = vector.broadcast %jit3A_518 : i32 to vector<1x1x256x128xi32>
      %broadcast_in_dim3A_521 = vector.broadcast %jit3A_519 : i32 to vector<1x1x256x128xi32>
      %select_n3A_522 = arith.select %eq3A_355, %broadcast_in_dim3A_520, %broadcast_in_dim3A_521 : vector<1x1x256x128xi1>, vector<1x1x256x128xi32>
      %eq3A_523 = vector.broadcast %select_n3A_522 : vector<1x1x256x128xi32> to vector<1x4x256x128xi32>
      %eq3A_524 = arith.cmpi eq, %select_n3A_517, %eq3A_523 : vector<1x4x256x128xi32>
      %broadcast_in_dim3A_525 = vector.shape_cast %eq3A_524 : vector<1x4x256x128xi1> to vector<1x4x256x128xi1>
      %broadcast_in_dim3A_526 = vector.broadcast %broadcast_in_dim3A_525 : vector<1x4x256x128xi1> to vector<2x4x256x128xi1>
      %select_n3A_527 = arith.select %broadcast_in_dim3A_526, %get3A_445, %select_n3A_497 : vector<2x4x256x128xi1>, vector<2x4x256x128xf32>
      %swap3A_528 = arith.constant 0 : index
      %swap3A_529 = arith.constant 0 : index
      %swap3A_530 = arith.constant 0 : index
      %swap3A_531 = arith.constant 0 : index
      %swap3A_532 = vector.load %arg3[%swap3A_528, %swap3A_529, %swap3A_530, %swap3A_531] : memref<2x4x256x128xf32, #tpu.memory_space<vmem>>, vector<2x4x256x128xf32>
      tpu.vector_store %arg3[%swap3A_528, %swap3A_529, %swap3A_530, %swap3A_531], %select_n3A_527 {strides = array<i32>} : memref<2x4x256x128xf32, #tpu.memory_space<vmem>>, vector<2x4x256x128xf32>,
      %jit3A_533 = arith.constant 2 : i32
      %div3A_534 = arith.divsi %scan3A_440, %jit3A_533 : i32
      %sign3A_535 = arith.constant 0 : i32
      %sign3A_536 = arith.cmpi sgt, %scan3A_440, %sign3A_535 : i32
      %sign3A_537 = arith.extui %sign3A_536 : i1 to i32
      %sign3A_538 = arith.constant 0 : i32
      %sign3A_539 = arith.cmpi slt, %scan3A_440, %sign3A_538 : i32
      %sign3A_540 = arith.extui %sign3A_539 : i1 to i32
      %sign3A_541 = arith.subi %sign3A_537, %sign3A_540 : i32
      %sign3A_542 = arith.constant 0 : i32
      %sign3A_543 = arith.cmpi sgt, %jit3A_533, %sign3A_542 : i32
      %sign3A_544 = arith.extui %sign3A_543 : i1 to i32
      %sign3A_545 = arith.constant 0 : i32
      %sign3A_546 = arith.cmpi slt, %jit3A_533, %sign3A_545 : i32
      %sign3A_547 = arith.extui %sign3A_546 : i1 to i32
      %sign3A_548 = arith.subi %sign3A_544, %sign3A_547 : i32
      %ne3A_549 = arith.cmpi ne, %sign3A_541, %sign3A_548 : i32
      %rem3A_550 = arith.remsi %scan3A_440, %jit3A_533 : i32
      %ne3A_551 = arith.constant 0 : i32
      %ne3A_552 = arith.cmpi ne, %rem3A_550, %ne3A_551 : i32
      %and3A_553 = arith.andi %ne3A_549, %ne3A_552 : i1
      %sub3A_554 = arith.constant 1 : i32
      %sub3A_555 = arith.subi %div3A_534, %sub3A_554 : i32
      %select_n3A_556 = arith.select %and3A_553, %sub3A_555, %div3A_534 : i32
      scf.yield %select_n3A_556 : i32
    }
    %scan3A_362 = arith.constant 0 : i32
    %scan3A_363 = arith.constant 7 : i32
    %scan3A_364 = arith.addi %scan3A_362, %scan3A_363 : i32
    %scan3A_365 = arith.constant 1 : i32
    %scan3A_366 = scf.for %scan3A_439 = %scan3A_362 to %scan3A_364 step %scan3A_365 iter_args(%scan3A_440 = %scan3A_361) -> (i32)  : i32 {
      %get3A_441 = arith.constant 0 : index
      %get3A_442 = arith.constant 0 : index
      %get3A_443 = arith.constant 0 : index
      %get3A_444 = arith.constant 0 : index
      %get3A_445 = vector.load %arg3[%get3A_441, %get3A_442, %get3A_443, %get3A_444] : memref<2x4x256x128xf32, #tpu.memory_space<vmem>>, vector<2x4x256x128xf32>
      %sub3A_446 = arith.constant 128 : i32
      %sub3A_447 = arith.subi %sub3A_446, %scan3A_440 : i32
      %jit3A_448 = arith.constant 128 : i32
      %eq3A_449 = arith.constant 0 : i32
      %eq3A_450 = arith.cmpi eq, %jit3A_448, %eq3A_449 : i32
      %jit3A_451 = arith.constant 1 : i32
      %select_n3A_452 = arith.select %eq3A_450, %jit3A_451, %jit3A_448 : i32
      %rem3A_453 = arith.remsi %sub3A_447, %select_n3A_452 : i32
      %ne3A_454 = arith.constant 0 : i32
      %ne3A_455 = arith.cmpi ne, %rem3A_453, %ne3A_454 : i32
      %lt3A_456 = arith.constant 0 : i32
      %lt3A_457 = arith.cmpi slt, %rem3A_453, %lt3A_456 : i32
      %lt3A_458 = arith.constant 0 : i32
      %lt3A_459 = arith.cmpi slt, %select_n3A_452, %lt3A_458 : i32
      %ne3A_460 = arith.xori %lt3A_457, %lt3A_459 : i1
      %and3A_461 = arith.andi %ne3A_460, %ne3A_455 : i1
      %add3A_462 = arith.addi %rem3A_453, %select_n3A_452 : i32
      %select_n3A_463 = arith.select %and3A_461, %add3A_462, %rem3A_453 : i32
      %roll3A_464 = tpu.dynamic_rotate %get3A_445 by %select_n3A_463 dim 3 : vector<2x4x256x128xf32>, i32 -> vector<2x4x256x128xf32>
      %roll3A_465 = tpu.dynamic_rotate %get3A_445 by %scan3A_440 dim 3 : vector<2x4x256x128xf32>, i32 -> vector<2x4x256x128xf32>
      %and3A_466 = vector.broadcast %scan3A_440 : i32 to vector<1x1x256x128xi32>
      %and3A_467 = arith.andi %add3A, %and3A_466 : vector<1x1x256x128xi32>
      %eq3A_468 = arith.constant 0 : i32
      %eq3A_469 = vector.broadcast %eq3A_468 : i32 to vector<1x1x256x128xi32>
      %eq3A_470 = arith.cmpi eq, %and3A_467, %eq3A_469 : vector<1x1x256x128xi32>
      %broadcast_in_dim3A_471 = vector.shape_cast %eq3A_470 : vector<1x1x256x128xi1> to vector<1x1x256x128xi1>
      %broadcast_in_dim3A_472 = vector.broadcast %broadcast_in_dim3A_471 : vector<1x1x256x128xi1> to vector<2x4x256x128xi1>
      %select_n3A_473 = arith.select %broadcast_in_dim3A_472, %roll3A_464, %roll3A_465 : vector<2x4x256x128xi1>, vector<2x4x256x128xf32>
      %broadcast_in_dim3A_474 = vector.shape_cast %eq3A_470 : vector<1x1x256x128xi1> to vector<1x1x256x128xi1>
      %broadcast_in_dim3A_475 = vector.broadcast %broadcast_in_dim3A_474 : vector<1x1x256x128xi1> to vector<2x4x256x128xi1>
      %select_n3A_476 = arith.select %broadcast_in_dim3A_475, %get3A_445, %select_n3A_473 : vector<2x4x256x128xi1>, vector<2x4x256x128xf32>
      %broadcast_in_dim3A_477 = vector.shape_cast %eq3A_470 : vector<1x1x256x128xi1> to vector<1x1x256x128xi1>
      %broadcast_in_dim3A_478 = vector.broadcast %broadcast_in_dim3A_477 : vector<1x1x256x128xi1> to vector<2x4x256x128xi1>
      %select_n3A_479 = arith.select %broadcast_in_dim3A_478, %select_n3A_473, %get3A_445 : vector<2x4x256x128xi1>, vector<2x4x256x128xf32>
      %slice3A_480 = vector.extract_strided_slice %select_n3A_476 {offsets = [0, 0, 0, 0], sizes = [1, 4, 256, 128], strides = [1, 1, 1, 1]} : vector<2x4x256x128xf32> to vector<1x4x256x128xf32>
      %slice3A_481 = vector.extract_strided_slice %select_n3A_479 {offsets = [0, 0, 0, 0], sizes = [1, 4, 256, 128], strides = [1, 1, 1, 1]} : vector<2x4x256x128xf32> to vector<1x4x256x128xf32>
      %slice3A_482 = vector.extract_strided_slice %select_n3A_476 {offsets = [1, 0, 0, 0], sizes = [1, 4, 256, 128], strides = [1, 1, 1, 1]} : vector<2x4x256x128xf32> to vector<1x4x256x128xf32>
      %slice3A_483 = vector.extract_strided_slice %select_n3A_479 {offsets = [1, 0, 0, 0], sizes = [1, 4, 256, 128], strides = [1, 1, 1, 1]} : vector<2x4x256x128xf32> to vector<1x4x256x128xf32>
      %gt3A_484 = arith.cmpf ogt, %slice3A_480, %slice3A_481 : vector<1x4x256x128xf32>
      %eq3A_485 = arith.cmpf oeq, %slice3A_480, %slice3A_481 : vector<1x4x256x128xf32>
      %lt3A_486 = arith.cmpf olt, %slice3A_482, %slice3A_483 : vector<1x4x256x128xf32>
      %and3A_487 = arith.andi %eq3A_485, %lt3A_486 : vector<1x4x256x128xi1>
      %or3A_488 = arith.ori %gt3A_484, %and3A_487 : vector<1x4x256x128xi1>
      %jit3A_489 = arith.constant 1 : i32
      %jit3A_490 = arith.constant 0 : i32
      %broadcast_in_dim3A_491 = vector.broadcast %jit3A_489 : i32 to vector<1x4x256x128xi32>
      %broadcast_in_dim3A_492 = vector.broadcast %jit3A_490 : i32 to vector<1x4x256x128xi32>
      %select_n3A_493 = arith.select %or3A_488, %broadcast_in_dim3A_491, %broadcast_in_dim3A_492 : vector<1x4x256x128xi1>, vector<1x4x256x128xi32>
      %jit3A_494 = arith.constant 1 : i32
      %jit3A_495 = arith.constant 0 : i32
      %broadcast_in_dim3A_496 = vector.broadcast %jit3A_494 : i32 to vector<1x1x256x128xi32>
      %broadcast_in_dim3A_497 = vector.broadcast %jit3A_495 : i32 to vector<1x1x256x128xi32>
      %select_n3A_498 = arith.select %eq3A_355, %broadcast_in_dim3A_496, %broadcast_in_dim3A_497 : vector<1x1x256x128xi1>, vector<1x1x256x128xi32>
      %eq3A_499 = vector.broadcast %select_n3A_498 : vector<1x1x256x128xi32> to vector<1x4x256x128xi32>
      %eq3A_500 = arith.cmpi eq, %select_n3A_493, %eq3A_499 : vector<1x4x256x128xi32>
      %broadcast_in_dim3A_501 = vector.shape_cast %eq3A_500 : vector<1x4x256x128xi1> to vector<1x4x256x128xi1>
      %broadcast_in_dim3A_502 = vector.broadcast %broadcast_in_dim3A_501 : vector<1x4x256x128xi1> to vector<2x4x256x128xi1>
      %select_n3A_503 = arith.select %broadcast_in_dim3A_502, %get3A_445, %select_n3A_473 : vector<2x4x256x128xi1>, vector<2x4x256x128xf32>
      %swap3A_504 = arith.constant 0 : index
      %swap3A_505 = arith.constant 0 : index
      %swap3A_506 = arith.constant 0 : index
      %swap3A_507 = arith.constant 0 : index
      %swap3A_508 = vector.load %arg3[%swap3A_504, %swap3A_505, %swap3A_506, %swap3A_507] : memref<2x4x256x128xf32, #tpu.memory_space<vmem>>, vector<2x4x256x128xf32>
      tpu.vector_store %arg3[%swap3A_504, %swap3A_505, %swap3A_506, %swap3A_507], %select_n3A_503 {strides = array<i32>} : memref<2x4x256x128xf32, #tpu.memory_space<vmem>>, vector<2x4x256x128xf32>,
      %jit3A_509 = arith.constant 2 : i32
      %div3A_510 = arith.divsi %scan3A_440, %jit3A_509 : i32
      %sign3A_511 = arith.constant 0 : i32
      %sign3A_512 = arith.cmpi sgt, %scan3A_440, %sign3A_511 : i32
      %sign3A_513 = arith.extui %sign3A_512 : i1 to i32
      %sign3A_514 = arith.constant 0 : i32
      %sign3A_515 = arith.cmpi slt, %scan3A_440, %sign3A_514 : i32
      %sign3A_516 = arith.extui %sign3A_515 : i1 to i32
      %sign3A_517 = arith.subi %sign3A_513, %sign3A_516 : i32
      %sign3A_518 = arith.constant 0 : i32
      %sign3A_519 = arith.cmpi sgt, %jit3A_509, %sign3A_518 : i32
      %sign3A_520 = arith.extui %sign3A_519 : i1 to i32
      %sign3A_521 = arith.constant 0 : i32
      %sign3A_522 = arith.cmpi slt, %jit3A_509, %sign3A_521 : i32
      %sign3A_523 = arith.extui %sign3A_522 : i1 to i32
      %sign3A_524 = arith.subi %sign3A_520, %sign3A_523 : i32
      %ne3A_525 = arith.cmpi ne, %sign3A_517, %sign3A_524 : i32
      %rem3A_526 = arith.remsi %scan3A_440, %jit3A_509 : i32
      %ne3A_527 = arith.constant 0 : i32
      %ne3A_528 = arith.cmpi ne, %rem3A_526, %ne3A_527 : i32
      %and3A_529 = arith.andi %ne3A_525, %ne3A_528 : i1
      %sub3A_530 = arith.constant 1 : i32
      %sub3A_531 = arith.subi %div3A_510, %sub3A_530 : i32
      %select_n3A_532 = arith.select %and3A_529, %sub3A_531, %div3A_510 : i32
      scf.yield %select_n3A_532 : i32
    }
    %and3A_367 = arith.constant 8192 : i32
    %and3A_368 = vector.broadcast %and3A_367 : i32 to vector<1x1x256x128xi32>
    %and3A_369 = arith.andi %add3A, %and3A_368 : vector<1x1x256x128xi32>
    %eq3A_370 = arith.constant 0 : i32
    %eq3A_371 = vector.broadcast %eq3A_370 : i32 to vector<1x1x256x128xi32>
    %eq3A_372 = arith.cmpi eq, %and3A_369, %eq3A_371 : vector<1x1x256x128xi32>
    %scan3A_373 = arith.constant 4096 : i32
    %scan3A_374 = arith.constant 0 : i32
    %scan3A_375 = arith.constant 6 : i32
    %scan3A_376 = arith.addi %scan3A_374, %scan3A_375 : i32
    %scan3A_377 = arith.constant 1 : i32
    %scan3A_378 = scf.for %scan3A_439 = %scan3A_374 to %scan3A_376 step %scan3A_377 iter_args(%scan3A_440 = %scan3A_373) -> (i32)  : i32 {
      %get3A_441 = arith.constant 0 : index
      %get3A_442 = arith.constant 0 : index
      %get3A_443 = arith.constant 0 : index
      %get3A_444 = arith.constant 0 : index
      %get3A_445 = vector.load %arg3[%get3A_441, %get3A_442, %get3A_443, %get3A_444] : memref<2x4x256x128xf32, #tpu.memory_space<vmem>>, vector<2x4x256x128xf32>
      %jit3A_446 = arith.constant 128 : i32
      %div3A_447 = arith.divsi %scan3A_440, %jit3A_446 : i32
      %sign3A_448 = arith.constant 0 : i32
      %sign3A_449 = arith.cmpi sgt, %scan3A_440, %sign3A_448 : i32
      %sign3A_450 = arith.extui %sign3A_449 : i1 to i32
      %sign3A_451 = arith.constant 0 : i32
      %sign3A_452 = arith.cmpi slt, %scan3A_440, %sign3A_451 : i32
      %sign3A_453 = arith.extui %sign3A_452 : i1 to i32
      %sign3A_454 = arith.subi %sign3A_450, %sign3A_453 : i32
      %sign3A_455 = arith.constant 0 : i32
      %sign3A_456 = arith.cmpi sgt, %jit3A_446, %sign3A_455 : i32
      %sign3A_457 = arith.extui %sign3A_456 : i1 to i32
      %sign3A_458 = arith.constant 0 : i32
      %sign3A_459 = arith.cmpi slt, %jit3A_446, %sign3A_458 : i32
      %sign3A_460 = arith.extui %sign3A_459 : i1 to i32
      %sign3A_461 = arith.subi %sign3A_457, %sign3A_460 : i32
      %ne3A_462 = arith.cmpi ne, %sign3A_454, %sign3A_461 : i32
      %rem3A_463 = arith.remsi %scan3A_440, %jit3A_446 : i32
      %ne3A_464 = arith.constant 0 : i32
      %ne3A_465 = arith.cmpi ne, %rem3A_463, %ne3A_464 : i32
      %and3A_466 = arith.andi %ne3A_462, %ne3A_465 : i1
      %sub3A_467 = arith.constant 1 : i32
      %sub3A_468 = arith.subi %div3A_447, %sub3A_467 : i32
      %select_n3A_469 = arith.select %and3A_466, %sub3A_468, %div3A_447 : i32
      %sub3A_470 = arith.constant 256 : i32
      %sub3A_471 = arith.subi %sub3A_470, %select_n3A_469 : i32
      %jit3A_472 = arith.constant 256 : i32
      %eq3A_473 = arith.constant 0 : i32
      %eq3A_474 = arith.cmpi eq, %jit3A_472, %eq3A_473 : i32
      %jit3A_475 = arith.constant 1 : i32
      %select_n3A_476 = arith.select %eq3A_474, %jit3A_475, %jit3A_472 : i32
      %rem3A_477 = arith.remsi %sub3A_471, %select_n3A_476 : i32
      %ne3A_478 = arith.constant 0 : i32
      %ne3A_479 = arith.cmpi ne, %rem3A_477, %ne3A_478 : i32
      %lt3A_480 = arith.constant 0 : i32
      %lt3A_481 = arith.cmpi slt, %rem3A_477, %lt3A_480 : i32
      %lt3A_482 = arith.constant 0 : i32
      %lt3A_483 = arith.cmpi slt, %select_n3A_476, %lt3A_482 : i32
      %ne3A_484 = arith.xori %lt3A_481, %lt3A_483 : i1
      %and3A_485 = arith.andi %ne3A_484, %ne3A_479 : i1
      %add3A_486 = arith.addi %rem3A_477, %select_n3A_476 : i32
      %select_n3A_487 = arith.select %and3A_485, %add3A_486, %rem3A_477 : i32
      %roll3A_488 = tpu.dynamic_rotate %get3A_445 by %select_n3A_487 dim 2 : vector<2x4x256x128xf32>, i32 -> vector<2x4x256x128xf32>
      %roll3A_489 = tpu.dynamic_rotate %get3A_445 by %select_n3A_469 dim 2 : vector<2x4x256x128xf32>, i32 -> vector<2x4x256x128xf32>
      %and3A_490 = vector.broadcast %scan3A_440 : i32 to vector<1x1x256x128xi32>
      %and3A_491 = arith.andi %add3A, %and3A_490 : vector<1x1x256x128xi32>
      %eq3A_492 = arith.constant 0 : i32
      %eq3A_493 = vector.broadcast %eq3A_492 : i32 to vector<1x1x256x128xi32>
      %eq3A_494 = arith.cmpi eq, %and3A_491, %eq3A_493 : vector<1x1x256x128xi32>
      %broadcast_in_dim3A_495 = vector.shape_cast %eq3A_494 : vector<1x1x256x128xi1> to vector<1x1x256x128xi1>
      %broadcast_in_dim3A_496 = vector.broadcast %broadcast_in_dim3A_495 : vector<1x1x256x128xi1> to vector<2x4x256x128xi1>
      %select_n3A_497 = arith.select %broadcast_in_dim3A_496, %roll3A_488, %roll3A_489 : vector<2x4x256x128xi1>, vector<2x4x256x128xf32>
      %broadcast_in_dim3A_498 = vector.shape_cast %eq3A_494 : vector<1x1x256x128xi1> to vector<1x1x256x128xi1>
      %broadcast_in_dim3A_499 = vector.broadcast %broadcast_in_dim3A_498 : vector<1x1x256x128xi1> to vector<2x4x256x128xi1>
      %select_n3A_500 = arith.select %broadcast_in_dim3A_499, %get3A_445, %select_n3A_497 : vector<2x4x256x128xi1>, vector<2x4x256x128xf32>
      %broadcast_in_dim3A_501 = vector.shape_cast %eq3A_494 : vector<1x1x256x128xi1> to vector<1x1x256x128xi1>
      %broadcast_in_dim3A_502 = vector.broadcast %broadcast_in_dim3A_501 : vector<1x1x256x128xi1> to vector<2x4x256x128xi1>
      %select_n3A_503 = arith.select %broadcast_in_dim3A_502, %select_n3A_497, %get3A_445 : vector<2x4x256x128xi1>, vector<2x4x256x128xf32>
      %slice3A_504 = vector.extract_strided_slice %select_n3A_500 {offsets = [0, 0, 0, 0], sizes = [1, 4, 256, 128], strides = [1, 1, 1, 1]} : vector<2x4x256x128xf32> to vector<1x4x256x128xf32>
      %slice3A_505 = vector.extract_strided_slice %select_n3A_503 {offsets = [0, 0, 0, 0], sizes = [1, 4, 256, 128], strides = [1, 1, 1, 1]} : vector<2x4x256x128xf32> to vector<1x4x256x128xf32>
      %slice3A_506 = vector.extract_strided_slice %select_n3A_500 {offsets = [1, 0, 0, 0], sizes = [1, 4, 256, 128], strides = [1, 1, 1, 1]} : vector<2x4x256x128xf32> to vector<1x4x256x128xf32>
      %slice3A_507 = vector.extract_strided_slice %select_n3A_503 {offsets = [1, 0, 0, 0], sizes = [1, 4, 256, 128], strides = [1, 1, 1, 1]} : vector<2x4x256x128xf32> to vector<1x4x256x128xf32>
      %gt3A_508 = arith.cmpf ogt, %slice3A_504, %slice3A_505 : vector<1x4x256x128xf32>
      %eq3A_509 = arith.cmpf oeq, %slice3A_504, %slice3A_505 : vector<1x4x256x128xf32>
      %lt3A_510 = arith.cmpf olt, %slice3A_506, %slice3A_507 : vector<1x4x256x128xf32>
      %and3A_511 = arith.andi %eq3A_509, %lt3A_510 : vector<1x4x256x128xi1>
      %or3A_512 = arith.ori %gt3A_508, %and3A_511 : vector<1x4x256x128xi1>
      %jit3A_513 = arith.constant 1 : i32
      %jit3A_514 = arith.constant 0 : i32
      %broadcast_in_dim3A_515 = vector.broadcast %jit3A_513 : i32 to vector<1x4x256x128xi32>
      %broadcast_in_dim3A_516 = vector.broadcast %jit3A_514 : i32 to vector<1x4x256x128xi32>
      %select_n3A_517 = arith.select %or3A_512, %broadcast_in_dim3A_515, %broadcast_in_dim3A_516 : vector<1x4x256x128xi1>, vector<1x4x256x128xi32>
      %jit3A_518 = arith.constant 1 : i32
      %jit3A_519 = arith.constant 0 : i32
      %broadcast_in_dim3A_520 = vector.broadcast %jit3A_518 : i32 to vector<1x1x256x128xi32>
      %broadcast_in_dim3A_521 = vector.broadcast %jit3A_519 : i32 to vector<1x1x256x128xi32>
      %select_n3A_522 = arith.select %eq3A_372, %broadcast_in_dim3A_520, %broadcast_in_dim3A_521 : vector<1x1x256x128xi1>, vector<1x1x256x128xi32>
      %eq3A_523 = vector.broadcast %select_n3A_522 : vector<1x1x256x128xi32> to vector<1x4x256x128xi32>
      %eq3A_524 = arith.cmpi eq, %select_n3A_517, %eq3A_523 : vector<1x4x256x128xi32>
      %broadcast_in_dim3A_525 = vector.shape_cast %eq3A_524 : vector<1x4x256x128xi1> to vector<1x4x256x128xi1>
      %broadcast_in_dim3A_526 = vector.broadcast %broadcast_in_dim3A_525 : vector<1x4x256x128xi1> to vector<2x4x256x128xi1>
      %select_n3A_527 = arith.select %broadcast_in_dim3A_526, %get3A_445, %select_n3A_497 : vector<2x4x256x128xi1>, vector<2x4x256x128xf32>
      %swap3A_528 = arith.constant 0 : index
      %swap3A_529 = arith.constant 0 : index
      %swap3A_530 = arith.constant 0 : index
      %swap3A_531 = arith.constant 0 : index
      %swap3A_532 = vector.load %arg3[%swap3A_528, %swap3A_529, %swap3A_530, %swap3A_531] : memref<2x4x256x128xf32, #tpu.memory_space<vmem>>, vector<2x4x256x128xf32>
      tpu.vector_store %arg3[%swap3A_528, %swap3A_529, %swap3A_530, %swap3A_531], %select_n3A_527 {strides = array<i32>} : memref<2x4x256x128xf32, #tpu.memory_space<vmem>>, vector<2x4x256x128xf32>,
      %jit3A_533 = arith.constant 2 : i32
      %div3A_534 = arith.divsi %scan3A_440, %jit3A_533 : i32
      %sign3A_535 = arith.constant 0 : i32
      %sign3A_536 = arith.cmpi sgt, %scan3A_440, %sign3A_535 : i32
      %sign3A_537 = arith.extui %sign3A_536 : i1 to i32
      %sign3A_538 = arith.constant 0 : i32
      %sign3A_539 = arith.cmpi slt, %scan3A_440, %sign3A_538 : i32
      %sign3A_540 = arith.extui %sign3A_539 : i1 to i32
      %sign3A_541 = arith.subi %sign3A_537, %sign3A_540 : i32
      %sign3A_542 = arith.constant 0 : i32
      %sign3A_543 = arith.cmpi sgt, %jit3A_533, %sign3A_542 : i32
      %sign3A_544 = arith.extui %sign3A_543 : i1 to i32
      %sign3A_545 = arith.constant 0 : i32
      %sign3A_546 = arith.cmpi slt, %jit3A_533, %sign3A_545 : i32
      %sign3A_547 = arith.extui %sign3A_546 : i1 to i32
      %sign3A_548 = arith.subi %sign3A_544, %sign3A_547 : i32
      %ne3A_549 = arith.cmpi ne, %sign3A_541, %sign3A_548 : i32
      %rem3A_550 = arith.remsi %scan3A_440, %jit3A_533 : i32
      %ne3A_551 = arith.constant 0 : i32
      %ne3A_552 = arith.cmpi ne, %rem3A_550, %ne3A_551 : i32
      %and3A_553 = arith.andi %ne3A_549, %ne3A_552 : i1
      %sub3A_554 = arith.constant 1 : i32
      %sub3A_555 = arith.subi %div3A_534, %sub3A_554 : i32
      %select_n3A_556 = arith.select %and3A_553, %sub3A_555, %div3A_534 : i32
      scf.yield %select_n3A_556 : i32
    }
    %scan3A_379 = arith.constant 0 : i32
    %scan3A_380 = arith.constant 7 : i32
    %scan3A_381 = arith.addi %scan3A_379, %scan3A_380 : i32
    %scan3A_382 = arith.constant 1 : i32
    %scan3A_383 = scf.for %scan3A_439 = %scan3A_379 to %scan3A_381 step %scan3A_382 iter_args(%scan3A_440 = %scan3A_378) -> (i32)  : i32 {
      %get3A_441 = arith.constant 0 : index
      %get3A_442 = arith.constant 0 : index
      %get3A_443 = arith.constant 0 : index
      %get3A_444 = arith.constant 0 : index
      %get3A_445 = vector.load %arg3[%get3A_441, %get3A_442, %get3A_443, %get3A_444] : memref<2x4x256x128xf32, #tpu.memory_space<vmem>>, vector<2x4x256x128xf32>
      %sub3A_446 = arith.constant 128 : i32
      %sub3A_447 = arith.subi %sub3A_446, %scan3A_440 : i32
      %jit3A_448 = arith.constant 128 : i32
      %eq3A_449 = arith.constant 0 : i32
      %eq3A_450 = arith.cmpi eq, %jit3A_448, %eq3A_449 : i32
      %jit3A_451 = arith.constant 1 : i32
      %select_n3A_452 = arith.select %eq3A_450, %jit3A_451, %jit3A_448 : i32
      %rem3A_453 = arith.remsi %sub3A_447, %select_n3A_452 : i32
      %ne3A_454 = arith.constant 0 : i32
      %ne3A_455 = arith.cmpi ne, %rem3A_453, %ne3A_454 : i32
      %lt3A_456 = arith.constant 0 : i32
      %lt3A_457 = arith.cmpi slt, %rem3A_453, %lt3A_456 : i32
      %lt3A_458 = arith.constant 0 : i32
      %lt3A_459 = arith.cmpi slt, %select_n3A_452, %lt3A_458 : i32
      %ne3A_460 = arith.xori %lt3A_457, %lt3A_459 : i1
      %and3A_461 = arith.andi %ne3A_460, %ne3A_455 : i1
      %add3A_462 = arith.addi %rem3A_453, %select_n3A_452 : i32
      %select_n3A_463 = arith.select %and3A_461, %add3A_462, %rem3A_453 : i32
      %roll3A_464 = tpu.dynamic_rotate %get3A_445 by %select_n3A_463 dim 3 : vector<2x4x256x128xf32>, i32 -> vector<2x4x256x128xf32>
      %roll3A_465 = tpu.dynamic_rotate %get3A_445 by %scan3A_440 dim 3 : vector<2x4x256x128xf32>, i32 -> vector<2x4x256x128xf32>
      %and3A_466 = vector.broadcast %scan3A_440 : i32 to vector<1x1x256x128xi32>
      %and3A_467 = arith.andi %add3A, %and3A_466 : vector<1x1x256x128xi32>
      %eq3A_468 = arith.constant 0 : i32
      %eq3A_469 = vector.broadcast %eq3A_468 : i32 to vector<1x1x256x128xi32>
      %eq3A_470 = arith.cmpi eq, %and3A_467, %eq3A_469 : vector<1x1x256x128xi32>
      %broadcast_in_dim3A_471 = vector.shape_cast %eq3A_470 : vector<1x1x256x128xi1> to vector<1x1x256x128xi1>
      %broadcast_in_dim3A_472 = vector.broadcast %broadcast_in_dim3A_471 : vector<1x1x256x128xi1> to vector<2x4x256x128xi1>
      %select_n3A_473 = arith.select %broadcast_in_dim3A_472, %roll3A_464, %roll3A_465 : vector<2x4x256x128xi1>, vector<2x4x256x128xf32>
      %broadcast_in_dim3A_474 = vector.shape_cast %eq3A_470 : vector<1x1x256x128xi1> to vector<1x1x256x128xi1>
      %broadcast_in_dim3A_475 = vector.broadcast %broadcast_in_dim3A_474 : vector<1x1x256x128xi1> to vector<2x4x256x128xi1>
      %select_n3A_476 = arith.select %broadcast_in_dim3A_475, %get3A_445, %select_n3A_473 : vector<2x4x256x128xi1>, vector<2x4x256x128xf32>
      %broadcast_in_dim3A_477 = vector.shape_cast %eq3A_470 : vector<1x1x256x128xi1> to vector<1x1x256x128xi1>
      %broadcast_in_dim3A_478 = vector.broadcast %broadcast_in_dim3A_477 : vector<1x1x256x128xi1> to vector<2x4x256x128xi1>
      %select_n3A_479 = arith.select %broadcast_in_dim3A_478, %select_n3A_473, %get3A_445 : vector<2x4x256x128xi1>, vector<2x4x256x128xf32>
      %slice3A_480 = vector.extract_strided_slice %select_n3A_476 {offsets = [0, 0, 0, 0], sizes = [1, 4, 256, 128], strides = [1, 1, 1, 1]} : vector<2x4x256x128xf32> to vector<1x4x256x128xf32>
      %slice3A_481 = vector.extract_strided_slice %select_n3A_479 {offsets = [0, 0, 0, 0], sizes = [1, 4, 256, 128], strides = [1, 1, 1, 1]} : vector<2x4x256x128xf32> to vector<1x4x256x128xf32>
      %slice3A_482 = vector.extract_strided_slice %select_n3A_476 {offsets = [1, 0, 0, 0], sizes = [1, 4, 256, 128], strides = [1, 1, 1, 1]} : vector<2x4x256x128xf32> to vector<1x4x256x128xf32>
      %slice3A_483 = vector.extract_strided_slice %select_n3A_479 {offsets = [1, 0, 0, 0], sizes = [1, 4, 256, 128], strides = [1, 1, 1, 1]} : vector<2x4x256x128xf32> to vector<1x4x256x128xf32>
      %gt3A_484 = arith.cmpf ogt, %slice3A_480, %slice3A_481 : vector<1x4x256x128xf32>
      %eq3A_485 = arith.cmpf oeq, %slice3A_480, %slice3A_481 : vector<1x4x256x128xf32>
      %lt3A_486 = arith.cmpf olt, %slice3A_482, %slice3A_483 : vector<1x4x256x128xf32>
      %and3A_487 = arith.andi %eq3A_485, %lt3A_486 : vector<1x4x256x128xi1>
      %or3A_488 = arith.ori %gt3A_484, %and3A_487 : vector<1x4x256x128xi1>
      %jit3A_489 = arith.constant 1 : i32
      %jit3A_490 = arith.constant 0 : i32
      %broadcast_in_dim3A_491 = vector.broadcast %jit3A_489 : i32 to vector<1x4x256x128xi32>
      %broadcast_in_dim3A_492 = vector.broadcast %jit3A_490 : i32 to vector<1x4x256x128xi32>
      %select_n3A_493 = arith.select %or3A_488, %broadcast_in_dim3A_491, %broadcast_in_dim3A_492 : vector<1x4x256x128xi1>, vector<1x4x256x128xi32>
      %jit3A_494 = arith.constant 1 : i32
      %jit3A_495 = arith.constant 0 : i32
      %broadcast_in_dim3A_496 = vector.broadcast %jit3A_494 : i32 to vector<1x1x256x128xi32>
      %broadcast_in_dim3A_497 = vector.broadcast %jit3A_495 : i32 to vector<1x1x256x128xi32>
      %select_n3A_498 = arith.select %eq3A_372, %broadcast_in_dim3A_496, %broadcast_in_dim3A_497 : vector<1x1x256x128xi1>, vector<1x1x256x128xi32>
      %eq3A_499 = vector.broadcast %select_n3A_498 : vector<1x1x256x128xi32> to vector<1x4x256x128xi32>
      %eq3A_500 = arith.cmpi eq, %select_n3A_493, %eq3A_499 : vector<1x4x256x128xi32>
      %broadcast_in_dim3A_501 = vector.shape_cast %eq3A_500 : vector<1x4x256x128xi1> to vector<1x4x256x128xi1>
      %broadcast_in_dim3A_502 = vector.broadcast %broadcast_in_dim3A_501 : vector<1x4x256x128xi1> to vector<2x4x256x128xi1>
      %select_n3A_503 = arith.select %broadcast_in_dim3A_502, %get3A_445, %select_n3A_473 : vector<2x4x256x128xi1>, vector<2x4x256x128xf32>
      %swap3A_504 = arith.constant 0 : index
      %swap3A_505 = arith.constant 0 : index
      %swap3A_506 = arith.constant 0 : index
      %swap3A_507 = arith.constant 0 : index
      %swap3A_508 = vector.load %arg3[%swap3A_504, %swap3A_505, %swap3A_506, %swap3A_507] : memref<2x4x256x128xf32, #tpu.memory_space<vmem>>, vector<2x4x256x128xf32>
      tpu.vector_store %arg3[%swap3A_504, %swap3A_505, %swap3A_506, %swap3A_507], %select_n3A_503 {strides = array<i32>} : memref<2x4x256x128xf32, #tpu.memory_space<vmem>>, vector<2x4x256x128xf32>,
      %jit3A_509 = arith.constant 2 : i32
      %div3A_510 = arith.divsi %scan3A_440, %jit3A_509 : i32
      %sign3A_511 = arith.constant 0 : i32
      %sign3A_512 = arith.cmpi sgt, %scan3A_440, %sign3A_511 : i32
      %sign3A_513 = arith.extui %sign3A_512 : i1 to i32
      %sign3A_514 = arith.constant 0 : i32
      %sign3A_515 = arith.cmpi slt, %scan3A_440, %sign3A_514 : i32
      %sign3A_516 = arith.extui %sign3A_515 : i1 to i32
      %sign3A_517 = arith.subi %sign3A_513, %sign3A_516 : i32
      %sign3A_518 = arith.constant 0 : i32
      %sign3A_519 = arith.cmpi sgt, %jit3A_509, %sign3A_518 : i32
      %sign3A_520 = arith.extui %sign3A_519 : i1 to i32
      %sign3A_521 = arith.constant 0 : i32
      %sign3A_522 = arith.cmpi slt, %jit3A_509, %sign3A_521 : i32
      %sign3A_523 = arith.extui %sign3A_522 : i1 to i32
      %sign3A_524 = arith.subi %sign3A_520, %sign3A_523 : i32
      %ne3A_525 = arith.cmpi ne, %sign3A_517, %sign3A_524 : i32
      %rem3A_526 = arith.remsi %scan3A_440, %jit3A_509 : i32
      %ne3A_527 = arith.constant 0 : i32
      %ne3A_528 = arith.cmpi ne, %rem3A_526, %ne3A_527 : i32
      %and3A_529 = arith.andi %ne3A_525, %ne3A_528 : i1
      %sub3A_530 = arith.constant 1 : i32
      %sub3A_531 = arith.subi %div3A_510, %sub3A_530 : i32
      %select_n3A_532 = arith.select %and3A_529, %sub3A_531, %div3A_510 : i32
      scf.yield %select_n3A_532 : i32
    }
    %and3A_384 = arith.constant 16384 : i32
    %and3A_385 = vector.broadcast %and3A_384 : i32 to vector<1x1x256x128xi32>
    %and3A_386 = arith.andi %add3A, %and3A_385 : vector<1x1x256x128xi32>
    %eq3A_387 = arith.constant 0 : i32
    %eq3A_388 = vector.broadcast %eq3A_387 : i32 to vector<1x1x256x128xi32>
    %eq3A_389 = arith.cmpi eq, %and3A_386, %eq3A_388 : vector<1x1x256x128xi32>
    %scan3A_390 = arith.constant 8192 : i32
    %scan3A_391 = arith.constant 0 : i32
    %scan3A_392 = arith.constant 7 : i32
    %scan3A_393 = arith.addi %scan3A_391, %scan3A_392 : i32
    %scan3A_394 = arith.constant 1 : i32
    %scan3A_395 = scf.for %scan3A_439 = %scan3A_391 to %scan3A_393 step %scan3A_394 iter_args(%scan3A_440 = %scan3A_390) -> (i32)  : i32 {
      %get3A_441 = arith.constant 0 : index
      %get3A_442 = arith.constant 0 : index
      %get3A_443 = arith.constant 0 : index
      %get3A_444 = arith.constant 0 : index
      %get3A_445 = vector.load %arg3[%get3A_441, %get3A_442, %get3A_443, %get3A_444] : memref<2x4x256x128xf32, #tpu.memory_space<vmem>>, vector<2x4x256x128xf32>
      %jit3A_446 = arith.constant 128 : i32
      %div3A_447 = arith.divsi %scan3A_440, %jit3A_446 : i32
      %sign3A_448 = arith.constant 0 : i32
      %sign3A_449 = arith.cmpi sgt, %scan3A_440, %sign3A_448 : i32
      %sign3A_450 = arith.extui %sign3A_449 : i1 to i32
      %sign3A_451 = arith.constant 0 : i32
      %sign3A_452 = arith.cmpi slt, %scan3A_440, %sign3A_451 : i32
      %sign3A_453 = arith.extui %sign3A_452 : i1 to i32
      %sign3A_454 = arith.subi %sign3A_450, %sign3A_453 : i32
      %sign3A_455 = arith.constant 0 : i32
      %sign3A_456 = arith.cmpi sgt, %jit3A_446, %sign3A_455 : i32
      %sign3A_457 = arith.extui %sign3A_456 : i1 to i32
      %sign3A_458 = arith.constant 0 : i32
      %sign3A_459 = arith.cmpi slt, %jit3A_446, %sign3A_458 : i32
      %sign3A_460 = arith.extui %sign3A_459 : i1 to i32
      %sign3A_461 = arith.subi %sign3A_457, %sign3A_460 : i32
      %ne3A_462 = arith.cmpi ne, %sign3A_454, %sign3A_461 : i32
      %rem3A_463 = arith.remsi %scan3A_440, %jit3A_446 : i32
      %ne3A_464 = arith.constant 0 : i32
      %ne3A_465 = arith.cmpi ne, %rem3A_463, %ne3A_464 : i32
      %and3A_466 = arith.andi %ne3A_462, %ne3A_465 : i1
      %sub3A_467 = arith.constant 1 : i32
      %sub3A_468 = arith.subi %div3A_447, %sub3A_467 : i32
      %select_n3A_469 = arith.select %and3A_466, %sub3A_468, %div3A_447 : i32
      %sub3A_470 = arith.constant 256 : i32
      %sub3A_471 = arith.subi %sub3A_470, %select_n3A_469 : i32
      %jit3A_472 = arith.constant 256 : i32
      %eq3A_473 = arith.constant 0 : i32
      %eq3A_474 = arith.cmpi eq, %jit3A_472, %eq3A_473 : i32
      %jit3A_475 = arith.constant 1 : i32
      %select_n3A_476 = arith.select %eq3A_474, %jit3A_475, %jit3A_472 : i32
      %rem3A_477 = arith.remsi %sub3A_471, %select_n3A_476 : i32
      %ne3A_478 = arith.constant 0 : i32
      %ne3A_479 = arith.cmpi ne, %rem3A_477, %ne3A_478 : i32
      %lt3A_480 = arith.constant 0 : i32
      %lt3A_481 = arith.cmpi slt, %rem3A_477, %lt3A_480 : i32
      %lt3A_482 = arith.constant 0 : i32
      %lt3A_483 = arith.cmpi slt, %select_n3A_476, %lt3A_482 : i32
      %ne3A_484 = arith.xori %lt3A_481, %lt3A_483 : i1
      %and3A_485 = arith.andi %ne3A_484, %ne3A_479 : i1
      %add3A_486 = arith.addi %rem3A_477, %select_n3A_476 : i32
      %select_n3A_487 = arith.select %and3A_485, %add3A_486, %rem3A_477 : i32
      %roll3A_488 = tpu.dynamic_rotate %get3A_445 by %select_n3A_487 dim 2 : vector<2x4x256x128xf32>, i32 -> vector<2x4x256x128xf32>
      %roll3A_489 = tpu.dynamic_rotate %get3A_445 by %select_n3A_469 dim 2 : vector<2x4x256x128xf32>, i32 -> vector<2x4x256x128xf32>
      %and3A_490 = vector.broadcast %scan3A_440 : i32 to vector<1x1x256x128xi32>
      %and3A_491 = arith.andi %add3A, %and3A_490 : vector<1x1x256x128xi32>
      %eq3A_492 = arith.constant 0 : i32
      %eq3A_493 = vector.broadcast %eq3A_492 : i32 to vector<1x1x256x128xi32>
      %eq3A_494 = arith.cmpi eq, %and3A_491, %eq3A_493 : vector<1x1x256x128xi32>
      %broadcast_in_dim3A_495 = vector.shape_cast %eq3A_494 : vector<1x1x256x128xi1> to vector<1x1x256x128xi1>
      %broadcast_in_dim3A_496 = vector.broadcast %broadcast_in_dim3A_495 : vector<1x1x256x128xi1> to vector<2x4x256x128xi1>
      %select_n3A_497 = arith.select %broadcast_in_dim3A_496, %roll3A_488, %roll3A_489 : vector<2x4x256x128xi1>, vector<2x4x256x128xf32>
      %broadcast_in_dim3A_498 = vector.shape_cast %eq3A_494 : vector<1x1x256x128xi1> to vector<1x1x256x128xi1>
      %broadcast_in_dim3A_499 = vector.broadcast %broadcast_in_dim3A_498 : vector<1x1x256x128xi1> to vector<2x4x256x128xi1>
      %select_n3A_500 = arith.select %broadcast_in_dim3A_499, %get3A_445, %select_n3A_497 : vector<2x4x256x128xi1>, vector<2x4x256x128xf32>
      %broadcast_in_dim3A_501 = vector.shape_cast %eq3A_494 : vector<1x1x256x128xi1> to vector<1x1x256x128xi1>
      %broadcast_in_dim3A_502 = vector.broadcast %broadcast_in_dim3A_501 : vector<1x1x256x128xi1> to vector<2x4x256x128xi1>
      %select_n3A_503 = arith.select %broadcast_in_dim3A_502, %select_n3A_497, %get3A_445 : vector<2x4x256x128xi1>, vector<2x4x256x128xf32>
      %slice3A_504 = vector.extract_strided_slice %select_n3A_500 {offsets = [0, 0, 0, 0], sizes = [1, 4, 256, 128], strides = [1, 1, 1, 1]} : vector<2x4x256x128xf32> to vector<1x4x256x128xf32>
      %slice3A_505 = vector.extract_strided_slice %select_n3A_503 {offsets = [0, 0, 0, 0], sizes = [1, 4, 256, 128], strides = [1, 1, 1, 1]} : vector<2x4x256x128xf32> to vector<1x4x256x128xf32>
      %slice3A_506 = vector.extract_strided_slice %select_n3A_500 {offsets = [1, 0, 0, 0], sizes = [1, 4, 256, 128], strides = [1, 1, 1, 1]} : vector<2x4x256x128xf32> to vector<1x4x256x128xf32>
      %slice3A_507 = vector.extract_strided_slice %select_n3A_503 {offsets = [1, 0, 0, 0], sizes = [1, 4, 256, 128], strides = [1, 1, 1, 1]} : vector<2x4x256x128xf32> to vector<1x4x256x128xf32>
      %gt3A_508 = arith.cmpf ogt, %slice3A_504, %slice3A_505 : vector<1x4x256x128xf32>
      %eq3A_509 = arith.cmpf oeq, %slice3A_504, %slice3A_505 : vector<1x4x256x128xf32>
      %lt3A_510 = arith.cmpf olt, %slice3A_506, %slice3A_507 : vector<1x4x256x128xf32>
      %and3A_511 = arith.andi %eq3A_509, %lt3A_510 : vector<1x4x256x128xi1>
      %or3A_512 = arith.ori %gt3A_508, %and3A_511 : vector<1x4x256x128xi1>
      %jit3A_513 = arith.constant 1 : i32
      %jit3A_514 = arith.constant 0 : i32
      %broadcast_in_dim3A_515 = vector.broadcast %jit3A_513 : i32 to vector<1x4x256x128xi32>
      %broadcast_in_dim3A_516 = vector.broadcast %jit3A_514 : i32 to vector<1x4x256x128xi32>
      %select_n3A_517 = arith.select %or3A_512, %broadcast_in_dim3A_515, %broadcast_in_dim3A_516 : vector<1x4x256x128xi1>, vector<1x4x256x128xi32>
      %jit3A_518 = arith.constant 1 : i32
      %jit3A_519 = arith.constant 0 : i32
      %broadcast_in_dim3A_520 = vector.broadcast %jit3A_518 : i32 to vector<1x1x256x128xi32>
      %broadcast_in_dim3A_521 = vector.broadcast %jit3A_519 : i32 to vector<1x1x256x128xi32>
      %select_n3A_522 = arith.select %eq3A_389, %broadcast_in_dim3A_520, %broadcast_in_dim3A_521 : vector<1x1x256x128xi1>, vector<1x1x256x128xi32>
      %eq3A_523 = vector.broadcast %select_n3A_522 : vector<1x1x256x128xi32> to vector<1x4x256x128xi32>
      %eq3A_524 = arith.cmpi eq, %select_n3A_517, %eq3A_523 : vector<1x4x256x128xi32>
      %broadcast_in_dim3A_525 = vector.shape_cast %eq3A_524 : vector<1x4x256x128xi1> to vector<1x4x256x128xi1>
      %broadcast_in_dim3A_526 = vector.broadcast %broadcast_in_dim3A_525 : vector<1x4x256x128xi1> to vector<2x4x256x128xi1>
      %select_n3A_527 = arith.select %broadcast_in_dim3A_526, %get3A_445, %select_n3A_497 : vector<2x4x256x128xi1>, vector<2x4x256x128xf32>
      %swap3A_528 = arith.constant 0 : index
      %swap3A_529 = arith.constant 0 : index
      %swap3A_530 = arith.constant 0 : index
      %swap3A_531 = arith.constant 0 : index
      %swap3A_532 = vector.load %arg3[%swap3A_528, %swap3A_529, %swap3A_530, %swap3A_531] : memref<2x4x256x128xf32, #tpu.memory_space<vmem>>, vector<2x4x256x128xf32>
      tpu.vector_store %arg3[%swap3A_528, %swap3A_529, %swap3A_530, %swap3A_531], %select_n3A_527 {strides = array<i32>} : memref<2x4x256x128xf32, #tpu.memory_space<vmem>>, vector<2x4x256x128xf32>,
      %jit3A_533 = arith.constant 2 : i32
      %div3A_534 = arith.divsi %scan3A_440, %jit3A_533 : i32
      %sign3A_535 = arith.constant 0 : i32
      %sign3A_536 = arith.cmpi sgt, %scan3A_440, %sign3A_535 : i32
      %sign3A_537 = arith.extui %sign3A_536 : i1 to i32
      %sign3A_538 = arith.constant 0 : i32
      %sign3A_539 = arith.cmpi slt, %scan3A_440, %sign3A_538 : i32
      %sign3A_540 = arith.extui %sign3A_539 : i1 to i32
      %sign3A_541 = arith.subi %sign3A_537, %sign3A_540 : i32
      %sign3A_542 = arith.constant 0 : i32
      %sign3A_543 = arith.cmpi sgt, %jit3A_533, %sign3A_542 : i32
      %sign3A_544 = arith.extui %sign3A_543 : i1 to i32
      %sign3A_545 = arith.constant 0 : i32
      %sign3A_546 = arith.cmpi slt, %jit3A_533, %sign3A_545 : i32
      %sign3A_547 = arith.extui %sign3A_546 : i1 to i32
      %sign3A_548 = arith.subi %sign3A_544, %sign3A_547 : i32
      %ne3A_549 = arith.cmpi ne, %sign3A_541, %sign3A_548 : i32
      %rem3A_550 = arith.remsi %scan3A_440, %jit3A_533 : i32
      %ne3A_551 = arith.constant 0 : i32
      %ne3A_552 = arith.cmpi ne, %rem3A_550, %ne3A_551 : i32
      %and3A_553 = arith.andi %ne3A_549, %ne3A_552 : i1
      %sub3A_554 = arith.constant 1 : i32
      %sub3A_555 = arith.subi %div3A_534, %sub3A_554 : i32
      %select_n3A_556 = arith.select %and3A_553, %sub3A_555, %div3A_534 : i32
      scf.yield %select_n3A_556 : i32
    }
    %scan3A_396 = arith.constant 0 : i32
    %scan3A_397 = arith.constant 7 : i32
    %scan3A_398 = arith.addi %scan3A_396, %scan3A_397 : i32
    %scan3A_399 = arith.constant 1 : i32
    %scan3A_400 = scf.for %scan3A_439 = %scan3A_396 to %scan3A_398 step %scan3A_399 iter_args(%scan3A_440 = %scan3A_395) -> (i32)  : i32 {
      %get3A_441 = arith.constant 0 : index
      %get3A_442 = arith.constant 0 : index
      %get3A_443 = arith.constant 0 : index
      %get3A_444 = arith.constant 0 : index
      %get3A_445 = vector.load %arg3[%get3A_441, %get3A_442, %get3A_443, %get3A_444] : memref<2x4x256x128xf32, #tpu.memory_space<vmem>>, vector<2x4x256x128xf32>
      %sub3A_446 = arith.constant 128 : i32
      %sub3A_447 = arith.subi %sub3A_446, %scan3A_440 : i32
      %jit3A_448 = arith.constant 128 : i32
      %eq3A_449 = arith.constant 0 : i32
      %eq3A_450 = arith.cmpi eq, %jit3A_448, %eq3A_449 : i32
      %jit3A_451 = arith.constant 1 : i32
      %select_n3A_452 = arith.select %eq3A_450, %jit3A_451, %jit3A_448 : i32
      %rem3A_453 = arith.remsi %sub3A_447, %select_n3A_452 : i32
      %ne3A_454 = arith.constant 0 : i32
      %ne3A_455 = arith.cmpi ne, %rem3A_453, %ne3A_454 : i32
      %lt3A_456 = arith.constant 0 : i32
      %lt3A_457 = arith.cmpi slt, %rem3A_453, %lt3A_456 : i32
      %lt3A_458 = arith.constant 0 : i32
      %lt3A_459 = arith.cmpi slt, %select_n3A_452, %lt3A_458 : i32
      %ne3A_460 = arith.xori %lt3A_457, %lt3A_459 : i1
      %and3A_461 = arith.andi %ne3A_460, %ne3A_455 : i1
      %add3A_462 = arith.addi %rem3A_453, %select_n3A_452 : i32
      %select_n3A_463 = arith.select %and3A_461, %add3A_462, %rem3A_453 : i32
      %roll3A_464 = tpu.dynamic_rotate %get3A_445 by %select_n3A_463 dim 3 : vector<2x4x256x128xf32>, i32 -> vector<2x4x256x128xf32>
      %roll3A_465 = tpu.dynamic_rotate %get3A_445 by %scan3A_440 dim 3 : vector<2x4x256x128xf32>, i32 -> vector<2x4x256x128xf32>
      %and3A_466 = vector.broadcast %scan3A_440 : i32 to vector<1x1x256x128xi32>
      %and3A_467 = arith.andi %add3A, %and3A_466 : vector<1x1x256x128xi32>
      %eq3A_468 = arith.constant 0 : i32
      %eq3A_469 = vector.broadcast %eq3A_468 : i32 to vector<1x1x256x128xi32>
      %eq3A_470 = arith.cmpi eq, %and3A_467, %eq3A_469 : vector<1x1x256x128xi32>
      %broadcast_in_dim3A_471 = vector.shape_cast %eq3A_470 : vector<1x1x256x128xi1> to vector<1x1x256x128xi1>
      %broadcast_in_dim3A_472 = vector.broadcast %broadcast_in_dim3A_471 : vector<1x1x256x128xi1> to vector<2x4x256x128xi1>
      %select_n3A_473 = arith.select %broadcast_in_dim3A_472, %roll3A_464, %roll3A_465 : vector<2x4x256x128xi1>, vector<2x4x256x128xf32>
      %broadcast_in_dim3A_474 = vector.shape_cast %eq3A_470 : vector<1x1x256x128xi1> to vector<1x1x256x128xi1>
      %broadcast_in_dim3A_475 = vector.broadcast %broadcast_in_dim3A_474 : vector<1x1x256x128xi1> to vector<2x4x256x128xi1>
      %select_n3A_476 = arith.select %broadcast_in_dim3A_475, %get3A_445, %select_n3A_473 : vector<2x4x256x128xi1>, vector<2x4x256x128xf32>
      %broadcast_in_dim3A_477 = vector.shape_cast %eq3A_470 : vector<1x1x256x128xi1> to vector<1x1x256x128xi1>
      %broadcast_in_dim3A_478 = vector.broadcast %broadcast_in_dim3A_477 : vector<1x1x256x128xi1> to vector<2x4x256x128xi1>
      %select_n3A_479 = arith.select %broadcast_in_dim3A_478, %select_n3A_473, %get3A_445 : vector<2x4x256x128xi1>, vector<2x4x256x128xf32>
      %slice3A_480 = vector.extract_strided_slice %select_n3A_476 {offsets = [0, 0, 0, 0], sizes = [1, 4, 256, 128], strides = [1, 1, 1, 1]} : vector<2x4x256x128xf32> to vector<1x4x256x128xf32>
      %slice3A_481 = vector.extract_strided_slice %select_n3A_479 {offsets = [0, 0, 0, 0], sizes = [1, 4, 256, 128], strides = [1, 1, 1, 1]} : vector<2x4x256x128xf32> to vector<1x4x256x128xf32>
      %slice3A_482 = vector.extract_strided_slice %select_n3A_476 {offsets = [1, 0, 0, 0], sizes = [1, 4, 256, 128], strides = [1, 1, 1, 1]} : vector<2x4x256x128xf32> to vector<1x4x256x128xf32>
      %slice3A_483 = vector.extract_strided_slice %select_n3A_479 {offsets = [1, 0, 0, 0], sizes = [1, 4, 256, 128], strides = [1, 1, 1, 1]} : vector<2x4x256x128xf32> to vector<1x4x256x128xf32>
      %gt3A_484 = arith.cmpf ogt, %slice3A_480, %slice3A_481 : vector<1x4x256x128xf32>
      %eq3A_485 = arith.cmpf oeq, %slice3A_480, %slice3A_481 : vector<1x4x256x128xf32>
      %lt3A_486 = arith.cmpf olt, %slice3A_482, %slice3A_483 : vector<1x4x256x128xf32>
      %and3A_487 = arith.andi %eq3A_485, %lt3A_486 : vector<1x4x256x128xi1>
      %or3A_488 = arith.ori %gt3A_484, %and3A_487 : vector<1x4x256x128xi1>
      %jit3A_489 = arith.constant 1 : i32
      %jit3A_490 = arith.constant 0 : i32
      %broadcast_in_dim3A_491 = vector.broadcast %jit3A_489 : i32 to vector<1x4x256x128xi32>
      %broadcast_in_dim3A_492 = vector.broadcast %jit3A_490 : i32 to vector<1x4x256x128xi32>
      %select_n3A_493 = arith.select %or3A_488, %broadcast_in_dim3A_491, %broadcast_in_dim3A_492 : vector<1x4x256x128xi1>, vector<1x4x256x128xi32>
      %jit3A_494 = arith.constant 1 : i32
      %jit3A_495 = arith.constant 0 : i32
      %broadcast_in_dim3A_496 = vector.broadcast %jit3A_494 : i32 to vector<1x1x256x128xi32>
      %broadcast_in_dim3A_497 = vector.broadcast %jit3A_495 : i32 to vector<1x1x256x128xi32>
      %select_n3A_498 = arith.select %eq3A_389, %broadcast_in_dim3A_496, %broadcast_in_dim3A_497 : vector<1x1x256x128xi1>, vector<1x1x256x128xi32>
      %eq3A_499 = vector.broadcast %select_n3A_498 : vector<1x1x256x128xi32> to vector<1x4x256x128xi32>
      %eq3A_500 = arith.cmpi eq, %select_n3A_493, %eq3A_499 : vector<1x4x256x128xi32>
      %broadcast_in_dim3A_501 = vector.shape_cast %eq3A_500 : vector<1x4x256x128xi1> to vector<1x4x256x128xi1>
      %broadcast_in_dim3A_502 = vector.broadcast %broadcast_in_dim3A_501 : vector<1x4x256x128xi1> to vector<2x4x256x128xi1>
      %select_n3A_503 = arith.select %broadcast_in_dim3A_502, %get3A_445, %select_n3A_473 : vector<2x4x256x128xi1>, vector<2x4x256x128xf32>
      %swap3A_504 = arith.constant 0 : index
      %swap3A_505 = arith.constant 0 : index
      %swap3A_506 = arith.constant 0 : index
      %swap3A_507 = arith.constant 0 : index
      %swap3A_508 = vector.load %arg3[%swap3A_504, %swap3A_505, %swap3A_506, %swap3A_507] : memref<2x4x256x128xf32, #tpu.memory_space<vmem>>, vector<2x4x256x128xf32>
      tpu.vector_store %arg3[%swap3A_504, %swap3A_505, %swap3A_506, %swap3A_507], %select_n3A_503 {strides = array<i32>} : memref<2x4x256x128xf32, #tpu.memory_space<vmem>>, vector<2x4x256x128xf32>,
      %jit3A_509 = arith.constant 2 : i32
      %div3A_510 = arith.divsi %scan3A_440, %jit3A_509 : i32
      %sign3A_511 = arith.constant 0 : i32
      %sign3A_512 = arith.cmpi sgt, %scan3A_440, %sign3A_511 : i32
      %sign3A_513 = arith.extui %sign3A_512 : i1 to i32
      %sign3A_514 = arith.constant 0 : i32
      %sign3A_515 = arith.cmpi slt, %scan3A_440, %sign3A_514 : i32
      %sign3A_516 = arith.extui %sign3A_515 : i1 to i32
      %sign3A_517 = arith.subi %sign3A_513, %sign3A_516 : i32
      %sign3A_518 = arith.constant 0 : i32
      %sign3A_519 = arith.cmpi sgt, %jit3A_509, %sign3A_518 : i32
      %sign3A_520 = arith.extui %sign3A_519 : i1 to i32
      %sign3A_521 = arith.constant 0 : i32
      %sign3A_522 = arith.cmpi slt, %jit3A_509, %sign3A_521 : i32
      %sign3A_523 = arith.extui %sign3A_522 : i1 to i32
      %sign3A_524 = arith.subi %sign3A_520, %sign3A_523 : i32
      %ne3A_525 = arith.cmpi ne, %sign3A_517, %sign3A_524 : i32
      %rem3A_526 = arith.remsi %scan3A_440, %jit3A_509 : i32
      %ne3A_527 = arith.constant 0 : i32
      %ne3A_528 = arith.cmpi ne, %rem3A_526, %ne3A_527 : i32
      %and3A_529 = arith.andi %ne3A_525, %ne3A_528 : i1
      %sub3A_530 = arith.constant 1 : i32
      %sub3A_531 = arith.subi %div3A_510, %sub3A_530 : i32
      %select_n3A_532 = arith.select %and3A_529, %sub3A_531, %div3A_510 : i32
      scf.yield %select_n3A_532 : i32
    }
    %and3A_401 = arith.constant 32768 : i32
    %and3A_402 = vector.broadcast %and3A_401 : i32 to vector<1x1x256x128xi32>
    %and3A_403 = arith.andi %add3A, %and3A_402 : vector<1x1x256x128xi32>
    %eq3A_404 = arith.constant 0 : i32
    %eq3A_405 = vector.broadcast %eq3A_404 : i32 to vector<1x1x256x128xi32>
    %eq3A_406 = arith.cmpi eq, %and3A_403, %eq3A_405 : vector<1x1x256x128xi32>
    %scan3A_407 = arith.constant 16384 : i32
    %scan3A_408 = arith.constant 0 : i32
    %scan3A_409 = arith.constant 8 : i32
    %scan3A_410 = arith.addi %scan3A_408, %scan3A_409 : i32
    %scan3A_411 = arith.constant 1 : i32
    %scan3A_412 = scf.for %scan3A_439 = %scan3A_408 to %scan3A_410 step %scan3A_411 iter_args(%scan3A_440 = %scan3A_407) -> (i32)  : i32 {
      %get3A_441 = arith.constant 0 : index
      %get3A_442 = arith.constant 0 : index
      %get3A_443 = arith.constant 0 : index
      %get3A_444 = arith.constant 0 : index
      %get3A_445 = vector.load %arg3[%get3A_441, %get3A_442, %get3A_443, %get3A_444] : memref<2x4x256x128xf32, #tpu.memory_space<vmem>>, vector<2x4x256x128xf32>
      %jit3A_446 = arith.constant 128 : i32
      %div3A_447 = arith.divsi %scan3A_440, %jit3A_446 : i32
      %sign3A_448 = arith.constant 0 : i32
      %sign3A_449 = arith.cmpi sgt, %scan3A_440, %sign3A_448 : i32
      %sign3A_450 = arith.extui %sign3A_449 : i1 to i32
      %sign3A_451 = arith.constant 0 : i32
      %sign3A_452 = arith.cmpi slt, %scan3A_440, %sign3A_451 : i32
      %sign3A_453 = arith.extui %sign3A_452 : i1 to i32
      %sign3A_454 = arith.subi %sign3A_450, %sign3A_453 : i32
      %sign3A_455 = arith.constant 0 : i32
      %sign3A_456 = arith.cmpi sgt, %jit3A_446, %sign3A_455 : i32
      %sign3A_457 = arith.extui %sign3A_456 : i1 to i32
      %sign3A_458 = arith.constant 0 : i32
      %sign3A_459 = arith.cmpi slt, %jit3A_446, %sign3A_458 : i32
      %sign3A_460 = arith.extui %sign3A_459 : i1 to i32
      %sign3A_461 = arith.subi %sign3A_457, %sign3A_460 : i32
      %ne3A_462 = arith.cmpi ne, %sign3A_454, %sign3A_461 : i32
      %rem3A_463 = arith.remsi %scan3A_440, %jit3A_446 : i32
      %ne3A_464 = arith.constant 0 : i32
      %ne3A_465 = arith.cmpi ne, %rem3A_463, %ne3A_464 : i32
      %and3A_466 = arith.andi %ne3A_462, %ne3A_465 : i1
      %sub3A_467 = arith.constant 1 : i32
      %sub3A_468 = arith.subi %div3A_447, %sub3A_467 : i32
      %select_n3A_469 = arith.select %and3A_466, %sub3A_468, %div3A_447 : i32
      %sub3A_470 = arith.constant 256 : i32
      %sub3A_471 = arith.subi %sub3A_470, %select_n3A_469 : i32
      %jit3A_472 = arith.constant 256 : i32
      %eq3A_473 = arith.constant 0 : i32
      %eq3A_474 = arith.cmpi eq, %jit3A_472, %eq3A_473 : i32
      %jit3A_475 = arith.constant 1 : i32
      %select_n3A_476 = arith.select %eq3A_474, %jit3A_475, %jit3A_472 : i32
      %rem3A_477 = arith.remsi %sub3A_471, %select_n3A_476 : i32
      %ne3A_478 = arith.constant 0 : i32
      %ne3A_479 = arith.cmpi ne, %rem3A_477, %ne3A_478 : i32
      %lt3A_480 = arith.constant 0 : i32
      %lt3A_481 = arith.cmpi slt, %rem3A_477, %lt3A_480 : i32
      %lt3A_482 = arith.constant 0 : i32
      %lt3A_483 = arith.cmpi slt, %select_n3A_476, %lt3A_482 : i32
      %ne3A_484 = arith.xori %lt3A_481, %lt3A_483 : i1
      %and3A_485 = arith.andi %ne3A_484, %ne3A_479 : i1
      %add3A_486 = arith.addi %rem3A_477, %select_n3A_476 : i32
      %select_n3A_487 = arith.select %and3A_485, %add3A_486, %rem3A_477 : i32
      %roll3A_488 = tpu.dynamic_rotate %get3A_445 by %select_n3A_487 dim 2 : vector<2x4x256x128xf32>, i32 -> vector<2x4x256x128xf32>
      %roll3A_489 = tpu.dynamic_rotate %get3A_445 by %select_n3A_469 dim 2 : vector<2x4x256x128xf32>, i32 -> vector<2x4x256x128xf32>
      %and3A_490 = vector.broadcast %scan3A_440 : i32 to vector<1x1x256x128xi32>
      %and3A_491 = arith.andi %add3A, %and3A_490 : vector<1x1x256x128xi32>
      %eq3A_492 = arith.constant 0 : i32
      %eq3A_493 = vector.broadcast %eq3A_492 : i32 to vector<1x1x256x128xi32>
      %eq3A_494 = arith.cmpi eq, %and3A_491, %eq3A_493 : vector<1x1x256x128xi32>
      %broadcast_in_dim3A_495 = vector.shape_cast %eq3A_494 : vector<1x1x256x128xi1> to vector<1x1x256x128xi1>
      %broadcast_in_dim3A_496 = vector.broadcast %broadcast_in_dim3A_495 : vector<1x1x256x128xi1> to vector<2x4x256x128xi1>
      %select_n3A_497 = arith.select %broadcast_in_dim3A_496, %roll3A_488, %roll3A_489 : vector<2x4x256x128xi1>, vector<2x4x256x128xf32>
      %broadcast_in_dim3A_498 = vector.shape_cast %eq3A_494 : vector<1x1x256x128xi1> to vector<1x1x256x128xi1>
      %broadcast_in_dim3A_499 = vector.broadcast %broadcast_in_dim3A_498 : vector<1x1x256x128xi1> to vector<2x4x256x128xi1>
      %select_n3A_500 = arith.select %broadcast_in_dim3A_499, %get3A_445, %select_n3A_497 : vector<2x4x256x128xi1>, vector<2x4x256x128xf32>
      %broadcast_in_dim3A_501 = vector.shape_cast %eq3A_494 : vector<1x1x256x128xi1> to vector<1x1x256x128xi1>
      %broadcast_in_dim3A_502 = vector.broadcast %broadcast_in_dim3A_501 : vector<1x1x256x128xi1> to vector<2x4x256x128xi1>
      %select_n3A_503 = arith.select %broadcast_in_dim3A_502, %select_n3A_497, %get3A_445 : vector<2x4x256x128xi1>, vector<2x4x256x128xf32>
      %slice3A_504 = vector.extract_strided_slice %select_n3A_500 {offsets = [0, 0, 0, 0], sizes = [1, 4, 256, 128], strides = [1, 1, 1, 1]} : vector<2x4x256x128xf32> to vector<1x4x256x128xf32>
      %slice3A_505 = vector.extract_strided_slice %select_n3A_503 {offsets = [0, 0, 0, 0], sizes = [1, 4, 256, 128], strides = [1, 1, 1, 1]} : vector<2x4x256x128xf32> to vector<1x4x256x128xf32>
      %slice3A_506 = vector.extract_strided_slice %select_n3A_500 {offsets = [1, 0, 0, 0], sizes = [1, 4, 256, 128], strides = [1, 1, 1, 1]} : vector<2x4x256x128xf32> to vector<1x4x256x128xf32>
      %slice3A_507 = vector.extract_strided_slice %select_n3A_503 {offsets = [1, 0, 0, 0], sizes = [1, 4, 256, 128], strides = [1, 1, 1, 1]} : vector<2x4x256x128xf32> to vector<1x4x256x128xf32>
      %gt3A_508 = arith.cmpf ogt, %slice3A_504, %slice3A_505 : vector<1x4x256x128xf32>
      %eq3A_509 = arith.cmpf oeq, %slice3A_504, %slice3A_505 : vector<1x4x256x128xf32>
      %lt3A_510 = arith.cmpf olt, %slice3A_506, %slice3A_507 : vector<1x4x256x128xf32>
      %and3A_511 = arith.andi %eq3A_509, %lt3A_510 : vector<1x4x256x128xi1>
      %or3A_512 = arith.ori %gt3A_508, %and3A_511 : vector<1x4x256x128xi1>
      %jit3A_513 = arith.constant 1 : i32
      %jit3A_514 = arith.constant 0 : i32
      %broadcast_in_dim3A_515 = vector.broadcast %jit3A_513 : i32 to vector<1x4x256x128xi32>
      %broadcast_in_dim3A_516 = vector.broadcast %jit3A_514 : i32 to vector<1x4x256x128xi32>
      %select_n3A_517 = arith.select %or3A_512, %broadcast_in_dim3A_515, %broadcast_in_dim3A_516 : vector<1x4x256x128xi1>, vector<1x4x256x128xi32>
      %jit3A_518 = arith.constant 1 : i32
      %jit3A_519 = arith.constant 0 : i32
      %broadcast_in_dim3A_520 = vector.broadcast %jit3A_518 : i32 to vector<1x1x256x128xi32>
      %broadcast_in_dim3A_521 = vector.broadcast %jit3A_519 : i32 to vector<1x1x256x128xi32>
      %select_n3A_522 = arith.select %eq3A_406, %broadcast_in_dim3A_520, %broadcast_in_dim3A_521 : vector<1x1x256x128xi1>, vector<1x1x256x128xi32>
      %eq3A_523 = vector.broadcast %select_n3A_522 : vector<1x1x256x128xi32> to vector<1x4x256x128xi32>
      %eq3A_524 = arith.cmpi eq, %select_n3A_517, %eq3A_523 : vector<1x4x256x128xi32>
      %broadcast_in_dim3A_525 = vector.shape_cast %eq3A_524 : vector<1x4x256x128xi1> to vector<1x4x256x128xi1>
      %broadcast_in_dim3A_526 = vector.broadcast %broadcast_in_dim3A_525 : vector<1x4x256x128xi1> to vector<2x4x256x128xi1>
      %select_n3A_527 = arith.select %broadcast_in_dim3A_526, %get3A_445, %select_n3A_497 : vector<2x4x256x128xi1>, vector<2x4x256x128xf32>
      %swap3A_528 = arith.constant 0 : index
      %swap3A_529 = arith.constant 0 : index
      %swap3A_530 = arith.constant 0 : index
      %swap3A_531 = arith.constant 0 : index
      %swap3A_532 = vector.load %arg3[%swap3A_528, %swap3A_529, %swap3A_530, %swap3A_531] : memref<2x4x256x128xf32, #tpu.memory_space<vmem>>, vector<2x4x256x128xf32>
      tpu.vector_store %arg3[%swap3A_528, %swap3A_529, %swap3A_530, %swap3A_531], %select_n3A_527 {strides = array<i32>} : memref<2x4x256x128xf32, #tpu.memory_space<vmem>>, vector<2x4x256x128xf32>,
      %jit3A_533 = arith.constant 2 : i32
      %div3A_534 = arith.divsi %scan3A_440, %jit3A_533 : i32
      %sign3A_535 = arith.constant 0 : i32
      %sign3A_536 = arith.cmpi sgt, %scan3A_440, %sign3A_535 : i32
      %sign3A_537 = arith.extui %sign3A_536 : i1 to i32
      %sign3A_538 = arith.constant 0 : i32
      %sign3A_539 = arith.cmpi slt, %scan3A_440, %sign3A_538 : i32
      %sign3A_540 = arith.extui %sign3A_539 : i1 to i32
      %sign3A_541 = arith.subi %sign3A_537, %sign3A_540 : i32
      %sign3A_542 = arith.constant 0 : i32
      %sign3A_543 = arith.cmpi sgt, %jit3A_533, %sign3A_542 : i32
      %sign3A_544 = arith.extui %sign3A_543 : i1 to i32
      %sign3A_545 = arith.constant 0 : i32
      %sign3A_546 = arith.cmpi slt, %jit3A_533, %sign3A_545 : i32
      %sign3A_547 = arith.extui %sign3A_546 : i1 to i32
      %sign3A_548 = arith.subi %sign3A_544, %sign3A_547 : i32
      %ne3A_549 = arith.cmpi ne, %sign3A_541, %sign3A_548 : i32
      %rem3A_550 = arith.remsi %scan3A_440, %jit3A_533 : i32
      %ne3A_551 = arith.constant 0 : i32
      %ne3A_552 = arith.cmpi ne, %rem3A_550, %ne3A_551 : i32
      %and3A_553 = arith.andi %ne3A_549, %ne3A_552 : i1
      %sub3A_554 = arith.constant 1 : i32
      %sub3A_555 = arith.subi %div3A_534, %sub3A_554 : i32
      %select_n3A_556 = arith.select %and3A_553, %sub3A_555, %div3A_534 : i32
      scf.yield %select_n3A_556 : i32
    }
    %scan3A_413 = arith.constant 0 : i32
    %scan3A_414 = arith.constant 7 : i32
    %scan3A_415 = arith.addi %scan3A_413, %scan3A_414 : i32
    %scan3A_416 = arith.constant 1 : i32
    %scan3A_417 = scf.for %scan3A_439 = %scan3A_413 to %scan3A_415 step %scan3A_416 iter_args(%scan3A_440 = %scan3A_412) -> (i32)  : i32 {
      %get3A_441 = arith.constant 0 : index
      %get3A_442 = arith.constant 0 : index
      %get3A_443 = arith.constant 0 : index
      %get3A_444 = arith.constant 0 : index
      %get3A_445 = vector.load %arg3[%get3A_441, %get3A_442, %get3A_443, %get3A_444] : memref<2x4x256x128xf32, #tpu.memory_space<vmem>>, vector<2x4x256x128xf32>
      %sub3A_446 = arith.constant 128 : i32
      %sub3A_447 = arith.subi %sub3A_446, %scan3A_440 : i32
      %jit3A_448 = arith.constant 128 : i32
      %eq3A_449 = arith.constant 0 : i32
      %eq3A_450 = arith.cmpi eq, %jit3A_448, %eq3A_449 : i32
      %jit3A_451 = arith.constant 1 : i32
      %select_n3A_452 = arith.select %eq3A_450, %jit3A_451, %jit3A_448 : i32
      %rem3A_453 = arith.remsi %sub3A_447, %select_n3A_452 : i32
      %ne3A_454 = arith.constant 0 : i32
      %ne3A_455 = arith.cmpi ne, %rem3A_453, %ne3A_454 : i32
      %lt3A_456 = arith.constant 0 : i32
      %lt3A_457 = arith.cmpi slt, %rem3A_453, %lt3A_456 : i32
      %lt3A_458 = arith.constant 0 : i32
      %lt3A_459 = arith.cmpi slt, %select_n3A_452, %lt3A_458 : i32
      %ne3A_460 = arith.xori %lt3A_457, %lt3A_459 : i1
      %and3A_461 = arith.andi %ne3A_460, %ne3A_455 : i1
      %add3A_462 = arith.addi %rem3A_453, %select_n3A_452 : i32
      %select_n3A_463 = arith.select %and3A_461, %add3A_462, %rem3A_453 : i32
      %roll3A_464 = tpu.dynamic_rotate %get3A_445 by %select_n3A_463 dim 3 : vector<2x4x256x128xf32>, i32 -> vector<2x4x256x128xf32>
      %roll3A_465 = tpu.dynamic_rotate %get3A_445 by %scan3A_440 dim 3 : vector<2x4x256x128xf32>, i32 -> vector<2x4x256x128xf32>
      %and3A_466 = vector.broadcast %scan3A_440 : i32 to vector<1x1x256x128xi32>
      %and3A_467 = arith.andi %add3A, %and3A_466 : vector<1x1x256x128xi32>
      %eq3A_468 = arith.constant 0 : i32
      %eq3A_469 = vector.broadcast %eq3A_468 : i32 to vector<1x1x256x128xi32>
      %eq3A_470 = arith.cmpi eq, %and3A_467, %eq3A_469 : vector<1x1x256x128xi32>
      %broadcast_in_dim3A_471 = vector.shape_cast %eq3A_470 : vector<1x1x256x128xi1> to vector<1x1x256x128xi1>
      %broadcast_in_dim3A_472 = vector.broadcast %broadcast_in_dim3A_471 : vector<1x1x256x128xi1> to vector<2x4x256x128xi1>
      %select_n3A_473 = arith.select %broadcast_in_dim3A_472, %roll3A_464, %roll3A_465 : vector<2x4x256x128xi1>, vector<2x4x256x128xf32>
      %broadcast_in_dim3A_474 = vector.shape_cast %eq3A_470 : vector<1x1x256x128xi1> to vector<1x1x256x128xi1>
      %broadcast_in_dim3A_475 = vector.broadcast %broadcast_in_dim3A_474 : vector<1x1x256x128xi1> to vector<2x4x256x128xi1>
      %select_n3A_476 = arith.select %broadcast_in_dim3A_475, %get3A_445, %select_n3A_473 : vector<2x4x256x128xi1>, vector<2x4x256x128xf32>
      %broadcast_in_dim3A_477 = vector.shape_cast %eq3A_470 : vector<1x1x256x128xi1> to vector<1x1x256x128xi1>
      %broadcast_in_dim3A_478 = vector.broadcast %broadcast_in_dim3A_477 : vector<1x1x256x128xi1> to vector<2x4x256x128xi1>
      %select_n3A_479 = arith.select %broadcast_in_dim3A_478, %select_n3A_473, %get3A_445 : vector<2x4x256x128xi1>, vector<2x4x256x128xf32>
      %slice3A_480 = vector.extract_strided_slice %select_n3A_476 {offsets = [0, 0, 0, 0], sizes = [1, 4, 256, 128], strides = [1, 1, 1, 1]} : vector<2x4x256x128xf32> to vector<1x4x256x128xf32>
      %slice3A_481 = vector.extract_strided_slice %select_n3A_479 {offsets = [0, 0, 0, 0], sizes = [1, 4, 256, 128], strides = [1, 1, 1, 1]} : vector<2x4x256x128xf32> to vector<1x4x256x128xf32>
      %slice3A_482 = vector.extract_strided_slice %select_n3A_476 {offsets = [1, 0, 0, 0], sizes = [1, 4, 256, 128], strides = [1, 1, 1, 1]} : vector<2x4x256x128xf32> to vector<1x4x256x128xf32>
      %slice3A_483 = vector.extract_strided_slice %select_n3A_479 {offsets = [1, 0, 0, 0], sizes = [1, 4, 256, 128], strides = [1, 1, 1, 1]} : vector<2x4x256x128xf32> to vector<1x4x256x128xf32>
      %gt3A_484 = arith.cmpf ogt, %slice3A_480, %slice3A_481 : vector<1x4x256x128xf32>
      %eq3A_485 = arith.cmpf oeq, %slice3A_480, %slice3A_481 : vector<1x4x256x128xf32>
      %lt3A_486 = arith.cmpf olt, %slice3A_482, %slice3A_483 : vector<1x4x256x128xf32>
      %and3A_487 = arith.andi %eq3A_485, %lt3A_486 : vector<1x4x256x128xi1>
      %or3A_488 = arith.ori %gt3A_484, %and3A_487 : vector<1x4x256x128xi1>
      %jit3A_489 = arith.constant 1 : i32
      %jit3A_490 = arith.constant 0 : i32
      %broadcast_in_dim3A_491 = vector.broadcast %jit3A_489 : i32 to vector<1x4x256x128xi32>
      %broadcast_in_dim3A_492 = vector.broadcast %jit3A_490 : i32 to vector<1x4x256x128xi32>
      %select_n3A_493 = arith.select %or3A_488, %broadcast_in_dim3A_491, %broadcast_in_dim3A_492 : vector<1x4x256x128xi1>, vector<1x4x256x128xi32>
      %jit3A_494 = arith.constant 1 : i32
      %jit3A_495 = arith.constant 0 : i32
      %broadcast_in_dim3A_496 = vector.broadcast %jit3A_494 : i32 to vector<1x1x256x128xi32>
      %broadcast_in_dim3A_497 = vector.broadcast %jit3A_495 : i32 to vector<1x1x256x128xi32>
      %select_n3A_498 = arith.select %eq3A_406, %broadcast_in_dim3A_496, %broadcast_in_dim3A_497 : vector<1x1x256x128xi1>, vector<1x1x256x128xi32>
      %eq3A_499 = vector.broadcast %select_n3A_498 : vector<1x1x256x128xi32> to vector<1x4x256x128xi32>
      %eq3A_500 = arith.cmpi eq, %select_n3A_493, %eq3A_499 : vector<1x4x256x128xi32>
      %broadcast_in_dim3A_501 = vector.shape_cast %eq3A_500 : vector<1x4x256x128xi1> to vector<1x4x256x128xi1>
      %broadcast_in_dim3A_502 = vector.broadcast %broadcast_in_dim3A_501 : vector<1x4x256x128xi1> to vector<2x4x256x128xi1>
      %select_n3A_503 = arith.select %broadcast_in_dim3A_502, %get3A_445, %select_n3A_473 : vector<2x4x256x128xi1>, vector<2x4x256x128xf32>
      %swap3A_504 = arith.constant 0 : index
      %swap3A_505 = arith.constant 0 : index
      %swap3A_506 = arith.constant 0 : index
      %swap3A_507 = arith.constant 0 : index
      %swap3A_508 = vector.load %arg3[%swap3A_504, %swap3A_505, %swap3A_506, %swap3A_507] : memref<2x4x256x128xf32, #tpu.memory_space<vmem>>, vector<2x4x256x128xf32>
      tpu.vector_store %arg3[%swap3A_504, %swap3A_505, %swap3A_506, %swap3A_507], %select_n3A_503 {strides = array<i32>} : memref<2x4x256x128xf32, #tpu.memory_space<vmem>>, vector<2x4x256x128xf32>,
      %jit3A_509 = arith.constant 2 : i32
      %div3A_510 = arith.divsi %scan3A_440, %jit3A_509 : i32
      %sign3A_511 = arith.constant 0 : i32
      %sign3A_512 = arith.cmpi sgt, %scan3A_440, %sign3A_511 : i32
      %sign3A_513 = arith.extui %sign3A_512 : i1 to i32
      %sign3A_514 = arith.constant 0 : i32
      %sign3A_515 = arith.cmpi slt, %scan3A_440, %sign3A_514 : i32
      %sign3A_516 = arith.extui %sign3A_515 : i1 to i32
      %sign3A_517 = arith.subi %sign3A_513, %sign3A_516 : i32
      %sign3A_518 = arith.constant 0 : i32
      %sign3A_519 = arith.cmpi sgt, %jit3A_509, %sign3A_518 : i32
      %sign3A_520 = arith.extui %sign3A_519 : i1 to i32
      %sign3A_521 = arith.constant 0 : i32
      %sign3A_522 = arith.cmpi slt, %jit3A_509, %sign3A_521 : i32
      %sign3A_523 = arith.extui %sign3A_522 : i1 to i32
      %sign3A_524 = arith.subi %sign3A_520, %sign3A_523 : i32
      %ne3A_525 = arith.cmpi ne, %sign3A_517, %sign3A_524 : i32
      %rem3A_526 = arith.remsi %scan3A_440, %jit3A_509 : i32
      %ne3A_527 = arith.constant 0 : i32
      %ne3A_528 = arith.cmpi ne, %rem3A_526, %ne3A_527 : i32
      %and3A_529 = arith.andi %ne3A_525, %ne3A_528 : i1
      %sub3A_530 = arith.constant 1 : i32
      %sub3A_531 = arith.subi %div3A_510, %sub3A_530 : i32
      %select_n3A_532 = arith.select %and3A_529, %sub3A_531, %div3A_510 : i32
      scf.yield %select_n3A_532 : i32
    }
    %get3A_418 = arith.constant 0 : index
    %get3A_419 = arith.constant 0 : index
    %get3A_420 = arith.constant 0 : index
    %get3A_421 = arith.constant 0 : index
    %get3A_422 = vector.load %arg3[%get3A_418, %get3A_419, %get3A_420, %get3A_421] : memref<2x4x256x128xf32, #tpu.memory_space<vmem>>, vector<2x4x16x128xf32>
    %reshape3A_423 = vector.shape_cast %get3A_422 : vector<2x4x16x128xf32> to vector<2x4x2048xf32>
    %slice3A_424 = vector.extract_strided_slice %reshape3A_423 {offsets = [0, 0, 0], sizes = [1, 4, 2048], strides = [1, 1, 1]} : vector<2x4x2048xf32> to vector<1x4x2048xf32>
    %squeeze3A = vector.shape_cast %slice3A_424 : vector<1x4x2048xf32> to vector<4x2048xf32>
    %swap3A_425 = arith.constant 0 : index
    %swap3A_426 = arith.constant 0 : index
    %swap3A_427 = vector.load %arg1[%swap3A_425, %swap3A_426] : memref<4x2048xf32, #tpu.memory_space<vmem>>, vector<4x2048xf32>
    tpu.vector_store %arg1[%swap3A_425, %swap3A_426], %squeeze3A {strides = array<i32>} : memref<4x2048xf32, #tpu.memory_space<vmem>>, vector<4x2048xf32>,
    %iota3A_428 = tpu.iota {dimensions = array<i32: 0>} : vector<4x2048xi32>
    %mul3A_429 = arith.constant 20000 : i32
    %mul3A_430 = vector.broadcast %mul3A_429 : i32 to vector<4x2048xi32>
    %mul3A_431 = arith.muli %iota3A_428, %mul3A_430 : vector<4x2048xi32>
    %slice3A_432 = vector.extract_strided_slice %reshape3A_423 {offsets = [1, 0, 0], sizes = [1, 4, 2048], strides = [1, 1, 1]} : vector<2x4x2048xf32> to vector<1x4x2048xf32>
    %squeeze3A_433 = vector.shape_cast %slice3A_432 : vector<1x4x2048xf32> to vector<4x2048xf32>
    %convert_element_type3A_434 = arith.fptosi %squeeze3A_433 : vector<4x2048xf32> to vector<4x2048xi32>
    %add3A_435 = arith.addi %convert_element_type3A_434, %mul3A_431 : vector<4x2048xi32>
    %swap3A_436 = arith.constant 0 : index
    %swap3A_437 = arith.constant 0 : index
    %swap3A_438 = vector.load %arg2[%swap3A_436, %swap3A_437] : memref<4x2048xi32, #tpu.memory_space<vmem>>, vector<4x2048xi32>
    tpu.vector_store %arg2[%swap3A_436, %swap3A_437], %add3A_435 {strides = array<i32>} : memref<4x2048xi32, #tpu.memory_space<vmem>>, vector<4x2048xi32>,
    return
  }
}

module attributes {stable_mosaic.version = 14 : i64} {
  func.func @_nms_body(%arg0: memref<4x2048xf32, #tpu.memory_space<vmem>>, %arg1: memref<4x8x2048xf32, #tpu.memory_space<vmem>>, %arg2: memref<4x4x1000xf32, #tpu.memory_space<vmem>>, %arg3: memref<4x1000xf32, #tpu.memory_space<vmem>>, %arg4: memref<6x4x16x128xf32, #tpu.memory_space<vmem>>, %arg5: memref<5x4x16x128xf32, #tpu.memory_space<vmem>>, %arg6: memref<4x16x128xf32, #tpu.memory_space<vmem>>, %arg7: memref<4x128x128xf32, #tpu.memory_space<vmem>>) attributes {dimension_semantics = [], scalar_prefetch = 0 : i64, scratch_operands = 4 : i64, tpu.core_type = #tpu.core_type<tc>} {
    %get3A = arith.constant 0 : index
    %get3A_0 = arith.constant 0 : index
    %get3A_1 = vector.load %arg0[%get3A, %get3A_0] : memref<4x2048xf32, #tpu.memory_space<vmem>>, vector<4x2048xf32>
    %reshape3A = vector.shape_cast %get3A_1 : vector<4x2048xf32> to vector<4x16x128xf32>
    %get3A_2 = arith.constant 0 : index
    %get3A_3 = arith.constant 0 : index
    %get3A_4 = arith.constant 0 : index
    %get3A_5 = vector.load %arg1[%get3A_2, %get3A_3, %get3A_4] : memref<4x8x2048xf32, #tpu.memory_space<vmem>>, vector<4x1x2048xf32>
    %get3A_6 = vector.shape_cast %get3A_5 : vector<4x1x2048xf32> to vector<4x2048xf32>
    %get3A_7 = arith.constant 0 : index
    %get3A_8 = arith.constant 1 : index
    %get3A_9 = arith.constant 0 : index
    %get3A_10 = vector.load %arg1[%get3A_7, %get3A_8, %get3A_9] : memref<4x8x2048xf32, #tpu.memory_space<vmem>>, vector<4x1x2048xf32>
    %get3A_11 = vector.shape_cast %get3A_10 : vector<4x1x2048xf32> to vector<4x2048xf32>
    %get3A_12 = arith.constant 0 : index
    %get3A_13 = arith.constant 2 : index
    %get3A_14 = arith.constant 0 : index
    %get3A_15 = vector.load %arg1[%get3A_12, %get3A_13, %get3A_14] : memref<4x8x2048xf32, #tpu.memory_space<vmem>>, vector<4x1x2048xf32>
    %get3A_16 = vector.shape_cast %get3A_15 : vector<4x1x2048xf32> to vector<4x2048xf32>
    %get3A_17 = arith.constant 0 : index
    %get3A_18 = arith.constant 3 : index
    %get3A_19 = arith.constant 0 : index
    %get3A_20 = vector.load %arg1[%get3A_17, %get3A_18, %get3A_19] : memref<4x8x2048xf32, #tpu.memory_space<vmem>>, vector<4x1x2048xf32>
    %get3A_21 = vector.shape_cast %get3A_20 : vector<4x1x2048xf32> to vector<4x2048xf32>
    %get3A_22 = arith.constant 0 : index
    %get3A_23 = arith.constant 4 : index
    %get3A_24 = arith.constant 0 : index
    %get3A_25 = vector.load %arg1[%get3A_22, %get3A_23, %get3A_24] : memref<4x8x2048xf32, #tpu.memory_space<vmem>>, vector<4x1x2048xf32>
    %get3A_26 = vector.shape_cast %get3A_25 : vector<4x1x2048xf32> to vector<4x2048xf32>
    %get3A_27 = arith.constant 0 : index
    %get3A_28 = arith.constant 5 : index
    %get3A_29 = arith.constant 0 : index
    %get3A_30 = vector.load %arg1[%get3A_27, %get3A_28, %get3A_29] : memref<4x8x2048xf32, #tpu.memory_space<vmem>>, vector<4x1x2048xf32>
    %get3A_31 = vector.shape_cast %get3A_30 : vector<4x1x2048xf32> to vector<4x2048xf32>
    %get3A_32 = arith.constant 0 : index
    %get3A_33 = arith.constant 6 : index
    %get3A_34 = arith.constant 0 : index
    %get3A_35 = vector.load %arg1[%get3A_32, %get3A_33, %get3A_34] : memref<4x8x2048xf32, #tpu.memory_space<vmem>>, vector<4x1x2048xf32>
    %get3A_36 = vector.shape_cast %get3A_35 : vector<4x1x2048xf32> to vector<4x2048xf32>
    %min3A = arith.constant 4.13516665 : f32
    %min3A_37 = vector.broadcast %min3A : f32 to vector<4x2048xf32>
    %min3A_38 = arith.minimumf %get3A_36, %min3A_37 : vector<4x2048xf32>
    %get3A_39 = arith.constant 0 : index
    %get3A_40 = arith.constant 7 : index
    %get3A_41 = arith.constant 0 : index
    %get3A_42 = vector.load %arg1[%get3A_39, %get3A_40, %get3A_41] : memref<4x8x2048xf32, #tpu.memory_space<vmem>>, vector<4x1x2048xf32>
    %get3A_43 = vector.shape_cast %get3A_42 : vector<4x1x2048xf32> to vector<4x2048xf32>
    %min3A_44 = arith.constant 4.13516665 : f32
    %min3A_45 = vector.broadcast %min3A_44 : f32 to vector<4x2048xf32>
    %min3A_46 = arith.minimumf %get3A_43, %min3A_45 : vector<4x2048xf32>
    %sub3A = arith.subf %get3A_16, %get3A_6 : vector<4x2048xf32>
    %sub3A_47 = arith.subf %get3A_21, %get3A_11 : vector<4x2048xf32>
    %mul3A = arith.constant 5.000000e-01 : f32
    %mul3A_48 = vector.broadcast %mul3A : f32 to vector<4x2048xf32>
    %mul3A_49 = arith.mulf %mul3A_48, %sub3A : vector<4x2048xf32>
    %add3A = arith.addf %get3A_6, %mul3A_49 : vector<4x2048xf32>
    %mul3A_50 = arith.constant 5.000000e-01 : f32
    %mul3A_51 = vector.broadcast %mul3A_50 : f32 to vector<4x2048xf32>
    %mul3A_52 = arith.mulf %mul3A_51, %sub3A_47 : vector<4x2048xf32>
    %add3A_53 = arith.addf %get3A_11, %mul3A_52 : vector<4x2048xf32>
    %mul3A_54 = arith.mulf %get3A_26, %sub3A : vector<4x2048xf32>
    %add3A_55 = arith.addf %mul3A_54, %add3A : vector<4x2048xf32>
    %mul3A_56 = arith.mulf %get3A_31, %sub3A_47 : vector<4x2048xf32>
    %add3A_57 = arith.addf %mul3A_56, %add3A_53 : vector<4x2048xf32>
    %exp3A = math.exp %min3A_38 : vector<4x2048xf32>
    %mul3A_58 = arith.mulf %exp3A, %sub3A : vector<4x2048xf32>
    %exp3A_59 = math.exp %min3A_46 : vector<4x2048xf32>
    %mul3A_60 = arith.mulf %exp3A_59, %sub3A_47 : vector<4x2048xf32>
    %mul3A_61 = arith.constant 5.000000e-01 : f32
    %mul3A_62 = vector.broadcast %mul3A_61 : f32 to vector<4x2048xf32>
    %mul3A_63 = arith.mulf %mul3A_62, %mul3A_58 : vector<4x2048xf32>
    %sub3A_64 = arith.subf %add3A_55, %mul3A_63 : vector<4x2048xf32>
    %jit3A = arith.constant 0.000000e+00 : f32
    %jit3A_65 = arith.constant 1.024000e+03 : f32
    %max3A = vector.broadcast %jit3A : f32 to vector<4x2048xf32>
    %max3A_66 = arith.maximumf %max3A, %sub3A_64 : vector<4x2048xf32>
    %min3A_67 = vector.broadcast %jit3A_65 : f32 to vector<4x2048xf32>
    %min3A_68 = arith.minimumf %min3A_67, %max3A_66 : vector<4x2048xf32>
    %reshape3A_69 = vector.shape_cast %min3A_68 : vector<4x2048xf32> to vector<4x16x128xf32>
    %mul3A_70 = arith.constant 5.000000e-01 : f32
    %mul3A_71 = vector.broadcast %mul3A_70 : f32 to vector<4x2048xf32>
    %mul3A_72 = arith.mulf %mul3A_71, %mul3A_60 : vector<4x2048xf32>
    %sub3A_73 = arith.subf %add3A_57, %mul3A_72 : vector<4x2048xf32>
    %jit3A_74 = arith.constant 0.000000e+00 : f32
    %jit3A_75 = arith.constant 1.024000e+03 : f32
    %max3A_76 = vector.broadcast %jit3A_74 : f32 to vector<4x2048xf32>
    %max3A_77 = arith.maximumf %max3A_76, %sub3A_73 : vector<4x2048xf32>
    %min3A_78 = vector.broadcast %jit3A_75 : f32 to vector<4x2048xf32>
    %min3A_79 = arith.minimumf %min3A_78, %max3A_77 : vector<4x2048xf32>
    %reshape3A_80 = vector.shape_cast %min3A_79 : vector<4x2048xf32> to vector<4x16x128xf32>
    %mul3A_81 = arith.constant 5.000000e-01 : f32
    %mul3A_82 = vector.broadcast %mul3A_81 : f32 to vector<4x2048xf32>
    %mul3A_83 = arith.mulf %mul3A_82, %mul3A_58 : vector<4x2048xf32>
    %add3A_84 = arith.addf %add3A_55, %mul3A_83 : vector<4x2048xf32>
    %jit3A_85 = arith.constant 0.000000e+00 : f32
    %jit3A_86 = arith.constant 1.024000e+03 : f32
    %max3A_87 = vector.broadcast %jit3A_85 : f32 to vector<4x2048xf32>
    %max3A_88 = arith.maximumf %max3A_87, %add3A_84 : vector<4x2048xf32>
    %min3A_89 = vector.broadcast %jit3A_86 : f32 to vector<4x2048xf32>
    %min3A_90 = arith.minimumf %min3A_89, %max3A_88 : vector<4x2048xf32>
    %reshape3A_91 = vector.shape_cast %min3A_90 : vector<4x2048xf32> to vector<4x16x128xf32>
    %mul3A_92 = arith.constant 5.000000e-01 : f32
    %mul3A_93 = vector.broadcast %mul3A_92 : f32 to vector<4x2048xf32>
    %mul3A_94 = arith.mulf %mul3A_93, %mul3A_60 : vector<4x2048xf32>
    %add3A_95 = arith.addf %add3A_57, %mul3A_94 : vector<4x2048xf32>
    %jit3A_96 = arith.constant 0.000000e+00 : f32
    %jit3A_97 = arith.constant 1.024000e+03 : f32
    %max3A_98 = vector.broadcast %jit3A_96 : f32 to vector<4x2048xf32>
    %max3A_99 = arith.maximumf %max3A_98, %add3A_95 : vector<4x2048xf32>
    %min3A_100 = vector.broadcast %jit3A_97 : f32 to vector<4x2048xf32>
    %min3A_101 = arith.minimumf %min3A_100, %max3A_99 : vector<4x2048xf32>
    %reshape3A_102 = vector.shape_cast %min3A_101 : vector<4x2048xf32> to vector<4x16x128xf32>
    %sub3A_103 = arith.subf %reshape3A_91, %reshape3A_69 : vector<4x16x128xf32>
    %sub3A_104 = arith.subf %reshape3A_102, %reshape3A_80 : vector<4x16x128xf32>
    %mul3A_105 = arith.mulf %sub3A_103, %sub3A_104 : vector<4x16x128xf32>
    %iota3A = tpu.iota {dimensions = array<i32: 1>} : vector<1x16x128xi32>
    %mul3A_106 = arith.constant 128 : i32
    %mul3A_107 = vector.broadcast %mul3A_106 : i32 to vector<1x16x128xi32>
    %mul3A_108 = arith.muli %iota3A, %mul3A_107 : vector<1x16x128xi32>
    %iota3A_109 = tpu.iota {dimensions = array<i32: 2>} : vector<1x16x128xi32>
    %add3A_110 = arith.addi %mul3A_108, %iota3A_109 : vector<1x16x128xi32>
    %gt3A = arith.constant 0.000000e+00 : f32
    %gt3A_111 = vector.broadcast %gt3A : f32 to vector<4x16x128xf32>
    %gt3A_112 = arith.cmpf ogt, %sub3A_103, %gt3A_111 : vector<4x16x128xf32>
    %gt3A_113 = arith.constant 0.000000e+00 : f32
    %gt3A_114 = vector.broadcast %gt3A_113 : f32 to vector<4x16x128xf32>
    %gt3A_115 = arith.cmpf ogt, %sub3A_104, %gt3A_114 : vector<4x16x128xf32>
    %and3A = arith.andi %gt3A_112, %gt3A_115 : vector<4x16x128xi1>
    %lt3A = arith.constant 2000 : i32
    %lt3A_116 = vector.broadcast %lt3A : i32 to vector<1x16x128xi32>
    %lt3A_117 = arith.cmpi slt, %add3A_110, %lt3A_116 : vector<1x16x128xi32>
    %and3A_118 = vector.broadcast %lt3A_117 : vector<1x16x128xi1> to vector<4x16x128xi1>
    %and3A_119 = arith.andi %and3A, %and3A_118 : vector<4x16x128xi1>
    %stack3A = vector.shape_cast %reshape3A_69 : vector<4x16x128xf32> to vector<1x4x16x128xf32>
    %stack3A_120 = vector.shape_cast %reshape3A_80 : vector<4x16x128xf32> to vector<1x4x16x128xf32>
    %stack3A_121 = vector.shape_cast %reshape3A_91 : vector<4x16x128xf32> to vector<1x4x16x128xf32>
    %stack3A_122 = vector.shape_cast %reshape3A_102 : vector<4x16x128xf32> to vector<1x4x16x128xf32>
    %stack3A_123 = vector.shape_cast %mul3A_105 : vector<4x16x128xf32> to vector<1x4x16x128xf32>
    %stack3A_124 = tpu.concatenate %stack3A, %stack3A_120, %stack3A_121, %stack3A_122, %stack3A_123 in 0 : vector<1x4x16x128xf32>, vector<1x4x16x128xf32>, vector<1x4x16x128xf32>, vector<1x4x16x128xf32>, vector<1x4x16x128xf32> -> vector<5x4x16x128xf32>
    %swap3A = arith.constant 0 : index
    %swap3A_125 = arith.constant 0 : index
    %swap3A_126 = arith.constant 0 : index
    %swap3A_127 = arith.constant 0 : index
    %swap3A_128 = vector.load %arg5[%swap3A, %swap3A_125, %swap3A_126, %swap3A_127] : memref<5x4x16x128xf32, #tpu.memory_space<vmem>>, vector<5x4x16x128xf32>
    tpu.vector_store %arg5[%swap3A, %swap3A_125, %swap3A_126, %swap3A_127], %stack3A_124 {strides = array<i32>} : memref<5x4x16x128xf32, #tpu.memory_space<vmem>>, vector<5x4x16x128xf32>,
    %jit3A_129 = arith.constant 1.000000e+00 : f32
    %jit3A_130 = arith.constant 0.000000e+00 : f32
    %broadcast_in_dim3A = vector.broadcast %jit3A_129 : f32 to vector<4x16x128xf32>
    %broadcast_in_dim3A_131 = vector.broadcast %jit3A_130 : f32 to vector<4x16x128xf32>
    %select_n3A = arith.select %and3A_119, %broadcast_in_dim3A, %broadcast_in_dim3A_131 : vector<4x16x128xi1>, vector<4x16x128xf32>
    %swap3A_132 = arith.constant 0 : index
    %swap3A_133 = arith.constant 0 : index
    %swap3A_134 = arith.constant 0 : index
    %swap3A_135 = vector.load %arg6[%swap3A_132, %swap3A_133, %swap3A_134] : memref<4x16x128xf32, #tpu.memory_space<vmem>>, vector<4x16x128xf32>
    tpu.vector_store %arg6[%swap3A_132, %swap3A_133, %swap3A_134], %select_n3A {strides = array<i32>} : memref<4x16x128xf32, #tpu.memory_space<vmem>>, vector<4x16x128xf32>,
    %iota3A_136 = tpu.iota {dimensions = array<i32: 1>} : vector<1x128x128xi32>
    %iota3A_137 = tpu.iota {dimensions = array<i32: 2>} : vector<1x128x128xi32>
    %gt3A_138 = arith.cmpi sgt, %iota3A_137, %iota3A_136 : vector<1x128x128xi32>
    %iota3A_139 = tpu.iota {dimensions = array<i32: 1>} : vector<1x128xi32>
    %scan3A = arith.constant 0 : i32
    %scan3A_140 = arith.constant 16 : i32
    %scan3A_141 = arith.addi %scan3A, %scan3A_140 : i32
    %scan3A_142 = arith.constant 1 : i32
    scf.for %scan3A_560 = %scan3A to %scan3A_141 step %scan3A_142  : i32 {
      %get3A_561 = arith.constant 0 : index
      %get3A_562 = arith.constant 0 : index
      %get3A_563 = arith.index_cast %scan3A_560 : i32 to index
      %get3A_564 = arith.constant 0 : index
      %get3A_565 = vector.load %arg5[%get3A_561, %get3A_562, %get3A_563, %get3A_564] : memref<5x4x16x128xf32, #tpu.memory_space<vmem>>, vector<1x4x1x128xf32>
      %get3A_566 = vector.shape_cast %get3A_565 : vector<1x4x1x128xf32> to vector<4x1x128xf32>
      %squeeze3A_567 = vector.shape_cast %get3A_566 : vector<4x1x128xf32> to vector<4x128xf32>
      %get3A_568 = arith.constant 1 : index
      %get3A_569 = arith.constant 0 : index
      %get3A_570 = arith.index_cast %scan3A_560 : i32 to index
      %get3A_571 = arith.constant 0 : index
      %get3A_572 = vector.load %arg5[%get3A_568, %get3A_569, %get3A_570, %get3A_571] : memref<5x4x16x128xf32, #tpu.memory_space<vmem>>, vector<1x4x1x128xf32>
      %get3A_573 = vector.shape_cast %get3A_572 : vector<1x4x1x128xf32> to vector<4x1x128xf32>
      %squeeze3A_574 = vector.shape_cast %get3A_573 : vector<4x1x128xf32> to vector<4x128xf32>
      %get3A_575 = arith.constant 2 : index
      %get3A_576 = arith.constant 0 : index
      %get3A_577 = arith.index_cast %scan3A_560 : i32 to index
      %get3A_578 = arith.constant 0 : index
      %get3A_579 = vector.load %arg5[%get3A_575, %get3A_576, %get3A_577, %get3A_578] : memref<5x4x16x128xf32, #tpu.memory_space<vmem>>, vector<1x4x1x128xf32>
      %get3A_580 = vector.shape_cast %get3A_579 : vector<1x4x1x128xf32> to vector<4x1x128xf32>
      %squeeze3A_581 = vector.shape_cast %get3A_580 : vector<4x1x128xf32> to vector<4x128xf32>
      %get3A_582 = arith.constant 3 : index
      %get3A_583 = arith.constant 0 : index
      %get3A_584 = arith.index_cast %scan3A_560 : i32 to index
      %get3A_585 = arith.constant 0 : index
      %get3A_586 = vector.load %arg5[%get3A_582, %get3A_583, %get3A_584, %get3A_585] : memref<5x4x16x128xf32, #tpu.memory_space<vmem>>, vector<1x4x1x128xf32>
      %get3A_587 = vector.shape_cast %get3A_586 : vector<1x4x1x128xf32> to vector<4x1x128xf32>
      %squeeze3A_588 = vector.shape_cast %get3A_587 : vector<4x1x128xf32> to vector<4x128xf32>
      %get3A_589 = arith.constant 4 : index
      %get3A_590 = arith.constant 0 : index
      %get3A_591 = arith.index_cast %scan3A_560 : i32 to index
      %get3A_592 = arith.constant 0 : index
      %get3A_593 = vector.load %arg5[%get3A_589, %get3A_590, %get3A_591, %get3A_592] : memref<5x4x16x128xf32, #tpu.memory_space<vmem>>, vector<1x4x1x128xf32>
      %get3A_594 = vector.shape_cast %get3A_593 : vector<1x4x1x128xf32> to vector<4x1x128xf32>
      %squeeze3A_595 = vector.shape_cast %get3A_594 : vector<4x1x128xf32> to vector<4x128xf32>
      %get3A_596 = arith.constant 0 : index
      %get3A_597 = arith.index_cast %scan3A_560 : i32 to index
      %get3A_598 = arith.constant 0 : index
      %get3A_599 = vector.load %arg6[%get3A_596, %get3A_597, %get3A_598] : memref<4x16x128xf32, #tpu.memory_space<vmem>>, vector<4x1x128xf32>
      %squeeze3A_600 = vector.shape_cast %get3A_599 : vector<4x1x128xf32> to vector<4x128xf32>
      %broadcast_in_dim3A_601 = vector.shape_cast %squeeze3A_567 : vector<4x128xf32> to vector<4x128x1xf32>
      %broadcast_in_dim3A_602 = vector.shape_cast %squeeze3A_567 : vector<4x128xf32> to vector<4x1x128xf32>
      %max3A_603 = vector.broadcast %broadcast_in_dim3A_601 : vector<4x128x1xf32> to vector<4x128x128xf32>
      %max3A_604 = vector.broadcast %broadcast_in_dim3A_602 : vector<4x1x128xf32> to vector<4x128x128xf32>
      %max3A_605 = arith.maximumf %max3A_603, %max3A_604 : vector<4x128x128xf32>
      %broadcast_in_dim3A_606 = vector.shape_cast %squeeze3A_574 : vector<4x128xf32> to vector<4x128x1xf32>
      %broadcast_in_dim3A_607 = vector.shape_cast %squeeze3A_574 : vector<4x128xf32> to vector<4x1x128xf32>
      %max3A_608 = vector.broadcast %broadcast_in_dim3A_606 : vector<4x128x1xf32> to vector<4x128x128xf32>
      %max3A_609 = vector.broadcast %broadcast_in_dim3A_607 : vector<4x1x128xf32> to vector<4x128x128xf32>
      %max3A_610 = arith.maximumf %max3A_608, %max3A_609 : vector<4x128x128xf32>
      %broadcast_in_dim3A_611 = vector.shape_cast %squeeze3A_581 : vector<4x128xf32> to vector<4x128x1xf32>
      %broadcast_in_dim3A_612 = vector.shape_cast %squeeze3A_581 : vector<4x128xf32> to vector<4x1x128xf32>
      %min3A_613 = vector.broadcast %broadcast_in_dim3A_611 : vector<4x128x1xf32> to vector<4x128x128xf32>
      %min3A_614 = vector.broadcast %broadcast_in_dim3A_612 : vector<4x1x128xf32> to vector<4x128x128xf32>
      %min3A_615 = arith.minimumf %min3A_613, %min3A_614 : vector<4x128x128xf32>
      %broadcast_in_dim3A_616 = vector.shape_cast %squeeze3A_588 : vector<4x128xf32> to vector<4x128x1xf32>
      %broadcast_in_dim3A_617 = vector.shape_cast %squeeze3A_588 : vector<4x128xf32> to vector<4x1x128xf32>
      %min3A_618 = vector.broadcast %broadcast_in_dim3A_616 : vector<4x128x1xf32> to vector<4x128x128xf32>
      %min3A_619 = vector.broadcast %broadcast_in_dim3A_617 : vector<4x1x128xf32> to vector<4x128x128xf32>
      %min3A_620 = arith.minimumf %min3A_618, %min3A_619 : vector<4x128x128xf32>
      %sub3A_621 = arith.subf %min3A_615, %max3A_605 : vector<4x128x128xf32>
      %max3A_622 = arith.constant 0.000000e+00 : f32
      %max3A_623 = vector.broadcast %max3A_622 : f32 to vector<4x128x128xf32>
      %max3A_624 = arith.maximumf %sub3A_621, %max3A_623 : vector<4x128x128xf32>
      %sub3A_625 = arith.subf %min3A_620, %max3A_610 : vector<4x128x128xf32>
      %max3A_626 = arith.constant 0.000000e+00 : f32
      %max3A_627 = vector.broadcast %max3A_626 : f32 to vector<4x128x128xf32>
      %max3A_628 = arith.maximumf %sub3A_625, %max3A_627 : vector<4x128x128xf32>
      %mul3A_629 = arith.mulf %max3A_624, %max3A_628 : vector<4x128x128xf32>
      %broadcast_in_dim3A_630 = vector.shape_cast %squeeze3A_595 : vector<4x128xf32> to vector<4x128x1xf32>
      %broadcast_in_dim3A_631 = vector.shape_cast %squeeze3A_595 : vector<4x128xf32> to vector<4x1x128xf32>
      %add3A_632 = vector.broadcast %broadcast_in_dim3A_630 : vector<4x128x1xf32> to vector<4x128x128xf32>
      %add3A_633 = vector.broadcast %broadcast_in_dim3A_631 : vector<4x1x128xf32> to vector<4x128x128xf32>
      %add3A_634 = arith.addf %add3A_632, %add3A_633 : vector<4x128x128xf32>
      %sub3A_635 = arith.subf %add3A_634, %mul3A_629 : vector<4x128x128xf32>
      %max3A_636 = arith.constant 9.99999997E-7 : f32
      %max3A_637 = vector.broadcast %max3A_636 : f32 to vector<4x128x128xf32>
      %max3A_638 = arith.maximumf %sub3A_635, %max3A_637 : vector<4x128x128xf32>
      %div3A_639 = arith.divf %mul3A_629, %max3A_638 : vector<4x128x128xf32>
      %gt3A_640 = arith.constant 0.699999988 : f32
      %gt3A_641 = vector.broadcast %gt3A_640 : f32 to vector<4x128x128xf32>
      %gt3A_642 = arith.cmpf ogt, %div3A_639, %gt3A_641 : vector<4x128x128xf32>
      %and3A_643 = vector.broadcast %gt3A_138 : vector<1x128x128xi1> to vector<4x128x128xi1>
      %and3A_644 = arith.andi %gt3A_642, %and3A_643 : vector<4x128x128xi1>
      %jit3A_645 = arith.constant 1.000000e+00 : f32
      %jit3A_646 = arith.constant 0.000000e+00 : f32
      %broadcast_in_dim3A_647 = vector.broadcast %jit3A_645 : f32 to vector<4x128x128xf32>
      %broadcast_in_dim3A_648 = vector.broadcast %jit3A_646 : f32 to vector<4x128x128xf32>
      %select_n3A_649 = arith.select %and3A_644, %broadcast_in_dim3A_647, %broadcast_in_dim3A_648 : vector<4x128x128xi1>, vector<4x128x128xf32>
      %swap3A_650 = arith.constant 0 : index
      %swap3A_651 = arith.constant 0 : index
      %swap3A_652 = arith.constant 0 : index
      %swap3A_653 = vector.load %arg7[%swap3A_650, %swap3A_651, %swap3A_652] : memref<4x128x128xf32, #tpu.memory_space<vmem>>, vector<4x128x128xf32>
      tpu.vector_store %arg7[%swap3A_650, %swap3A_651, %swap3A_652], %select_n3A_649 {strides = array<i32>} : memref<4x128x128xf32, #tpu.memory_space<vmem>>, vector<4x128x128xf32>,
      %scan3A_654 = arith.constant 0 : i32
      %scan3A_655 = arith.constant 16 : i32
      %scan3A_656 = arith.addi %scan3A_654, %scan3A_655 : i32
      %scan3A_657 = arith.constant 1 : i32
      %scan3A_658 = scf.for %scan3A_677 = %scan3A_654 to %scan3A_656 step %scan3A_657 iter_args(%scan3A_678 = %squeeze3A_600) -> (vector<4x128xf32>)  : i32 {
        %mul3A_679 = arith.constant 8 : i32
        %mul3A_680 = arith.muli %scan3A_677, %mul3A_679 : i32
        %get3A_681 = arith.constant 0 : index
        %get3A_682 = arith.index_cast %mul3A_680 : i32 to index
        %get3A_683 = arith.constant 0 : index
        %get3A_684 = vector.load %arg7[%get3A_681, %get3A_682, %get3A_683] : memref<4x128x128xf32, #tpu.memory_space<vmem>>, vector<4x8x128xf32>
        %slice3A_685 = vector.extract_strided_slice %get3A_684 {offsets = [0, 0, 0], sizes = [4, 1, 128], strides = [1, 1, 1]} : vector<4x8x128xf32> to vector<4x1x128xf32>
        %squeeze3A_686 = vector.shape_cast %slice3A_685 : vector<4x1x128xf32> to vector<4x128xf32>
        %add3A_687 = arith.constant 0 : i32
        %add3A_688 = arith.addi %mul3A_680, %add3A_687 : i32
        %eq3A_689 = vector.broadcast %add3A_688 : i32 to vector<1x128xi32>
        %eq3A_690 = arith.cmpi eq, %iota3A_139, %eq3A_689 : vector<1x128xi32>
        %jit3A_691 = arith.constant 0.000000e+00 : f32
        %broadcast_in_dim3A_692 = vector.shape_cast %eq3A_690 : vector<1x128xi1> to vector<1x128xi1>
        %broadcast_in_dim3A_693 = vector.broadcast %broadcast_in_dim3A_692 : vector<1x128xi1> to vector<4x128xi1>
        %broadcast_in_dim3A_694 = vector.broadcast %jit3A_691 : f32 to vector<4x128xf32>
        %select_n3A_695 = arith.select %broadcast_in_dim3A_693, %scan3A_678, %broadcast_in_dim3A_694 : vector<4x128xi1>, vector<4x128xf32>
        %reduce_sum3A = arith.constant dense<0.000000e+00> : vector<4xf32>
        %reduce_sum3A_696 = vector.multi_reduction <add>, %select_n3A_695, %reduce_sum3A [1] : vector<4x128xf32> to vector<4xf32>
        %broadcast_in_dim3A_697 = vector.shape_cast %reduce_sum3A_696 : vector<4xf32> to vector<4x1xf32>
        %mul3A_698 = vector.broadcast %broadcast_in_dim3A_697 : vector<4x1xf32> to vector<4x128xf32>
        %mul3A_699 = arith.mulf %squeeze3A_686, %mul3A_698 : vector<4x128xf32>
        %gt3A_700 = arith.constant 5.000000e-01 : f32
        %gt3A_701 = vector.broadcast %gt3A_700 : f32 to vector<4x128xf32>
        %gt3A_702 = arith.cmpf ogt, %mul3A_699, %gt3A_701 : vector<4x128xf32>
        %jit3A_703 = arith.constant 0.000000e+00 : f32
        %jit3A_704 = arith.constant 1.000000e+00 : f32
        %broadcast_in_dim3A_705 = vector.broadcast %jit3A_703 : f32 to vector<4x128xf32>
        %broadcast_in_dim3A_706 = vector.broadcast %jit3A_704 : f32 to vector<4x128xf32>
        %select_n3A_707 = arith.select %gt3A_702, %broadcast_in_dim3A_705, %broadcast_in_dim3A_706 : vector<4x128xi1>, vector<4x128xf32>
        %mul3A_708 = arith.mulf %scan3A_678, %select_n3A_707 : vector<4x128xf32>
        %slice3A_709 = vector.extract_strided_slice %get3A_684 {offsets = [0, 1, 0], sizes = [4, 1, 128], strides = [1, 1, 1]} : vector<4x8x128xf32> to vector<4x1x128xf32>
        %squeeze3A_710 = vector.shape_cast %slice3A_709 : vector<4x1x128xf32> to vector<4x128xf32>
        %add3A_711 = arith.constant 1 : i32
        %add3A_712 = arith.addi %mul3A_680, %add3A_711 : i32
        %eq3A_713 = vector.broadcast %add3A_712 : i32 to vector<1x128xi32>
        %eq3A_714 = arith.cmpi eq, %iota3A_139, %eq3A_713 : vector<1x128xi32>
        %jit3A_715 = arith.constant 0.000000e+00 : f32
        %broadcast_in_dim3A_716 = vector.shape_cast %eq3A_714 : vector<1x128xi1> to vector<1x128xi1>
        %broadcast_in_dim3A_717 = vector.broadcast %broadcast_in_dim3A_716 : vector<1x128xi1> to vector<4x128xi1>
        %broadcast_in_dim3A_718 = vector.broadcast %jit3A_715 : f32 to vector<4x128xf32>
        %select_n3A_719 = arith.select %broadcast_in_dim3A_717, %mul3A_708, %broadcast_in_dim3A_718 : vector<4x128xi1>, vector<4x128xf32>
        %reduce_sum3A_720 = arith.constant dense<0.000000e+00> : vector<4xf32>
        %reduce_sum3A_721 = vector.multi_reduction <add>, %select_n3A_719, %reduce_sum3A_720 [1] : vector<4x128xf32> to vector<4xf32>
        %broadcast_in_dim3A_722 = vector.shape_cast %reduce_sum3A_721 : vector<4xf32> to vector<4x1xf32>
        %mul3A_723 = vector.broadcast %broadcast_in_dim3A_722 : vector<4x1xf32> to vector<4x128xf32>
        %mul3A_724 = arith.mulf %squeeze3A_710, %mul3A_723 : vector<4x128xf32>
        %gt3A_725 = arith.constant 5.000000e-01 : f32
        %gt3A_726 = vector.broadcast %gt3A_725 : f32 to vector<4x128xf32>
        %gt3A_727 = arith.cmpf ogt, %mul3A_724, %gt3A_726 : vector<4x128xf32>
        %jit3A_728 = arith.constant 0.000000e+00 : f32
        %jit3A_729 = arith.constant 1.000000e+00 : f32
        %broadcast_in_dim3A_730 = vector.broadcast %jit3A_728 : f32 to vector<4x128xf32>
        %broadcast_in_dim3A_731 = vector.broadcast %jit3A_729 : f32 to vector<4x128xf32>
        %select_n3A_732 = arith.select %gt3A_727, %broadcast_in_dim3A_730, %broadcast_in_dim3A_731 : vector<4x128xi1>, vector<4x128xf32>
        %mul3A_733 = arith.mulf %mul3A_708, %select_n3A_732 : vector<4x128xf32>
        %slice3A_734 = vector.extract_strided_slice %get3A_684 {offsets = [0, 2, 0], sizes = [4, 1, 128], strides = [1, 1, 1]} : vector<4x8x128xf32> to vector<4x1x128xf32>
        %squeeze3A_735 = vector.shape_cast %slice3A_734 : vector<4x1x128xf32> to vector<4x128xf32>
        %add3A_736 = arith.constant 2 : i32
        %add3A_737 = arith.addi %mul3A_680, %add3A_736 : i32
        %eq3A_738 = vector.broadcast %add3A_737 : i32 to vector<1x128xi32>
        %eq3A_739 = arith.cmpi eq, %iota3A_139, %eq3A_738 : vector<1x128xi32>
        %jit3A_740 = arith.constant 0.000000e+00 : f32
        %broadcast_in_dim3A_741 = vector.shape_cast %eq3A_739 : vector<1x128xi1> to vector<1x128xi1>
        %broadcast_in_dim3A_742 = vector.broadcast %broadcast_in_dim3A_741 : vector<1x128xi1> to vector<4x128xi1>
        %broadcast_in_dim3A_743 = vector.broadcast %jit3A_740 : f32 to vector<4x128xf32>
        %select_n3A_744 = arith.select %broadcast_in_dim3A_742, %mul3A_733, %broadcast_in_dim3A_743 : vector<4x128xi1>, vector<4x128xf32>
        %reduce_sum3A_745 = arith.constant dense<0.000000e+00> : vector<4xf32>
        %reduce_sum3A_746 = vector.multi_reduction <add>, %select_n3A_744, %reduce_sum3A_745 [1] : vector<4x128xf32> to vector<4xf32>
        %broadcast_in_dim3A_747 = vector.shape_cast %reduce_sum3A_746 : vector<4xf32> to vector<4x1xf32>
        %mul3A_748 = vector.broadcast %broadcast_in_dim3A_747 : vector<4x1xf32> to vector<4x128xf32>
        %mul3A_749 = arith.mulf %squeeze3A_735, %mul3A_748 : vector<4x128xf32>
        %gt3A_750 = arith.constant 5.000000e-01 : f32
        %gt3A_751 = vector.broadcast %gt3A_750 : f32 to vector<4x128xf32>
        %gt3A_752 = arith.cmpf ogt, %mul3A_749, %gt3A_751 : vector<4x128xf32>
        %jit3A_753 = arith.constant 0.000000e+00 : f32
        %jit3A_754 = arith.constant 1.000000e+00 : f32
        %broadcast_in_dim3A_755 = vector.broadcast %jit3A_753 : f32 to vector<4x128xf32>
        %broadcast_in_dim3A_756 = vector.broadcast %jit3A_754 : f32 to vector<4x128xf32>
        %select_n3A_757 = arith.select %gt3A_752, %broadcast_in_dim3A_755, %broadcast_in_dim3A_756 : vector<4x128xi1>, vector<4x128xf32>
        %mul3A_758 = arith.mulf %mul3A_733, %select_n3A_757 : vector<4x128xf32>
        %slice3A_759 = vector.extract_strided_slice %get3A_684 {offsets = [0, 3, 0], sizes = [4, 1, 128], strides = [1, 1, 1]} : vector<4x8x128xf32> to vector<4x1x128xf32>
        %squeeze3A_760 = vector.shape_cast %slice3A_759 : vector<4x1x128xf32> to vector<4x128xf32>
        %add3A_761 = arith.constant 3 : i32
        %add3A_762 = arith.addi %mul3A_680, %add3A_761 : i32
        %eq3A_763 = vector.broadcast %add3A_762 : i32 to vector<1x128xi32>
        %eq3A_764 = arith.cmpi eq, %iota3A_139, %eq3A_763 : vector<1x128xi32>
        %jit3A_765 = arith.constant 0.000000e+00 : f32
        %broadcast_in_dim3A_766 = vector.shape_cast %eq3A_764 : vector<1x128xi1> to vector<1x128xi1>
        %broadcast_in_dim3A_767 = vector.broadcast %broadcast_in_dim3A_766 : vector<1x128xi1> to vector<4x128xi1>
        %broadcast_in_dim3A_768 = vector.broadcast %jit3A_765 : f32 to vector<4x128xf32>
        %select_n3A_769 = arith.select %broadcast_in_dim3A_767, %mul3A_758, %broadcast_in_dim3A_768 : vector<4x128xi1>, vector<4x128xf32>
        %reduce_sum3A_770 = arith.constant dense<0.000000e+00> : vector<4xf32>
        %reduce_sum3A_771 = vector.multi_reduction <add>, %select_n3A_769, %reduce_sum3A_770 [1] : vector<4x128xf32> to vector<4xf32>
        %broadcast_in_dim3A_772 = vector.shape_cast %reduce_sum3A_771 : vector<4xf32> to vector<4x1xf32>
        %mul3A_773 = vector.broadcast %broadcast_in_dim3A_772 : vector<4x1xf32> to vector<4x128xf32>
        %mul3A_774 = arith.mulf %squeeze3A_760, %mul3A_773 : vector<4x128xf32>
        %gt3A_775 = arith.constant 5.000000e-01 : f32
        %gt3A_776 = vector.broadcast %gt3A_775 : f32 to vector<4x128xf32>
        %gt3A_777 = arith.cmpf ogt, %mul3A_774, %gt3A_776 : vector<4x128xf32>
        %jit3A_778 = arith.constant 0.000000e+00 : f32
        %jit3A_779 = arith.constant 1.000000e+00 : f32
        %broadcast_in_dim3A_780 = vector.broadcast %jit3A_778 : f32 to vector<4x128xf32>
        %broadcast_in_dim3A_781 = vector.broadcast %jit3A_779 : f32 to vector<4x128xf32>
        %select_n3A_782 = arith.select %gt3A_777, %broadcast_in_dim3A_780, %broadcast_in_dim3A_781 : vector<4x128xi1>, vector<4x128xf32>
        %mul3A_783 = arith.mulf %mul3A_758, %select_n3A_782 : vector<4x128xf32>
        %slice3A_784 = vector.extract_strided_slice %get3A_684 {offsets = [0, 4, 0], sizes = [4, 1, 128], strides = [1, 1, 1]} : vector<4x8x128xf32> to vector<4x1x128xf32>
        %squeeze3A_785 = vector.shape_cast %slice3A_784 : vector<4x1x128xf32> to vector<4x128xf32>
        %add3A_786 = arith.constant 4 : i32
        %add3A_787 = arith.addi %mul3A_680, %add3A_786 : i32
        %eq3A_788 = vector.broadcast %add3A_787 : i32 to vector<1x128xi32>
        %eq3A_789 = arith.cmpi eq, %iota3A_139, %eq3A_788 : vector<1x128xi32>
        %jit3A_790 = arith.constant 0.000000e+00 : f32
        %broadcast_in_dim3A_791 = vector.shape_cast %eq3A_789 : vector<1x128xi1> to vector<1x128xi1>
        %broadcast_in_dim3A_792 = vector.broadcast %broadcast_in_dim3A_791 : vector<1x128xi1> to vector<4x128xi1>
        %broadcast_in_dim3A_793 = vector.broadcast %jit3A_790 : f32 to vector<4x128xf32>
        %select_n3A_794 = arith.select %broadcast_in_dim3A_792, %mul3A_783, %broadcast_in_dim3A_793 : vector<4x128xi1>, vector<4x128xf32>
        %reduce_sum3A_795 = arith.constant dense<0.000000e+00> : vector<4xf32>
        %reduce_sum3A_796 = vector.multi_reduction <add>, %select_n3A_794, %reduce_sum3A_795 [1] : vector<4x128xf32> to vector<4xf32>
        %broadcast_in_dim3A_797 = vector.shape_cast %reduce_sum3A_796 : vector<4xf32> to vector<4x1xf32>
        %mul3A_798 = vector.broadcast %broadcast_in_dim3A_797 : vector<4x1xf32> to vector<4x128xf32>
        %mul3A_799 = arith.mulf %squeeze3A_785, %mul3A_798 : vector<4x128xf32>
        %gt3A_800 = arith.constant 5.000000e-01 : f32
        %gt3A_801 = vector.broadcast %gt3A_800 : f32 to vector<4x128xf32>
        %gt3A_802 = arith.cmpf ogt, %mul3A_799, %gt3A_801 : vector<4x128xf32>
        %jit3A_803 = arith.constant 0.000000e+00 : f32
        %jit3A_804 = arith.constant 1.000000e+00 : f32
        %broadcast_in_dim3A_805 = vector.broadcast %jit3A_803 : f32 to vector<4x128xf32>
        %broadcast_in_dim3A_806 = vector.broadcast %jit3A_804 : f32 to vector<4x128xf32>
        %select_n3A_807 = arith.select %gt3A_802, %broadcast_in_dim3A_805, %broadcast_in_dim3A_806 : vector<4x128xi1>, vector<4x128xf32>
        %mul3A_808 = arith.mulf %mul3A_783, %select_n3A_807 : vector<4x128xf32>
        %slice3A_809 = vector.extract_strided_slice %get3A_684 {offsets = [0, 5, 0], sizes = [4, 1, 128], strides = [1, 1, 1]} : vector<4x8x128xf32> to vector<4x1x128xf32>
        %squeeze3A_810 = vector.shape_cast %slice3A_809 : vector<4x1x128xf32> to vector<4x128xf32>
        %add3A_811 = arith.constant 5 : i32
        %add3A_812 = arith.addi %mul3A_680, %add3A_811 : i32
        %eq3A_813 = vector.broadcast %add3A_812 : i32 to vector<1x128xi32>
        %eq3A_814 = arith.cmpi eq, %iota3A_139, %eq3A_813 : vector<1x128xi32>
        %jit3A_815 = arith.constant 0.000000e+00 : f32
        %broadcast_in_dim3A_816 = vector.shape_cast %eq3A_814 : vector<1x128xi1> to vector<1x128xi1>
        %broadcast_in_dim3A_817 = vector.broadcast %broadcast_in_dim3A_816 : vector<1x128xi1> to vector<4x128xi1>
        %broadcast_in_dim3A_818 = vector.broadcast %jit3A_815 : f32 to vector<4x128xf32>
        %select_n3A_819 = arith.select %broadcast_in_dim3A_817, %mul3A_808, %broadcast_in_dim3A_818 : vector<4x128xi1>, vector<4x128xf32>
        %reduce_sum3A_820 = arith.constant dense<0.000000e+00> : vector<4xf32>
        %reduce_sum3A_821 = vector.multi_reduction <add>, %select_n3A_819, %reduce_sum3A_820 [1] : vector<4x128xf32> to vector<4xf32>
        %broadcast_in_dim3A_822 = vector.shape_cast %reduce_sum3A_821 : vector<4xf32> to vector<4x1xf32>
        %mul3A_823 = vector.broadcast %broadcast_in_dim3A_822 : vector<4x1xf32> to vector<4x128xf32>
        %mul3A_824 = arith.mulf %squeeze3A_810, %mul3A_823 : vector<4x128xf32>
        %gt3A_825 = arith.constant 5.000000e-01 : f32
        %gt3A_826 = vector.broadcast %gt3A_825 : f32 to vector<4x128xf32>
        %gt3A_827 = arith.cmpf ogt, %mul3A_824, %gt3A_826 : vector<4x128xf32>
        %jit3A_828 = arith.constant 0.000000e+00 : f32
        %jit3A_829 = arith.constant 1.000000e+00 : f32
        %broadcast_in_dim3A_830 = vector.broadcast %jit3A_828 : f32 to vector<4x128xf32>
        %broadcast_in_dim3A_831 = vector.broadcast %jit3A_829 : f32 to vector<4x128xf32>
        %select_n3A_832 = arith.select %gt3A_827, %broadcast_in_dim3A_830, %broadcast_in_dim3A_831 : vector<4x128xi1>, vector<4x128xf32>
        %mul3A_833 = arith.mulf %mul3A_808, %select_n3A_832 : vector<4x128xf32>
        %slice3A_834 = vector.extract_strided_slice %get3A_684 {offsets = [0, 6, 0], sizes = [4, 1, 128], strides = [1, 1, 1]} : vector<4x8x128xf32> to vector<4x1x128xf32>
        %squeeze3A_835 = vector.shape_cast %slice3A_834 : vector<4x1x128xf32> to vector<4x128xf32>
        %add3A_836 = arith.constant 6 : i32
        %add3A_837 = arith.addi %mul3A_680, %add3A_836 : i32
        %eq3A_838 = vector.broadcast %add3A_837 : i32 to vector<1x128xi32>
        %eq3A_839 = arith.cmpi eq, %iota3A_139, %eq3A_838 : vector<1x128xi32>
        %jit3A_840 = arith.constant 0.000000e+00 : f32
        %broadcast_in_dim3A_841 = vector.shape_cast %eq3A_839 : vector<1x128xi1> to vector<1x128xi1>
        %broadcast_in_dim3A_842 = vector.broadcast %broadcast_in_dim3A_841 : vector<1x128xi1> to vector<4x128xi1>
        %broadcast_in_dim3A_843 = vector.broadcast %jit3A_840 : f32 to vector<4x128xf32>
        %select_n3A_844 = arith.select %broadcast_in_dim3A_842, %mul3A_833, %broadcast_in_dim3A_843 : vector<4x128xi1>, vector<4x128xf32>
        %reduce_sum3A_845 = arith.constant dense<0.000000e+00> : vector<4xf32>
        %reduce_sum3A_846 = vector.multi_reduction <add>, %select_n3A_844, %reduce_sum3A_845 [1] : vector<4x128xf32> to vector<4xf32>
        %broadcast_in_dim3A_847 = vector.shape_cast %reduce_sum3A_846 : vector<4xf32> to vector<4x1xf32>
        %mul3A_848 = vector.broadcast %broadcast_in_dim3A_847 : vector<4x1xf32> to vector<4x128xf32>
        %mul3A_849 = arith.mulf %squeeze3A_835, %mul3A_848 : vector<4x128xf32>
        %gt3A_850 = arith.constant 5.000000e-01 : f32
        %gt3A_851 = vector.broadcast %gt3A_850 : f32 to vector<4x128xf32>
        %gt3A_852 = arith.cmpf ogt, %mul3A_849, %gt3A_851 : vector<4x128xf32>
        %jit3A_853 = arith.constant 0.000000e+00 : f32
        %jit3A_854 = arith.constant 1.000000e+00 : f32
        %broadcast_in_dim3A_855 = vector.broadcast %jit3A_853 : f32 to vector<4x128xf32>
        %broadcast_in_dim3A_856 = vector.broadcast %jit3A_854 : f32 to vector<4x128xf32>
        %select_n3A_857 = arith.select %gt3A_852, %broadcast_in_dim3A_855, %broadcast_in_dim3A_856 : vector<4x128xi1>, vector<4x128xf32>
        %mul3A_858 = arith.mulf %mul3A_833, %select_n3A_857 : vector<4x128xf32>
        %slice3A_859 = vector.extract_strided_slice %get3A_684 {offsets = [0, 7, 0], sizes = [4, 1, 128], strides = [1, 1, 1]} : vector<4x8x128xf32> to vector<4x1x128xf32>
        %squeeze3A_860 = vector.shape_cast %slice3A_859 : vector<4x1x128xf32> to vector<4x128xf32>
        %add3A_861 = arith.constant 7 : i32
        %add3A_862 = arith.addi %mul3A_680, %add3A_861 : i32
        %eq3A_863 = vector.broadcast %add3A_862 : i32 to vector<1x128xi32>
        %eq3A_864 = arith.cmpi eq, %iota3A_139, %eq3A_863 : vector<1x128xi32>
        %jit3A_865 = arith.constant 0.000000e+00 : f32
        %broadcast_in_dim3A_866 = vector.shape_cast %eq3A_864 : vector<1x128xi1> to vector<1x128xi1>
        %broadcast_in_dim3A_867 = vector.broadcast %broadcast_in_dim3A_866 : vector<1x128xi1> to vector<4x128xi1>
        %broadcast_in_dim3A_868 = vector.broadcast %jit3A_865 : f32 to vector<4x128xf32>
        %select_n3A_869 = arith.select %broadcast_in_dim3A_867, %mul3A_858, %broadcast_in_dim3A_868 : vector<4x128xi1>, vector<4x128xf32>
        %reduce_sum3A_870 = arith.constant dense<0.000000e+00> : vector<4xf32>
        %reduce_sum3A_871 = vector.multi_reduction <add>, %select_n3A_869, %reduce_sum3A_870 [1] : vector<4x128xf32> to vector<4xf32>
        %broadcast_in_dim3A_872 = vector.shape_cast %reduce_sum3A_871 : vector<4xf32> to vector<4x1xf32>
        %mul3A_873 = vector.broadcast %broadcast_in_dim3A_872 : vector<4x1xf32> to vector<4x128xf32>
        %mul3A_874 = arith.mulf %squeeze3A_860, %mul3A_873 : vector<4x128xf32>
        %gt3A_875 = arith.constant 5.000000e-01 : f32
        %gt3A_876 = vector.broadcast %gt3A_875 : f32 to vector<4x128xf32>
        %gt3A_877 = arith.cmpf ogt, %mul3A_874, %gt3A_876 : vector<4x128xf32>
        %jit3A_878 = arith.constant 0.000000e+00 : f32
        %jit3A_879 = arith.constant 1.000000e+00 : f32
        %broadcast_in_dim3A_880 = vector.broadcast %jit3A_878 : f32 to vector<4x128xf32>
        %broadcast_in_dim3A_881 = vector.broadcast %jit3A_879 : f32 to vector<4x128xf32>
        %select_n3A_882 = arith.select %gt3A_877, %broadcast_in_dim3A_880, %broadcast_in_dim3A_881 : vector<4x128xi1>, vector<4x128xf32>
        %mul3A_883 = arith.mulf %mul3A_858, %select_n3A_882 : vector<4x128xf32>
        scf.yield %mul3A_883 : vector<4x128xf32>
      }
      %scan3A_659 = arith.constant 16 : i32
      %reshape3A_660 = vector.shape_cast %scan3A_658 : vector<4x128xf32> to vector<4x1x128xf32>
      %swap3A_661 = arith.constant 0 : index
      %swap3A_662 = arith.index_cast %scan3A_560 : i32 to index
      %swap3A_663 = arith.constant 0 : index
      %swap3A_664 = vector.load %arg6[%swap3A_661, %swap3A_662, %swap3A_663] : memref<4x16x128xf32, #tpu.memory_space<vmem>>, vector<4x1x128xf32>
      tpu.vector_store %arg6[%swap3A_661, %swap3A_662, %swap3A_663], %reshape3A_660 {strides = array<i32>} : memref<4x16x128xf32, #tpu.memory_space<vmem>>, vector<4x1x128xf32>,
      %broadcast_in_dim3A_665 = vector.shape_cast %scan3A_658 : vector<4x128xf32> to vector<4x128x1xf32>
      %add3A_666 = arith.constant 1 : i32
      %add3A_667 = arith.addi %scan3A_560, %add3A_666 : i32
      %while3A = arith.constant 0 : i32
      %while3A_668 = arith.constant 16 : i32
      %while3A_669 = arith.subi %while3A_668, %add3A_667 : i32
      %while3A_670 = arith.addi %add3A_667, %while3A_669 : i32
      %while3A_671 = arith.constant 1 : i32
      %while3A_672 = arith.divsi %while3A_669, %while3A_671 : i32
      %while3A_673 = arith.muli %while3A_672, %while3A_671 : i32
      %while3A_674 = arith.addi %add3A_667, %while3A_673 : i32
      %while3A_675 = arith.constant 1 : i32
      scf.for %while3A_677 = %add3A_667 to %while3A_674 step %while3A_675  : i32 {
        %get3A_678 = arith.constant 0 : index
        %get3A_679 = arith.constant 0 : index
        %get3A_680 = arith.index_cast %while3A_677 : i32 to index
        %get3A_681 = arith.constant 0 : index
        %get3A_682 = vector.load %arg5[%get3A_678, %get3A_679, %get3A_680, %get3A_681] : memref<5x4x16x128xf32, #tpu.memory_space<vmem>>, vector<1x4x1x128xf32>
        %get3A_683 = vector.shape_cast %get3A_682 : vector<1x4x1x128xf32> to vector<4x1x128xf32>
        %squeeze3A_684 = vector.shape_cast %get3A_683 : vector<4x1x128xf32> to vector<4x128xf32>
        %get3A_685 = arith.constant 1 : index
        %get3A_686 = arith.constant 0 : index
        %get3A_687 = arith.index_cast %while3A_677 : i32 to index
        %get3A_688 = arith.constant 0 : index
        %get3A_689 = vector.load %arg5[%get3A_685, %get3A_686, %get3A_687, %get3A_688] : memref<5x4x16x128xf32, #tpu.memory_space<vmem>>, vector<1x4x1x128xf32>
        %get3A_690 = vector.shape_cast %get3A_689 : vector<1x4x1x128xf32> to vector<4x1x128xf32>
        %squeeze3A_691 = vector.shape_cast %get3A_690 : vector<4x1x128xf32> to vector<4x128xf32>
        %get3A_692 = arith.constant 2 : index
        %get3A_693 = arith.constant 0 : index
        %get3A_694 = arith.index_cast %while3A_677 : i32 to index
        %get3A_695 = arith.constant 0 : index
        %get3A_696 = vector.load %arg5[%get3A_692, %get3A_693, %get3A_694, %get3A_695] : memref<5x4x16x128xf32, #tpu.memory_space<vmem>>, vector<1x4x1x128xf32>
        %get3A_697 = vector.shape_cast %get3A_696 : vector<1x4x1x128xf32> to vector<4x1x128xf32>
        %squeeze3A_698 = vector.shape_cast %get3A_697 : vector<4x1x128xf32> to vector<4x128xf32>
        %get3A_699 = arith.constant 3 : index
        %get3A_700 = arith.constant 0 : index
        %get3A_701 = arith.index_cast %while3A_677 : i32 to index
        %get3A_702 = arith.constant 0 : index
        %get3A_703 = vector.load %arg5[%get3A_699, %get3A_700, %get3A_701, %get3A_702] : memref<5x4x16x128xf32, #tpu.memory_space<vmem>>, vector<1x4x1x128xf32>
        %get3A_704 = vector.shape_cast %get3A_703 : vector<1x4x1x128xf32> to vector<4x1x128xf32>
        %squeeze3A_705 = vector.shape_cast %get3A_704 : vector<4x1x128xf32> to vector<4x128xf32>
        %get3A_706 = arith.constant 4 : index
        %get3A_707 = arith.constant 0 : index
        %get3A_708 = arith.index_cast %while3A_677 : i32 to index
        %get3A_709 = arith.constant 0 : index
        %get3A_710 = vector.load %arg5[%get3A_706, %get3A_707, %get3A_708, %get3A_709] : memref<5x4x16x128xf32, #tpu.memory_space<vmem>>, vector<1x4x1x128xf32>
        %get3A_711 = vector.shape_cast %get3A_710 : vector<1x4x1x128xf32> to vector<4x1x128xf32>
        %squeeze3A_712 = vector.shape_cast %get3A_711 : vector<4x1x128xf32> to vector<4x128xf32>
        %get3A_713 = arith.constant 0 : index
        %get3A_714 = arith.index_cast %while3A_677 : i32 to index
        %get3A_715 = arith.constant 0 : index
        %get3A_716 = vector.load %arg6[%get3A_713, %get3A_714, %get3A_715] : memref<4x16x128xf32, #tpu.memory_space<vmem>>, vector<4x1x128xf32>
        %squeeze3A_717 = vector.shape_cast %get3A_716 : vector<4x1x128xf32> to vector<4x128xf32>
        %broadcast_in_dim3A_718 = vector.shape_cast %squeeze3A_567 : vector<4x128xf32> to vector<4x128x1xf32>
        %broadcast_in_dim3A_719 = vector.shape_cast %squeeze3A_684 : vector<4x128xf32> to vector<4x1x128xf32>
        %max3A_720 = vector.broadcast %broadcast_in_dim3A_718 : vector<4x128x1xf32> to vector<4x128x128xf32>
        %max3A_721 = vector.broadcast %broadcast_in_dim3A_719 : vector<4x1x128xf32> to vector<4x128x128xf32>
        %max3A_722 = arith.maximumf %max3A_720, %max3A_721 : vector<4x128x128xf32>
        %broadcast_in_dim3A_723 = vector.shape_cast %squeeze3A_574 : vector<4x128xf32> to vector<4x128x1xf32>
        %broadcast_in_dim3A_724 = vector.shape_cast %squeeze3A_691 : vector<4x128xf32> to vector<4x1x128xf32>
        %max3A_725 = vector.broadcast %broadcast_in_dim3A_723 : vector<4x128x1xf32> to vector<4x128x128xf32>
        %max3A_726 = vector.broadcast %broadcast_in_dim3A_724 : vector<4x1x128xf32> to vector<4x128x128xf32>
        %max3A_727 = arith.maximumf %max3A_725, %max3A_726 : vector<4x128x128xf32>
        %broadcast_in_dim3A_728 = vector.shape_cast %squeeze3A_581 : vector<4x128xf32> to vector<4x128x1xf32>
        %broadcast_in_dim3A_729 = vector.shape_cast %squeeze3A_698 : vector<4x128xf32> to vector<4x1x128xf32>
        %min3A_730 = vector.broadcast %broadcast_in_dim3A_728 : vector<4x128x1xf32> to vector<4x128x128xf32>
        %min3A_731 = vector.broadcast %broadcast_in_dim3A_729 : vector<4x1x128xf32> to vector<4x128x128xf32>
        %min3A_732 = arith.minimumf %min3A_730, %min3A_731 : vector<4x128x128xf32>
        %broadcast_in_dim3A_733 = vector.shape_cast %squeeze3A_588 : vector<4x128xf32> to vector<4x128x1xf32>
        %broadcast_in_dim3A_734 = vector.shape_cast %squeeze3A_705 : vector<4x128xf32> to vector<4x1x128xf32>
        %min3A_735 = vector.broadcast %broadcast_in_dim3A_733 : vector<4x128x1xf32> to vector<4x128x128xf32>
        %min3A_736 = vector.broadcast %broadcast_in_dim3A_734 : vector<4x1x128xf32> to vector<4x128x128xf32>
        %min3A_737 = arith.minimumf %min3A_735, %min3A_736 : vector<4x128x128xf32>
        %sub3A_738 = arith.subf %min3A_732, %max3A_722 : vector<4x128x128xf32>
        %max3A_739 = arith.constant 0.000000e+00 : f32
        %max3A_740 = vector.broadcast %max3A_739 : f32 to vector<4x128x128xf32>
        %max3A_741 = arith.maximumf %sub3A_738, %max3A_740 : vector<4x128x128xf32>
        %sub3A_742 = arith.subf %min3A_737, %max3A_727 : vector<4x128x128xf32>
        %max3A_743 = arith.constant 0.000000e+00 : f32
        %max3A_744 = vector.broadcast %max3A_743 : f32 to vector<4x128x128xf32>
        %max3A_745 = arith.maximumf %sub3A_742, %max3A_744 : vector<4x128x128xf32>
        %mul3A_746 = arith.mulf %max3A_741, %max3A_745 : vector<4x128x128xf32>
        %broadcast_in_dim3A_747 = vector.shape_cast %squeeze3A_595 : vector<4x128xf32> to vector<4x128x1xf32>
        %broadcast_in_dim3A_748 = vector.shape_cast %squeeze3A_712 : vector<4x128xf32> to vector<4x1x128xf32>
        %add3A_749 = vector.broadcast %broadcast_in_dim3A_747 : vector<4x128x1xf32> to vector<4x128x128xf32>
        %add3A_750 = vector.broadcast %broadcast_in_dim3A_748 : vector<4x1x128xf32> to vector<4x128x128xf32>
        %add3A_751 = arith.addf %add3A_749, %add3A_750 : vector<4x128x128xf32>
        %sub3A_752 = arith.subf %add3A_751, %mul3A_746 : vector<4x128x128xf32>
        %max3A_753 = arith.constant 9.99999997E-7 : f32
        %max3A_754 = vector.broadcast %max3A_753 : f32 to vector<4x128x128xf32>
        %max3A_755 = arith.maximumf %sub3A_752, %max3A_754 : vector<4x128x128xf32>
        %div3A_756 = arith.divf %mul3A_746, %max3A_755 : vector<4x128x128xf32>
        %gt3A_757 = arith.constant 0.699999988 : f32
        %gt3A_758 = vector.broadcast %gt3A_757 : f32 to vector<4x128x128xf32>
        %gt3A_759 = arith.cmpf ogt, %div3A_756, %gt3A_758 : vector<4x128x128xf32>
        %jit3A_760 = arith.constant 0.000000e+00 : f32
        %broadcast_in_dim3A_761 = vector.shape_cast %broadcast_in_dim3A_665 : vector<4x128x1xf32> to vector<4x128x1xf32>
        %broadcast_in_dim3A_762 = vector.broadcast %broadcast_in_dim3A_761 : vector<4x128x1xf32> to vector<4x128x128xf32>
        %broadcast_in_dim3A_763 = vector.broadcast %jit3A_760 : f32 to vector<4x128x128xf32>
        %select_n3A_764 = arith.select %gt3A_759, %broadcast_in_dim3A_762, %broadcast_in_dim3A_763 : vector<4x128x128xi1>, vector<4x128x128xf32>
        %reduce_max3A = arith.constant dense<0xFF800000> : vector<4x128xf32>
        %reduce_max3A_765 = vector.multi_reduction <maximumf>, %select_n3A_764, %reduce_max3A [1] : vector<4x128x128xf32> to vector<4x128xf32>
        %gt3A_766 = arith.constant 5.000000e-01 : f32
        %gt3A_767 = vector.broadcast %gt3A_766 : f32 to vector<4x128xf32>
        %gt3A_768 = arith.cmpf ogt, %reduce_max3A_765, %gt3A_767 : vector<4x128xf32>
        %jit3A_769 = arith.constant 0.000000e+00 : f32
        %jit3A_770 = arith.constant 1.000000e+00 : f32
        %broadcast_in_dim3A_771 = vector.broadcast %jit3A_769 : f32 to vector<4x128xf32>
        %broadcast_in_dim3A_772 = vector.broadcast %jit3A_770 : f32 to vector<4x128xf32>
        %select_n3A_773 = arith.select %gt3A_768, %broadcast_in_dim3A_771, %broadcast_in_dim3A_772 : vector<4x128xi1>, vector<4x128xf32>
        %mul3A_774 = arith.mulf %squeeze3A_717, %select_n3A_773 : vector<4x128xf32>
        %reshape3A_775 = vector.shape_cast %mul3A_774 : vector<4x128xf32> to vector<4x1x128xf32>
        %swap3A_776 = arith.constant 0 : index
        %swap3A_777 = arith.index_cast %while3A_677 : i32 to index
        %swap3A_778 = arith.constant 0 : index
        %swap3A_779 = vector.load %arg6[%swap3A_776, %swap3A_777, %swap3A_778] : memref<4x16x128xf32, #tpu.memory_space<vmem>>, vector<4x1x128xf32>
        tpu.vector_store %arg6[%swap3A_776, %swap3A_777, %swap3A_778], %reshape3A_775 {strides = array<i32>} : memref<4x16x128xf32, #tpu.memory_space<vmem>>, vector<4x1x128xf32>,
      }
      %while3A_676 = arith.constant 1 : i32
      scf.for %while3A_677 = %while3A_674 to %while3A_670 step %while3A_676  : i32 {
        %get3A_678 = arith.constant 0 : index
        %get3A_679 = arith.constant 0 : index
        %get3A_680 = arith.index_cast %while3A_677 : i32 to index
        %get3A_681 = arith.constant 0 : index
        %get3A_682 = vector.load %arg5[%get3A_678, %get3A_679, %get3A_680, %get3A_681] : memref<5x4x16x128xf32, #tpu.memory_space<vmem>>, vector<1x4x1x128xf32>
        %get3A_683 = vector.shape_cast %get3A_682 : vector<1x4x1x128xf32> to vector<4x1x128xf32>
        %squeeze3A_684 = vector.shape_cast %get3A_683 : vector<4x1x128xf32> to vector<4x128xf32>
        %get3A_685 = arith.constant 1 : index
        %get3A_686 = arith.constant 0 : index
        %get3A_687 = arith.index_cast %while3A_677 : i32 to index
        %get3A_688 = arith.constant 0 : index
        %get3A_689 = vector.load %arg5[%get3A_685, %get3A_686, %get3A_687, %get3A_688] : memref<5x4x16x128xf32, #tpu.memory_space<vmem>>, vector<1x4x1x128xf32>
        %get3A_690 = vector.shape_cast %get3A_689 : vector<1x4x1x128xf32> to vector<4x1x128xf32>
        %squeeze3A_691 = vector.shape_cast %get3A_690 : vector<4x1x128xf32> to vector<4x128xf32>
        %get3A_692 = arith.constant 2 : index
        %get3A_693 = arith.constant 0 : index
        %get3A_694 = arith.index_cast %while3A_677 : i32 to index
        %get3A_695 = arith.constant 0 : index
        %get3A_696 = vector.load %arg5[%get3A_692, %get3A_693, %get3A_694, %get3A_695] : memref<5x4x16x128xf32, #tpu.memory_space<vmem>>, vector<1x4x1x128xf32>
        %get3A_697 = vector.shape_cast %get3A_696 : vector<1x4x1x128xf32> to vector<4x1x128xf32>
        %squeeze3A_698 = vector.shape_cast %get3A_697 : vector<4x1x128xf32> to vector<4x128xf32>
        %get3A_699 = arith.constant 3 : index
        %get3A_700 = arith.constant 0 : index
        %get3A_701 = arith.index_cast %while3A_677 : i32 to index
        %get3A_702 = arith.constant 0 : index
        %get3A_703 = vector.load %arg5[%get3A_699, %get3A_700, %get3A_701, %get3A_702] : memref<5x4x16x128xf32, #tpu.memory_space<vmem>>, vector<1x4x1x128xf32>
        %get3A_704 = vector.shape_cast %get3A_703 : vector<1x4x1x128xf32> to vector<4x1x128xf32>
        %squeeze3A_705 = vector.shape_cast %get3A_704 : vector<4x1x128xf32> to vector<4x128xf32>
        %get3A_706 = arith.constant 4 : index
        %get3A_707 = arith.constant 0 : index
        %get3A_708 = arith.index_cast %while3A_677 : i32 to index
        %get3A_709 = arith.constant 0 : index
        %get3A_710 = vector.load %arg5[%get3A_706, %get3A_707, %get3A_708, %get3A_709] : memref<5x4x16x128xf32, #tpu.memory_space<vmem>>, vector<1x4x1x128xf32>
        %get3A_711 = vector.shape_cast %get3A_710 : vector<1x4x1x128xf32> to vector<4x1x128xf32>
        %squeeze3A_712 = vector.shape_cast %get3A_711 : vector<4x1x128xf32> to vector<4x128xf32>
        %get3A_713 = arith.constant 0 : index
        %get3A_714 = arith.index_cast %while3A_677 : i32 to index
        %get3A_715 = arith.constant 0 : index
        %get3A_716 = vector.load %arg6[%get3A_713, %get3A_714, %get3A_715] : memref<4x16x128xf32, #tpu.memory_space<vmem>>, vector<4x1x128xf32>
        %squeeze3A_717 = vector.shape_cast %get3A_716 : vector<4x1x128xf32> to vector<4x128xf32>
        %broadcast_in_dim3A_718 = vector.shape_cast %squeeze3A_567 : vector<4x128xf32> to vector<4x128x1xf32>
        %broadcast_in_dim3A_719 = vector.shape_cast %squeeze3A_684 : vector<4x128xf32> to vector<4x1x128xf32>
        %max3A_720 = vector.broadcast %broadcast_in_dim3A_718 : vector<4x128x1xf32> to vector<4x128x128xf32>
        %max3A_721 = vector.broadcast %broadcast_in_dim3A_719 : vector<4x1x128xf32> to vector<4x128x128xf32>
        %max3A_722 = arith.maximumf %max3A_720, %max3A_721 : vector<4x128x128xf32>
        %broadcast_in_dim3A_723 = vector.shape_cast %squeeze3A_574 : vector<4x128xf32> to vector<4x128x1xf32>
        %broadcast_in_dim3A_724 = vector.shape_cast %squeeze3A_691 : vector<4x128xf32> to vector<4x1x128xf32>
        %max3A_725 = vector.broadcast %broadcast_in_dim3A_723 : vector<4x128x1xf32> to vector<4x128x128xf32>
        %max3A_726 = vector.broadcast %broadcast_in_dim3A_724 : vector<4x1x128xf32> to vector<4x128x128xf32>
        %max3A_727 = arith.maximumf %max3A_725, %max3A_726 : vector<4x128x128xf32>
        %broadcast_in_dim3A_728 = vector.shape_cast %squeeze3A_581 : vector<4x128xf32> to vector<4x128x1xf32>
        %broadcast_in_dim3A_729 = vector.shape_cast %squeeze3A_698 : vector<4x128xf32> to vector<4x1x128xf32>
        %min3A_730 = vector.broadcast %broadcast_in_dim3A_728 : vector<4x128x1xf32> to vector<4x128x128xf32>
        %min3A_731 = vector.broadcast %broadcast_in_dim3A_729 : vector<4x1x128xf32> to vector<4x128x128xf32>
        %min3A_732 = arith.minimumf %min3A_730, %min3A_731 : vector<4x128x128xf32>
        %broadcast_in_dim3A_733 = vector.shape_cast %squeeze3A_588 : vector<4x128xf32> to vector<4x128x1xf32>
        %broadcast_in_dim3A_734 = vector.shape_cast %squeeze3A_705 : vector<4x128xf32> to vector<4x1x128xf32>
        %min3A_735 = vector.broadcast %broadcast_in_dim3A_733 : vector<4x128x1xf32> to vector<4x128x128xf32>
        %min3A_736 = vector.broadcast %broadcast_in_dim3A_734 : vector<4x1x128xf32> to vector<4x128x128xf32>
        %min3A_737 = arith.minimumf %min3A_735, %min3A_736 : vector<4x128x128xf32>
        %sub3A_738 = arith.subf %min3A_732, %max3A_722 : vector<4x128x128xf32>
        %max3A_739 = arith.constant 0.000000e+00 : f32
        %max3A_740 = vector.broadcast %max3A_739 : f32 to vector<4x128x128xf32>
        %max3A_741 = arith.maximumf %sub3A_738, %max3A_740 : vector<4x128x128xf32>
        %sub3A_742 = arith.subf %min3A_737, %max3A_727 : vector<4x128x128xf32>
        %max3A_743 = arith.constant 0.000000e+00 : f32
        %max3A_744 = vector.broadcast %max3A_743 : f32 to vector<4x128x128xf32>
        %max3A_745 = arith.maximumf %sub3A_742, %max3A_744 : vector<4x128x128xf32>
        %mul3A_746 = arith.mulf %max3A_741, %max3A_745 : vector<4x128x128xf32>
        %broadcast_in_dim3A_747 = vector.shape_cast %squeeze3A_595 : vector<4x128xf32> to vector<4x128x1xf32>
        %broadcast_in_dim3A_748 = vector.shape_cast %squeeze3A_712 : vector<4x128xf32> to vector<4x1x128xf32>
        %add3A_749 = vector.broadcast %broadcast_in_dim3A_747 : vector<4x128x1xf32> to vector<4x128x128xf32>
        %add3A_750 = vector.broadcast %broadcast_in_dim3A_748 : vector<4x1x128xf32> to vector<4x128x128xf32>
        %add3A_751 = arith.addf %add3A_749, %add3A_750 : vector<4x128x128xf32>
        %sub3A_752 = arith.subf %add3A_751, %mul3A_746 : vector<4x128x128xf32>
        %max3A_753 = arith.constant 9.99999997E-7 : f32
        %max3A_754 = vector.broadcast %max3A_753 : f32 to vector<4x128x128xf32>
        %max3A_755 = arith.maximumf %sub3A_752, %max3A_754 : vector<4x128x128xf32>
        %div3A_756 = arith.divf %mul3A_746, %max3A_755 : vector<4x128x128xf32>
        %gt3A_757 = arith.constant 0.699999988 : f32
        %gt3A_758 = vector.broadcast %gt3A_757 : f32 to vector<4x128x128xf32>
        %gt3A_759 = arith.cmpf ogt, %div3A_756, %gt3A_758 : vector<4x128x128xf32>
        %jit3A_760 = arith.constant 0.000000e+00 : f32
        %broadcast_in_dim3A_761 = vector.shape_cast %broadcast_in_dim3A_665 : vector<4x128x1xf32> to vector<4x128x1xf32>
        %broadcast_in_dim3A_762 = vector.broadcast %broadcast_in_dim3A_761 : vector<4x128x1xf32> to vector<4x128x128xf32>
        %broadcast_in_dim3A_763 = vector.broadcast %jit3A_760 : f32 to vector<4x128x128xf32>
        %select_n3A_764 = arith.select %gt3A_759, %broadcast_in_dim3A_762, %broadcast_in_dim3A_763 : vector<4x128x128xi1>, vector<4x128x128xf32>
        %reduce_max3A = arith.constant dense<0xFF800000> : vector<4x128xf32>
        %reduce_max3A_765 = vector.multi_reduction <maximumf>, %select_n3A_764, %reduce_max3A [1] : vector<4x128x128xf32> to vector<4x128xf32>
        %gt3A_766 = arith.constant 5.000000e-01 : f32
        %gt3A_767 = vector.broadcast %gt3A_766 : f32 to vector<4x128xf32>
        %gt3A_768 = arith.cmpf ogt, %reduce_max3A_765, %gt3A_767 : vector<4x128xf32>
        %jit3A_769 = arith.constant 0.000000e+00 : f32
        %jit3A_770 = arith.constant 1.000000e+00 : f32
        %broadcast_in_dim3A_771 = vector.broadcast %jit3A_769 : f32 to vector<4x128xf32>
        %broadcast_in_dim3A_772 = vector.broadcast %jit3A_770 : f32 to vector<4x128xf32>
        %select_n3A_773 = arith.select %gt3A_768, %broadcast_in_dim3A_771, %broadcast_in_dim3A_772 : vector<4x128xi1>, vector<4x128xf32>
        %mul3A_774 = arith.mulf %squeeze3A_717, %select_n3A_773 : vector<4x128xf32>
        %reshape3A_775 = vector.shape_cast %mul3A_774 : vector<4x128xf32> to vector<4x1x128xf32>
        %swap3A_776 = arith.constant 0 : index
        %swap3A_777 = arith.index_cast %while3A_677 : i32 to index
        %swap3A_778 = arith.constant 0 : index
        %swap3A_779 = vector.load %arg6[%swap3A_776, %swap3A_777, %swap3A_778] : memref<4x16x128xf32, #tpu.memory_space<vmem>>, vector<4x1x128xf32>
        tpu.vector_store %arg6[%swap3A_776, %swap3A_777, %swap3A_778], %reshape3A_775 {strides = array<i32>} : memref<4x16x128xf32, #tpu.memory_space<vmem>>, vector<4x1x128xf32>,
      }
    }
    %scan3A_143 = arith.constant 16 : i32
    %get3A_144 = arith.constant 0 : index
    %get3A_145 = arith.constant 0 : index
    %get3A_146 = arith.constant 0 : index
    %get3A_147 = vector.load %arg6[%get3A_144, %get3A_145, %get3A_146] : memref<4x16x128xf32, #tpu.memory_space<vmem>>, vector<4x16x128xf32>
    %gt3A_148 = arith.constant 5.000000e-01 : f32
    %gt3A_149 = vector.broadcast %gt3A_148 : f32 to vector<4x16x128xf32>
    %gt3A_150 = arith.cmpf ogt, %get3A_147, %gt3A_149 : vector<4x16x128xf32>
    %convert_element_type3A = arith.sitofp %add3A_110 : vector<1x16x128xi32> to vector<1x16x128xf32>
    %add3A_151 = arith.constant 4.096000e+03 : f32
    %add3A_152 = vector.broadcast %add3A_151 : f32 to vector<1x16x128xf32>
    %add3A_153 = arith.addf %add3A_152, %convert_element_type3A : vector<1x16x128xf32>
    %broadcast_in_dim3A_154 = vector.shape_cast %convert_element_type3A : vector<1x16x128xf32> to vector<1x16x128xf32>
    %broadcast_in_dim3A_155 = vector.broadcast %broadcast_in_dim3A_154 : vector<1x16x128xf32> to vector<4x16x128xf32>
    %broadcast_in_dim3A_156 = vector.shape_cast %add3A_153 : vector<1x16x128xf32> to vector<1x16x128xf32>
    %broadcast_in_dim3A_157 = vector.broadcast %broadcast_in_dim3A_156 : vector<1x16x128xf32> to vector<4x16x128xf32>
    %select_n3A_158 = arith.select %gt3A_150, %broadcast_in_dim3A_155, %broadcast_in_dim3A_157 : vector<4x16x128xi1>, vector<4x16x128xf32>
    %jit3A_159 = arith.constant -1.000000e+09 : f32
    %broadcast_in_dim3A_160 = vector.broadcast %jit3A_159 : f32 to vector<4x16x128xf32>
    %select_n3A_161 = arith.select %gt3A_150, %reshape3A, %broadcast_in_dim3A_160 : vector<4x16x128xi1>, vector<4x16x128xf32>
    %stack3A_162 = vector.shape_cast %select_n3A_158 : vector<4x16x128xf32> to vector<1x4x16x128xf32>
    %stack3A_163 = vector.shape_cast %select_n3A_161 : vector<4x16x128xf32> to vector<1x4x16x128xf32>
    %stack3A_164 = vector.shape_cast %reshape3A_69 : vector<4x16x128xf32> to vector<1x4x16x128xf32>
    %stack3A_165 = vector.shape_cast %reshape3A_80 : vector<4x16x128xf32> to vector<1x4x16x128xf32>
    %stack3A_166 = vector.shape_cast %reshape3A_91 : vector<4x16x128xf32> to vector<1x4x16x128xf32>
    %stack3A_167 = vector.shape_cast %reshape3A_102 : vector<4x16x128xf32> to vector<1x4x16x128xf32>
    %stack3A_168 = tpu.concatenate %stack3A_162, %stack3A_163, %stack3A_164, %stack3A_165, %stack3A_166, %stack3A_167 in 0 : vector<1x4x16x128xf32>, vector<1x4x16x128xf32>, vector<1x4x16x128xf32>, vector<1x4x16x128xf32>, vector<1x4x16x128xf32>, vector<1x4x16x128xf32> -> vector<6x4x16x128xf32>
    %swap3A_169 = arith.constant 0 : index
    %swap3A_170 = arith.constant 0 : index
    %swap3A_171 = arith.constant 0 : index
    %swap3A_172 = arith.constant 0 : index
    %swap3A_173 = vector.load %arg4[%swap3A_169, %swap3A_170, %swap3A_171, %swap3A_172] : memref<6x4x16x128xf32, #tpu.memory_space<vmem>>, vector<6x4x16x128xf32>
    tpu.vector_store %arg4[%swap3A_169, %swap3A_170, %swap3A_171, %swap3A_172], %stack3A_168 {strides = array<i32>} : memref<6x4x16x128xf32, #tpu.memory_space<vmem>>, vector<6x4x16x128xf32>,
    %iota3A_174 = tpu.iota {dimensions = array<i32: 2>} : vector<1x1x16x128xi32>
    %mul3A_175 = arith.constant 128 : i32
    %mul3A_176 = vector.broadcast %mul3A_175 : i32 to vector<1x1x16x128xi32>
    %mul3A_177 = arith.muli %iota3A_174, %mul3A_176 : vector<1x1x16x128xi32>
    %iota3A_178 = tpu.iota {dimensions = array<i32: 3>} : vector<1x1x16x128xi32>
    %add3A_179 = arith.addi %mul3A_177, %iota3A_178 : vector<1x1x16x128xi32>
    %and3A_180 = arith.constant 2 : i32
    %and3A_181 = vector.broadcast %and3A_180 : i32 to vector<1x1x16x128xi32>
    %and3A_182 = arith.andi %add3A_179, %and3A_181 : vector<1x1x16x128xi32>
    %eq3A = arith.constant 0 : i32
    %eq3A_183 = vector.broadcast %eq3A : i32 to vector<1x1x16x128xi32>
    %eq3A_184 = arith.cmpi eq, %and3A_182, %eq3A_183 : vector<1x1x16x128xi32>
    %scan3A_185 = arith.constant 1 : i32
    %scan3A_186 = arith.constant 0 : i32
    %get3A_187 = arith.constant 0 : index
    %get3A_188 = arith.constant 0 : index
    %get3A_189 = arith.constant 0 : index
    %get3A_190 = arith.constant 0 : index
    %get3A_191 = vector.load %arg4[%get3A_187, %get3A_188, %get3A_189, %get3A_190] : memref<6x4x16x128xf32, #tpu.memory_space<vmem>>, vector<6x4x16x128xf32>
    %sub3A_192 = arith.constant 128 : i32
    %sub3A_193 = arith.subi %sub3A_192, %scan3A_185 : i32
    %jit3A_194 = arith.constant 128 : i32
    %eq3A_195 = arith.constant 0 : i32
    %eq3A_196 = arith.cmpi eq, %jit3A_194, %eq3A_195 : i32
    %jit3A_197 = arith.constant 1 : i32
    %select_n3A_198 = arith.select %eq3A_196, %jit3A_197, %jit3A_194 : i32
    %rem3A = arith.remsi %sub3A_193, %select_n3A_198 : i32
    %ne3A = arith.constant 0 : i32
    %ne3A_199 = arith.cmpi ne, %rem3A, %ne3A : i32
    %lt3A_200 = arith.constant 0 : i32
    %lt3A_201 = arith.cmpi slt, %rem3A, %lt3A_200 : i32
    %lt3A_202 = arith.constant 0 : i32
    %lt3A_203 = arith.cmpi slt, %select_n3A_198, %lt3A_202 : i32
    %ne3A_204 = arith.xori %lt3A_201, %lt3A_203 : i1
    %and3A_205 = arith.andi %ne3A_204, %ne3A_199 : i1
    %add3A_206 = arith.addi %rem3A, %select_n3A_198 : i32
    %select_n3A_207 = arith.select %and3A_205, %add3A_206, %rem3A : i32
    %roll3A = tpu.dynamic_rotate %get3A_191 by %select_n3A_207 dim 3 : vector<6x4x16x128xf32>, i32 -> vector<6x4x16x128xf32>
    %roll3A_208 = tpu.dynamic_rotate %get3A_191 by %scan3A_185 dim 3 : vector<6x4x16x128xf32>, i32 -> vector<6x4x16x128xf32>
    %and3A_209 = vector.broadcast %scan3A_185 : i32 to vector<1x1x16x128xi32>
    %and3A_210 = arith.andi %add3A_179, %and3A_209 : vector<1x1x16x128xi32>
    %eq3A_211 = arith.constant 0 : i32
    %eq3A_212 = vector.broadcast %eq3A_211 : i32 to vector<1x1x16x128xi32>
    %eq3A_213 = arith.cmpi eq, %and3A_210, %eq3A_212 : vector<1x1x16x128xi32>
    %broadcast_in_dim3A_214 = vector.shape_cast %eq3A_213 : vector<1x1x16x128xi1> to vector<1x1x16x128xi1>
    %broadcast_in_dim3A_215 = vector.broadcast %broadcast_in_dim3A_214 : vector<1x1x16x128xi1> to vector<6x4x16x128xi1>
    %select_n3A_216 = arith.select %broadcast_in_dim3A_215, %roll3A, %roll3A_208 : vector<6x4x16x128xi1>, vector<6x4x16x128xf32>
    %broadcast_in_dim3A_217 = vector.shape_cast %eq3A_213 : vector<1x1x16x128xi1> to vector<1x1x16x128xi1>
    %broadcast_in_dim3A_218 = vector.broadcast %broadcast_in_dim3A_217 : vector<1x1x16x128xi1> to vector<6x4x16x128xi1>
    %select_n3A_219 = arith.select %broadcast_in_dim3A_218, %get3A_191, %select_n3A_216 : vector<6x4x16x128xi1>, vector<6x4x16x128xf32>
    %broadcast_in_dim3A_220 = vector.shape_cast %eq3A_213 : vector<1x1x16x128xi1> to vector<1x1x16x128xi1>
    %broadcast_in_dim3A_221 = vector.broadcast %broadcast_in_dim3A_220 : vector<1x1x16x128xi1> to vector<6x4x16x128xi1>
    %select_n3A_222 = arith.select %broadcast_in_dim3A_221, %select_n3A_216, %get3A_191 : vector<6x4x16x128xi1>, vector<6x4x16x128xf32>
    %slice3A = vector.extract_strided_slice %select_n3A_219 {offsets = [0, 0, 0, 0], sizes = [1, 4, 16, 128], strides = [1, 1, 1, 1]} : vector<6x4x16x128xf32> to vector<1x4x16x128xf32>
    %slice3A_223 = vector.extract_strided_slice %select_n3A_222 {offsets = [0, 0, 0, 0], sizes = [1, 4, 16, 128], strides = [1, 1, 1, 1]} : vector<6x4x16x128xf32> to vector<1x4x16x128xf32>
    %lt3A_224 = arith.cmpf olt, %slice3A, %slice3A_223 : vector<1x4x16x128xf32>
    %jit3A_225 = arith.constant 1 : i32
    %jit3A_226 = arith.constant 0 : i32
    %broadcast_in_dim3A_227 = vector.broadcast %jit3A_225 : i32 to vector<1x4x16x128xi32>
    %broadcast_in_dim3A_228 = vector.broadcast %jit3A_226 : i32 to vector<1x4x16x128xi32>
    %select_n3A_229 = arith.select %lt3A_224, %broadcast_in_dim3A_227, %broadcast_in_dim3A_228 : vector<1x4x16x128xi1>, vector<1x4x16x128xi32>
    %jit3A_230 = arith.constant 1 : i32
    %jit3A_231 = arith.constant 0 : i32
    %broadcast_in_dim3A_232 = vector.broadcast %jit3A_230 : i32 to vector<1x1x16x128xi32>
    %broadcast_in_dim3A_233 = vector.broadcast %jit3A_231 : i32 to vector<1x1x16x128xi32>
    %select_n3A_234 = arith.select %eq3A_184, %broadcast_in_dim3A_232, %broadcast_in_dim3A_233 : vector<1x1x16x128xi1>, vector<1x1x16x128xi32>
    %eq3A_235 = vector.broadcast %select_n3A_234 : vector<1x1x16x128xi32> to vector<1x4x16x128xi32>
    %eq3A_236 = arith.cmpi eq, %select_n3A_229, %eq3A_235 : vector<1x4x16x128xi32>
    %broadcast_in_dim3A_237 = vector.shape_cast %eq3A_236 : vector<1x4x16x128xi1> to vector<1x4x16x128xi1>
    %broadcast_in_dim3A_238 = vector.broadcast %broadcast_in_dim3A_237 : vector<1x4x16x128xi1> to vector<6x4x16x128xi1>
    %select_n3A_239 = arith.select %broadcast_in_dim3A_238, %get3A_191, %select_n3A_216 : vector<6x4x16x128xi1>, vector<6x4x16x128xf32>
    %swap3A_240 = arith.constant 0 : index
    %swap3A_241 = arith.constant 0 : index
    %swap3A_242 = arith.constant 0 : index
    %swap3A_243 = arith.constant 0 : index
    %swap3A_244 = vector.load %arg4[%swap3A_240, %swap3A_241, %swap3A_242, %swap3A_243] : memref<6x4x16x128xf32, #tpu.memory_space<vmem>>, vector<6x4x16x128xf32>
    tpu.vector_store %arg4[%swap3A_240, %swap3A_241, %swap3A_242, %swap3A_243], %select_n3A_239 {strides = array<i32>} : memref<6x4x16x128xf32, #tpu.memory_space<vmem>>, vector<6x4x16x128xf32>,
    %jit3A_245 = arith.constant 2 : i32
    %div3A = arith.divsi %scan3A_185, %jit3A_245 : i32
    %sign3A = arith.constant 0 : i32
    %sign3A_246 = arith.cmpi sgt, %scan3A_185, %sign3A : i32
    %sign3A_247 = arith.extui %sign3A_246 : i1 to i32
    %sign3A_248 = arith.constant 0 : i32
    %sign3A_249 = arith.cmpi slt, %scan3A_185, %sign3A_248 : i32
    %sign3A_250 = arith.extui %sign3A_249 : i1 to i32
    %sign3A_251 = arith.subi %sign3A_247, %sign3A_250 : i32
    %sign3A_252 = arith.constant 0 : i32
    %sign3A_253 = arith.cmpi sgt, %jit3A_245, %sign3A_252 : i32
    %sign3A_254 = arith.extui %sign3A_253 : i1 to i32
    %sign3A_255 = arith.constant 0 : i32
    %sign3A_256 = arith.cmpi slt, %jit3A_245, %sign3A_255 : i32
    %sign3A_257 = arith.extui %sign3A_256 : i1 to i32
    %sign3A_258 = arith.subi %sign3A_254, %sign3A_257 : i32
    %ne3A_259 = arith.cmpi ne, %sign3A_251, %sign3A_258 : i32
    %rem3A_260 = arith.remsi %scan3A_185, %jit3A_245 : i32
    %ne3A_261 = arith.constant 0 : i32
    %ne3A_262 = arith.cmpi ne, %rem3A_260, %ne3A_261 : i32
    %and3A_263 = arith.andi %ne3A_259, %ne3A_262 : i1
    %sub3A_264 = arith.constant 1 : i32
    %sub3A_265 = arith.subi %div3A, %sub3A_264 : i32
    %select_n3A_266 = arith.select %and3A_263, %sub3A_265, %div3A : i32
    %and3A_267 = arith.constant 4 : i32
    %and3A_268 = vector.broadcast %and3A_267 : i32 to vector<1x1x16x128xi32>
    %and3A_269 = arith.andi %add3A_179, %and3A_268 : vector<1x1x16x128xi32>
    %eq3A_270 = arith.constant 0 : i32
    %eq3A_271 = vector.broadcast %eq3A_270 : i32 to vector<1x1x16x128xi32>
    %eq3A_272 = arith.cmpi eq, %and3A_269, %eq3A_271 : vector<1x1x16x128xi32>
    %scan3A_273 = arith.constant 2 : i32
    %scan3A_274 = arith.constant 0 : i32
    %scan3A_275 = arith.constant 2 : i32
    %scan3A_276 = arith.addi %scan3A_274, %scan3A_275 : i32
    %scan3A_277 = arith.constant 1 : i32
    %scan3A_278 = scf.for %scan3A_560 = %scan3A_274 to %scan3A_276 step %scan3A_277 iter_args(%scan3A_561 = %scan3A_273) -> (i32)  : i32 {
      %get3A_562 = arith.constant 0 : index
      %get3A_563 = arith.constant 0 : index
      %get3A_564 = arith.constant 0 : index
      %get3A_565 = arith.constant 0 : index
      %get3A_566 = vector.load %arg4[%get3A_562, %get3A_563, %get3A_564, %get3A_565] : memref<6x4x16x128xf32, #tpu.memory_space<vmem>>, vector<6x4x16x128xf32>
      %sub3A_567 = arith.constant 128 : i32
      %sub3A_568 = arith.subi %sub3A_567, %scan3A_561 : i32
      %jit3A_569 = arith.constant 128 : i32
      %eq3A_570 = arith.constant 0 : i32
      %eq3A_571 = arith.cmpi eq, %jit3A_569, %eq3A_570 : i32
      %jit3A_572 = arith.constant 1 : i32
      %select_n3A_573 = arith.select %eq3A_571, %jit3A_572, %jit3A_569 : i32
      %rem3A_574 = arith.remsi %sub3A_568, %select_n3A_573 : i32
      %ne3A_575 = arith.constant 0 : i32
      %ne3A_576 = arith.cmpi ne, %rem3A_574, %ne3A_575 : i32
      %lt3A_577 = arith.constant 0 : i32
      %lt3A_578 = arith.cmpi slt, %rem3A_574, %lt3A_577 : i32
      %lt3A_579 = arith.constant 0 : i32
      %lt3A_580 = arith.cmpi slt, %select_n3A_573, %lt3A_579 : i32
      %ne3A_581 = arith.xori %lt3A_578, %lt3A_580 : i1
      %and3A_582 = arith.andi %ne3A_581, %ne3A_576 : i1
      %add3A_583 = arith.addi %rem3A_574, %select_n3A_573 : i32
      %select_n3A_584 = arith.select %and3A_582, %add3A_583, %rem3A_574 : i32
      %roll3A_585 = tpu.dynamic_rotate %get3A_566 by %select_n3A_584 dim 3 : vector<6x4x16x128xf32>, i32 -> vector<6x4x16x128xf32>
      %roll3A_586 = tpu.dynamic_rotate %get3A_566 by %scan3A_561 dim 3 : vector<6x4x16x128xf32>, i32 -> vector<6x4x16x128xf32>
      %and3A_587 = vector.broadcast %scan3A_561 : i32 to vector<1x1x16x128xi32>
      %and3A_588 = arith.andi %add3A_179, %and3A_587 : vector<1x1x16x128xi32>
      %eq3A_589 = arith.constant 0 : i32
      %eq3A_590 = vector.broadcast %eq3A_589 : i32 to vector<1x1x16x128xi32>
      %eq3A_591 = arith.cmpi eq, %and3A_588, %eq3A_590 : vector<1x1x16x128xi32>
      %broadcast_in_dim3A_592 = vector.shape_cast %eq3A_591 : vector<1x1x16x128xi1> to vector<1x1x16x128xi1>
      %broadcast_in_dim3A_593 = vector.broadcast %broadcast_in_dim3A_592 : vector<1x1x16x128xi1> to vector<6x4x16x128xi1>
      %select_n3A_594 = arith.select %broadcast_in_dim3A_593, %roll3A_585, %roll3A_586 : vector<6x4x16x128xi1>, vector<6x4x16x128xf32>
      %broadcast_in_dim3A_595 = vector.shape_cast %eq3A_591 : vector<1x1x16x128xi1> to vector<1x1x16x128xi1>
      %broadcast_in_dim3A_596 = vector.broadcast %broadcast_in_dim3A_595 : vector<1x1x16x128xi1> to vector<6x4x16x128xi1>
      %select_n3A_597 = arith.select %broadcast_in_dim3A_596, %get3A_566, %select_n3A_594 : vector<6x4x16x128xi1>, vector<6x4x16x128xf32>
      %broadcast_in_dim3A_598 = vector.shape_cast %eq3A_591 : vector<1x1x16x128xi1> to vector<1x1x16x128xi1>
      %broadcast_in_dim3A_599 = vector.broadcast %broadcast_in_dim3A_598 : vector<1x1x16x128xi1> to vector<6x4x16x128xi1>
      %select_n3A_600 = arith.select %broadcast_in_dim3A_599, %select_n3A_594, %get3A_566 : vector<6x4x16x128xi1>, vector<6x4x16x128xf32>
      %slice3A_601 = vector.extract_strided_slice %select_n3A_597 {offsets = [0, 0, 0, 0], sizes = [1, 4, 16, 128], strides = [1, 1, 1, 1]} : vector<6x4x16x128xf32> to vector<1x4x16x128xf32>
      %slice3A_602 = vector.extract_strided_slice %select_n3A_600 {offsets = [0, 0, 0, 0], sizes = [1, 4, 16, 128], strides = [1, 1, 1, 1]} : vector<6x4x16x128xf32> to vector<1x4x16x128xf32>
      %lt3A_603 = arith.cmpf olt, %slice3A_601, %slice3A_602 : vector<1x4x16x128xf32>
      %jit3A_604 = arith.constant 1 : i32
      %jit3A_605 = arith.constant 0 : i32
      %broadcast_in_dim3A_606 = vector.broadcast %jit3A_604 : i32 to vector<1x4x16x128xi32>
      %broadcast_in_dim3A_607 = vector.broadcast %jit3A_605 : i32 to vector<1x4x16x128xi32>
      %select_n3A_608 = arith.select %lt3A_603, %broadcast_in_dim3A_606, %broadcast_in_dim3A_607 : vector<1x4x16x128xi1>, vector<1x4x16x128xi32>
      %jit3A_609 = arith.constant 1 : i32
      %jit3A_610 = arith.constant 0 : i32
      %broadcast_in_dim3A_611 = vector.broadcast %jit3A_609 : i32 to vector<1x1x16x128xi32>
      %broadcast_in_dim3A_612 = vector.broadcast %jit3A_610 : i32 to vector<1x1x16x128xi32>
      %select_n3A_613 = arith.select %eq3A_272, %broadcast_in_dim3A_611, %broadcast_in_dim3A_612 : vector<1x1x16x128xi1>, vector<1x1x16x128xi32>
      %eq3A_614 = vector.broadcast %select_n3A_613 : vector<1x1x16x128xi32> to vector<1x4x16x128xi32>
      %eq3A_615 = arith.cmpi eq, %select_n3A_608, %eq3A_614 : vector<1x4x16x128xi32>
      %broadcast_in_dim3A_616 = vector.shape_cast %eq3A_615 : vector<1x4x16x128xi1> to vector<1x4x16x128xi1>
      %broadcast_in_dim3A_617 = vector.broadcast %broadcast_in_dim3A_616 : vector<1x4x16x128xi1> to vector<6x4x16x128xi1>
      %select_n3A_618 = arith.select %broadcast_in_dim3A_617, %get3A_566, %select_n3A_594 : vector<6x4x16x128xi1>, vector<6x4x16x128xf32>
      %swap3A_619 = arith.constant 0 : index
      %swap3A_620 = arith.constant 0 : index
      %swap3A_621 = arith.constant 0 : index
      %swap3A_622 = arith.constant 0 : index
      %swap3A_623 = vector.load %arg4[%swap3A_619, %swap3A_620, %swap3A_621, %swap3A_622] : memref<6x4x16x128xf32, #tpu.memory_space<vmem>>, vector<6x4x16x128xf32>
      tpu.vector_store %arg4[%swap3A_619, %swap3A_620, %swap3A_621, %swap3A_622], %select_n3A_618 {strides = array<i32>} : memref<6x4x16x128xf32, #tpu.memory_space<vmem>>, vector<6x4x16x128xf32>,
      %jit3A_624 = arith.constant 2 : i32
      %div3A_625 = arith.divsi %scan3A_561, %jit3A_624 : i32
      %sign3A_626 = arith.constant 0 : i32
      %sign3A_627 = arith.cmpi sgt, %scan3A_561, %sign3A_626 : i32
      %sign3A_628 = arith.extui %sign3A_627 : i1 to i32
      %sign3A_629 = arith.constant 0 : i32
      %sign3A_630 = arith.cmpi slt, %scan3A_561, %sign3A_629 : i32
      %sign3A_631 = arith.extui %sign3A_630 : i1 to i32
      %sign3A_632 = arith.subi %sign3A_628, %sign3A_631 : i32
      %sign3A_633 = arith.constant 0 : i32
      %sign3A_634 = arith.cmpi sgt, %jit3A_624, %sign3A_633 : i32
      %sign3A_635 = arith.extui %sign3A_634 : i1 to i32
      %sign3A_636 = arith.constant 0 : i32
      %sign3A_637 = arith.cmpi slt, %jit3A_624, %sign3A_636 : i32
      %sign3A_638 = arith.extui %sign3A_637 : i1 to i32
      %sign3A_639 = arith.subi %sign3A_635, %sign3A_638 : i32
      %ne3A_640 = arith.cmpi ne, %sign3A_632, %sign3A_639 : i32
      %rem3A_641 = arith.remsi %scan3A_561, %jit3A_624 : i32
      %ne3A_642 = arith.constant 0 : i32
      %ne3A_643 = arith.cmpi ne, %rem3A_641, %ne3A_642 : i32
      %and3A_644 = arith.andi %ne3A_640, %ne3A_643 : i1
      %sub3A_645 = arith.constant 1 : i32
      %sub3A_646 = arith.subi %div3A_625, %sub3A_645 : i32
      %select_n3A_647 = arith.select %and3A_644, %sub3A_646, %div3A_625 : i32
      scf.yield %select_n3A_647 : i32
    }
    %and3A_279 = arith.constant 8 : i32
    %and3A_280 = vector.broadcast %and3A_279 : i32 to vector<1x1x16x128xi32>
    %and3A_281 = arith.andi %add3A_179, %and3A_280 : vector<1x1x16x128xi32>
    %eq3A_282 = arith.constant 0 : i32
    %eq3A_283 = vector.broadcast %eq3A_282 : i32 to vector<1x1x16x128xi32>
    %eq3A_284 = arith.cmpi eq, %and3A_281, %eq3A_283 : vector<1x1x16x128xi32>
    %scan3A_285 = arith.constant 4 : i32
    %scan3A_286 = arith.constant 0 : i32
    %scan3A_287 = arith.constant 3 : i32
    %scan3A_288 = arith.addi %scan3A_286, %scan3A_287 : i32
    %scan3A_289 = arith.constant 1 : i32
    %scan3A_290 = scf.for %scan3A_560 = %scan3A_286 to %scan3A_288 step %scan3A_289 iter_args(%scan3A_561 = %scan3A_285) -> (i32)  : i32 {
      %get3A_562 = arith.constant 0 : index
      %get3A_563 = arith.constant 0 : index
      %get3A_564 = arith.constant 0 : index
      %get3A_565 = arith.constant 0 : index
      %get3A_566 = vector.load %arg4[%get3A_562, %get3A_563, %get3A_564, %get3A_565] : memref<6x4x16x128xf32, #tpu.memory_space<vmem>>, vector<6x4x16x128xf32>
      %sub3A_567 = arith.constant 128 : i32
      %sub3A_568 = arith.subi %sub3A_567, %scan3A_561 : i32
      %jit3A_569 = arith.constant 128 : i32
      %eq3A_570 = arith.constant 0 : i32
      %eq3A_571 = arith.cmpi eq, %jit3A_569, %eq3A_570 : i32
      %jit3A_572 = arith.constant 1 : i32
      %select_n3A_573 = arith.select %eq3A_571, %jit3A_572, %jit3A_569 : i32
      %rem3A_574 = arith.remsi %sub3A_568, %select_n3A_573 : i32
      %ne3A_575 = arith.constant 0 : i32
      %ne3A_576 = arith.cmpi ne, %rem3A_574, %ne3A_575 : i32
      %lt3A_577 = arith.constant 0 : i32
      %lt3A_578 = arith.cmpi slt, %rem3A_574, %lt3A_577 : i32
      %lt3A_579 = arith.constant 0 : i32
      %lt3A_580 = arith.cmpi slt, %select_n3A_573, %lt3A_579 : i32
      %ne3A_581 = arith.xori %lt3A_578, %lt3A_580 : i1
      %and3A_582 = arith.andi %ne3A_581, %ne3A_576 : i1
      %add3A_583 = arith.addi %rem3A_574, %select_n3A_573 : i32
      %select_n3A_584 = arith.select %and3A_582, %add3A_583, %rem3A_574 : i32
      %roll3A_585 = tpu.dynamic_rotate %get3A_566 by %select_n3A_584 dim 3 : vector<6x4x16x128xf32>, i32 -> vector<6x4x16x128xf32>
      %roll3A_586 = tpu.dynamic_rotate %get3A_566 by %scan3A_561 dim 3 : vector<6x4x16x128xf32>, i32 -> vector<6x4x16x128xf32>
      %and3A_587 = vector.broadcast %scan3A_561 : i32 to vector<1x1x16x128xi32>
      %and3A_588 = arith.andi %add3A_179, %and3A_587 : vector<1x1x16x128xi32>
      %eq3A_589 = arith.constant 0 : i32
      %eq3A_590 = vector.broadcast %eq3A_589 : i32 to vector<1x1x16x128xi32>
      %eq3A_591 = arith.cmpi eq, %and3A_588, %eq3A_590 : vector<1x1x16x128xi32>
      %broadcast_in_dim3A_592 = vector.shape_cast %eq3A_591 : vector<1x1x16x128xi1> to vector<1x1x16x128xi1>
      %broadcast_in_dim3A_593 = vector.broadcast %broadcast_in_dim3A_592 : vector<1x1x16x128xi1> to vector<6x4x16x128xi1>
      %select_n3A_594 = arith.select %broadcast_in_dim3A_593, %roll3A_585, %roll3A_586 : vector<6x4x16x128xi1>, vector<6x4x16x128xf32>
      %broadcast_in_dim3A_595 = vector.shape_cast %eq3A_591 : vector<1x1x16x128xi1> to vector<1x1x16x128xi1>
      %broadcast_in_dim3A_596 = vector.broadcast %broadcast_in_dim3A_595 : vector<1x1x16x128xi1> to vector<6x4x16x128xi1>
      %select_n3A_597 = arith.select %broadcast_in_dim3A_596, %get3A_566, %select_n3A_594 : vector<6x4x16x128xi1>, vector<6x4x16x128xf32>
      %broadcast_in_dim3A_598 = vector.shape_cast %eq3A_591 : vector<1x1x16x128xi1> to vector<1x1x16x128xi1>
      %broadcast_in_dim3A_599 = vector.broadcast %broadcast_in_dim3A_598 : vector<1x1x16x128xi1> to vector<6x4x16x128xi1>
      %select_n3A_600 = arith.select %broadcast_in_dim3A_599, %select_n3A_594, %get3A_566 : vector<6x4x16x128xi1>, vector<6x4x16x128xf32>
      %slice3A_601 = vector.extract_strided_slice %select_n3A_597 {offsets = [0, 0, 0, 0], sizes = [1, 4, 16, 128], strides = [1, 1, 1, 1]} : vector<6x4x16x128xf32> to vector<1x4x16x128xf32>
      %slice3A_602 = vector.extract_strided_slice %select_n3A_600 {offsets = [0, 0, 0, 0], sizes = [1, 4, 16, 128], strides = [1, 1, 1, 1]} : vector<6x4x16x128xf32> to vector<1x4x16x128xf32>
      %lt3A_603 = arith.cmpf olt, %slice3A_601, %slice3A_602 : vector<1x4x16x128xf32>
      %jit3A_604 = arith.constant 1 : i32
      %jit3A_605 = arith.constant 0 : i32
      %broadcast_in_dim3A_606 = vector.broadcast %jit3A_604 : i32 to vector<1x4x16x128xi32>
      %broadcast_in_dim3A_607 = vector.broadcast %jit3A_605 : i32 to vector<1x4x16x128xi32>
      %select_n3A_608 = arith.select %lt3A_603, %broadcast_in_dim3A_606, %broadcast_in_dim3A_607 : vector<1x4x16x128xi1>, vector<1x4x16x128xi32>
      %jit3A_609 = arith.constant 1 : i32
      %jit3A_610 = arith.constant 0 : i32
      %broadcast_in_dim3A_611 = vector.broadcast %jit3A_609 : i32 to vector<1x1x16x128xi32>
      %broadcast_in_dim3A_612 = vector.broadcast %jit3A_610 : i32 to vector<1x1x16x128xi32>
      %select_n3A_613 = arith.select %eq3A_284, %broadcast_in_dim3A_611, %broadcast_in_dim3A_612 : vector<1x1x16x128xi1>, vector<1x1x16x128xi32>
      %eq3A_614 = vector.broadcast %select_n3A_613 : vector<1x1x16x128xi32> to vector<1x4x16x128xi32>
      %eq3A_615 = arith.cmpi eq, %select_n3A_608, %eq3A_614 : vector<1x4x16x128xi32>
      %broadcast_in_dim3A_616 = vector.shape_cast %eq3A_615 : vector<1x4x16x128xi1> to vector<1x4x16x128xi1>
      %broadcast_in_dim3A_617 = vector.broadcast %broadcast_in_dim3A_616 : vector<1x4x16x128xi1> to vector<6x4x16x128xi1>
      %select_n3A_618 = arith.select %broadcast_in_dim3A_617, %get3A_566, %select_n3A_594 : vector<6x4x16x128xi1>, vector<6x4x16x128xf32>
      %swap3A_619 = arith.constant 0 : index
      %swap3A_620 = arith.constant 0 : index
      %swap3A_621 = arith.constant 0 : index
      %swap3A_622 = arith.constant 0 : index
      %swap3A_623 = vector.load %arg4[%swap3A_619, %swap3A_620, %swap3A_621, %swap3A_622] : memref<6x4x16x128xf32, #tpu.memory_space<vmem>>, vector<6x4x16x128xf32>
      tpu.vector_store %arg4[%swap3A_619, %swap3A_620, %swap3A_621, %swap3A_622], %select_n3A_618 {strides = array<i32>} : memref<6x4x16x128xf32, #tpu.memory_space<vmem>>, vector<6x4x16x128xf32>,
      %jit3A_624 = arith.constant 2 : i32
      %div3A_625 = arith.divsi %scan3A_561, %jit3A_624 : i32
      %sign3A_626 = arith.constant 0 : i32
      %sign3A_627 = arith.cmpi sgt, %scan3A_561, %sign3A_626 : i32
      %sign3A_628 = arith.extui %sign3A_627 : i1 to i32
      %sign3A_629 = arith.constant 0 : i32
      %sign3A_630 = arith.cmpi slt, %scan3A_561, %sign3A_629 : i32
      %sign3A_631 = arith.extui %sign3A_630 : i1 to i32
      %sign3A_632 = arith.subi %sign3A_628, %sign3A_631 : i32
      %sign3A_633 = arith.constant 0 : i32
      %sign3A_634 = arith.cmpi sgt, %jit3A_624, %sign3A_633 : i32
      %sign3A_635 = arith.extui %sign3A_634 : i1 to i32
      %sign3A_636 = arith.constant 0 : i32
      %sign3A_637 = arith.cmpi slt, %jit3A_624, %sign3A_636 : i32
      %sign3A_638 = arith.extui %sign3A_637 : i1 to i32
      %sign3A_639 = arith.subi %sign3A_635, %sign3A_638 : i32
      %ne3A_640 = arith.cmpi ne, %sign3A_632, %sign3A_639 : i32
      %rem3A_641 = arith.remsi %scan3A_561, %jit3A_624 : i32
      %ne3A_642 = arith.constant 0 : i32
      %ne3A_643 = arith.cmpi ne, %rem3A_641, %ne3A_642 : i32
      %and3A_644 = arith.andi %ne3A_640, %ne3A_643 : i1
      %sub3A_645 = arith.constant 1 : i32
      %sub3A_646 = arith.subi %div3A_625, %sub3A_645 : i32
      %select_n3A_647 = arith.select %and3A_644, %sub3A_646, %div3A_625 : i32
      scf.yield %select_n3A_647 : i32
    }
    %and3A_291 = arith.constant 16 : i32
    %and3A_292 = vector.broadcast %and3A_291 : i32 to vector<1x1x16x128xi32>
    %and3A_293 = arith.andi %add3A_179, %and3A_292 : vector<1x1x16x128xi32>
    %eq3A_294 = arith.constant 0 : i32
    %eq3A_295 = vector.broadcast %eq3A_294 : i32 to vector<1x1x16x128xi32>
    %eq3A_296 = arith.cmpi eq, %and3A_293, %eq3A_295 : vector<1x1x16x128xi32>
    %scan3A_297 = arith.constant 8 : i32
    %scan3A_298 = arith.constant 0 : i32
    %scan3A_299 = arith.constant 4 : i32
    %scan3A_300 = arith.addi %scan3A_298, %scan3A_299 : i32
    %scan3A_301 = arith.constant 1 : i32
    %scan3A_302 = scf.for %scan3A_560 = %scan3A_298 to %scan3A_300 step %scan3A_301 iter_args(%scan3A_561 = %scan3A_297) -> (i32)  : i32 {
      %get3A_562 = arith.constant 0 : index
      %get3A_563 = arith.constant 0 : index
      %get3A_564 = arith.constant 0 : index
      %get3A_565 = arith.constant 0 : index
      %get3A_566 = vector.load %arg4[%get3A_562, %get3A_563, %get3A_564, %get3A_565] : memref<6x4x16x128xf32, #tpu.memory_space<vmem>>, vector<6x4x16x128xf32>
      %sub3A_567 = arith.constant 128 : i32
      %sub3A_568 = arith.subi %sub3A_567, %scan3A_561 : i32
      %jit3A_569 = arith.constant 128 : i32
      %eq3A_570 = arith.constant 0 : i32
      %eq3A_571 = arith.cmpi eq, %jit3A_569, %eq3A_570 : i32
      %jit3A_572 = arith.constant 1 : i32
      %select_n3A_573 = arith.select %eq3A_571, %jit3A_572, %jit3A_569 : i32
      %rem3A_574 = arith.remsi %sub3A_568, %select_n3A_573 : i32
      %ne3A_575 = arith.constant 0 : i32
      %ne3A_576 = arith.cmpi ne, %rem3A_574, %ne3A_575 : i32
      %lt3A_577 = arith.constant 0 : i32
      %lt3A_578 = arith.cmpi slt, %rem3A_574, %lt3A_577 : i32
      %lt3A_579 = arith.constant 0 : i32
      %lt3A_580 = arith.cmpi slt, %select_n3A_573, %lt3A_579 : i32
      %ne3A_581 = arith.xori %lt3A_578, %lt3A_580 : i1
      %and3A_582 = arith.andi %ne3A_581, %ne3A_576 : i1
      %add3A_583 = arith.addi %rem3A_574, %select_n3A_573 : i32
      %select_n3A_584 = arith.select %and3A_582, %add3A_583, %rem3A_574 : i32
      %roll3A_585 = tpu.dynamic_rotate %get3A_566 by %select_n3A_584 dim 3 : vector<6x4x16x128xf32>, i32 -> vector<6x4x16x128xf32>
      %roll3A_586 = tpu.dynamic_rotate %get3A_566 by %scan3A_561 dim 3 : vector<6x4x16x128xf32>, i32 -> vector<6x4x16x128xf32>
      %and3A_587 = vector.broadcast %scan3A_561 : i32 to vector<1x1x16x128xi32>
      %and3A_588 = arith.andi %add3A_179, %and3A_587 : vector<1x1x16x128xi32>
      %eq3A_589 = arith.constant 0 : i32
      %eq3A_590 = vector.broadcast %eq3A_589 : i32 to vector<1x1x16x128xi32>
      %eq3A_591 = arith.cmpi eq, %and3A_588, %eq3A_590 : vector<1x1x16x128xi32>
      %broadcast_in_dim3A_592 = vector.shape_cast %eq3A_591 : vector<1x1x16x128xi1> to vector<1x1x16x128xi1>
      %broadcast_in_dim3A_593 = vector.broadcast %broadcast_in_dim3A_592 : vector<1x1x16x128xi1> to vector<6x4x16x128xi1>
      %select_n3A_594 = arith.select %broadcast_in_dim3A_593, %roll3A_585, %roll3A_586 : vector<6x4x16x128xi1>, vector<6x4x16x128xf32>
      %broadcast_in_dim3A_595 = vector.shape_cast %eq3A_591 : vector<1x1x16x128xi1> to vector<1x1x16x128xi1>
      %broadcast_in_dim3A_596 = vector.broadcast %broadcast_in_dim3A_595 : vector<1x1x16x128xi1> to vector<6x4x16x128xi1>
      %select_n3A_597 = arith.select %broadcast_in_dim3A_596, %get3A_566, %select_n3A_594 : vector<6x4x16x128xi1>, vector<6x4x16x128xf32>
      %broadcast_in_dim3A_598 = vector.shape_cast %eq3A_591 : vector<1x1x16x128xi1> to vector<1x1x16x128xi1>
      %broadcast_in_dim3A_599 = vector.broadcast %broadcast_in_dim3A_598 : vector<1x1x16x128xi1> to vector<6x4x16x128xi1>
      %select_n3A_600 = arith.select %broadcast_in_dim3A_599, %select_n3A_594, %get3A_566 : vector<6x4x16x128xi1>, vector<6x4x16x128xf32>
      %slice3A_601 = vector.extract_strided_slice %select_n3A_597 {offsets = [0, 0, 0, 0], sizes = [1, 4, 16, 128], strides = [1, 1, 1, 1]} : vector<6x4x16x128xf32> to vector<1x4x16x128xf32>
      %slice3A_602 = vector.extract_strided_slice %select_n3A_600 {offsets = [0, 0, 0, 0], sizes = [1, 4, 16, 128], strides = [1, 1, 1, 1]} : vector<6x4x16x128xf32> to vector<1x4x16x128xf32>
      %lt3A_603 = arith.cmpf olt, %slice3A_601, %slice3A_602 : vector<1x4x16x128xf32>
      %jit3A_604 = arith.constant 1 : i32
      %jit3A_605 = arith.constant 0 : i32
      %broadcast_in_dim3A_606 = vector.broadcast %jit3A_604 : i32 to vector<1x4x16x128xi32>
      %broadcast_in_dim3A_607 = vector.broadcast %jit3A_605 : i32 to vector<1x4x16x128xi32>
      %select_n3A_608 = arith.select %lt3A_603, %broadcast_in_dim3A_606, %broadcast_in_dim3A_607 : vector<1x4x16x128xi1>, vector<1x4x16x128xi32>
      %jit3A_609 = arith.constant 1 : i32
      %jit3A_610 = arith.constant 0 : i32
      %broadcast_in_dim3A_611 = vector.broadcast %jit3A_609 : i32 to vector<1x1x16x128xi32>
      %broadcast_in_dim3A_612 = vector.broadcast %jit3A_610 : i32 to vector<1x1x16x128xi32>
      %select_n3A_613 = arith.select %eq3A_296, %broadcast_in_dim3A_611, %broadcast_in_dim3A_612 : vector<1x1x16x128xi1>, vector<1x1x16x128xi32>
      %eq3A_614 = vector.broadcast %select_n3A_613 : vector<1x1x16x128xi32> to vector<1x4x16x128xi32>
      %eq3A_615 = arith.cmpi eq, %select_n3A_608, %eq3A_614 : vector<1x4x16x128xi32>
      %broadcast_in_dim3A_616 = vector.shape_cast %eq3A_615 : vector<1x4x16x128xi1> to vector<1x4x16x128xi1>
      %broadcast_in_dim3A_617 = vector.broadcast %broadcast_in_dim3A_616 : vector<1x4x16x128xi1> to vector<6x4x16x128xi1>
      %select_n3A_618 = arith.select %broadcast_in_dim3A_617, %get3A_566, %select_n3A_594 : vector<6x4x16x128xi1>, vector<6x4x16x128xf32>
      %swap3A_619 = arith.constant 0 : index
      %swap3A_620 = arith.constant 0 : index
      %swap3A_621 = arith.constant 0 : index
      %swap3A_622 = arith.constant 0 : index
      %swap3A_623 = vector.load %arg4[%swap3A_619, %swap3A_620, %swap3A_621, %swap3A_622] : memref<6x4x16x128xf32, #tpu.memory_space<vmem>>, vector<6x4x16x128xf32>
      tpu.vector_store %arg4[%swap3A_619, %swap3A_620, %swap3A_621, %swap3A_622], %select_n3A_618 {strides = array<i32>} : memref<6x4x16x128xf32, #tpu.memory_space<vmem>>, vector<6x4x16x128xf32>,
      %jit3A_624 = arith.constant 2 : i32
      %div3A_625 = arith.divsi %scan3A_561, %jit3A_624 : i32
      %sign3A_626 = arith.constant 0 : i32
      %sign3A_627 = arith.cmpi sgt, %scan3A_561, %sign3A_626 : i32
      %sign3A_628 = arith.extui %sign3A_627 : i1 to i32
      %sign3A_629 = arith.constant 0 : i32
      %sign3A_630 = arith.cmpi slt, %scan3A_561, %sign3A_629 : i32
      %sign3A_631 = arith.extui %sign3A_630 : i1 to i32
      %sign3A_632 = arith.subi %sign3A_628, %sign3A_631 : i32
      %sign3A_633 = arith.constant 0 : i32
      %sign3A_634 = arith.cmpi sgt, %jit3A_624, %sign3A_633 : i32
      %sign3A_635 = arith.extui %sign3A_634 : i1 to i32
      %sign3A_636 = arith.constant 0 : i32
      %sign3A_637 = arith.cmpi slt, %jit3A_624, %sign3A_636 : i32
      %sign3A_638 = arith.extui %sign3A_637 : i1 to i32
      %sign3A_639 = arith.subi %sign3A_635, %sign3A_638 : i32
      %ne3A_640 = arith.cmpi ne, %sign3A_632, %sign3A_639 : i32
      %rem3A_641 = arith.remsi %scan3A_561, %jit3A_624 : i32
      %ne3A_642 = arith.constant 0 : i32
      %ne3A_643 = arith.cmpi ne, %rem3A_641, %ne3A_642 : i32
      %and3A_644 = arith.andi %ne3A_640, %ne3A_643 : i1
      %sub3A_645 = arith.constant 1 : i32
      %sub3A_646 = arith.subi %div3A_625, %sub3A_645 : i32
      %select_n3A_647 = arith.select %and3A_644, %sub3A_646, %div3A_625 : i32
      scf.yield %select_n3A_647 : i32
    }
    %and3A_303 = arith.constant 32 : i32
    %and3A_304 = vector.broadcast %and3A_303 : i32 to vector<1x1x16x128xi32>
    %and3A_305 = arith.andi %add3A_179, %and3A_304 : vector<1x1x16x128xi32>
    %eq3A_306 = arith.constant 0 : i32
    %eq3A_307 = vector.broadcast %eq3A_306 : i32 to vector<1x1x16x128xi32>
    %eq3A_308 = arith.cmpi eq, %and3A_305, %eq3A_307 : vector<1x1x16x128xi32>
    %scan3A_309 = arith.constant 16 : i32
    %scan3A_310 = arith.constant 0 : i32
    %scan3A_311 = arith.constant 5 : i32
    %scan3A_312 = arith.addi %scan3A_310, %scan3A_311 : i32
    %scan3A_313 = arith.constant 1 : i32
    %scan3A_314 = scf.for %scan3A_560 = %scan3A_310 to %scan3A_312 step %scan3A_313 iter_args(%scan3A_561 = %scan3A_309) -> (i32)  : i32 {
      %get3A_562 = arith.constant 0 : index
      %get3A_563 = arith.constant 0 : index
      %get3A_564 = arith.constant 0 : index
      %get3A_565 = arith.constant 0 : index
      %get3A_566 = vector.load %arg4[%get3A_562, %get3A_563, %get3A_564, %get3A_565] : memref<6x4x16x128xf32, #tpu.memory_space<vmem>>, vector<6x4x16x128xf32>
      %sub3A_567 = arith.constant 128 : i32
      %sub3A_568 = arith.subi %sub3A_567, %scan3A_561 : i32
      %jit3A_569 = arith.constant 128 : i32
      %eq3A_570 = arith.constant 0 : i32
      %eq3A_571 = arith.cmpi eq, %jit3A_569, %eq3A_570 : i32
      %jit3A_572 = arith.constant 1 : i32
      %select_n3A_573 = arith.select %eq3A_571, %jit3A_572, %jit3A_569 : i32
      %rem3A_574 = arith.remsi %sub3A_568, %select_n3A_573 : i32
      %ne3A_575 = arith.constant 0 : i32
      %ne3A_576 = arith.cmpi ne, %rem3A_574, %ne3A_575 : i32
      %lt3A_577 = arith.constant 0 : i32
      %lt3A_578 = arith.cmpi slt, %rem3A_574, %lt3A_577 : i32
      %lt3A_579 = arith.constant 0 : i32
      %lt3A_580 = arith.cmpi slt, %select_n3A_573, %lt3A_579 : i32
      %ne3A_581 = arith.xori %lt3A_578, %lt3A_580 : i1
      %and3A_582 = arith.andi %ne3A_581, %ne3A_576 : i1
      %add3A_583 = arith.addi %rem3A_574, %select_n3A_573 : i32
      %select_n3A_584 = arith.select %and3A_582, %add3A_583, %rem3A_574 : i32
      %roll3A_585 = tpu.dynamic_rotate %get3A_566 by %select_n3A_584 dim 3 : vector<6x4x16x128xf32>, i32 -> vector<6x4x16x128xf32>
      %roll3A_586 = tpu.dynamic_rotate %get3A_566 by %scan3A_561 dim 3 : vector<6x4x16x128xf32>, i32 -> vector<6x4x16x128xf32>
      %and3A_587 = vector.broadcast %scan3A_561 : i32 to vector<1x1x16x128xi32>
      %and3A_588 = arith.andi %add3A_179, %and3A_587 : vector<1x1x16x128xi32>
      %eq3A_589 = arith.constant 0 : i32
      %eq3A_590 = vector.broadcast %eq3A_589 : i32 to vector<1x1x16x128xi32>
      %eq3A_591 = arith.cmpi eq, %and3A_588, %eq3A_590 : vector<1x1x16x128xi32>
      %broadcast_in_dim3A_592 = vector.shape_cast %eq3A_591 : vector<1x1x16x128xi1> to vector<1x1x16x128xi1>
      %broadcast_in_dim3A_593 = vector.broadcast %broadcast_in_dim3A_592 : vector<1x1x16x128xi1> to vector<6x4x16x128xi1>
      %select_n3A_594 = arith.select %broadcast_in_dim3A_593, %roll3A_585, %roll3A_586 : vector<6x4x16x128xi1>, vector<6x4x16x128xf32>
      %broadcast_in_dim3A_595 = vector.shape_cast %eq3A_591 : vector<1x1x16x128xi1> to vector<1x1x16x128xi1>
      %broadcast_in_dim3A_596 = vector.broadcast %broadcast_in_dim3A_595 : vector<1x1x16x128xi1> to vector<6x4x16x128xi1>
      %select_n3A_597 = arith.select %broadcast_in_dim3A_596, %get3A_566, %select_n3A_594 : vector<6x4x16x128xi1>, vector<6x4x16x128xf32>
      %broadcast_in_dim3A_598 = vector.shape_cast %eq3A_591 : vector<1x1x16x128xi1> to vector<1x1x16x128xi1>
      %broadcast_in_dim3A_599 = vector.broadcast %broadcast_in_dim3A_598 : vector<1x1x16x128xi1> to vector<6x4x16x128xi1>
      %select_n3A_600 = arith.select %broadcast_in_dim3A_599, %select_n3A_594, %get3A_566 : vector<6x4x16x128xi1>, vector<6x4x16x128xf32>
      %slice3A_601 = vector.extract_strided_slice %select_n3A_597 {offsets = [0, 0, 0, 0], sizes = [1, 4, 16, 128], strides = [1, 1, 1, 1]} : vector<6x4x16x128xf32> to vector<1x4x16x128xf32>
      %slice3A_602 = vector.extract_strided_slice %select_n3A_600 {offsets = [0, 0, 0, 0], sizes = [1, 4, 16, 128], strides = [1, 1, 1, 1]} : vector<6x4x16x128xf32> to vector<1x4x16x128xf32>
      %lt3A_603 = arith.cmpf olt, %slice3A_601, %slice3A_602 : vector<1x4x16x128xf32>
      %jit3A_604 = arith.constant 1 : i32
      %jit3A_605 = arith.constant 0 : i32
      %broadcast_in_dim3A_606 = vector.broadcast %jit3A_604 : i32 to vector<1x4x16x128xi32>
      %broadcast_in_dim3A_607 = vector.broadcast %jit3A_605 : i32 to vector<1x4x16x128xi32>
      %select_n3A_608 = arith.select %lt3A_603, %broadcast_in_dim3A_606, %broadcast_in_dim3A_607 : vector<1x4x16x128xi1>, vector<1x4x16x128xi32>
      %jit3A_609 = arith.constant 1 : i32
      %jit3A_610 = arith.constant 0 : i32
      %broadcast_in_dim3A_611 = vector.broadcast %jit3A_609 : i32 to vector<1x1x16x128xi32>
      %broadcast_in_dim3A_612 = vector.broadcast %jit3A_610 : i32 to vector<1x1x16x128xi32>
      %select_n3A_613 = arith.select %eq3A_308, %broadcast_in_dim3A_611, %broadcast_in_dim3A_612 : vector<1x1x16x128xi1>, vector<1x1x16x128xi32>
      %eq3A_614 = vector.broadcast %select_n3A_613 : vector<1x1x16x128xi32> to vector<1x4x16x128xi32>
      %eq3A_615 = arith.cmpi eq, %select_n3A_608, %eq3A_614 : vector<1x4x16x128xi32>
      %broadcast_in_dim3A_616 = vector.shape_cast %eq3A_615 : vector<1x4x16x128xi1> to vector<1x4x16x128xi1>
      %broadcast_in_dim3A_617 = vector.broadcast %broadcast_in_dim3A_616 : vector<1x4x16x128xi1> to vector<6x4x16x128xi1>
      %select_n3A_618 = arith.select %broadcast_in_dim3A_617, %get3A_566, %select_n3A_594 : vector<6x4x16x128xi1>, vector<6x4x16x128xf32>
      %swap3A_619 = arith.constant 0 : index
      %swap3A_620 = arith.constant 0 : index
      %swap3A_621 = arith.constant 0 : index
      %swap3A_622 = arith.constant 0 : index
      %swap3A_623 = vector.load %arg4[%swap3A_619, %swap3A_620, %swap3A_621, %swap3A_622] : memref<6x4x16x128xf32, #tpu.memory_space<vmem>>, vector<6x4x16x128xf32>
      tpu.vector_store %arg4[%swap3A_619, %swap3A_620, %swap3A_621, %swap3A_622], %select_n3A_618 {strides = array<i32>} : memref<6x4x16x128xf32, #tpu.memory_space<vmem>>, vector<6x4x16x128xf32>,
      %jit3A_624 = arith.constant 2 : i32
      %div3A_625 = arith.divsi %scan3A_561, %jit3A_624 : i32
      %sign3A_626 = arith.constant 0 : i32
      %sign3A_627 = arith.cmpi sgt, %scan3A_561, %sign3A_626 : i32
      %sign3A_628 = arith.extui %sign3A_627 : i1 to i32
      %sign3A_629 = arith.constant 0 : i32
      %sign3A_630 = arith.cmpi slt, %scan3A_561, %sign3A_629 : i32
      %sign3A_631 = arith.extui %sign3A_630 : i1 to i32
      %sign3A_632 = arith.subi %sign3A_628, %sign3A_631 : i32
      %sign3A_633 = arith.constant 0 : i32
      %sign3A_634 = arith.cmpi sgt, %jit3A_624, %sign3A_633 : i32
      %sign3A_635 = arith.extui %sign3A_634 : i1 to i32
      %sign3A_636 = arith.constant 0 : i32
      %sign3A_637 = arith.cmpi slt, %jit3A_624, %sign3A_636 : i32
      %sign3A_638 = arith.extui %sign3A_637 : i1 to i32
      %sign3A_639 = arith.subi %sign3A_635, %sign3A_638 : i32
      %ne3A_640 = arith.cmpi ne, %sign3A_632, %sign3A_639 : i32
      %rem3A_641 = arith.remsi %scan3A_561, %jit3A_624 : i32
      %ne3A_642 = arith.constant 0 : i32
      %ne3A_643 = arith.cmpi ne, %rem3A_641, %ne3A_642 : i32
      %and3A_644 = arith.andi %ne3A_640, %ne3A_643 : i1
      %sub3A_645 = arith.constant 1 : i32
      %sub3A_646 = arith.subi %div3A_625, %sub3A_645 : i32
      %select_n3A_647 = arith.select %and3A_644, %sub3A_646, %div3A_625 : i32
      scf.yield %select_n3A_647 : i32
    }
    %and3A_315 = arith.constant 64 : i32
    %and3A_316 = vector.broadcast %and3A_315 : i32 to vector<1x1x16x128xi32>
    %and3A_317 = arith.andi %add3A_179, %and3A_316 : vector<1x1x16x128xi32>
    %eq3A_318 = arith.constant 0 : i32
    %eq3A_319 = vector.broadcast %eq3A_318 : i32 to vector<1x1x16x128xi32>
    %eq3A_320 = arith.cmpi eq, %and3A_317, %eq3A_319 : vector<1x1x16x128xi32>
    %scan3A_321 = arith.constant 32 : i32
    %scan3A_322 = arith.constant 0 : i32
    %scan3A_323 = arith.constant 6 : i32
    %scan3A_324 = arith.addi %scan3A_322, %scan3A_323 : i32
    %scan3A_325 = arith.constant 1 : i32
    %scan3A_326 = scf.for %scan3A_560 = %scan3A_322 to %scan3A_324 step %scan3A_325 iter_args(%scan3A_561 = %scan3A_321) -> (i32)  : i32 {
      %get3A_562 = arith.constant 0 : index
      %get3A_563 = arith.constant 0 : index
      %get3A_564 = arith.constant 0 : index
      %get3A_565 = arith.constant 0 : index
      %get3A_566 = vector.load %arg4[%get3A_562, %get3A_563, %get3A_564, %get3A_565] : memref<6x4x16x128xf32, #tpu.memory_space<vmem>>, vector<6x4x16x128xf32>
      %sub3A_567 = arith.constant 128 : i32
      %sub3A_568 = arith.subi %sub3A_567, %scan3A_561 : i32
      %jit3A_569 = arith.constant 128 : i32
      %eq3A_570 = arith.constant 0 : i32
      %eq3A_571 = arith.cmpi eq, %jit3A_569, %eq3A_570 : i32
      %jit3A_572 = arith.constant 1 : i32
      %select_n3A_573 = arith.select %eq3A_571, %jit3A_572, %jit3A_569 : i32
      %rem3A_574 = arith.remsi %sub3A_568, %select_n3A_573 : i32
      %ne3A_575 = arith.constant 0 : i32
      %ne3A_576 = arith.cmpi ne, %rem3A_574, %ne3A_575 : i32
      %lt3A_577 = arith.constant 0 : i32
      %lt3A_578 = arith.cmpi slt, %rem3A_574, %lt3A_577 : i32
      %lt3A_579 = arith.constant 0 : i32
      %lt3A_580 = arith.cmpi slt, %select_n3A_573, %lt3A_579 : i32
      %ne3A_581 = arith.xori %lt3A_578, %lt3A_580 : i1
      %and3A_582 = arith.andi %ne3A_581, %ne3A_576 : i1
      %add3A_583 = arith.addi %rem3A_574, %select_n3A_573 : i32
      %select_n3A_584 = arith.select %and3A_582, %add3A_583, %rem3A_574 : i32
      %roll3A_585 = tpu.dynamic_rotate %get3A_566 by %select_n3A_584 dim 3 : vector<6x4x16x128xf32>, i32 -> vector<6x4x16x128xf32>
      %roll3A_586 = tpu.dynamic_rotate %get3A_566 by %scan3A_561 dim 3 : vector<6x4x16x128xf32>, i32 -> vector<6x4x16x128xf32>
      %and3A_587 = vector.broadcast %scan3A_561 : i32 to vector<1x1x16x128xi32>
      %and3A_588 = arith.andi %add3A_179, %and3A_587 : vector<1x1x16x128xi32>
      %eq3A_589 = arith.constant 0 : i32
      %eq3A_590 = vector.broadcast %eq3A_589 : i32 to vector<1x1x16x128xi32>
      %eq3A_591 = arith.cmpi eq, %and3A_588, %eq3A_590 : vector<1x1x16x128xi32>
      %broadcast_in_dim3A_592 = vector.shape_cast %eq3A_591 : vector<1x1x16x128xi1> to vector<1x1x16x128xi1>
      %broadcast_in_dim3A_593 = vector.broadcast %broadcast_in_dim3A_592 : vector<1x1x16x128xi1> to vector<6x4x16x128xi1>
      %select_n3A_594 = arith.select %broadcast_in_dim3A_593, %roll3A_585, %roll3A_586 : vector<6x4x16x128xi1>, vector<6x4x16x128xf32>
      %broadcast_in_dim3A_595 = vector.shape_cast %eq3A_591 : vector<1x1x16x128xi1> to vector<1x1x16x128xi1>
      %broadcast_in_dim3A_596 = vector.broadcast %broadcast_in_dim3A_595 : vector<1x1x16x128xi1> to vector<6x4x16x128xi1>
      %select_n3A_597 = arith.select %broadcast_in_dim3A_596, %get3A_566, %select_n3A_594 : vector<6x4x16x128xi1>, vector<6x4x16x128xf32>
      %broadcast_in_dim3A_598 = vector.shape_cast %eq3A_591 : vector<1x1x16x128xi1> to vector<1x1x16x128xi1>
      %broadcast_in_dim3A_599 = vector.broadcast %broadcast_in_dim3A_598 : vector<1x1x16x128xi1> to vector<6x4x16x128xi1>
      %select_n3A_600 = arith.select %broadcast_in_dim3A_599, %select_n3A_594, %get3A_566 : vector<6x4x16x128xi1>, vector<6x4x16x128xf32>
      %slice3A_601 = vector.extract_strided_slice %select_n3A_597 {offsets = [0, 0, 0, 0], sizes = [1, 4, 16, 128], strides = [1, 1, 1, 1]} : vector<6x4x16x128xf32> to vector<1x4x16x128xf32>
      %slice3A_602 = vector.extract_strided_slice %select_n3A_600 {offsets = [0, 0, 0, 0], sizes = [1, 4, 16, 128], strides = [1, 1, 1, 1]} : vector<6x4x16x128xf32> to vector<1x4x16x128xf32>
      %lt3A_603 = arith.cmpf olt, %slice3A_601, %slice3A_602 : vector<1x4x16x128xf32>
      %jit3A_604 = arith.constant 1 : i32
      %jit3A_605 = arith.constant 0 : i32
      %broadcast_in_dim3A_606 = vector.broadcast %jit3A_604 : i32 to vector<1x4x16x128xi32>
      %broadcast_in_dim3A_607 = vector.broadcast %jit3A_605 : i32 to vector<1x4x16x128xi32>
      %select_n3A_608 = arith.select %lt3A_603, %broadcast_in_dim3A_606, %broadcast_in_dim3A_607 : vector<1x4x16x128xi1>, vector<1x4x16x128xi32>
      %jit3A_609 = arith.constant 1 : i32
      %jit3A_610 = arith.constant 0 : i32
      %broadcast_in_dim3A_611 = vector.broadcast %jit3A_609 : i32 to vector<1x1x16x128xi32>
      %broadcast_in_dim3A_612 = vector.broadcast %jit3A_610 : i32 to vector<1x1x16x128xi32>
      %select_n3A_613 = arith.select %eq3A_320, %broadcast_in_dim3A_611, %broadcast_in_dim3A_612 : vector<1x1x16x128xi1>, vector<1x1x16x128xi32>
      %eq3A_614 = vector.broadcast %select_n3A_613 : vector<1x1x16x128xi32> to vector<1x4x16x128xi32>
      %eq3A_615 = arith.cmpi eq, %select_n3A_608, %eq3A_614 : vector<1x4x16x128xi32>
      %broadcast_in_dim3A_616 = vector.shape_cast %eq3A_615 : vector<1x4x16x128xi1> to vector<1x4x16x128xi1>
      %broadcast_in_dim3A_617 = vector.broadcast %broadcast_in_dim3A_616 : vector<1x4x16x128xi1> to vector<6x4x16x128xi1>
      %select_n3A_618 = arith.select %broadcast_in_dim3A_617, %get3A_566, %select_n3A_594 : vector<6x4x16x128xi1>, vector<6x4x16x128xf32>
      %swap3A_619 = arith.constant 0 : index
      %swap3A_620 = arith.constant 0 : index
      %swap3A_621 = arith.constant 0 : index
      %swap3A_622 = arith.constant 0 : index
      %swap3A_623 = vector.load %arg4[%swap3A_619, %swap3A_620, %swap3A_621, %swap3A_622] : memref<6x4x16x128xf32, #tpu.memory_space<vmem>>, vector<6x4x16x128xf32>
      tpu.vector_store %arg4[%swap3A_619, %swap3A_620, %swap3A_621, %swap3A_622], %select_n3A_618 {strides = array<i32>} : memref<6x4x16x128xf32, #tpu.memory_space<vmem>>, vector<6x4x16x128xf32>,
      %jit3A_624 = arith.constant 2 : i32
      %div3A_625 = arith.divsi %scan3A_561, %jit3A_624 : i32
      %sign3A_626 = arith.constant 0 : i32
      %sign3A_627 = arith.cmpi sgt, %scan3A_561, %sign3A_626 : i32
      %sign3A_628 = arith.extui %sign3A_627 : i1 to i32
      %sign3A_629 = arith.constant 0 : i32
      %sign3A_630 = arith.cmpi slt, %scan3A_561, %sign3A_629 : i32
      %sign3A_631 = arith.extui %sign3A_630 : i1 to i32
      %sign3A_632 = arith.subi %sign3A_628, %sign3A_631 : i32
      %sign3A_633 = arith.constant 0 : i32
      %sign3A_634 = arith.cmpi sgt, %jit3A_624, %sign3A_633 : i32
      %sign3A_635 = arith.extui %sign3A_634 : i1 to i32
      %sign3A_636 = arith.constant 0 : i32
      %sign3A_637 = arith.cmpi slt, %jit3A_624, %sign3A_636 : i32
      %sign3A_638 = arith.extui %sign3A_637 : i1 to i32
      %sign3A_639 = arith.subi %sign3A_635, %sign3A_638 : i32
      %ne3A_640 = arith.cmpi ne, %sign3A_632, %sign3A_639 : i32
      %rem3A_641 = arith.remsi %scan3A_561, %jit3A_624 : i32
      %ne3A_642 = arith.constant 0 : i32
      %ne3A_643 = arith.cmpi ne, %rem3A_641, %ne3A_642 : i32
      %and3A_644 = arith.andi %ne3A_640, %ne3A_643 : i1
      %sub3A_645 = arith.constant 1 : i32
      %sub3A_646 = arith.subi %div3A_625, %sub3A_645 : i32
      %select_n3A_647 = arith.select %and3A_644, %sub3A_646, %div3A_625 : i32
      scf.yield %select_n3A_647 : i32
    }
    %and3A_327 = arith.constant 128 : i32
    %and3A_328 = vector.broadcast %and3A_327 : i32 to vector<1x1x16x128xi32>
    %and3A_329 = arith.andi %add3A_179, %and3A_328 : vector<1x1x16x128xi32>
    %eq3A_330 = arith.constant 0 : i32
    %eq3A_331 = vector.broadcast %eq3A_330 : i32 to vector<1x1x16x128xi32>
    %eq3A_332 = arith.cmpi eq, %and3A_329, %eq3A_331 : vector<1x1x16x128xi32>
    %scan3A_333 = arith.constant 64 : i32
    %scan3A_334 = arith.constant 0 : i32
    %scan3A_335 = arith.constant 7 : i32
    %scan3A_336 = arith.addi %scan3A_334, %scan3A_335 : i32
    %scan3A_337 = arith.constant 1 : i32
    %scan3A_338 = scf.for %scan3A_560 = %scan3A_334 to %scan3A_336 step %scan3A_337 iter_args(%scan3A_561 = %scan3A_333) -> (i32)  : i32 {
      %get3A_562 = arith.constant 0 : index
      %get3A_563 = arith.constant 0 : index
      %get3A_564 = arith.constant 0 : index
      %get3A_565 = arith.constant 0 : index
      %get3A_566 = vector.load %arg4[%get3A_562, %get3A_563, %get3A_564, %get3A_565] : memref<6x4x16x128xf32, #tpu.memory_space<vmem>>, vector<6x4x16x128xf32>
      %sub3A_567 = arith.constant 128 : i32
      %sub3A_568 = arith.subi %sub3A_567, %scan3A_561 : i32
      %jit3A_569 = arith.constant 128 : i32
      %eq3A_570 = arith.constant 0 : i32
      %eq3A_571 = arith.cmpi eq, %jit3A_569, %eq3A_570 : i32
      %jit3A_572 = arith.constant 1 : i32
      %select_n3A_573 = arith.select %eq3A_571, %jit3A_572, %jit3A_569 : i32
      %rem3A_574 = arith.remsi %sub3A_568, %select_n3A_573 : i32
      %ne3A_575 = arith.constant 0 : i32
      %ne3A_576 = arith.cmpi ne, %rem3A_574, %ne3A_575 : i32
      %lt3A_577 = arith.constant 0 : i32
      %lt3A_578 = arith.cmpi slt, %rem3A_574, %lt3A_577 : i32
      %lt3A_579 = arith.constant 0 : i32
      %lt3A_580 = arith.cmpi slt, %select_n3A_573, %lt3A_579 : i32
      %ne3A_581 = arith.xori %lt3A_578, %lt3A_580 : i1
      %and3A_582 = arith.andi %ne3A_581, %ne3A_576 : i1
      %add3A_583 = arith.addi %rem3A_574, %select_n3A_573 : i32
      %select_n3A_584 = arith.select %and3A_582, %add3A_583, %rem3A_574 : i32
      %roll3A_585 = tpu.dynamic_rotate %get3A_566 by %select_n3A_584 dim 3 : vector<6x4x16x128xf32>, i32 -> vector<6x4x16x128xf32>
      %roll3A_586 = tpu.dynamic_rotate %get3A_566 by %scan3A_561 dim 3 : vector<6x4x16x128xf32>, i32 -> vector<6x4x16x128xf32>
      %and3A_587 = vector.broadcast %scan3A_561 : i32 to vector<1x1x16x128xi32>
      %and3A_588 = arith.andi %add3A_179, %and3A_587 : vector<1x1x16x128xi32>
      %eq3A_589 = arith.constant 0 : i32
      %eq3A_590 = vector.broadcast %eq3A_589 : i32 to vector<1x1x16x128xi32>
      %eq3A_591 = arith.cmpi eq, %and3A_588, %eq3A_590 : vector<1x1x16x128xi32>
      %broadcast_in_dim3A_592 = vector.shape_cast %eq3A_591 : vector<1x1x16x128xi1> to vector<1x1x16x128xi1>
      %broadcast_in_dim3A_593 = vector.broadcast %broadcast_in_dim3A_592 : vector<1x1x16x128xi1> to vector<6x4x16x128xi1>
      %select_n3A_594 = arith.select %broadcast_in_dim3A_593, %roll3A_585, %roll3A_586 : vector<6x4x16x128xi1>, vector<6x4x16x128xf32>
      %broadcast_in_dim3A_595 = vector.shape_cast %eq3A_591 : vector<1x1x16x128xi1> to vector<1x1x16x128xi1>
      %broadcast_in_dim3A_596 = vector.broadcast %broadcast_in_dim3A_595 : vector<1x1x16x128xi1> to vector<6x4x16x128xi1>
      %select_n3A_597 = arith.select %broadcast_in_dim3A_596, %get3A_566, %select_n3A_594 : vector<6x4x16x128xi1>, vector<6x4x16x128xf32>
      %broadcast_in_dim3A_598 = vector.shape_cast %eq3A_591 : vector<1x1x16x128xi1> to vector<1x1x16x128xi1>
      %broadcast_in_dim3A_599 = vector.broadcast %broadcast_in_dim3A_598 : vector<1x1x16x128xi1> to vector<6x4x16x128xi1>
      %select_n3A_600 = arith.select %broadcast_in_dim3A_599, %select_n3A_594, %get3A_566 : vector<6x4x16x128xi1>, vector<6x4x16x128xf32>
      %slice3A_601 = vector.extract_strided_slice %select_n3A_597 {offsets = [0, 0, 0, 0], sizes = [1, 4, 16, 128], strides = [1, 1, 1, 1]} : vector<6x4x16x128xf32> to vector<1x4x16x128xf32>
      %slice3A_602 = vector.extract_strided_slice %select_n3A_600 {offsets = [0, 0, 0, 0], sizes = [1, 4, 16, 128], strides = [1, 1, 1, 1]} : vector<6x4x16x128xf32> to vector<1x4x16x128xf32>
      %lt3A_603 = arith.cmpf olt, %slice3A_601, %slice3A_602 : vector<1x4x16x128xf32>
      %jit3A_604 = arith.constant 1 : i32
      %jit3A_605 = arith.constant 0 : i32
      %broadcast_in_dim3A_606 = vector.broadcast %jit3A_604 : i32 to vector<1x4x16x128xi32>
      %broadcast_in_dim3A_607 = vector.broadcast %jit3A_605 : i32 to vector<1x4x16x128xi32>
      %select_n3A_608 = arith.select %lt3A_603, %broadcast_in_dim3A_606, %broadcast_in_dim3A_607 : vector<1x4x16x128xi1>, vector<1x4x16x128xi32>
      %jit3A_609 = arith.constant 1 : i32
      %jit3A_610 = arith.constant 0 : i32
      %broadcast_in_dim3A_611 = vector.broadcast %jit3A_609 : i32 to vector<1x1x16x128xi32>
      %broadcast_in_dim3A_612 = vector.broadcast %jit3A_610 : i32 to vector<1x1x16x128xi32>
      %select_n3A_613 = arith.select %eq3A_332, %broadcast_in_dim3A_611, %broadcast_in_dim3A_612 : vector<1x1x16x128xi1>, vector<1x1x16x128xi32>
      %eq3A_614 = vector.broadcast %select_n3A_613 : vector<1x1x16x128xi32> to vector<1x4x16x128xi32>
      %eq3A_615 = arith.cmpi eq, %select_n3A_608, %eq3A_614 : vector<1x4x16x128xi32>
      %broadcast_in_dim3A_616 = vector.shape_cast %eq3A_615 : vector<1x4x16x128xi1> to vector<1x4x16x128xi1>
      %broadcast_in_dim3A_617 = vector.broadcast %broadcast_in_dim3A_616 : vector<1x4x16x128xi1> to vector<6x4x16x128xi1>
      %select_n3A_618 = arith.select %broadcast_in_dim3A_617, %get3A_566, %select_n3A_594 : vector<6x4x16x128xi1>, vector<6x4x16x128xf32>
      %swap3A_619 = arith.constant 0 : index
      %swap3A_620 = arith.constant 0 : index
      %swap3A_621 = arith.constant 0 : index
      %swap3A_622 = arith.constant 0 : index
      %swap3A_623 = vector.load %arg4[%swap3A_619, %swap3A_620, %swap3A_621, %swap3A_622] : memref<6x4x16x128xf32, #tpu.memory_space<vmem>>, vector<6x4x16x128xf32>
      tpu.vector_store %arg4[%swap3A_619, %swap3A_620, %swap3A_621, %swap3A_622], %select_n3A_618 {strides = array<i32>} : memref<6x4x16x128xf32, #tpu.memory_space<vmem>>, vector<6x4x16x128xf32>,
      %jit3A_624 = arith.constant 2 : i32
      %div3A_625 = arith.divsi %scan3A_561, %jit3A_624 : i32
      %sign3A_626 = arith.constant 0 : i32
      %sign3A_627 = arith.cmpi sgt, %scan3A_561, %sign3A_626 : i32
      %sign3A_628 = arith.extui %sign3A_627 : i1 to i32
      %sign3A_629 = arith.constant 0 : i32
      %sign3A_630 = arith.cmpi slt, %scan3A_561, %sign3A_629 : i32
      %sign3A_631 = arith.extui %sign3A_630 : i1 to i32
      %sign3A_632 = arith.subi %sign3A_628, %sign3A_631 : i32
      %sign3A_633 = arith.constant 0 : i32
      %sign3A_634 = arith.cmpi sgt, %jit3A_624, %sign3A_633 : i32
      %sign3A_635 = arith.extui %sign3A_634 : i1 to i32
      %sign3A_636 = arith.constant 0 : i32
      %sign3A_637 = arith.cmpi slt, %jit3A_624, %sign3A_636 : i32
      %sign3A_638 = arith.extui %sign3A_637 : i1 to i32
      %sign3A_639 = arith.subi %sign3A_635, %sign3A_638 : i32
      %ne3A_640 = arith.cmpi ne, %sign3A_632, %sign3A_639 : i32
      %rem3A_641 = arith.remsi %scan3A_561, %jit3A_624 : i32
      %ne3A_642 = arith.constant 0 : i32
      %ne3A_643 = arith.cmpi ne, %rem3A_641, %ne3A_642 : i32
      %and3A_644 = arith.andi %ne3A_640, %ne3A_643 : i1
      %sub3A_645 = arith.constant 1 : i32
      %sub3A_646 = arith.subi %div3A_625, %sub3A_645 : i32
      %select_n3A_647 = arith.select %and3A_644, %sub3A_646, %div3A_625 : i32
      scf.yield %select_n3A_647 : i32
    }
    %and3A_339 = arith.constant 256 : i32
    %and3A_340 = vector.broadcast %and3A_339 : i32 to vector<1x1x16x128xi32>
    %and3A_341 = arith.andi %add3A_179, %and3A_340 : vector<1x1x16x128xi32>
    %eq3A_342 = arith.constant 0 : i32
    %eq3A_343 = vector.broadcast %eq3A_342 : i32 to vector<1x1x16x128xi32>
    %eq3A_344 = arith.cmpi eq, %and3A_341, %eq3A_343 : vector<1x1x16x128xi32>
    %scan3A_345 = arith.constant 128 : i32
    %scan3A_346 = arith.constant 0 : i32
    %get3A_347 = arith.constant 0 : index
    %get3A_348 = arith.constant 0 : index
    %get3A_349 = arith.constant 0 : index
    %get3A_350 = arith.constant 0 : index
    %get3A_351 = vector.load %arg4[%get3A_347, %get3A_348, %get3A_349, %get3A_350] : memref<6x4x16x128xf32, #tpu.memory_space<vmem>>, vector<6x4x16x128xf32>
    %jit3A_352 = arith.constant 128 : i32
    %div3A_353 = arith.divsi %scan3A_345, %jit3A_352 : i32
    %sign3A_354 = arith.constant 0 : i32
    %sign3A_355 = arith.cmpi sgt, %scan3A_345, %sign3A_354 : i32
    %sign3A_356 = arith.extui %sign3A_355 : i1 to i32
    %sign3A_357 = arith.constant 0 : i32
    %sign3A_358 = arith.cmpi slt, %scan3A_345, %sign3A_357 : i32
    %sign3A_359 = arith.extui %sign3A_358 : i1 to i32
    %sign3A_360 = arith.subi %sign3A_356, %sign3A_359 : i32
    %sign3A_361 = arith.constant 0 : i32
    %sign3A_362 = arith.cmpi sgt, %jit3A_352, %sign3A_361 : i32
    %sign3A_363 = arith.extui %sign3A_362 : i1 to i32
    %sign3A_364 = arith.constant 0 : i32
    %sign3A_365 = arith.cmpi slt, %jit3A_352, %sign3A_364 : i32
    %sign3A_366 = arith.extui %sign3A_365 : i1 to i32
    %sign3A_367 = arith.subi %sign3A_363, %sign3A_366 : i32
    %ne3A_368 = arith.cmpi ne, %sign3A_360, %sign3A_367 : i32
    %rem3A_369 = arith.remsi %scan3A_345, %jit3A_352 : i32
    %ne3A_370 = arith.constant 0 : i32
    %ne3A_371 = arith.cmpi ne, %rem3A_369, %ne3A_370 : i32
    %and3A_372 = arith.andi %ne3A_368, %ne3A_371 : i1
    %sub3A_373 = arith.constant 1 : i32
    %sub3A_374 = arith.subi %div3A_353, %sub3A_373 : i32
    %select_n3A_375 = arith.select %and3A_372, %sub3A_374, %div3A_353 : i32
    %sub3A_376 = arith.constant 16 : i32
    %sub3A_377 = arith.subi %sub3A_376, %select_n3A_375 : i32
    %jit3A_378 = arith.constant 16 : i32
    %eq3A_379 = arith.constant 0 : i32
    %eq3A_380 = arith.cmpi eq, %jit3A_378, %eq3A_379 : i32
    %jit3A_381 = arith.constant 1 : i32
    %select_n3A_382 = arith.select %eq3A_380, %jit3A_381, %jit3A_378 : i32
    %rem3A_383 = arith.remsi %sub3A_377, %select_n3A_382 : i32
    %ne3A_384 = arith.constant 0 : i32
    %ne3A_385 = arith.cmpi ne, %rem3A_383, %ne3A_384 : i32
    %lt3A_386 = arith.constant 0 : i32
    %lt3A_387 = arith.cmpi slt, %rem3A_383, %lt3A_386 : i32
    %lt3A_388 = arith.constant 0 : i32
    %lt3A_389 = arith.cmpi slt, %select_n3A_382, %lt3A_388 : i32
    %ne3A_390 = arith.xori %lt3A_387, %lt3A_389 : i1
    %and3A_391 = arith.andi %ne3A_390, %ne3A_385 : i1
    %add3A_392 = arith.addi %rem3A_383, %select_n3A_382 : i32
    %select_n3A_393 = arith.select %and3A_391, %add3A_392, %rem3A_383 : i32
    %roll3A_394 = tpu.dynamic_rotate %get3A_351 by %select_n3A_393 dim 2 : vector<6x4x16x128xf32>, i32 -> vector<6x4x16x128xf32>
    %roll3A_395 = tpu.dynamic_rotate %get3A_351 by %select_n3A_375 dim 2 : vector<6x4x16x128xf32>, i32 -> vector<6x4x16x128xf32>
    %and3A_396 = vector.broadcast %scan3A_345 : i32 to vector<1x1x16x128xi32>
    %and3A_397 = arith.andi %add3A_179, %and3A_396 : vector<1x1x16x128xi32>
    %eq3A_398 = arith.constant 0 : i32
    %eq3A_399 = vector.broadcast %eq3A_398 : i32 to vector<1x1x16x128xi32>
    %eq3A_400 = arith.cmpi eq, %and3A_397, %eq3A_399 : vector<1x1x16x128xi32>
    %broadcast_in_dim3A_401 = vector.shape_cast %eq3A_400 : vector<1x1x16x128xi1> to vector<1x1x16x128xi1>
    %broadcast_in_dim3A_402 = vector.broadcast %broadcast_in_dim3A_401 : vector<1x1x16x128xi1> to vector<6x4x16x128xi1>
    %select_n3A_403 = arith.select %broadcast_in_dim3A_402, %roll3A_394, %roll3A_395 : vector<6x4x16x128xi1>, vector<6x4x16x128xf32>
    %broadcast_in_dim3A_404 = vector.shape_cast %eq3A_400 : vector<1x1x16x128xi1> to vector<1x1x16x128xi1>
    %broadcast_in_dim3A_405 = vector.broadcast %broadcast_in_dim3A_404 : vector<1x1x16x128xi1> to vector<6x4x16x128xi1>
    %select_n3A_406 = arith.select %broadcast_in_dim3A_405, %get3A_351, %select_n3A_403 : vector<6x4x16x128xi1>, vector<6x4x16x128xf32>
    %broadcast_in_dim3A_407 = vector.shape_cast %eq3A_400 : vector<1x1x16x128xi1> to vector<1x1x16x128xi1>
    %broadcast_in_dim3A_408 = vector.broadcast %broadcast_in_dim3A_407 : vector<1x1x16x128xi1> to vector<6x4x16x128xi1>
    %select_n3A_409 = arith.select %broadcast_in_dim3A_408, %select_n3A_403, %get3A_351 : vector<6x4x16x128xi1>, vector<6x4x16x128xf32>
    %slice3A_410 = vector.extract_strided_slice %select_n3A_406 {offsets = [0, 0, 0, 0], sizes = [1, 4, 16, 128], strides = [1, 1, 1, 1]} : vector<6x4x16x128xf32> to vector<1x4x16x128xf32>
    %slice3A_411 = vector.extract_strided_slice %select_n3A_409 {offsets = [0, 0, 0, 0], sizes = [1, 4, 16, 128], strides = [1, 1, 1, 1]} : vector<6x4x16x128xf32> to vector<1x4x16x128xf32>
    %lt3A_412 = arith.cmpf olt, %slice3A_410, %slice3A_411 : vector<1x4x16x128xf32>
    %jit3A_413 = arith.constant 1 : i32
    %jit3A_414 = arith.constant 0 : i32
    %broadcast_in_dim3A_415 = vector.broadcast %jit3A_413 : i32 to vector<1x4x16x128xi32>
    %broadcast_in_dim3A_416 = vector.broadcast %jit3A_414 : i32 to vector<1x4x16x128xi32>
    %select_n3A_417 = arith.select %lt3A_412, %broadcast_in_dim3A_415, %broadcast_in_dim3A_416 : vector<1x4x16x128xi1>, vector<1x4x16x128xi32>
    %jit3A_418 = arith.constant 1 : i32
    %jit3A_419 = arith.constant 0 : i32
    %broadcast_in_dim3A_420 = vector.broadcast %jit3A_418 : i32 to vector<1x1x16x128xi32>
    %broadcast_in_dim3A_421 = vector.broadcast %jit3A_419 : i32 to vector<1x1x16x128xi32>
    %select_n3A_422 = arith.select %eq3A_344, %broadcast_in_dim3A_420, %broadcast_in_dim3A_421 : vector<1x1x16x128xi1>, vector<1x1x16x128xi32>
    %eq3A_423 = vector.broadcast %select_n3A_422 : vector<1x1x16x128xi32> to vector<1x4x16x128xi32>
    %eq3A_424 = arith.cmpi eq, %select_n3A_417, %eq3A_423 : vector<1x4x16x128xi32>
    %broadcast_in_dim3A_425 = vector.shape_cast %eq3A_424 : vector<1x4x16x128xi1> to vector<1x4x16x128xi1>
    %broadcast_in_dim3A_426 = vector.broadcast %broadcast_in_dim3A_425 : vector<1x4x16x128xi1> to vector<6x4x16x128xi1>
    %select_n3A_427 = arith.select %broadcast_in_dim3A_426, %get3A_351, %select_n3A_403 : vector<6x4x16x128xi1>, vector<6x4x16x128xf32>
    %swap3A_428 = arith.constant 0 : index
    %swap3A_429 = arith.constant 0 : index
    %swap3A_430 = arith.constant 0 : index
    %swap3A_431 = arith.constant 0 : index
    %swap3A_432 = vector.load %arg4[%swap3A_428, %swap3A_429, %swap3A_430, %swap3A_431] : memref<6x4x16x128xf32, #tpu.memory_space<vmem>>, vector<6x4x16x128xf32>
    tpu.vector_store %arg4[%swap3A_428, %swap3A_429, %swap3A_430, %swap3A_431], %select_n3A_427 {strides = array<i32>} : memref<6x4x16x128xf32, #tpu.memory_space<vmem>>, vector<6x4x16x128xf32>,
    %jit3A_433 = arith.constant 2 : i32
    %div3A_434 = arith.divsi %scan3A_345, %jit3A_433 : i32
    %sign3A_435 = arith.constant 0 : i32
    %sign3A_436 = arith.cmpi sgt, %scan3A_345, %sign3A_435 : i32
    %sign3A_437 = arith.extui %sign3A_436 : i1 to i32
    %sign3A_438 = arith.constant 0 : i32
    %sign3A_439 = arith.cmpi slt, %scan3A_345, %sign3A_438 : i32
    %sign3A_440 = arith.extui %sign3A_439 : i1 to i32
    %sign3A_441 = arith.subi %sign3A_437, %sign3A_440 : i32
    %sign3A_442 = arith.constant 0 : i32
    %sign3A_443 = arith.cmpi sgt, %jit3A_433, %sign3A_442 : i32
    %sign3A_444 = arith.extui %sign3A_443 : i1 to i32
    %sign3A_445 = arith.constant 0 : i32
    %sign3A_446 = arith.cmpi slt, %jit3A_433, %sign3A_445 : i32
    %sign3A_447 = arith.extui %sign3A_446 : i1 to i32
    %sign3A_448 = arith.subi %sign3A_444, %sign3A_447 : i32
    %ne3A_449 = arith.cmpi ne, %sign3A_441, %sign3A_448 : i32
    %rem3A_450 = arith.remsi %scan3A_345, %jit3A_433 : i32
    %ne3A_451 = arith.constant 0 : i32
    %ne3A_452 = arith.cmpi ne, %rem3A_450, %ne3A_451 : i32
    %and3A_453 = arith.andi %ne3A_449, %ne3A_452 : i1
    %sub3A_454 = arith.constant 1 : i32
    %sub3A_455 = arith.subi %div3A_434, %sub3A_454 : i32
    %select_n3A_456 = arith.select %and3A_453, %sub3A_455, %div3A_434 : i32
    %scan3A_457 = arith.constant 0 : i32
    %scan3A_458 = arith.constant 7 : i32
    %scan3A_459 = arith.addi %scan3A_457, %scan3A_458 : i32
    %scan3A_460 = arith.constant 1 : i32
    %scan3A_461 = scf.for %scan3A_560 = %scan3A_457 to %scan3A_459 step %scan3A_460 iter_args(%scan3A_561 = %select_n3A_456) -> (i32)  : i32 {
      %get3A_562 = arith.constant 0 : index
      %get3A_563 = arith.constant 0 : index
      %get3A_564 = arith.constant 0 : index
      %get3A_565 = arith.constant 0 : index
      %get3A_566 = vector.load %arg4[%get3A_562, %get3A_563, %get3A_564, %get3A_565] : memref<6x4x16x128xf32, #tpu.memory_space<vmem>>, vector<6x4x16x128xf32>
      %sub3A_567 = arith.constant 128 : i32
      %sub3A_568 = arith.subi %sub3A_567, %scan3A_561 : i32
      %jit3A_569 = arith.constant 128 : i32
      %eq3A_570 = arith.constant 0 : i32
      %eq3A_571 = arith.cmpi eq, %jit3A_569, %eq3A_570 : i32
      %jit3A_572 = arith.constant 1 : i32
      %select_n3A_573 = arith.select %eq3A_571, %jit3A_572, %jit3A_569 : i32
      %rem3A_574 = arith.remsi %sub3A_568, %select_n3A_573 : i32
      %ne3A_575 = arith.constant 0 : i32
      %ne3A_576 = arith.cmpi ne, %rem3A_574, %ne3A_575 : i32
      %lt3A_577 = arith.constant 0 : i32
      %lt3A_578 = arith.cmpi slt, %rem3A_574, %lt3A_577 : i32
      %lt3A_579 = arith.constant 0 : i32
      %lt3A_580 = arith.cmpi slt, %select_n3A_573, %lt3A_579 : i32
      %ne3A_581 = arith.xori %lt3A_578, %lt3A_580 : i1
      %and3A_582 = arith.andi %ne3A_581, %ne3A_576 : i1
      %add3A_583 = arith.addi %rem3A_574, %select_n3A_573 : i32
      %select_n3A_584 = arith.select %and3A_582, %add3A_583, %rem3A_574 : i32
      %roll3A_585 = tpu.dynamic_rotate %get3A_566 by %select_n3A_584 dim 3 : vector<6x4x16x128xf32>, i32 -> vector<6x4x16x128xf32>
      %roll3A_586 = tpu.dynamic_rotate %get3A_566 by %scan3A_561 dim 3 : vector<6x4x16x128xf32>, i32 -> vector<6x4x16x128xf32>
      %and3A_587 = vector.broadcast %scan3A_561 : i32 to vector<1x1x16x128xi32>
      %and3A_588 = arith.andi %add3A_179, %and3A_587 : vector<1x1x16x128xi32>
      %eq3A_589 = arith.constant 0 : i32
      %eq3A_590 = vector.broadcast %eq3A_589 : i32 to vector<1x1x16x128xi32>
      %eq3A_591 = arith.cmpi eq, %and3A_588, %eq3A_590 : vector<1x1x16x128xi32>
      %broadcast_in_dim3A_592 = vector.shape_cast %eq3A_591 : vector<1x1x16x128xi1> to vector<1x1x16x128xi1>
      %broadcast_in_dim3A_593 = vector.broadcast %broadcast_in_dim3A_592 : vector<1x1x16x128xi1> to vector<6x4x16x128xi1>
      %select_n3A_594 = arith.select %broadcast_in_dim3A_593, %roll3A_585, %roll3A_586 : vector<6x4x16x128xi1>, vector<6x4x16x128xf32>
      %broadcast_in_dim3A_595 = vector.shape_cast %eq3A_591 : vector<1x1x16x128xi1> to vector<1x1x16x128xi1>
      %broadcast_in_dim3A_596 = vector.broadcast %broadcast_in_dim3A_595 : vector<1x1x16x128xi1> to vector<6x4x16x128xi1>
      %select_n3A_597 = arith.select %broadcast_in_dim3A_596, %get3A_566, %select_n3A_594 : vector<6x4x16x128xi1>, vector<6x4x16x128xf32>
      %broadcast_in_dim3A_598 = vector.shape_cast %eq3A_591 : vector<1x1x16x128xi1> to vector<1x1x16x128xi1>
      %broadcast_in_dim3A_599 = vector.broadcast %broadcast_in_dim3A_598 : vector<1x1x16x128xi1> to vector<6x4x16x128xi1>
      %select_n3A_600 = arith.select %broadcast_in_dim3A_599, %select_n3A_594, %get3A_566 : vector<6x4x16x128xi1>, vector<6x4x16x128xf32>
      %slice3A_601 = vector.extract_strided_slice %select_n3A_597 {offsets = [0, 0, 0, 0], sizes = [1, 4, 16, 128], strides = [1, 1, 1, 1]} : vector<6x4x16x128xf32> to vector<1x4x16x128xf32>
      %slice3A_602 = vector.extract_strided_slice %select_n3A_600 {offsets = [0, 0, 0, 0], sizes = [1, 4, 16, 128], strides = [1, 1, 1, 1]} : vector<6x4x16x128xf32> to vector<1x4x16x128xf32>
      %lt3A_603 = arith.cmpf olt, %slice3A_601, %slice3A_602 : vector<1x4x16x128xf32>
      %jit3A_604 = arith.constant 1 : i32
      %jit3A_605 = arith.constant 0 : i32
      %broadcast_in_dim3A_606 = vector.broadcast %jit3A_604 : i32 to vector<1x4x16x128xi32>
      %broadcast_in_dim3A_607 = vector.broadcast %jit3A_605 : i32 to vector<1x4x16x128xi32>
      %select_n3A_608 = arith.select %lt3A_603, %broadcast_in_dim3A_606, %broadcast_in_dim3A_607 : vector<1x4x16x128xi1>, vector<1x4x16x128xi32>
      %jit3A_609 = arith.constant 1 : i32
      %jit3A_610 = arith.constant 0 : i32
      %broadcast_in_dim3A_611 = vector.broadcast %jit3A_609 : i32 to vector<1x1x16x128xi32>
      %broadcast_in_dim3A_612 = vector.broadcast %jit3A_610 : i32 to vector<1x1x16x128xi32>
      %select_n3A_613 = arith.select %eq3A_344, %broadcast_in_dim3A_611, %broadcast_in_dim3A_612 : vector<1x1x16x128xi1>, vector<1x1x16x128xi32>
      %eq3A_614 = vector.broadcast %select_n3A_613 : vector<1x1x16x128xi32> to vector<1x4x16x128xi32>
      %eq3A_615 = arith.cmpi eq, %select_n3A_608, %eq3A_614 : vector<1x4x16x128xi32>
      %broadcast_in_dim3A_616 = vector.shape_cast %eq3A_615 : vector<1x4x16x128xi1> to vector<1x4x16x128xi1>
      %broadcast_in_dim3A_617 = vector.broadcast %broadcast_in_dim3A_616 : vector<1x4x16x128xi1> to vector<6x4x16x128xi1>
      %select_n3A_618 = arith.select %broadcast_in_dim3A_617, %get3A_566, %select_n3A_594 : vector<6x4x16x128xi1>, vector<6x4x16x128xf32>
      %swap3A_619 = arith.constant 0 : index
      %swap3A_620 = arith.constant 0 : index
      %swap3A_621 = arith.constant 0 : index
      %swap3A_622 = arith.constant 0 : index
      %swap3A_623 = vector.load %arg4[%swap3A_619, %swap3A_620, %swap3A_621, %swap3A_622] : memref<6x4x16x128xf32, #tpu.memory_space<vmem>>, vector<6x4x16x128xf32>
      tpu.vector_store %arg4[%swap3A_619, %swap3A_620, %swap3A_621, %swap3A_622], %select_n3A_618 {strides = array<i32>} : memref<6x4x16x128xf32, #tpu.memory_space<vmem>>, vector<6x4x16x128xf32>,
      %jit3A_624 = arith.constant 2 : i32
      %div3A_625 = arith.divsi %scan3A_561, %jit3A_624 : i32
      %sign3A_626 = arith.constant 0 : i32
      %sign3A_627 = arith.cmpi sgt, %scan3A_561, %sign3A_626 : i32
      %sign3A_628 = arith.extui %sign3A_627 : i1 to i32
      %sign3A_629 = arith.constant 0 : i32
      %sign3A_630 = arith.cmpi slt, %scan3A_561, %sign3A_629 : i32
      %sign3A_631 = arith.extui %sign3A_630 : i1 to i32
      %sign3A_632 = arith.subi %sign3A_628, %sign3A_631 : i32
      %sign3A_633 = arith.constant 0 : i32
      %sign3A_634 = arith.cmpi sgt, %jit3A_624, %sign3A_633 : i32
      %sign3A_635 = arith.extui %sign3A_634 : i1 to i32
      %sign3A_636 = arith.constant 0 : i32
      %sign3A_637 = arith.cmpi slt, %jit3A_624, %sign3A_636 : i32
      %sign3A_638 = arith.extui %sign3A_637 : i1 to i32
      %sign3A_639 = arith.subi %sign3A_635, %sign3A_638 : i32
      %ne3A_640 = arith.cmpi ne, %sign3A_632, %sign3A_639 : i32
      %rem3A_641 = arith.remsi %scan3A_561, %jit3A_624 : i32
      %ne3A_642 = arith.constant 0 : i32
      %ne3A_643 = arith.cmpi ne, %rem3A_641, %ne3A_642 : i32
      %and3A_644 = arith.andi %ne3A_640, %ne3A_643 : i1
      %sub3A_645 = arith.constant 1 : i32
      %sub3A_646 = arith.subi %div3A_625, %sub3A_645 : i32
      %select_n3A_647 = arith.select %and3A_644, %sub3A_646, %div3A_625 : i32
      scf.yield %select_n3A_647 : i32
    }
    %and3A_462 = arith.constant 512 : i32
    %and3A_463 = vector.broadcast %and3A_462 : i32 to vector<1x1x16x128xi32>
    %and3A_464 = arith.andi %add3A_179, %and3A_463 : vector<1x1x16x128xi32>
    %eq3A_465 = arith.constant 0 : i32
    %eq3A_466 = vector.broadcast %eq3A_465 : i32 to vector<1x1x16x128xi32>
    %eq3A_467 = arith.cmpi eq, %and3A_464, %eq3A_466 : vector<1x1x16x128xi32>
    %scan3A_468 = arith.constant 256 : i32
    %scan3A_469 = arith.constant 0 : i32
    %scan3A_470 = arith.constant 2 : i32
    %scan3A_471 = arith.addi %scan3A_469, %scan3A_470 : i32
    %scan3A_472 = arith.constant 1 : i32
    %scan3A_473 = scf.for %scan3A_560 = %scan3A_469 to %scan3A_471 step %scan3A_472 iter_args(%scan3A_561 = %scan3A_468) -> (i32)  : i32 {
      %get3A_562 = arith.constant 0 : index
      %get3A_563 = arith.constant 0 : index
      %get3A_564 = arith.constant 0 : index
      %get3A_565 = arith.constant 0 : index
      %get3A_566 = vector.load %arg4[%get3A_562, %get3A_563, %get3A_564, %get3A_565] : memref<6x4x16x128xf32, #tpu.memory_space<vmem>>, vector<6x4x16x128xf32>
      %jit3A_567 = arith.constant 128 : i32
      %div3A_568 = arith.divsi %scan3A_561, %jit3A_567 : i32
      %sign3A_569 = arith.constant 0 : i32
      %sign3A_570 = arith.cmpi sgt, %scan3A_561, %sign3A_569 : i32
      %sign3A_571 = arith.extui %sign3A_570 : i1 to i32
      %sign3A_572 = arith.constant 0 : i32
      %sign3A_573 = arith.cmpi slt, %scan3A_561, %sign3A_572 : i32
      %sign3A_574 = arith.extui %sign3A_573 : i1 to i32
      %sign3A_575 = arith.subi %sign3A_571, %sign3A_574 : i32
      %sign3A_576 = arith.constant 0 : i32
      %sign3A_577 = arith.cmpi sgt, %jit3A_567, %sign3A_576 : i32
      %sign3A_578 = arith.extui %sign3A_577 : i1 to i32
      %sign3A_579 = arith.constant 0 : i32
      %sign3A_580 = arith.cmpi slt, %jit3A_567, %sign3A_579 : i32
      %sign3A_581 = arith.extui %sign3A_580 : i1 to i32
      %sign3A_582 = arith.subi %sign3A_578, %sign3A_581 : i32
      %ne3A_583 = arith.cmpi ne, %sign3A_575, %sign3A_582 : i32
      %rem3A_584 = arith.remsi %scan3A_561, %jit3A_567 : i32
      %ne3A_585 = arith.constant 0 : i32
      %ne3A_586 = arith.cmpi ne, %rem3A_584, %ne3A_585 : i32
      %and3A_587 = arith.andi %ne3A_583, %ne3A_586 : i1
      %sub3A_588 = arith.constant 1 : i32
      %sub3A_589 = arith.subi %div3A_568, %sub3A_588 : i32
      %select_n3A_590 = arith.select %and3A_587, %sub3A_589, %div3A_568 : i32
      %sub3A_591 = arith.constant 16 : i32
      %sub3A_592 = arith.subi %sub3A_591, %select_n3A_590 : i32
      %jit3A_593 = arith.constant 16 : i32
      %eq3A_594 = arith.constant 0 : i32
      %eq3A_595 = arith.cmpi eq, %jit3A_593, %eq3A_594 : i32
      %jit3A_596 = arith.constant 1 : i32
      %select_n3A_597 = arith.select %eq3A_595, %jit3A_596, %jit3A_593 : i32
      %rem3A_598 = arith.remsi %sub3A_592, %select_n3A_597 : i32
      %ne3A_599 = arith.constant 0 : i32
      %ne3A_600 = arith.cmpi ne, %rem3A_598, %ne3A_599 : i32
      %lt3A_601 = arith.constant 0 : i32
      %lt3A_602 = arith.cmpi slt, %rem3A_598, %lt3A_601 : i32
      %lt3A_603 = arith.constant 0 : i32
      %lt3A_604 = arith.cmpi slt, %select_n3A_597, %lt3A_603 : i32
      %ne3A_605 = arith.xori %lt3A_602, %lt3A_604 : i1
      %and3A_606 = arith.andi %ne3A_605, %ne3A_600 : i1
      %add3A_607 = arith.addi %rem3A_598, %select_n3A_597 : i32
      %select_n3A_608 = arith.select %and3A_606, %add3A_607, %rem3A_598 : i32
      %roll3A_609 = tpu.dynamic_rotate %get3A_566 by %select_n3A_608 dim 2 : vector<6x4x16x128xf32>, i32 -> vector<6x4x16x128xf32>
      %roll3A_610 = tpu.dynamic_rotate %get3A_566 by %select_n3A_590 dim 2 : vector<6x4x16x128xf32>, i32 -> vector<6x4x16x128xf32>
      %and3A_611 = vector.broadcast %scan3A_561 : i32 to vector<1x1x16x128xi32>
      %and3A_612 = arith.andi %add3A_179, %and3A_611 : vector<1x1x16x128xi32>
      %eq3A_613 = arith.constant 0 : i32
      %eq3A_614 = vector.broadcast %eq3A_613 : i32 to vector<1x1x16x128xi32>
      %eq3A_615 = arith.cmpi eq, %and3A_612, %eq3A_614 : vector<1x1x16x128xi32>
      %broadcast_in_dim3A_616 = vector.shape_cast %eq3A_615 : vector<1x1x16x128xi1> to vector<1x1x16x128xi1>
      %broadcast_in_dim3A_617 = vector.broadcast %broadcast_in_dim3A_616 : vector<1x1x16x128xi1> to vector<6x4x16x128xi1>
      %select_n3A_618 = arith.select %broadcast_in_dim3A_617, %roll3A_609, %roll3A_610 : vector<6x4x16x128xi1>, vector<6x4x16x128xf32>
      %broadcast_in_dim3A_619 = vector.shape_cast %eq3A_615 : vector<1x1x16x128xi1> to vector<1x1x16x128xi1>
      %broadcast_in_dim3A_620 = vector.broadcast %broadcast_in_dim3A_619 : vector<1x1x16x128xi1> to vector<6x4x16x128xi1>
      %select_n3A_621 = arith.select %broadcast_in_dim3A_620, %get3A_566, %select_n3A_618 : vector<6x4x16x128xi1>, vector<6x4x16x128xf32>
      %broadcast_in_dim3A_622 = vector.shape_cast %eq3A_615 : vector<1x1x16x128xi1> to vector<1x1x16x128xi1>
      %broadcast_in_dim3A_623 = vector.broadcast %broadcast_in_dim3A_622 : vector<1x1x16x128xi1> to vector<6x4x16x128xi1>
      %select_n3A_624 = arith.select %broadcast_in_dim3A_623, %select_n3A_618, %get3A_566 : vector<6x4x16x128xi1>, vector<6x4x16x128xf32>
      %slice3A_625 = vector.extract_strided_slice %select_n3A_621 {offsets = [0, 0, 0, 0], sizes = [1, 4, 16, 128], strides = [1, 1, 1, 1]} : vector<6x4x16x128xf32> to vector<1x4x16x128xf32>
      %slice3A_626 = vector.extract_strided_slice %select_n3A_624 {offsets = [0, 0, 0, 0], sizes = [1, 4, 16, 128], strides = [1, 1, 1, 1]} : vector<6x4x16x128xf32> to vector<1x4x16x128xf32>
      %lt3A_627 = arith.cmpf olt, %slice3A_625, %slice3A_626 : vector<1x4x16x128xf32>
      %jit3A_628 = arith.constant 1 : i32
      %jit3A_629 = arith.constant 0 : i32
      %broadcast_in_dim3A_630 = vector.broadcast %jit3A_628 : i32 to vector<1x4x16x128xi32>
      %broadcast_in_dim3A_631 = vector.broadcast %jit3A_629 : i32 to vector<1x4x16x128xi32>
      %select_n3A_632 = arith.select %lt3A_627, %broadcast_in_dim3A_630, %broadcast_in_dim3A_631 : vector<1x4x16x128xi1>, vector<1x4x16x128xi32>
      %jit3A_633 = arith.constant 1 : i32
      %jit3A_634 = arith.constant 0 : i32
      %broadcast_in_dim3A_635 = vector.broadcast %jit3A_633 : i32 to vector<1x1x16x128xi32>
      %broadcast_in_dim3A_636 = vector.broadcast %jit3A_634 : i32 to vector<1x1x16x128xi32>
      %select_n3A_637 = arith.select %eq3A_467, %broadcast_in_dim3A_635, %broadcast_in_dim3A_636 : vector<1x1x16x128xi1>, vector<1x1x16x128xi32>
      %eq3A_638 = vector.broadcast %select_n3A_637 : vector<1x1x16x128xi32> to vector<1x4x16x128xi32>
      %eq3A_639 = arith.cmpi eq, %select_n3A_632, %eq3A_638 : vector<1x4x16x128xi32>
      %broadcast_in_dim3A_640 = vector.shape_cast %eq3A_639 : vector<1x4x16x128xi1> to vector<1x4x16x128xi1>
      %broadcast_in_dim3A_641 = vector.broadcast %broadcast_in_dim3A_640 : vector<1x4x16x128xi1> to vector<6x4x16x128xi1>
      %select_n3A_642 = arith.select %broadcast_in_dim3A_641, %get3A_566, %select_n3A_618 : vector<6x4x16x128xi1>, vector<6x4x16x128xf32>
      %swap3A_643 = arith.constant 0 : index
      %swap3A_644 = arith.constant 0 : index
      %swap3A_645 = arith.constant 0 : index
      %swap3A_646 = arith.constant 0 : index
      %swap3A_647 = vector.load %arg4[%swap3A_643, %swap3A_644, %swap3A_645, %swap3A_646] : memref<6x4x16x128xf32, #tpu.memory_space<vmem>>, vector<6x4x16x128xf32>
      tpu.vector_store %arg4[%swap3A_643, %swap3A_644, %swap3A_645, %swap3A_646], %select_n3A_642 {strides = array<i32>} : memref<6x4x16x128xf32, #tpu.memory_space<vmem>>, vector<6x4x16x128xf32>,
      %jit3A_648 = arith.constant 2 : i32
      %div3A_649 = arith.divsi %scan3A_561, %jit3A_648 : i32
      %sign3A_650 = arith.constant 0 : i32
      %sign3A_651 = arith.cmpi sgt, %scan3A_561, %sign3A_650 : i32
      %sign3A_652 = arith.extui %sign3A_651 : i1 to i32
      %sign3A_653 = arith.constant 0 : i32
      %sign3A_654 = arith.cmpi slt, %scan3A_561, %sign3A_653 : i32
      %sign3A_655 = arith.extui %sign3A_654 : i1 to i32
      %sign3A_656 = arith.subi %sign3A_652, %sign3A_655 : i32
      %sign3A_657 = arith.constant 0 : i32
      %sign3A_658 = arith.cmpi sgt, %jit3A_648, %sign3A_657 : i32
      %sign3A_659 = arith.extui %sign3A_658 : i1 to i32
      %sign3A_660 = arith.constant 0 : i32
      %sign3A_661 = arith.cmpi slt, %jit3A_648, %sign3A_660 : i32
      %sign3A_662 = arith.extui %sign3A_661 : i1 to i32
      %sign3A_663 = arith.subi %sign3A_659, %sign3A_662 : i32
      %ne3A_664 = arith.cmpi ne, %sign3A_656, %sign3A_663 : i32
      %rem3A_665 = arith.remsi %scan3A_561, %jit3A_648 : i32
      %ne3A_666 = arith.constant 0 : i32
      %ne3A_667 = arith.cmpi ne, %rem3A_665, %ne3A_666 : i32
      %and3A_668 = arith.andi %ne3A_664, %ne3A_667 : i1
      %sub3A_669 = arith.constant 1 : i32
      %sub3A_670 = arith.subi %div3A_649, %sub3A_669 : i32
      %select_n3A_671 = arith.select %and3A_668, %sub3A_670, %div3A_649 : i32
      scf.yield %select_n3A_671 : i32
    }
    %scan3A_474 = arith.constant 0 : i32
    %scan3A_475 = arith.constant 7 : i32
    %scan3A_476 = arith.addi %scan3A_474, %scan3A_475 : i32
    %scan3A_477 = arith.constant 1 : i32
    %scan3A_478 = scf.for %scan3A_560 = %scan3A_474 to %scan3A_476 step %scan3A_477 iter_args(%scan3A_561 = %scan3A_473) -> (i32)  : i32 {
      %get3A_562 = arith.constant 0 : index
      %get3A_563 = arith.constant 0 : index
      %get3A_564 = arith.constant 0 : index
      %get3A_565 = arith.constant 0 : index
      %get3A_566 = vector.load %arg4[%get3A_562, %get3A_563, %get3A_564, %get3A_565] : memref<6x4x16x128xf32, #tpu.memory_space<vmem>>, vector<6x4x16x128xf32>
      %sub3A_567 = arith.constant 128 : i32
      %sub3A_568 = arith.subi %sub3A_567, %scan3A_561 : i32
      %jit3A_569 = arith.constant 128 : i32
      %eq3A_570 = arith.constant 0 : i32
      %eq3A_571 = arith.cmpi eq, %jit3A_569, %eq3A_570 : i32
      %jit3A_572 = arith.constant 1 : i32
      %select_n3A_573 = arith.select %eq3A_571, %jit3A_572, %jit3A_569 : i32
      %rem3A_574 = arith.remsi %sub3A_568, %select_n3A_573 : i32
      %ne3A_575 = arith.constant 0 : i32
      %ne3A_576 = arith.cmpi ne, %rem3A_574, %ne3A_575 : i32
      %lt3A_577 = arith.constant 0 : i32
      %lt3A_578 = arith.cmpi slt, %rem3A_574, %lt3A_577 : i32
      %lt3A_579 = arith.constant 0 : i32
      %lt3A_580 = arith.cmpi slt, %select_n3A_573, %lt3A_579 : i32
      %ne3A_581 = arith.xori %lt3A_578, %lt3A_580 : i1
      %and3A_582 = arith.andi %ne3A_581, %ne3A_576 : i1
      %add3A_583 = arith.addi %rem3A_574, %select_n3A_573 : i32
      %select_n3A_584 = arith.select %and3A_582, %add3A_583, %rem3A_574 : i32
      %roll3A_585 = tpu.dynamic_rotate %get3A_566 by %select_n3A_584 dim 3 : vector<6x4x16x128xf32>, i32 -> vector<6x4x16x128xf32>
      %roll3A_586 = tpu.dynamic_rotate %get3A_566 by %scan3A_561 dim 3 : vector<6x4x16x128xf32>, i32 -> vector<6x4x16x128xf32>
      %and3A_587 = vector.broadcast %scan3A_561 : i32 to vector<1x1x16x128xi32>
      %and3A_588 = arith.andi %add3A_179, %and3A_587 : vector<1x1x16x128xi32>
      %eq3A_589 = arith.constant 0 : i32
      %eq3A_590 = vector.broadcast %eq3A_589 : i32 to vector<1x1x16x128xi32>
      %eq3A_591 = arith.cmpi eq, %and3A_588, %eq3A_590 : vector<1x1x16x128xi32>
      %broadcast_in_dim3A_592 = vector.shape_cast %eq3A_591 : vector<1x1x16x128xi1> to vector<1x1x16x128xi1>
      %broadcast_in_dim3A_593 = vector.broadcast %broadcast_in_dim3A_592 : vector<1x1x16x128xi1> to vector<6x4x16x128xi1>
      %select_n3A_594 = arith.select %broadcast_in_dim3A_593, %roll3A_585, %roll3A_586 : vector<6x4x16x128xi1>, vector<6x4x16x128xf32>
      %broadcast_in_dim3A_595 = vector.shape_cast %eq3A_591 : vector<1x1x16x128xi1> to vector<1x1x16x128xi1>
      %broadcast_in_dim3A_596 = vector.broadcast %broadcast_in_dim3A_595 : vector<1x1x16x128xi1> to vector<6x4x16x128xi1>
      %select_n3A_597 = arith.select %broadcast_in_dim3A_596, %get3A_566, %select_n3A_594 : vector<6x4x16x128xi1>, vector<6x4x16x128xf32>
      %broadcast_in_dim3A_598 = vector.shape_cast %eq3A_591 : vector<1x1x16x128xi1> to vector<1x1x16x128xi1>
      %broadcast_in_dim3A_599 = vector.broadcast %broadcast_in_dim3A_598 : vector<1x1x16x128xi1> to vector<6x4x16x128xi1>
      %select_n3A_600 = arith.select %broadcast_in_dim3A_599, %select_n3A_594, %get3A_566 : vector<6x4x16x128xi1>, vector<6x4x16x128xf32>
      %slice3A_601 = vector.extract_strided_slice %select_n3A_597 {offsets = [0, 0, 0, 0], sizes = [1, 4, 16, 128], strides = [1, 1, 1, 1]} : vector<6x4x16x128xf32> to vector<1x4x16x128xf32>
      %slice3A_602 = vector.extract_strided_slice %select_n3A_600 {offsets = [0, 0, 0, 0], sizes = [1, 4, 16, 128], strides = [1, 1, 1, 1]} : vector<6x4x16x128xf32> to vector<1x4x16x128xf32>
      %lt3A_603 = arith.cmpf olt, %slice3A_601, %slice3A_602 : vector<1x4x16x128xf32>
      %jit3A_604 = arith.constant 1 : i32
      %jit3A_605 = arith.constant 0 : i32
      %broadcast_in_dim3A_606 = vector.broadcast %jit3A_604 : i32 to vector<1x4x16x128xi32>
      %broadcast_in_dim3A_607 = vector.broadcast %jit3A_605 : i32 to vector<1x4x16x128xi32>
      %select_n3A_608 = arith.select %lt3A_603, %broadcast_in_dim3A_606, %broadcast_in_dim3A_607 : vector<1x4x16x128xi1>, vector<1x4x16x128xi32>
      %jit3A_609 = arith.constant 1 : i32
      %jit3A_610 = arith.constant 0 : i32
      %broadcast_in_dim3A_611 = vector.broadcast %jit3A_609 : i32 to vector<1x1x16x128xi32>
      %broadcast_in_dim3A_612 = vector.broadcast %jit3A_610 : i32 to vector<1x1x16x128xi32>
      %select_n3A_613 = arith.select %eq3A_467, %broadcast_in_dim3A_611, %broadcast_in_dim3A_612 : vector<1x1x16x128xi1>, vector<1x1x16x128xi32>
      %eq3A_614 = vector.broadcast %select_n3A_613 : vector<1x1x16x128xi32> to vector<1x4x16x128xi32>
      %eq3A_615 = arith.cmpi eq, %select_n3A_608, %eq3A_614 : vector<1x4x16x128xi32>
      %broadcast_in_dim3A_616 = vector.shape_cast %eq3A_615 : vector<1x4x16x128xi1> to vector<1x4x16x128xi1>
      %broadcast_in_dim3A_617 = vector.broadcast %broadcast_in_dim3A_616 : vector<1x4x16x128xi1> to vector<6x4x16x128xi1>
      %select_n3A_618 = arith.select %broadcast_in_dim3A_617, %get3A_566, %select_n3A_594 : vector<6x4x16x128xi1>, vector<6x4x16x128xf32>
      %swap3A_619 = arith.constant 0 : index
      %swap3A_620 = arith.constant 0 : index
      %swap3A_621 = arith.constant 0 : index
      %swap3A_622 = arith.constant 0 : index
      %swap3A_623 = vector.load %arg4[%swap3A_619, %swap3A_620, %swap3A_621, %swap3A_622] : memref<6x4x16x128xf32, #tpu.memory_space<vmem>>, vector<6x4x16x128xf32>
      tpu.vector_store %arg4[%swap3A_619, %swap3A_620, %swap3A_621, %swap3A_622], %select_n3A_618 {strides = array<i32>} : memref<6x4x16x128xf32, #tpu.memory_space<vmem>>, vector<6x4x16x128xf32>,
      %jit3A_624 = arith.constant 2 : i32
      %div3A_625 = arith.divsi %scan3A_561, %jit3A_624 : i32
      %sign3A_626 = arith.constant 0 : i32
      %sign3A_627 = arith.cmpi sgt, %scan3A_561, %sign3A_626 : i32
      %sign3A_628 = arith.extui %sign3A_627 : i1 to i32
      %sign3A_629 = arith.constant 0 : i32
      %sign3A_630 = arith.cmpi slt, %scan3A_561, %sign3A_629 : i32
      %sign3A_631 = arith.extui %sign3A_630 : i1 to i32
      %sign3A_632 = arith.subi %sign3A_628, %sign3A_631 : i32
      %sign3A_633 = arith.constant 0 : i32
      %sign3A_634 = arith.cmpi sgt, %jit3A_624, %sign3A_633 : i32
      %sign3A_635 = arith.extui %sign3A_634 : i1 to i32
      %sign3A_636 = arith.constant 0 : i32
      %sign3A_637 = arith.cmpi slt, %jit3A_624, %sign3A_636 : i32
      %sign3A_638 = arith.extui %sign3A_637 : i1 to i32
      %sign3A_639 = arith.subi %sign3A_635, %sign3A_638 : i32
      %ne3A_640 = arith.cmpi ne, %sign3A_632, %sign3A_639 : i32
      %rem3A_641 = arith.remsi %scan3A_561, %jit3A_624 : i32
      %ne3A_642 = arith.constant 0 : i32
      %ne3A_643 = arith.cmpi ne, %rem3A_641, %ne3A_642 : i32
      %and3A_644 = arith.andi %ne3A_640, %ne3A_643 : i1
      %sub3A_645 = arith.constant 1 : i32
      %sub3A_646 = arith.subi %div3A_625, %sub3A_645 : i32
      %select_n3A_647 = arith.select %and3A_644, %sub3A_646, %div3A_625 : i32
      scf.yield %select_n3A_647 : i32
    }
    %and3A_479 = arith.constant 1024 : i32
    %and3A_480 = vector.broadcast %and3A_479 : i32 to vector<1x1x16x128xi32>
    %and3A_481 = arith.andi %add3A_179, %and3A_480 : vector<1x1x16x128xi32>
    %eq3A_482 = arith.constant 0 : i32
    %eq3A_483 = vector.broadcast %eq3A_482 : i32 to vector<1x1x16x128xi32>
    %eq3A_484 = arith.cmpi eq, %and3A_481, %eq3A_483 : vector<1x1x16x128xi32>
    %scan3A_485 = arith.constant 512 : i32
    %scan3A_486 = arith.constant 0 : i32
    %scan3A_487 = arith.constant 3 : i32
    %scan3A_488 = arith.addi %scan3A_486, %scan3A_487 : i32
    %scan3A_489 = arith.constant 1 : i32
    %scan3A_490 = scf.for %scan3A_560 = %scan3A_486 to %scan3A_488 step %scan3A_489 iter_args(%scan3A_561 = %scan3A_485) -> (i32)  : i32 {
      %get3A_562 = arith.constant 0 : index
      %get3A_563 = arith.constant 0 : index
      %get3A_564 = arith.constant 0 : index
      %get3A_565 = arith.constant 0 : index
      %get3A_566 = vector.load %arg4[%get3A_562, %get3A_563, %get3A_564, %get3A_565] : memref<6x4x16x128xf32, #tpu.memory_space<vmem>>, vector<6x4x16x128xf32>
      %jit3A_567 = arith.constant 128 : i32
      %div3A_568 = arith.divsi %scan3A_561, %jit3A_567 : i32
      %sign3A_569 = arith.constant 0 : i32
      %sign3A_570 = arith.cmpi sgt, %scan3A_561, %sign3A_569 : i32
      %sign3A_571 = arith.extui %sign3A_570 : i1 to i32
      %sign3A_572 = arith.constant 0 : i32
      %sign3A_573 = arith.cmpi slt, %scan3A_561, %sign3A_572 : i32
      %sign3A_574 = arith.extui %sign3A_573 : i1 to i32
      %sign3A_575 = arith.subi %sign3A_571, %sign3A_574 : i32
      %sign3A_576 = arith.constant 0 : i32
      %sign3A_577 = arith.cmpi sgt, %jit3A_567, %sign3A_576 : i32
      %sign3A_578 = arith.extui %sign3A_577 : i1 to i32
      %sign3A_579 = arith.constant 0 : i32
      %sign3A_580 = arith.cmpi slt, %jit3A_567, %sign3A_579 : i32
      %sign3A_581 = arith.extui %sign3A_580 : i1 to i32
      %sign3A_582 = arith.subi %sign3A_578, %sign3A_581 : i32
      %ne3A_583 = arith.cmpi ne, %sign3A_575, %sign3A_582 : i32
      %rem3A_584 = arith.remsi %scan3A_561, %jit3A_567 : i32
      %ne3A_585 = arith.constant 0 : i32
      %ne3A_586 = arith.cmpi ne, %rem3A_584, %ne3A_585 : i32
      %and3A_587 = arith.andi %ne3A_583, %ne3A_586 : i1
      %sub3A_588 = arith.constant 1 : i32
      %sub3A_589 = arith.subi %div3A_568, %sub3A_588 : i32
      %select_n3A_590 = arith.select %and3A_587, %sub3A_589, %div3A_568 : i32
      %sub3A_591 = arith.constant 16 : i32
      %sub3A_592 = arith.subi %sub3A_591, %select_n3A_590 : i32
      %jit3A_593 = arith.constant 16 : i32
      %eq3A_594 = arith.constant 0 : i32
      %eq3A_595 = arith.cmpi eq, %jit3A_593, %eq3A_594 : i32
      %jit3A_596 = arith.constant 1 : i32
      %select_n3A_597 = arith.select %eq3A_595, %jit3A_596, %jit3A_593 : i32
      %rem3A_598 = arith.remsi %sub3A_592, %select_n3A_597 : i32
      %ne3A_599 = arith.constant 0 : i32
      %ne3A_600 = arith.cmpi ne, %rem3A_598, %ne3A_599 : i32
      %lt3A_601 = arith.constant 0 : i32
      %lt3A_602 = arith.cmpi slt, %rem3A_598, %lt3A_601 : i32
      %lt3A_603 = arith.constant 0 : i32
      %lt3A_604 = arith.cmpi slt, %select_n3A_597, %lt3A_603 : i32
      %ne3A_605 = arith.xori %lt3A_602, %lt3A_604 : i1
      %and3A_606 = arith.andi %ne3A_605, %ne3A_600 : i1
      %add3A_607 = arith.addi %rem3A_598, %select_n3A_597 : i32
      %select_n3A_608 = arith.select %and3A_606, %add3A_607, %rem3A_598 : i32
      %roll3A_609 = tpu.dynamic_rotate %get3A_566 by %select_n3A_608 dim 2 : vector<6x4x16x128xf32>, i32 -> vector<6x4x16x128xf32>
      %roll3A_610 = tpu.dynamic_rotate %get3A_566 by %select_n3A_590 dim 2 : vector<6x4x16x128xf32>, i32 -> vector<6x4x16x128xf32>
      %and3A_611 = vector.broadcast %scan3A_561 : i32 to vector<1x1x16x128xi32>
      %and3A_612 = arith.andi %add3A_179, %and3A_611 : vector<1x1x16x128xi32>
      %eq3A_613 = arith.constant 0 : i32
      %eq3A_614 = vector.broadcast %eq3A_613 : i32 to vector<1x1x16x128xi32>
      %eq3A_615 = arith.cmpi eq, %and3A_612, %eq3A_614 : vector<1x1x16x128xi32>
      %broadcast_in_dim3A_616 = vector.shape_cast %eq3A_615 : vector<1x1x16x128xi1> to vector<1x1x16x128xi1>
      %broadcast_in_dim3A_617 = vector.broadcast %broadcast_in_dim3A_616 : vector<1x1x16x128xi1> to vector<6x4x16x128xi1>
      %select_n3A_618 = arith.select %broadcast_in_dim3A_617, %roll3A_609, %roll3A_610 : vector<6x4x16x128xi1>, vector<6x4x16x128xf32>
      %broadcast_in_dim3A_619 = vector.shape_cast %eq3A_615 : vector<1x1x16x128xi1> to vector<1x1x16x128xi1>
      %broadcast_in_dim3A_620 = vector.broadcast %broadcast_in_dim3A_619 : vector<1x1x16x128xi1> to vector<6x4x16x128xi1>
      %select_n3A_621 = arith.select %broadcast_in_dim3A_620, %get3A_566, %select_n3A_618 : vector<6x4x16x128xi1>, vector<6x4x16x128xf32>
      %broadcast_in_dim3A_622 = vector.shape_cast %eq3A_615 : vector<1x1x16x128xi1> to vector<1x1x16x128xi1>
      %broadcast_in_dim3A_623 = vector.broadcast %broadcast_in_dim3A_622 : vector<1x1x16x128xi1> to vector<6x4x16x128xi1>
      %select_n3A_624 = arith.select %broadcast_in_dim3A_623, %select_n3A_618, %get3A_566 : vector<6x4x16x128xi1>, vector<6x4x16x128xf32>
      %slice3A_625 = vector.extract_strided_slice %select_n3A_621 {offsets = [0, 0, 0, 0], sizes = [1, 4, 16, 128], strides = [1, 1, 1, 1]} : vector<6x4x16x128xf32> to vector<1x4x16x128xf32>
      %slice3A_626 = vector.extract_strided_slice %select_n3A_624 {offsets = [0, 0, 0, 0], sizes = [1, 4, 16, 128], strides = [1, 1, 1, 1]} : vector<6x4x16x128xf32> to vector<1x4x16x128xf32>
      %lt3A_627 = arith.cmpf olt, %slice3A_625, %slice3A_626 : vector<1x4x16x128xf32>
      %jit3A_628 = arith.constant 1 : i32
      %jit3A_629 = arith.constant 0 : i32
      %broadcast_in_dim3A_630 = vector.broadcast %jit3A_628 : i32 to vector<1x4x16x128xi32>
      %broadcast_in_dim3A_631 = vector.broadcast %jit3A_629 : i32 to vector<1x4x16x128xi32>
      %select_n3A_632 = arith.select %lt3A_627, %broadcast_in_dim3A_630, %broadcast_in_dim3A_631 : vector<1x4x16x128xi1>, vector<1x4x16x128xi32>
      %jit3A_633 = arith.constant 1 : i32
      %jit3A_634 = arith.constant 0 : i32
      %broadcast_in_dim3A_635 = vector.broadcast %jit3A_633 : i32 to vector<1x1x16x128xi32>
      %broadcast_in_dim3A_636 = vector.broadcast %jit3A_634 : i32 to vector<1x1x16x128xi32>
      %select_n3A_637 = arith.select %eq3A_484, %broadcast_in_dim3A_635, %broadcast_in_dim3A_636 : vector<1x1x16x128xi1>, vector<1x1x16x128xi32>
      %eq3A_638 = vector.broadcast %select_n3A_637 : vector<1x1x16x128xi32> to vector<1x4x16x128xi32>
      %eq3A_639 = arith.cmpi eq, %select_n3A_632, %eq3A_638 : vector<1x4x16x128xi32>
      %broadcast_in_dim3A_640 = vector.shape_cast %eq3A_639 : vector<1x4x16x128xi1> to vector<1x4x16x128xi1>
      %broadcast_in_dim3A_641 = vector.broadcast %broadcast_in_dim3A_640 : vector<1x4x16x128xi1> to vector<6x4x16x128xi1>
      %select_n3A_642 = arith.select %broadcast_in_dim3A_641, %get3A_566, %select_n3A_618 : vector<6x4x16x128xi1>, vector<6x4x16x128xf32>
      %swap3A_643 = arith.constant 0 : index
      %swap3A_644 = arith.constant 0 : index
      %swap3A_645 = arith.constant 0 : index
      %swap3A_646 = arith.constant 0 : index
      %swap3A_647 = vector.load %arg4[%swap3A_643, %swap3A_644, %swap3A_645, %swap3A_646] : memref<6x4x16x128xf32, #tpu.memory_space<vmem>>, vector<6x4x16x128xf32>
      tpu.vector_store %arg4[%swap3A_643, %swap3A_644, %swap3A_645, %swap3A_646], %select_n3A_642 {strides = array<i32>} : memref<6x4x16x128xf32, #tpu.memory_space<vmem>>, vector<6x4x16x128xf32>,
      %jit3A_648 = arith.constant 2 : i32
      %div3A_649 = arith.divsi %scan3A_561, %jit3A_648 : i32
      %sign3A_650 = arith.constant 0 : i32
      %sign3A_651 = arith.cmpi sgt, %scan3A_561, %sign3A_650 : i32
      %sign3A_652 = arith.extui %sign3A_651 : i1 to i32
      %sign3A_653 = arith.constant 0 : i32
      %sign3A_654 = arith.cmpi slt, %scan3A_561, %sign3A_653 : i32
      %sign3A_655 = arith.extui %sign3A_654 : i1 to i32
      %sign3A_656 = arith.subi %sign3A_652, %sign3A_655 : i32
      %sign3A_657 = arith.constant 0 : i32
      %sign3A_658 = arith.cmpi sgt, %jit3A_648, %sign3A_657 : i32
      %sign3A_659 = arith.extui %sign3A_658 : i1 to i32
      %sign3A_660 = arith.constant 0 : i32
      %sign3A_661 = arith.cmpi slt, %jit3A_648, %sign3A_660 : i32
      %sign3A_662 = arith.extui %sign3A_661 : i1 to i32
      %sign3A_663 = arith.subi %sign3A_659, %sign3A_662 : i32
      %ne3A_664 = arith.cmpi ne, %sign3A_656, %sign3A_663 : i32
      %rem3A_665 = arith.remsi %scan3A_561, %jit3A_648 : i32
      %ne3A_666 = arith.constant 0 : i32
      %ne3A_667 = arith.cmpi ne, %rem3A_665, %ne3A_666 : i32
      %and3A_668 = arith.andi %ne3A_664, %ne3A_667 : i1
      %sub3A_669 = arith.constant 1 : i32
      %sub3A_670 = arith.subi %div3A_649, %sub3A_669 : i32
      %select_n3A_671 = arith.select %and3A_668, %sub3A_670, %div3A_649 : i32
      scf.yield %select_n3A_671 : i32
    }
    %scan3A_491 = arith.constant 0 : i32
    %scan3A_492 = arith.constant 7 : i32
    %scan3A_493 = arith.addi %scan3A_491, %scan3A_492 : i32
    %scan3A_494 = arith.constant 1 : i32
    %scan3A_495 = scf.for %scan3A_560 = %scan3A_491 to %scan3A_493 step %scan3A_494 iter_args(%scan3A_561 = %scan3A_490) -> (i32)  : i32 {
      %get3A_562 = arith.constant 0 : index
      %get3A_563 = arith.constant 0 : index
      %get3A_564 = arith.constant 0 : index
      %get3A_565 = arith.constant 0 : index
      %get3A_566 = vector.load %arg4[%get3A_562, %get3A_563, %get3A_564, %get3A_565] : memref<6x4x16x128xf32, #tpu.memory_space<vmem>>, vector<6x4x16x128xf32>
      %sub3A_567 = arith.constant 128 : i32
      %sub3A_568 = arith.subi %sub3A_567, %scan3A_561 : i32
      %jit3A_569 = arith.constant 128 : i32
      %eq3A_570 = arith.constant 0 : i32
      %eq3A_571 = arith.cmpi eq, %jit3A_569, %eq3A_570 : i32
      %jit3A_572 = arith.constant 1 : i32
      %select_n3A_573 = arith.select %eq3A_571, %jit3A_572, %jit3A_569 : i32
      %rem3A_574 = arith.remsi %sub3A_568, %select_n3A_573 : i32
      %ne3A_575 = arith.constant 0 : i32
      %ne3A_576 = arith.cmpi ne, %rem3A_574, %ne3A_575 : i32
      %lt3A_577 = arith.constant 0 : i32
      %lt3A_578 = arith.cmpi slt, %rem3A_574, %lt3A_577 : i32
      %lt3A_579 = arith.constant 0 : i32
      %lt3A_580 = arith.cmpi slt, %select_n3A_573, %lt3A_579 : i32
      %ne3A_581 = arith.xori %lt3A_578, %lt3A_580 : i1
      %and3A_582 = arith.andi %ne3A_581, %ne3A_576 : i1
      %add3A_583 = arith.addi %rem3A_574, %select_n3A_573 : i32
      %select_n3A_584 = arith.select %and3A_582, %add3A_583, %rem3A_574 : i32
      %roll3A_585 = tpu.dynamic_rotate %get3A_566 by %select_n3A_584 dim 3 : vector<6x4x16x128xf32>, i32 -> vector<6x4x16x128xf32>
      %roll3A_586 = tpu.dynamic_rotate %get3A_566 by %scan3A_561 dim 3 : vector<6x4x16x128xf32>, i32 -> vector<6x4x16x128xf32>
      %and3A_587 = vector.broadcast %scan3A_561 : i32 to vector<1x1x16x128xi32>
      %and3A_588 = arith.andi %add3A_179, %and3A_587 : vector<1x1x16x128xi32>
      %eq3A_589 = arith.constant 0 : i32
      %eq3A_590 = vector.broadcast %eq3A_589 : i32 to vector<1x1x16x128xi32>
      %eq3A_591 = arith.cmpi eq, %and3A_588, %eq3A_590 : vector<1x1x16x128xi32>
      %broadcast_in_dim3A_592 = vector.shape_cast %eq3A_591 : vector<1x1x16x128xi1> to vector<1x1x16x128xi1>
      %broadcast_in_dim3A_593 = vector.broadcast %broadcast_in_dim3A_592 : vector<1x1x16x128xi1> to vector<6x4x16x128xi1>
      %select_n3A_594 = arith.select %broadcast_in_dim3A_593, %roll3A_585, %roll3A_586 : vector<6x4x16x128xi1>, vector<6x4x16x128xf32>
      %broadcast_in_dim3A_595 = vector.shape_cast %eq3A_591 : vector<1x1x16x128xi1> to vector<1x1x16x128xi1>
      %broadcast_in_dim3A_596 = vector.broadcast %broadcast_in_dim3A_595 : vector<1x1x16x128xi1> to vector<6x4x16x128xi1>
      %select_n3A_597 = arith.select %broadcast_in_dim3A_596, %get3A_566, %select_n3A_594 : vector<6x4x16x128xi1>, vector<6x4x16x128xf32>
      %broadcast_in_dim3A_598 = vector.shape_cast %eq3A_591 : vector<1x1x16x128xi1> to vector<1x1x16x128xi1>
      %broadcast_in_dim3A_599 = vector.broadcast %broadcast_in_dim3A_598 : vector<1x1x16x128xi1> to vector<6x4x16x128xi1>
      %select_n3A_600 = arith.select %broadcast_in_dim3A_599, %select_n3A_594, %get3A_566 : vector<6x4x16x128xi1>, vector<6x4x16x128xf32>
      %slice3A_601 = vector.extract_strided_slice %select_n3A_597 {offsets = [0, 0, 0, 0], sizes = [1, 4, 16, 128], strides = [1, 1, 1, 1]} : vector<6x4x16x128xf32> to vector<1x4x16x128xf32>
      %slice3A_602 = vector.extract_strided_slice %select_n3A_600 {offsets = [0, 0, 0, 0], sizes = [1, 4, 16, 128], strides = [1, 1, 1, 1]} : vector<6x4x16x128xf32> to vector<1x4x16x128xf32>
      %lt3A_603 = arith.cmpf olt, %slice3A_601, %slice3A_602 : vector<1x4x16x128xf32>
      %jit3A_604 = arith.constant 1 : i32
      %jit3A_605 = arith.constant 0 : i32
      %broadcast_in_dim3A_606 = vector.broadcast %jit3A_604 : i32 to vector<1x4x16x128xi32>
      %broadcast_in_dim3A_607 = vector.broadcast %jit3A_605 : i32 to vector<1x4x16x128xi32>
      %select_n3A_608 = arith.select %lt3A_603, %broadcast_in_dim3A_606, %broadcast_in_dim3A_607 : vector<1x4x16x128xi1>, vector<1x4x16x128xi32>
      %jit3A_609 = arith.constant 1 : i32
      %jit3A_610 = arith.constant 0 : i32
      %broadcast_in_dim3A_611 = vector.broadcast %jit3A_609 : i32 to vector<1x1x16x128xi32>
      %broadcast_in_dim3A_612 = vector.broadcast %jit3A_610 : i32 to vector<1x1x16x128xi32>
      %select_n3A_613 = arith.select %eq3A_484, %broadcast_in_dim3A_611, %broadcast_in_dim3A_612 : vector<1x1x16x128xi1>, vector<1x1x16x128xi32>
      %eq3A_614 = vector.broadcast %select_n3A_613 : vector<1x1x16x128xi32> to vector<1x4x16x128xi32>
      %eq3A_615 = arith.cmpi eq, %select_n3A_608, %eq3A_614 : vector<1x4x16x128xi32>
      %broadcast_in_dim3A_616 = vector.shape_cast %eq3A_615 : vector<1x4x16x128xi1> to vector<1x4x16x128xi1>
      %broadcast_in_dim3A_617 = vector.broadcast %broadcast_in_dim3A_616 : vector<1x4x16x128xi1> to vector<6x4x16x128xi1>
      %select_n3A_618 = arith.select %broadcast_in_dim3A_617, %get3A_566, %select_n3A_594 : vector<6x4x16x128xi1>, vector<6x4x16x128xf32>
      %swap3A_619 = arith.constant 0 : index
      %swap3A_620 = arith.constant 0 : index
      %swap3A_621 = arith.constant 0 : index
      %swap3A_622 = arith.constant 0 : index
      %swap3A_623 = vector.load %arg4[%swap3A_619, %swap3A_620, %swap3A_621, %swap3A_622] : memref<6x4x16x128xf32, #tpu.memory_space<vmem>>, vector<6x4x16x128xf32>
      tpu.vector_store %arg4[%swap3A_619, %swap3A_620, %swap3A_621, %swap3A_622], %select_n3A_618 {strides = array<i32>} : memref<6x4x16x128xf32, #tpu.memory_space<vmem>>, vector<6x4x16x128xf32>,
      %jit3A_624 = arith.constant 2 : i32
      %div3A_625 = arith.divsi %scan3A_561, %jit3A_624 : i32
      %sign3A_626 = arith.constant 0 : i32
      %sign3A_627 = arith.cmpi sgt, %scan3A_561, %sign3A_626 : i32
      %sign3A_628 = arith.extui %sign3A_627 : i1 to i32
      %sign3A_629 = arith.constant 0 : i32
      %sign3A_630 = arith.cmpi slt, %scan3A_561, %sign3A_629 : i32
      %sign3A_631 = arith.extui %sign3A_630 : i1 to i32
      %sign3A_632 = arith.subi %sign3A_628, %sign3A_631 : i32
      %sign3A_633 = arith.constant 0 : i32
      %sign3A_634 = arith.cmpi sgt, %jit3A_624, %sign3A_633 : i32
      %sign3A_635 = arith.extui %sign3A_634 : i1 to i32
      %sign3A_636 = arith.constant 0 : i32
      %sign3A_637 = arith.cmpi slt, %jit3A_624, %sign3A_636 : i32
      %sign3A_638 = arith.extui %sign3A_637 : i1 to i32
      %sign3A_639 = arith.subi %sign3A_635, %sign3A_638 : i32
      %ne3A_640 = arith.cmpi ne, %sign3A_632, %sign3A_639 : i32
      %rem3A_641 = arith.remsi %scan3A_561, %jit3A_624 : i32
      %ne3A_642 = arith.constant 0 : i32
      %ne3A_643 = arith.cmpi ne, %rem3A_641, %ne3A_642 : i32
      %and3A_644 = arith.andi %ne3A_640, %ne3A_643 : i1
      %sub3A_645 = arith.constant 1 : i32
      %sub3A_646 = arith.subi %div3A_625, %sub3A_645 : i32
      %select_n3A_647 = arith.select %and3A_644, %sub3A_646, %div3A_625 : i32
      scf.yield %select_n3A_647 : i32
    }
    %and3A_496 = arith.constant 2048 : i32
    %and3A_497 = vector.broadcast %and3A_496 : i32 to vector<1x1x16x128xi32>
    %and3A_498 = arith.andi %add3A_179, %and3A_497 : vector<1x1x16x128xi32>
    %eq3A_499 = arith.constant 0 : i32
    %eq3A_500 = vector.broadcast %eq3A_499 : i32 to vector<1x1x16x128xi32>
    %eq3A_501 = arith.cmpi eq, %and3A_498, %eq3A_500 : vector<1x1x16x128xi32>
    %scan3A_502 = arith.constant 1024 : i32
    %scan3A_503 = arith.constant 0 : i32
    %scan3A_504 = arith.constant 4 : i32
    %scan3A_505 = arith.addi %scan3A_503, %scan3A_504 : i32
    %scan3A_506 = arith.constant 1 : i32
    %scan3A_507 = scf.for %scan3A_560 = %scan3A_503 to %scan3A_505 step %scan3A_506 iter_args(%scan3A_561 = %scan3A_502) -> (i32)  : i32 {
      %get3A_562 = arith.constant 0 : index
      %get3A_563 = arith.constant 0 : index
      %get3A_564 = arith.constant 0 : index
      %get3A_565 = arith.constant 0 : index
      %get3A_566 = vector.load %arg4[%get3A_562, %get3A_563, %get3A_564, %get3A_565] : memref<6x4x16x128xf32, #tpu.memory_space<vmem>>, vector<6x4x16x128xf32>
      %jit3A_567 = arith.constant 128 : i32
      %div3A_568 = arith.divsi %scan3A_561, %jit3A_567 : i32
      %sign3A_569 = arith.constant 0 : i32
      %sign3A_570 = arith.cmpi sgt, %scan3A_561, %sign3A_569 : i32
      %sign3A_571 = arith.extui %sign3A_570 : i1 to i32
      %sign3A_572 = arith.constant 0 : i32
      %sign3A_573 = arith.cmpi slt, %scan3A_561, %sign3A_572 : i32
      %sign3A_574 = arith.extui %sign3A_573 : i1 to i32
      %sign3A_575 = arith.subi %sign3A_571, %sign3A_574 : i32
      %sign3A_576 = arith.constant 0 : i32
      %sign3A_577 = arith.cmpi sgt, %jit3A_567, %sign3A_576 : i32
      %sign3A_578 = arith.extui %sign3A_577 : i1 to i32
      %sign3A_579 = arith.constant 0 : i32
      %sign3A_580 = arith.cmpi slt, %jit3A_567, %sign3A_579 : i32
      %sign3A_581 = arith.extui %sign3A_580 : i1 to i32
      %sign3A_582 = arith.subi %sign3A_578, %sign3A_581 : i32
      %ne3A_583 = arith.cmpi ne, %sign3A_575, %sign3A_582 : i32
      %rem3A_584 = arith.remsi %scan3A_561, %jit3A_567 : i32
      %ne3A_585 = arith.constant 0 : i32
      %ne3A_586 = arith.cmpi ne, %rem3A_584, %ne3A_585 : i32
      %and3A_587 = arith.andi %ne3A_583, %ne3A_586 : i1
      %sub3A_588 = arith.constant 1 : i32
      %sub3A_589 = arith.subi %div3A_568, %sub3A_588 : i32
      %select_n3A_590 = arith.select %and3A_587, %sub3A_589, %div3A_568 : i32
      %sub3A_591 = arith.constant 16 : i32
      %sub3A_592 = arith.subi %sub3A_591, %select_n3A_590 : i32
      %jit3A_593 = arith.constant 16 : i32
      %eq3A_594 = arith.constant 0 : i32
      %eq3A_595 = arith.cmpi eq, %jit3A_593, %eq3A_594 : i32
      %jit3A_596 = arith.constant 1 : i32
      %select_n3A_597 = arith.select %eq3A_595, %jit3A_596, %jit3A_593 : i32
      %rem3A_598 = arith.remsi %sub3A_592, %select_n3A_597 : i32
      %ne3A_599 = arith.constant 0 : i32
      %ne3A_600 = arith.cmpi ne, %rem3A_598, %ne3A_599 : i32
      %lt3A_601 = arith.constant 0 : i32
      %lt3A_602 = arith.cmpi slt, %rem3A_598, %lt3A_601 : i32
      %lt3A_603 = arith.constant 0 : i32
      %lt3A_604 = arith.cmpi slt, %select_n3A_597, %lt3A_603 : i32
      %ne3A_605 = arith.xori %lt3A_602, %lt3A_604 : i1
      %and3A_606 = arith.andi %ne3A_605, %ne3A_600 : i1
      %add3A_607 = arith.addi %rem3A_598, %select_n3A_597 : i32
      %select_n3A_608 = arith.select %and3A_606, %add3A_607, %rem3A_598 : i32
      %roll3A_609 = tpu.dynamic_rotate %get3A_566 by %select_n3A_608 dim 2 : vector<6x4x16x128xf32>, i32 -> vector<6x4x16x128xf32>
      %roll3A_610 = tpu.dynamic_rotate %get3A_566 by %select_n3A_590 dim 2 : vector<6x4x16x128xf32>, i32 -> vector<6x4x16x128xf32>
      %and3A_611 = vector.broadcast %scan3A_561 : i32 to vector<1x1x16x128xi32>
      %and3A_612 = arith.andi %add3A_179, %and3A_611 : vector<1x1x16x128xi32>
      %eq3A_613 = arith.constant 0 : i32
      %eq3A_614 = vector.broadcast %eq3A_613 : i32 to vector<1x1x16x128xi32>
      %eq3A_615 = arith.cmpi eq, %and3A_612, %eq3A_614 : vector<1x1x16x128xi32>
      %broadcast_in_dim3A_616 = vector.shape_cast %eq3A_615 : vector<1x1x16x128xi1> to vector<1x1x16x128xi1>
      %broadcast_in_dim3A_617 = vector.broadcast %broadcast_in_dim3A_616 : vector<1x1x16x128xi1> to vector<6x4x16x128xi1>
      %select_n3A_618 = arith.select %broadcast_in_dim3A_617, %roll3A_609, %roll3A_610 : vector<6x4x16x128xi1>, vector<6x4x16x128xf32>
      %broadcast_in_dim3A_619 = vector.shape_cast %eq3A_615 : vector<1x1x16x128xi1> to vector<1x1x16x128xi1>
      %broadcast_in_dim3A_620 = vector.broadcast %broadcast_in_dim3A_619 : vector<1x1x16x128xi1> to vector<6x4x16x128xi1>
      %select_n3A_621 = arith.select %broadcast_in_dim3A_620, %get3A_566, %select_n3A_618 : vector<6x4x16x128xi1>, vector<6x4x16x128xf32>
      %broadcast_in_dim3A_622 = vector.shape_cast %eq3A_615 : vector<1x1x16x128xi1> to vector<1x1x16x128xi1>
      %broadcast_in_dim3A_623 = vector.broadcast %broadcast_in_dim3A_622 : vector<1x1x16x128xi1> to vector<6x4x16x128xi1>
      %select_n3A_624 = arith.select %broadcast_in_dim3A_623, %select_n3A_618, %get3A_566 : vector<6x4x16x128xi1>, vector<6x4x16x128xf32>
      %slice3A_625 = vector.extract_strided_slice %select_n3A_621 {offsets = [0, 0, 0, 0], sizes = [1, 4, 16, 128], strides = [1, 1, 1, 1]} : vector<6x4x16x128xf32> to vector<1x4x16x128xf32>
      %slice3A_626 = vector.extract_strided_slice %select_n3A_624 {offsets = [0, 0, 0, 0], sizes = [1, 4, 16, 128], strides = [1, 1, 1, 1]} : vector<6x4x16x128xf32> to vector<1x4x16x128xf32>
      %lt3A_627 = arith.cmpf olt, %slice3A_625, %slice3A_626 : vector<1x4x16x128xf32>
      %jit3A_628 = arith.constant 1 : i32
      %jit3A_629 = arith.constant 0 : i32
      %broadcast_in_dim3A_630 = vector.broadcast %jit3A_628 : i32 to vector<1x4x16x128xi32>
      %broadcast_in_dim3A_631 = vector.broadcast %jit3A_629 : i32 to vector<1x4x16x128xi32>
      %select_n3A_632 = arith.select %lt3A_627, %broadcast_in_dim3A_630, %broadcast_in_dim3A_631 : vector<1x4x16x128xi1>, vector<1x4x16x128xi32>
      %jit3A_633 = arith.constant 1 : i32
      %jit3A_634 = arith.constant 0 : i32
      %broadcast_in_dim3A_635 = vector.broadcast %jit3A_633 : i32 to vector<1x1x16x128xi32>
      %broadcast_in_dim3A_636 = vector.broadcast %jit3A_634 : i32 to vector<1x1x16x128xi32>
      %select_n3A_637 = arith.select %eq3A_501, %broadcast_in_dim3A_635, %broadcast_in_dim3A_636 : vector<1x1x16x128xi1>, vector<1x1x16x128xi32>
      %eq3A_638 = vector.broadcast %select_n3A_637 : vector<1x1x16x128xi32> to vector<1x4x16x128xi32>
      %eq3A_639 = arith.cmpi eq, %select_n3A_632, %eq3A_638 : vector<1x4x16x128xi32>
      %broadcast_in_dim3A_640 = vector.shape_cast %eq3A_639 : vector<1x4x16x128xi1> to vector<1x4x16x128xi1>
      %broadcast_in_dim3A_641 = vector.broadcast %broadcast_in_dim3A_640 : vector<1x4x16x128xi1> to vector<6x4x16x128xi1>
      %select_n3A_642 = arith.select %broadcast_in_dim3A_641, %get3A_566, %select_n3A_618 : vector<6x4x16x128xi1>, vector<6x4x16x128xf32>
      %swap3A_643 = arith.constant 0 : index
      %swap3A_644 = arith.constant 0 : index
      %swap3A_645 = arith.constant 0 : index
      %swap3A_646 = arith.constant 0 : index
      %swap3A_647 = vector.load %arg4[%swap3A_643, %swap3A_644, %swap3A_645, %swap3A_646] : memref<6x4x16x128xf32, #tpu.memory_space<vmem>>, vector<6x4x16x128xf32>
      tpu.vector_store %arg4[%swap3A_643, %swap3A_644, %swap3A_645, %swap3A_646], %select_n3A_642 {strides = array<i32>} : memref<6x4x16x128xf32, #tpu.memory_space<vmem>>, vector<6x4x16x128xf32>,
      %jit3A_648 = arith.constant 2 : i32
      %div3A_649 = arith.divsi %scan3A_561, %jit3A_648 : i32
      %sign3A_650 = arith.constant 0 : i32
      %sign3A_651 = arith.cmpi sgt, %scan3A_561, %sign3A_650 : i32
      %sign3A_652 = arith.extui %sign3A_651 : i1 to i32
      %sign3A_653 = arith.constant 0 : i32
      %sign3A_654 = arith.cmpi slt, %scan3A_561, %sign3A_653 : i32
      %sign3A_655 = arith.extui %sign3A_654 : i1 to i32
      %sign3A_656 = arith.subi %sign3A_652, %sign3A_655 : i32
      %sign3A_657 = arith.constant 0 : i32
      %sign3A_658 = arith.cmpi sgt, %jit3A_648, %sign3A_657 : i32
      %sign3A_659 = arith.extui %sign3A_658 : i1 to i32
      %sign3A_660 = arith.constant 0 : i32
      %sign3A_661 = arith.cmpi slt, %jit3A_648, %sign3A_660 : i32
      %sign3A_662 = arith.extui %sign3A_661 : i1 to i32
      %sign3A_663 = arith.subi %sign3A_659, %sign3A_662 : i32
      %ne3A_664 = arith.cmpi ne, %sign3A_656, %sign3A_663 : i32
      %rem3A_665 = arith.remsi %scan3A_561, %jit3A_648 : i32
      %ne3A_666 = arith.constant 0 : i32
      %ne3A_667 = arith.cmpi ne, %rem3A_665, %ne3A_666 : i32
      %and3A_668 = arith.andi %ne3A_664, %ne3A_667 : i1
      %sub3A_669 = arith.constant 1 : i32
      %sub3A_670 = arith.subi %div3A_649, %sub3A_669 : i32
      %select_n3A_671 = arith.select %and3A_668, %sub3A_670, %div3A_649 : i32
      scf.yield %select_n3A_671 : i32
    }
    %scan3A_508 = arith.constant 0 : i32
    %scan3A_509 = arith.constant 7 : i32
    %scan3A_510 = arith.addi %scan3A_508, %scan3A_509 : i32
    %scan3A_511 = arith.constant 1 : i32
    %scan3A_512 = scf.for %scan3A_560 = %scan3A_508 to %scan3A_510 step %scan3A_511 iter_args(%scan3A_561 = %scan3A_507) -> (i32)  : i32 {
      %get3A_562 = arith.constant 0 : index
      %get3A_563 = arith.constant 0 : index
      %get3A_564 = arith.constant 0 : index
      %get3A_565 = arith.constant 0 : index
      %get3A_566 = vector.load %arg4[%get3A_562, %get3A_563, %get3A_564, %get3A_565] : memref<6x4x16x128xf32, #tpu.memory_space<vmem>>, vector<6x4x16x128xf32>
      %sub3A_567 = arith.constant 128 : i32
      %sub3A_568 = arith.subi %sub3A_567, %scan3A_561 : i32
      %jit3A_569 = arith.constant 128 : i32
      %eq3A_570 = arith.constant 0 : i32
      %eq3A_571 = arith.cmpi eq, %jit3A_569, %eq3A_570 : i32
      %jit3A_572 = arith.constant 1 : i32
      %select_n3A_573 = arith.select %eq3A_571, %jit3A_572, %jit3A_569 : i32
      %rem3A_574 = arith.remsi %sub3A_568, %select_n3A_573 : i32
      %ne3A_575 = arith.constant 0 : i32
      %ne3A_576 = arith.cmpi ne, %rem3A_574, %ne3A_575 : i32
      %lt3A_577 = arith.constant 0 : i32
      %lt3A_578 = arith.cmpi slt, %rem3A_574, %lt3A_577 : i32
      %lt3A_579 = arith.constant 0 : i32
      %lt3A_580 = arith.cmpi slt, %select_n3A_573, %lt3A_579 : i32
      %ne3A_581 = arith.xori %lt3A_578, %lt3A_580 : i1
      %and3A_582 = arith.andi %ne3A_581, %ne3A_576 : i1
      %add3A_583 = arith.addi %rem3A_574, %select_n3A_573 : i32
      %select_n3A_584 = arith.select %and3A_582, %add3A_583, %rem3A_574 : i32
      %roll3A_585 = tpu.dynamic_rotate %get3A_566 by %select_n3A_584 dim 3 : vector<6x4x16x128xf32>, i32 -> vector<6x4x16x128xf32>
      %roll3A_586 = tpu.dynamic_rotate %get3A_566 by %scan3A_561 dim 3 : vector<6x4x16x128xf32>, i32 -> vector<6x4x16x128xf32>
      %and3A_587 = vector.broadcast %scan3A_561 : i32 to vector<1x1x16x128xi32>
      %and3A_588 = arith.andi %add3A_179, %and3A_587 : vector<1x1x16x128xi32>
      %eq3A_589 = arith.constant 0 : i32
      %eq3A_590 = vector.broadcast %eq3A_589 : i32 to vector<1x1x16x128xi32>
      %eq3A_591 = arith.cmpi eq, %and3A_588, %eq3A_590 : vector<1x1x16x128xi32>
      %broadcast_in_dim3A_592 = vector.shape_cast %eq3A_591 : vector<1x1x16x128xi1> to vector<1x1x16x128xi1>
      %broadcast_in_dim3A_593 = vector.broadcast %broadcast_in_dim3A_592 : vector<1x1x16x128xi1> to vector<6x4x16x128xi1>
      %select_n3A_594 = arith.select %broadcast_in_dim3A_593, %roll3A_585, %roll3A_586 : vector<6x4x16x128xi1>, vector<6x4x16x128xf32>
      %broadcast_in_dim3A_595 = vector.shape_cast %eq3A_591 : vector<1x1x16x128xi1> to vector<1x1x16x128xi1>
      %broadcast_in_dim3A_596 = vector.broadcast %broadcast_in_dim3A_595 : vector<1x1x16x128xi1> to vector<6x4x16x128xi1>
      %select_n3A_597 = arith.select %broadcast_in_dim3A_596, %get3A_566, %select_n3A_594 : vector<6x4x16x128xi1>, vector<6x4x16x128xf32>
      %broadcast_in_dim3A_598 = vector.shape_cast %eq3A_591 : vector<1x1x16x128xi1> to vector<1x1x16x128xi1>
      %broadcast_in_dim3A_599 = vector.broadcast %broadcast_in_dim3A_598 : vector<1x1x16x128xi1> to vector<6x4x16x128xi1>
      %select_n3A_600 = arith.select %broadcast_in_dim3A_599, %select_n3A_594, %get3A_566 : vector<6x4x16x128xi1>, vector<6x4x16x128xf32>
      %slice3A_601 = vector.extract_strided_slice %select_n3A_597 {offsets = [0, 0, 0, 0], sizes = [1, 4, 16, 128], strides = [1, 1, 1, 1]} : vector<6x4x16x128xf32> to vector<1x4x16x128xf32>
      %slice3A_602 = vector.extract_strided_slice %select_n3A_600 {offsets = [0, 0, 0, 0], sizes = [1, 4, 16, 128], strides = [1, 1, 1, 1]} : vector<6x4x16x128xf32> to vector<1x4x16x128xf32>
      %lt3A_603 = arith.cmpf olt, %slice3A_601, %slice3A_602 : vector<1x4x16x128xf32>
      %jit3A_604 = arith.constant 1 : i32
      %jit3A_605 = arith.constant 0 : i32
      %broadcast_in_dim3A_606 = vector.broadcast %jit3A_604 : i32 to vector<1x4x16x128xi32>
      %broadcast_in_dim3A_607 = vector.broadcast %jit3A_605 : i32 to vector<1x4x16x128xi32>
      %select_n3A_608 = arith.select %lt3A_603, %broadcast_in_dim3A_606, %broadcast_in_dim3A_607 : vector<1x4x16x128xi1>, vector<1x4x16x128xi32>
      %jit3A_609 = arith.constant 1 : i32
      %jit3A_610 = arith.constant 0 : i32
      %broadcast_in_dim3A_611 = vector.broadcast %jit3A_609 : i32 to vector<1x1x16x128xi32>
      %broadcast_in_dim3A_612 = vector.broadcast %jit3A_610 : i32 to vector<1x1x16x128xi32>
      %select_n3A_613 = arith.select %eq3A_501, %broadcast_in_dim3A_611, %broadcast_in_dim3A_612 : vector<1x1x16x128xi1>, vector<1x1x16x128xi32>
      %eq3A_614 = vector.broadcast %select_n3A_613 : vector<1x1x16x128xi32> to vector<1x4x16x128xi32>
      %eq3A_615 = arith.cmpi eq, %select_n3A_608, %eq3A_614 : vector<1x4x16x128xi32>
      %broadcast_in_dim3A_616 = vector.shape_cast %eq3A_615 : vector<1x4x16x128xi1> to vector<1x4x16x128xi1>
      %broadcast_in_dim3A_617 = vector.broadcast %broadcast_in_dim3A_616 : vector<1x4x16x128xi1> to vector<6x4x16x128xi1>
      %select_n3A_618 = arith.select %broadcast_in_dim3A_617, %get3A_566, %select_n3A_594 : vector<6x4x16x128xi1>, vector<6x4x16x128xf32>
      %swap3A_619 = arith.constant 0 : index
      %swap3A_620 = arith.constant 0 : index
      %swap3A_621 = arith.constant 0 : index
      %swap3A_622 = arith.constant 0 : index
      %swap3A_623 = vector.load %arg4[%swap3A_619, %swap3A_620, %swap3A_621, %swap3A_622] : memref<6x4x16x128xf32, #tpu.memory_space<vmem>>, vector<6x4x16x128xf32>
      tpu.vector_store %arg4[%swap3A_619, %swap3A_620, %swap3A_621, %swap3A_622], %select_n3A_618 {strides = array<i32>} : memref<6x4x16x128xf32, #tpu.memory_space<vmem>>, vector<6x4x16x128xf32>,
      %jit3A_624 = arith.constant 2 : i32
      %div3A_625 = arith.divsi %scan3A_561, %jit3A_624 : i32
      %sign3A_626 = arith.constant 0 : i32
      %sign3A_627 = arith.cmpi sgt, %scan3A_561, %sign3A_626 : i32
      %sign3A_628 = arith.extui %sign3A_627 : i1 to i32
      %sign3A_629 = arith.constant 0 : i32
      %sign3A_630 = arith.cmpi slt, %scan3A_561, %sign3A_629 : i32
      %sign3A_631 = arith.extui %sign3A_630 : i1 to i32
      %sign3A_632 = arith.subi %sign3A_628, %sign3A_631 : i32
      %sign3A_633 = arith.constant 0 : i32
      %sign3A_634 = arith.cmpi sgt, %jit3A_624, %sign3A_633 : i32
      %sign3A_635 = arith.extui %sign3A_634 : i1 to i32
      %sign3A_636 = arith.constant 0 : i32
      %sign3A_637 = arith.cmpi slt, %jit3A_624, %sign3A_636 : i32
      %sign3A_638 = arith.extui %sign3A_637 : i1 to i32
      %sign3A_639 = arith.subi %sign3A_635, %sign3A_638 : i32
      %ne3A_640 = arith.cmpi ne, %sign3A_632, %sign3A_639 : i32
      %rem3A_641 = arith.remsi %scan3A_561, %jit3A_624 : i32
      %ne3A_642 = arith.constant 0 : i32
      %ne3A_643 = arith.cmpi ne, %rem3A_641, %ne3A_642 : i32
      %and3A_644 = arith.andi %ne3A_640, %ne3A_643 : i1
      %sub3A_645 = arith.constant 1 : i32
      %sub3A_646 = arith.subi %div3A_625, %sub3A_645 : i32
      %select_n3A_647 = arith.select %and3A_644, %sub3A_646, %div3A_625 : i32
      scf.yield %select_n3A_647 : i32
    }
    %get3A_513 = arith.constant 0 : index
    %get3A_514 = arith.constant 0 : index
    %get3A_515 = arith.constant 0 : index
    %get3A_516 = arith.constant 0 : index
    %get3A_517 = vector.load %arg4[%get3A_513, %get3A_514, %get3A_515, %get3A_516] : memref<6x4x16x128xf32, #tpu.memory_space<vmem>>, vector<6x4x16x128xf32>
    %reshape3A_518 = vector.shape_cast %get3A_517 : vector<6x4x16x128xf32> to vector<6x4x2048xf32>
    %slice3A_519 = vector.extract_strided_slice %reshape3A_518 {offsets = [1, 0, 0], sizes = [1, 4, 2048], strides = [1, 1, 1]} : vector<6x4x2048xf32> to vector<1x4x2048xf32>
    %squeeze3A = vector.shape_cast %slice3A_519 : vector<1x4x2048xf32> to vector<4x2048xf32>
    %slice3A_520 = vector.extract_strided_slice %squeeze3A {offsets = [0, 0], sizes = [4, 1000], strides = [1, 1]} : vector<4x2048xf32> to vector<4x1000xf32>
    %swap3A_521 = arith.constant 0 : index
    %swap3A_522 = arith.constant 0 : index
    %swap3A_523 = vector.load %arg3[%swap3A_521, %swap3A_522] : memref<4x1000xf32, #tpu.memory_space<vmem>>, vector<4x1000xf32>
    tpu.vector_store %arg3[%swap3A_521, %swap3A_522], %slice3A_520 {strides = array<i32>} : memref<4x1000xf32, #tpu.memory_space<vmem>>, vector<4x1000xf32>,
    %slice3A_524 = vector.extract_strided_slice %reshape3A_518 {offsets = [2, 0, 0], sizes = [1, 4, 2048], strides = [1, 1, 1]} : vector<6x4x2048xf32> to vector<1x4x2048xf32>
    %squeeze3A_525 = vector.shape_cast %slice3A_524 : vector<1x4x2048xf32> to vector<4x2048xf32>
    %slice3A_526 = vector.extract_strided_slice %squeeze3A_525 {offsets = [0, 0], sizes = [4, 1000], strides = [1, 1]} : vector<4x2048xf32> to vector<4x1000xf32>
    %swap3A_527 = arith.constant 0 : index
    %swap3A_528 = arith.constant 0 : index
    %swap3A_529 = arith.constant 0 : index
    %swap3A_530 = vector.load %arg2[%swap3A_527, %swap3A_528, %swap3A_529] : memref<4x4x1000xf32, #tpu.memory_space<vmem>>, vector<4x1x1000xf32>
    %swap3A_531 = vector.shape_cast %swap3A_530 : vector<4x1x1000xf32> to vector<4x1000xf32>
    %swap3A_532 = vector.shape_cast %slice3A_526 : vector<4x1000xf32> to vector<4x1x1000xf32>
    tpu.vector_store %arg2[%swap3A_527, %swap3A_528, %swap3A_529], %swap3A_532 {strides = array<i32>} : memref<4x4x1000xf32, #tpu.memory_space<vmem>>, vector<4x1x1000xf32>,
    %slice3A_533 = vector.extract_strided_slice %reshape3A_518 {offsets = [3, 0, 0], sizes = [1, 4, 2048], strides = [1, 1, 1]} : vector<6x4x2048xf32> to vector<1x4x2048xf32>
    %squeeze3A_534 = vector.shape_cast %slice3A_533 : vector<1x4x2048xf32> to vector<4x2048xf32>
    %slice3A_535 = vector.extract_strided_slice %squeeze3A_534 {offsets = [0, 0], sizes = [4, 1000], strides = [1, 1]} : vector<4x2048xf32> to vector<4x1000xf32>
    %swap3A_536 = arith.constant 0 : index
    %swap3A_537 = arith.constant 1 : index
    %swap3A_538 = arith.constant 0 : index
    %swap3A_539 = vector.load %arg2[%swap3A_536, %swap3A_537, %swap3A_538] : memref<4x4x1000xf32, #tpu.memory_space<vmem>>, vector<4x1x1000xf32>
    %swap3A_540 = vector.shape_cast %swap3A_539 : vector<4x1x1000xf32> to vector<4x1000xf32>
    %swap3A_541 = vector.shape_cast %slice3A_535 : vector<4x1000xf32> to vector<4x1x1000xf32>
    tpu.vector_store %arg2[%swap3A_536, %swap3A_537, %swap3A_538], %swap3A_541 {strides = array<i32>} : memref<4x4x1000xf32, #tpu.memory_space<vmem>>, vector<4x1x1000xf32>,
    %slice3A_542 = vector.extract_strided_slice %reshape3A_518 {offsets = [4, 0, 0], sizes = [1, 4, 2048], strides = [1, 1, 1]} : vector<6x4x2048xf32> to vector<1x4x2048xf32>
    %squeeze3A_543 = vector.shape_cast %slice3A_542 : vector<1x4x2048xf32> to vector<4x2048xf32>
    %slice3A_544 = vector.extract_strided_slice %squeeze3A_543 {offsets = [0, 0], sizes = [4, 1000], strides = [1, 1]} : vector<4x2048xf32> to vector<4x1000xf32>
    %swap3A_545 = arith.constant 0 : index
    %swap3A_546 = arith.constant 2 : index
    %swap3A_547 = arith.constant 0 : index
    %swap3A_548 = vector.load %arg2[%swap3A_545, %swap3A_546, %swap3A_547] : memref<4x4x1000xf32, #tpu.memory_space<vmem>>, vector<4x1x1000xf32>
    %swap3A_549 = vector.shape_cast %swap3A_548 : vector<4x1x1000xf32> to vector<4x1000xf32>
    %swap3A_550 = vector.shape_cast %slice3A_544 : vector<4x1000xf32> to vector<4x1x1000xf32>
    tpu.vector_store %arg2[%swap3A_545, %swap3A_546, %swap3A_547], %swap3A_550 {strides = array<i32>} : memref<4x4x1000xf32, #tpu.memory_space<vmem>>, vector<4x1x1000xf32>,
    %slice3A_551 = vector.extract_strided_slice %reshape3A_518 {offsets = [5, 0, 0], sizes = [1, 4, 2048], strides = [1, 1, 1]} : vector<6x4x2048xf32> to vector<1x4x2048xf32>
    %squeeze3A_552 = vector.shape_cast %slice3A_551 : vector<1x4x2048xf32> to vector<4x2048xf32>
    %slice3A_553 = vector.extract_strided_slice %squeeze3A_552 {offsets = [0, 0], sizes = [4, 1000], strides = [1, 1]} : vector<4x2048xf32> to vector<4x1000xf32>
    %swap3A_554 = arith.constant 0 : index
    %swap3A_555 = arith.constant 3 : index
    %swap3A_556 = arith.constant 0 : index
    %swap3A_557 = vector.load %arg2[%swap3A_554, %swap3A_555, %swap3A_556] : memref<4x4x1000xf32, #tpu.memory_space<vmem>>, vector<4x1x1000xf32>
    %swap3A_558 = vector.shape_cast %swap3A_557 : vector<4x1x1000xf32> to vector<4x1000xf32>
    %swap3A_559 = vector.shape_cast %slice3A_553 : vector<4x1000xf32> to vector<4x1x1000xf32>
    tpu.vector_store %arg2[%swap3A_554, %swap3A_555, %swap3A_556], %swap3A_559 {strides = array<i32>} : memref<4x4x1000xf32, #tpu.memory_space<vmem>>, vector<4x1x1000xf32>,
    return
  }
}

</mosaic_0001>

<sc_bundles>
// kernel: kernel.5.cloned.1.call-start
scs
__scs_entry_jumppad:
0x0: {  	(pc) =	sbr.rel $0x88, $3  }
0x1: {  	(tag) =	ssettag $0x0;
	lr =	simm.s32 $0x1  }
0x2: {  	[smem:$0x3F9E] =	sst lr;
	_ =	strace $0xD0000000  }
0x3: {  	_ = 	snop  }
0x4: {  	_ = 	snop  }
0x5: {  	_ = 	snop  }
0x6: {  	_ = 	snop  }
0x7: {  	_ = 	snop  }
__scs_overlays_trampoline_lowered:
0x8: {  	[smem:$0x3FAD] =	sst s0  }
0x9: {  	[smem:$0x3FAE] =	sst s1  }
0xa: {  	[smem:$0x3FAF] =	sst s2  }
0xb: {  	[smem:$0x3FB0] =	sst s3  }
0xc: {  	[smem:$0x3FB1] =	sst s4  }
0xd: {  	[smem:$0x3FB2] =	sst s5  }
0xe: {  	[smem:$0x3FB3] =	sst s6  }
0xf: {  	[smem:$0x3FB4] =	sst s7  }
0x10: {  	[smem:$0x3FB5] =	sst s8  }
0x11: {  	[smem:$0x3FB6] =	sst s9;
	s0 =	simm.s32 @!p0 $0x0  }
0x12: {  	s1 =	sld [smem:$0x3F9C];
	s0 =	simm.s32 @p0 $0x1  }
0x13: {  	[smem:$0x3FB7] =	sst s0;
	s0 =	simm.s32 @!p1 $0x0  }
0x14: {  	s2 =	sld [smem:$0x3F9B];
	s0 =	simm.s32 @p1 $0x1  }
0x15: {  	[smem:$0x3FB8] =	sst s0;
	s0 =	simm.s32 @!p2 $0x0  }
0x16: {  	s3 =	sld [smem:$0x3FDB];
	s0 =	simm.s32 @p2 $0x1  }
0x17: {  	s4 =	simm.s32 $0x1BF5;
	[smem:$0x3FBA] =	sst s0  }
0x18: {  	s0 =	sld [smem:$0x3F9D];
	_ =	swait.ge [sflag:s4], $0x0  }
0x19: {  	s7 =	sld [smem:$0x3F9E]  }
0x1a: {  	s8 =	sadd.s32 $0xFFFFE003, lr  }
0x1b: {  	s9 =	sadd.s32 $0xFFFFFEF7, lr;
	s5 =	simm.s32 $0xFFFFFFFF;
	p2 =	slt.u32 s8, $0xFFFFF086  }
0x1c: {  	p1 =	slt.u32 s9, $0xF7A;
	s5 =	simm.s32 @!p2 $0x0  }
0x1d: {  	s5 =	simm.s32 @p1 $0x1;
	p0 =	seq.s32 s7, s2  }
0x1e: {  	s7 =	smul.u32 @!p0 $0xF7A, s2;
	p2 =	seq.s32 @!p0 s5, $0x0  }
0x1f: {  	s9 =	smul.u32 $0xF7A, s1;
	s8 =	simm.s32 @!p0 $0x1BF5;
	p2 =	por !p2, p0  }
0x20: {  	[sflag:s8] =	ssyncset.s32 @!p0 $0xFFFFF086;
	s6 =	sadd.s32 @!p0 s3, s7;
	s7 =	simm.s32 @!p0 $0x108  }
0x21: {  	s3 =	sadd.s32 s3, s9;
	s6 =	sadd.s32 @!p0 $0x88, s6;
	s7 =	simm.s32 @p2 $0x1082  }
0x22: {  	[simem:s7], [sflag:s8] =	dma.local @!p0 [hbm:s6], $0xF7A  }
0x23: {  	s9 =	sor.u32 $0xD0000000, s2;
	s6 =	simm.s32 $0x108;
	_ =	swait.ge @!p0 [sflag:s8], $0x0  }
0x24: {  	s3 =	sadd.s32 $0x88, s3;
	s6 =	simm.s32 @!p1 $0x1082;
	[sflag:s4] =	ssyncset.s32 $0xFFFFF086  }
0x25: {  	[simem:s6], [sflag:s4] =	dma.local [hbm:s3], $0xF7A  }
0x26: {  	[smem:$0x3F9E] =	sst s1;
	(tag) =	ssettag s2;
	_ =	strace s9  }
0x27: {  	s1 =	sld [smem:$0x3FAE]  }
0x28: {  	s2 =	sld [smem:$0x3FAF]  }
0x29: {  	s4 =	sld [smem:$0x3FB1]  }
0x2a: {  	p0 =	seq.s32 s5, $0x0;
	s5 =	sld [smem:$0x3FB2]  }
0x2b: {  	s6 =	sld [smem:$0x3FB3]  }
0x2c: {  	s7 =	sld [smem:$0x3FB4]  }
0x2d: {  	s3 =	simm.s32 $0x108;
	s8 =	sld [smem:$0x3FB5]  }
0x2e: {  	s3 =	simm.s32 @!p0 $0x1082;
	s9 =	sld [smem:$0x3FB6]  }
0x2f: {  	lr =	sadd.s32 s0, s3;
	s0 =	sld [smem:$0x3FAD]  }
0x30: {  	s3 =	sld [smem:$0x3FB0]  }
0x31: {  	[smem:$0x3FB9] =	sst s10  }
0x32: {  	s10 =	sld [smem:$0x3FB7];
	_ =	sdelay $0x3  }
0x33: {  	p0 =	seq.s32 s10, $0x1;
	s10 =	sld [smem:$0x3FB9];
	_ =	sdelay $0x3  }
0x34: {  	[smem:$0x3FB9] =	sst s10  }
0x35: {  	s10 =	sld [smem:$0x3FB8];
	_ =	sdelay $0x3  }
0x36: {  	p1 =	seq.s32 s10, $0x1;
	s10 =	sld [smem:$0x3FB9];
	_ =	sdelay $0x3  }
0x37: {  	[smem:$0x3FB9] =	sst s10  }
0x38: {  	s10 =	sld [smem:$0x3FBA]  }
0x39: {  	_ = 	snop;
	(pc) =	sbr.ind lr, $3  }
0x3a: {  	_ = 	snop  }
0x3b: {  	_ = 	snop  }
0x3c: {  	p2 =	seq.s32 s10, $0x1;
	s10 =	sld [smem:$0x3FB9]  }
0x3d: {  	_ =	shalt  }
0x3e: {  	_ =	shalt  }
0x3f: {  	_ =	shalt  }
0x40: {  	_ =	shalt  }
0x41: {  	_ =	shalt  }
0x42: {  	_ =	shalt  }
0x43: {  	_ =	shalt  }
0x44: {  	_ =	shalt  }
0x45: {  	_ =	shalt  }
0x46: {  	_ =	shalt  }
0x47: {  	_ =	shalt  }
0x48: {  	_ =	shalt  }
0x49: {  	_ =	shalt  }
0x4a: {  	_ =	shalt  }
0x4b: {  	_ =	shalt  }
0x4c: {  	_ =	shalt  }
0x4d: {  	_ =	shalt  }
0x4e: {  	_ =	shalt  }
0x4f: {  	_ =	shalt  }
0x50: {  	_ =	shalt  }
0x51: {  	_ =	shalt  }
0x52: {  	_ =	shalt  }
0x53: {  	_ =	shalt  }
0x54: {  	_ =	shalt  }
0x55: {  	_ =	shalt  }
0x56: {  	_ =	shalt  }
0x57: {  	_ =	shalt  }
0x58: {  	_ =	shalt  }
0x59: {  	_ =	shalt  }
0x5a: {  	_ =	shalt  }
0x5b: {  	_ =	shalt  }
0x5c: {  	_ =	shalt  }
0x5d: {  	_ =	shalt  }
0x5e: {  	_ =	shalt  }
0x5f: {  	_ =	shalt  }
0x60: {  	_ =	shalt  }
0x61: {  	_ =	shalt  }
0x62: {  	_ =	shalt  }
0x63: {  	_ =	shalt  }
0x64: {  	_ =	shalt  }
0x65: {  	_ =	shalt  }
0x66: {  	_ =	shalt  }
0x67: {  	_ =	shalt  }
0x68: {  	_ =	shalt  }
0x69: {  	_ =	shalt  }
0x6a: {  	_ =	shalt  }
0x6b: {  	_ =	shalt  }
0x6c: {  	_ =	shalt  }
0x6d: {  	_ =	shalt  }
0x6e: {  	_ =	shalt  }
0x6f: {  	_ =	shalt  }
0x70: {  	_ =	shalt  }
0x71: {  	_ =	shalt  }
0x72: {  	_ =	shalt  }
0x73: {  	_ =	shalt  }
0x74: {  	_ =	shalt  }
0x75: {  	_ =	shalt  }
0x76: {  	_ =	shalt  }
0x77: {  	_ =	shalt  }
0x78: {  	_ =	shalt  }
0x79: {  	_ =	shalt  }
0x7a: {  	_ =	shalt  }
0x7b: {  	_ =	shalt  }
0x7c: {  	_ =	shalt  }
0x7d: {  	_ =	shalt  }
0x7e: {  	_ =	shalt  }
0x7f: {  	_ =	shalt  }
0x80: {  	_ =	shalt  }
0x81: {  	_ =	shalt  }
0x82: {  	_ =	shalt  }
0x83: {  	_ =	shalt  }
0x84: {  	_ =	shalt  }
0x85: {  	_ =	shalt  }
0x86: {  	_ =	shalt  }
0x87: {  	_ =	shalt  }
.Lfunc_end0:
.L_simem_size_0:
called_computation_lowered:
.L_overlay_start_0:
0x88: {  	s2 =	sld [smem:$0x3FD9]  }
0x89: {  	s3 =	sld [smem:$0x3FFE];
	_ =	sdelay $0x1  }
0x8a: {  	s1 =	srdreg.scid  }
0x8b: {  	s0 =	sand.u32 $0x1, s1  }
0x8c: {  	s14 =	sshll.u32 s0, $0xA;
	s2 =	sadd.s32 s3, s2  }
0x8d: {  	s2 =	sadd.s32 s2, s14  }
0x8e: {  	[smem:$0x3FC5] =	sst s2  }
0x8f: {  	_ = 	snop  }
0x90: {  	s2 =	sld [smem:$0x3FD0];
	_ =	sdelay $0x2  }
0x91: {  	s15 =	simm.s32 $0xA;
	s4 =	simm.s32 $0x10  }
0x92: {  	[smem:s4], [sflag:s15] =	dma.local [hbm:s2], $0x1  }
0x93: {  	_ =	swait.eq [sflag:s15], $0x1  }
0x94: {  	[sflag:s15] =	ssyncset.done $0x0  }
0x95: {  	[sflag:s15] =	ssyncadd.s32 $0xFFFFFFFF  }
0x96: {  	s16 =	sld [smem:$0x10];
	(tm) =	ssettm $0x1  }
0x97: {  	s17 =	sld [smem:$0x3FFB];
	_ =	sdelay $0x3  }
0x98: {  	_ =	strace s17  }
0x99: {  	s3 =	sld [smem:$0x3FFC];
	_ =	sdelay $0x3  }
0x9a: {  	_ =	strace s3  }
0x9b: {  	s3 =	sld [smem:$0x3FFD];
	_ =	sdelay $0x3  }
0x9c: {  	_ =	strace s3  }
0x9d: {  	_ =	strace $0x8FFFFFFF  }
0x9e: {  	s18 =	sld [smem:$0x3FDB];
	_ =	sdelay $0x1  }
0x9f: {  	s19 =	simm.s32 $_scs_section_size  }
0xa0: {  	s5 =	simm.s32 $_size__tile_overlayer_lowered;
	s6 =	simm.s32 $_tile_overlayer_lowered  }
0xa1: {  	s22 =	simm.s32 $0x1BFF;
	s21 =	sshll.u32 s6, $0x1;
	s3 =	sadd.s32 s19, s18  }
0xa2: {  	s7 =	simm.s32 $0x0;
	s20 =	sshll.u32 s5, $0x1;
	s5 =	sadd.s32 s21, s3  }
0xa3: {  	[timem:s7], [sflag:s22] =	dma.local [hbm:s5], s20  }
0xa4: {  	_ =	swait.ge [sflag:s22], s20  }
0xa5: {  	s4 =	ssub.s32 $0x0, s20;
	[sflag:s22] =	ssyncset.done $0x0  }
0xa6: {  	[sflag:s22] =	ssyncadd.s32 s4;
	_ =	sdelay $0x1  }
0xa7: {  	s23 =	simm.s32 $0x1B8B  }
0xa8: {  	_ =	swait.ge [sflag:s23], $0x1  }
0xa9: {  	[sflag:s23] =	ssyncset.done $0x0  }
0xaa: {  	s25 =	simm.s32 $0x1B8E;
	s24 =	sld [smem:$0x3FFE];
	[sflag:s23] =	ssyncadd.s32 $0xFFFFFFFF  }
0xab: {  	s26 =	simm.s32 $execute0_lowered;
	[smem:$0x3FD2] =	sst s25  }
0xac: {  	s5 =	sshll.u32 s26, $0x1;
	_ =	strace $0x80000046;
	[dreg:$0x1] =	wrdreg $0xFFFFFFFF  }
0xad: {  	s28 =	simm.s32 $_size_execute0_lowered;
	s3 =	sadd.s32 s3, s5;
	[dreg:$0x0] =	wrdreg $0x0  }
0xae: {  	s5 =	sshll.u32 s28, $0x1;
	[dreg:$0x2] =	wrdreg s3  }
0xaf: {  	[dreg:$0x3] =	wrdreg s5  }
0xb0: {  	[dreg:$0x4] =	wrdreg $0xC0  }
0xb1: {  	_ =	task [dreg:s7], $0x5FFFF  }
0xb2: {  	[dreg:$0x1] =	wrdreg $0xFFFFFFFF  }
0xb3: {  	[dreg:$0x0] =	wrdreg $0x60  }
0xb4: {  	[dreg:$0x2] =	wrdreg s24  }
0xb5: {  	[dreg:$0x3] =	wrdreg s16  }
0xb6: {  	[dreg:$0x4] =	wrdreg $0x9  }
0xb7: {  	_ =	task.clear_ibuf [dreg:s7], $0x5FFFF;
	_ =	strace $0x90000046  }
0xb8: {  	s29 =	simm.s32 $0x9;
	_ =	strace $0x80000048  }
0xb9: {  	_ =	swait.ge [sflag:s29], $0x1  }
0xba: {  	[sflag:s29] =	ssyncadd.s32 $0xFFFFFFFF  }
0xbb: {  	_ =	strace $0x90000048  }
0xbc: {  	_ =	sfence  }
0xbd: {  	s30 =	sld [smem:$0x0];
	_ =	sdelay $0x2  }
0xbe: {  	s31 =	sshll.u32 s1, $0xD;
	s1 =	sshrl.u32 s1, $0x2  }
0xbf: {  	s3 =	sand.u32 $0x4000, s31;
	s1 =	sadd.s32 s1, s30  }
0xc0: {  	s0 =	sor.u32 s3, s0;
	s1 =	sshll.u32 s1, $0x11  }
0xc1: {  	s0 =	sor.u32 s1, s0  }
0xc2: {  	s0 =	sadd.s32 $0x8F2B, s0  }
0xc3: {  	[sflag:s0] =	ssyncadd.remote.s32 $0x1  }
0xc4: {  	_ =	sfence.sel $0xFFFF  }
0xc5: {  	[dreg:$0x0] =	wrdreg $0xFFFFFFFF;
	(pc) =	sbr.abs _section_cstart, $3  }
0xc6: {  	[dreg:$0x1] =	wrdreg $0xFFFFFFFF  }
0xc7: {  	_ =	task.clear_ibuf [dreg:s7], $0x2FFFF;
	_ =	strace $0x9FFFFFFF  }
0xc8: {  	(tm) =	ssettm $0x7FFFFFFF  }
0xc9: {  	_ =	shalt  }
tec
execute0_lowered:
.L_overlay_start_1:
0x0: {  	(tag) =	ssettag $0x1  }
0x1: {  	s1 =	srdreg.scid  }
0x2: {  	s8 =	rddreg [dreg:$0x0];
	s0 =	stileid.u32;
	s10 =	sand.u32 $0x1, s1  }
0x3: {  	s9 =	rddreg [dreg:$0x1];
	s3 =	sshll.u32 s0, $0x9;
	s4 =	sshll.u32 s10, $0x8  }
0x4: {  	s2 =	simm.s32 $0x0;
	s1 =	rddreg [dreg:$0x2];
	s11 =	sor.u32 s4, s3  }
0x5: {  	[smem:$0x7FF] =	sst s2;
	s3 =	sshrl.u32 s11, $0x3  }
0x6: {  	_ =	strace $0x80000047;
	s4 =	sadd.s32 s9, s3;
	s3 =	simm.s32 $0x2  }
0x7: {  	[tilespmem:s2], [sflag:$0x2] =	stream.linear.gather [hbm4b:s4+s2], $0x80, $0x38;
	[tilespmem:$0x4080] =	vst v63  }
0x8: {  	_ =	swait.ge [sflag:s3], $0x80  }
0x9: {  	s6 =	simm.s32 $0x80;
	[sflag:s3] =	ssyncset.done $0x0  }
0xa: {  	s7 =	simm.s32 $0x1;
	s5 =	sadd.s32 $0x271A00, s8;
	[sflag:s3] =	ssyncadd.s32 $0xFFFFFF80  }
0xb: {  	[tilespmem:s6], [sflag:$0x1] =	stream.indirect.gather [hbm4b:s5+s6], $0x80, s2, s6, $0xb8;
	[tilespmem:$0x4080] =	vst v63  }
0xc: {  	_ =	swait.ge [sflag:s7], $0x4000  }
0xd: {  	s12 =	sadd.s32 $0xA00, s8;
	s28 =	sshll.u32 s11, $0x4;
	[sflag:s7] =	ssyncset.done $0x0  }
0xe: {  	s8 =	sadd.s32 s12, s28;
	[sflag:s7] =	ssyncadd.s32 $0xFFFFC000  }
0xf: {  	[hbm4b:s8+s2] =	stream.linear.scatter [tilespmem:s6], [sflag:$0x2], $0x4000, $0x38;
	[tilespmem:$0x4080] =	vst v63  }
0x10: {  	s11 =	sor.u32 $0x80, s11;
	_ =	swait.ge [sflag:s3], $0x4000  }
0x11: {  	s13 =	sshrl.u32 s11, $0x3;
	[sflag:s3] =	ssyncset.done $0x0  }
0x12: {  	s10 =	ssub.s32 $0x2, s10;
	s9 =	sadd.s32 s9, s13;
	[sflag:s3] =	ssyncadd.s32 $0xFFFFC000  }
0x13: {  	[tilespmem:s2], [sflag:$0x2] =	stream.linear.gather [hbm4b:s9+s2], $0x80, $0x38;
	[tilespmem:$0x4080] =	vst v63  }
0x14: {  	s29 =	sshrl.u32 s10, $0x1;
	_ =	swait.ge [sflag:s3], $0x80  }
0x15: {  	s13 =	ssub.s32 s10, s29;
	[sflag:s3] =	ssyncset.done $0x0  }
0x16: {  	s31 =	smax.u32 s13, $0x1;
	[sflag:s3] =	ssyncadd.s32 $0xFFFFFF80  }
0x17: {  	[tilespmem:s6], [sflag:$0x1] =	stream.indirect.gather [hbm4b:s5+s6], $0x80, s2, s6, $0xb8;
	[tilespmem:$0x4080] =	vst v63  }
0x18: {  	p0 =	sne.s32 s31, $0x1;
	_ =	swait.ge [sflag:s7], $0x4000  }
.Ltmp0:
0x19: {  	s30 =	sshll.u32 s11, $0x4;
	[sflag:s7] =	ssyncset.done $0x0;
	(pc) =	sbr.rel @!p0 .LBB2_2-.Ltmp0, $4  }
0x1a: {  	s10 =	sadd.s32 s12, s30;
	[sflag:s7] =	ssyncadd.s32 $0xFFFFC000  }
0x1b: {  	[hbm4b:s10+s2] =	stream.linear.scatter [tilespmem:s6], [sflag:$0x2], $0x4000, $0x38;
	[tilespmem:$0x4080] =	vst v63  }
0x1c: {  	_ =	swait.ge [sflag:s3], $0x4000  }
0x1d: {  	s11 =	sadd.s32 $0xFFFFFFFF, s31;
	[sflag:s3] =	ssyncset.done $0x0  }
.LBB2_1:
0x1e: {  	p0 =	sne.s32 s11, $0x1;
	s11 =	sadd.s32 $0xFFFFFFFF, s11;
	[sflag:s3] =	ssyncadd.s32 $0xFFFFC000  }
0x1f: {  	[tilespmem:s2], [sflag:$0x2] =	stream.linear.gather [hbm4b:s4+s2], $0x80, $0x38;
	[tilespmem:$0x4080] =	vst v63  }
0x20: {  	_ =	swait.ge [sflag:s3], $0x80  }
0x21: {  	[sflag:s3] =	ssyncset.done $0x0  }
0x22: {  	[sflag:s3] =	ssyncadd.s32 $0xFFFFFF80  }
0x23: {  	[tilespmem:s6], [sflag:$0x1] =	stream.indirect.gather [hbm4b:s5+s6], $0x80, s2, s6, $0xb8;
	[tilespmem:$0x4080] =	vst v63  }
0x24: {  	_ =	swait.ge [sflag:s7], $0x4000  }
0x25: {  	[sflag:s7] =	ssyncset.done $0x0  }
0x26: {  	[sflag:s7] =	ssyncadd.s32 $0xFFFFC000  }
0x27: {  	[hbm4b:s8+s2] =	stream.linear.scatter [tilespmem:s6], [sflag:$0x2], $0x4000, $0x38;
	[tilespmem:$0x4080] =	vst v63  }
0x28: {  	_ =	swait.ge [sflag:s3], $0x4000  }
0x29: {  	[sflag:s3] =	ssyncset.done $0x0  }
0x2a: {  	[sflag:s3] =	ssyncadd.s32 $0xFFFFC000  }
0x2b: {  	[tilespmem:s2], [sflag:$0x2] =	stream.linear.gather [hbm4b:s9+s2], $0x80, $0x38;
	[tilespmem:$0x4080] =	vst v63  }
0x2c: {  	_ =	swait.ge [sflag:s3], $0x80  }
0x2d: {  	[sflag:s3] =	ssyncset.done $0x0  }
0x2e: {  	[sflag:s3] =	ssyncadd.s32 $0xFFFFFF80  }
0x2f: {  	[tilespmem:s6], [sflag:$0x1] =	stream.indirect.gather [hbm4b:s5+s6], $0x80, s2, s6, $0xb8;
	[tilespmem:$0x4080] =	vst v63  }
0x30: {  	_ =	swait.ge [sflag:s7], $0x4000  }
.Ltmp1:
0x31: {  	[sflag:s7] =	ssyncset.done $0x0;
	(pc) =	sbr.rel @p0 .LBB2_1-.Ltmp1, $4  }
0x32: {  	[sflag:s7] =	ssyncadd.s32 $0xFFFFC000  }
0x33: {  	[hbm4b:s10+s2] =	stream.linear.scatter [tilespmem:s6], [sflag:$0x2], $0x4000, $0x38;
	[tilespmem:$0x4080] =	vst v63  }
0x34: {  	_ =	swait.ge [sflag:s3], $0x4000  }
0x35: {  	[sflag:s3] =	ssyncset.done $0x0  }
.LBB2_2:
0x36: {  	[sflag:s3] =	ssyncadd.s32 $0xFFFFC000  }
0x37: {  	_ =	sfence.sel $0x180000  }
0x38: {  	[bflag:$0x0] =	sbarrier.arrive $0xFFFF  }
0x39: {  	p0 =	sne.s32 s0, $0x0;
	_ =	strace $0x90000047  }
0x3a: {  	s0 =	sadd.s32 @!p0 $0x100000, s1;
	[bflag:$0x2] =	sbarrier.arrive $0xFFFF  }
0x3b: {  	[sflag:s0] =	ssyncadd.tile.s32 @!p0 $0x1;
	_ =	shalt  }
.Lfunc_end2:
_tile_overlayer_lowered:
.L_overlay_start_2:
0x3c: {  	(tag) =	ssettag $0x2  }
0x3d: {  	s0 =	rddreg [dreg:$0x0];
	s2 =	stileid.u32  }
0x3e: {  	s1 =	rddreg [dreg:$0x1];
	p0 =	sne.s32 s2, $0x0  }
0x3f: {  	s3 =	rddreg [dreg:$0x2];
	[bflag:$0x3] =	sbarrier.arrive $0xFFFF;
	s2 =	simm.s32 @!p0 $0x1C02  }
0x40: {  	[timem:s3], [sflag:s2] =	dma.local @!p0 [hbm:s0], s1  }
0x41: {  	s0 =	simm.s32 @!p0 $0x2  }
0x42: {  	_ =	swait.ge @!p0 [sflag:s0], s1  }
0x43: {  	s1 =	ssub.s32 @!p0 $0x0, s1;
	[sflag:s0] =	ssyncset.done @!p0 $0x0  }
0x44: {  	[sflag:s0] =	ssyncadd.s32 @!p0 s1  }
0x45: {  	[bflag:$0x3] =	sbarrier.arrive $0xFFFF  }
0x46: {  	_ =	shalt  }

</sc_bundles>
